<compile_context>
chip_gen: v7x
topology: tpu7x:2x2x1
jax: 0.10.2.dev20260603
libtpu: 0.0.44.dev20260713+nightly
codegen_flags: <defaults>
</compile_context>

<pallas_src>
import functools

import jax
import jax.numpy as jnp
from jax import lax
from jax.experimental import pallas as pl
from jax.experimental.pallas import tpu as pltpu
from jax.experimental.pallas import tpu_sc as plsc

N_NODES = 100000
N_EDGES = 3200000
D_NODE = 128
D_EDGE = 16
D_GLOBAL = 16
D_OUT = 128

NUM_CORES = 2
NUM_SUBCORES = 16
NUM_TILES = NUM_CORES * NUM_SUBCORES

LANES = 128
TCOLS = 2
CHUNK = TCOLS * LANES
SCAT = 128
SUB = CHUNK // SCAT
N_CHUNKS = N_EDGES // CHUNK
N_TILE_COLS = N_EDGES // LANES
ROUNDS = -(-N_CHUNKS // NUM_TILES)
SUPER = (ROUNDS + 1) // 2

ROWS_PER_SUBCORE = N_NODES // NUM_SUBCORES

BLK = 2048
N_BLKS = -(-N_NODES // BLK)


def _sc_segment_sum(e4, idx2):
    mesh = plsc.VectorSubcoreMesh(core_axis_name="c", subcore_axis_name="s")

    @functools.partial(
        pl.kernel,
        out_type=jax.ShapeDtypeStruct((NUM_CORES * N_NODES * D_EDGE,), jnp.float32),
        mesh=mesh,
        compiler_params=pltpu.CompilerParams(
            use_tc_tiling_on_sc=False, needs_layout_passes=False
        ),
        scratch_types=[
            pltpu.VMEM_SHARED((N_NODES, D_EDGE), jnp.float32),
            pltpu.VMEM((2, 2, TCOLS, 8, LANES), jnp.float32),
            pltpu.VMEM((2, TCOLS, LANES, D_EDGE), jnp.float32),
            pltpu.VMEM((4, SUB, SCAT), jnp.int32),
            pltpu.VMEM((2, SCAT * D_EDGE), jnp.float32),
            pltpu.SemaphoreType.DMA,
            pltpu.SemaphoreType.DMA,
            pltpu.SemaphoreType.DMA,
            pltpu.SemaphoreType.DMA,
        ],
    )
    def sc_kernel(e_hbm, i_hbm, out_hbm, acc, etbuf, ebuf, ibuf, obuf,
                  lsem0, lsem1, ssem0, ssem1):
        cid = lax.axis_index("c")
        sid = lax.axis_index("s")
        wid = sid * NUM_CORES + cid
        lsem = (lsem0, lsem1)
        ssem = (ssem0, ssem1)

        zstage = ebuf.at[0, 0]

        @pl.loop(0, LANES)
        def _(i):
            zstage[i, :] = jnp.zeros((D_EDGE,), jnp.float32)

        @pl.loop(0, ROWS_PER_SUBCORE // LANES)
        def _(k):
            pltpu.sync_copy(
                zstage, acc.at[pl.ds(sid * ROWS_PER_SUBCORE + k * LANES, LANES)]
            )

        _tail_base = sid * ROWS_PER_SUBCORE + (ROWS_PER_SUBCORE // LANES) * LANES
        _tail = ROWS_PER_SUBCORE % LANES
        pltpu.sync_copy(zstage.at[pl.ds(0, _tail)], acc.at[pl.ds(_tail_base, _tail)])

        plsc.subcore_barrier()

        lane = lax.iota(jnp.int32, 16)
        perms = [jnp.bitwise_and(lane + k, 15) for k in range(16)]
        fhi = lax.shift_right_logical(lane, 3)
        flo = jnp.bitwise_and(lane, 7)

        def start_load(slot, rd):
            c = wid + NUM_TILES * rd

            @pl.when(c < N_CHUNKS)
            def _():
                pltpu.async_copy(
                    e_hbm.at[:, pl.ds(c * TCOLS, TCOLS)], etbuf.at[slot],
                    lsem[slot])
                pltpu.async_copy(
                    i_hbm.at[pl.ds(c * SUB, SUB)], ibuf.at[rd % 4], lsem[slot])

        def wait_load(slot):
            pltpu.make_async_copy(
                e_hbm.at[:, pl.ds(0, TCOLS)], etbuf.at[slot], lsem[slot]).wait()
            pltpu.make_async_copy(
                i_hbm.at[pl.ds(0, SUB)], ibuf.at[0], lsem[slot]).wait()

        def wait_scatter(slot):
            for j in range(SUB):
                pltpu.make_async_copy(
                    out_hbm.at[pl.ds(0, SCAT * D_EDGE)], obuf.at[0],
                    ssem[slot]).wait()

        start_load(0, 0)
        start_load(1, 1)

        @pl.loop(0, SUPER)
        def _(r):
            for slot in range(2):
                rd = 2 * r + slot
                c = wid + NUM_TILES * rd

                @pl.when(c < N_CHUNKS)
                def _():
                    wait_load(slot)

                    @pl.when(rd >= 2)
                    def _():
                        wait_scatter(slot)

                    for jj in range(TCOLS):
                        jjv = jnp.full((16,), jj, jnp.int32)

                        @pl.loop(0, LANES, step=16)
                        def _(l0):
                            diag = [
                                jnp.full((16,), l0, jnp.int32) + perms[k]
                                for k in range(16)
                            ]
                            vals = [
                                plsc.load_gather(
                                    etbuf.at[slot], [fhi, jjv, flo, diag[k]])
                                for k in range(16)
                            ]
                            for k in range(16):
                                plsc.store_scatter(
                                    ebuf.at[slot],
                                    [jjv, diag[k], lane], vals[k])

                        pltpu.async_copy(
                            ebuf.at[slot, jj],
                            acc.at[ibuf.at[rd % 4, jj]],
                            ssem[slot],
                            add=True,
                        )
                    start_load(slot, rd + 2)

        wait_scatter(0)
        wait_scatter(1)

        plsc.subcore_barrier()

        OFULL = ROWS_PER_SUBCORE // SCAT
        OTAIL = ROWS_PER_SUBCORE % SCAT
        obase = (cid * N_NODES + sid * ROWS_PER_SUBCORE) * D_EDGE

        def relabel(oslot, nrows):
            t2 = ebuf.at[oslot, 0]

            @pl.loop(0, nrows)
            def _(i):
                obuf[oslot, pl.ds(i * D_EDGE, D_EDGE)] = t2[i, :]

        def owait(oslot, nrows):
            pltpu.make_async_copy(
                obuf.at[oslot, pl.ds(0, nrows * D_EDGE)],
                out_hbm.at[pl.ds(0, nrows * D_EDGE)], ssem[oslot]).wait()

        @pl.loop(0, OFULL // 2)
        def _(r):
            for oslot in range(2):
                k2 = 2 * r + oslot
                pltpu.sync_copy(
                    acc.at[pl.ds(sid * ROWS_PER_SUBCORE + k2 * SCAT, SCAT)],
                    ebuf.at[oslot, 0])

                @pl.when(r >= 1)
                def _():
                    owait(oslot, SCAT)

                relabel(oslot, SCAT)
                pltpu.async_copy(
                    obuf.at[oslot],
                    out_hbm.at[pl.ds(obase + k2 * SCAT * D_EDGE,
                                     SCAT * D_EDGE)],
                    ssem[oslot])

        pltpu.sync_copy(
            acc.at[pl.ds(sid * ROWS_PER_SUBCORE + OFULL * SCAT, OTAIL)],
            ebuf.at[0, 0, pl.ds(0, OTAIL)])
        owait(0, SCAT)
        relabel(0, OTAIL)
        pltpu.async_copy(
            obuf.at[0, pl.ds(0, OTAIL * D_EDGE)],
            out_hbm.at[pl.ds(obase + OFULL * SCAT * D_EDGE, OTAIL * D_EDGE)],
            ssem0)
        owait(1, SCAT)
        owait(0, OTAIL)

    return sc_kernel(e4, idx2)


PROWS = BLK * D_EDGE // 128


def _tc_dense_kernel(n_ref, p_ref, g_ref, w_ref, b_ref, o_ref):
    x = n_ref[...]
    pv = p_ref[0] + p_ref[1]
    wn = w_ref[0:D_NODE, :]
    we = w_ref[D_NODE:D_NODE + D_EDGE, :]
    wg = w_ref[D_NODE + D_EDGE:, :]
    y = jnp.dot(x.astype(jnp.bfloat16), wn.astype(jnp.bfloat16),
                preferred_element_type=jnp.float32)
    zs = [
        jnp.dot(pv[:, 16 * j:16 * (j + 1)], we,
                precision=lax.Precision.DEFAULT)
        for j in range(8)
    ]
    y = y + jnp.stack(zs, axis=1).reshape(BLK, D_OUT)
    y = y + jnp.dot(g_ref[...], wg, precision=lax.Precision.DEFAULT)
    y = y + b_ref[...]
    o_ref[...] = jnp.maximum(y, 0.0)


def _tc_dense(nodes, partials, globals_, W, b2):
    return pl.pallas_call(
        _tc_dense_kernel,
        grid=(N_BLKS,),
        in_specs=[
            pl.BlockSpec((BLK, D_NODE), lambda i: (i, 0)),
            pl.BlockSpec((NUM_CORES, PROWS, 128), lambda i: (0, i, 0)),
            pl.BlockSpec((1, D_GLOBAL), lambda i: (0, 0)),
            pl.BlockSpec((D_NODE + D_EDGE + D_GLOBAL, D_OUT), lambda i: (0, 0)),
            pl.BlockSpec((1, D_OUT), lambda i: (0, 0)),
        ],
        out_specs=pl.BlockSpec((BLK, D_OUT), lambda i: (i, 0)),
        out_shape=jax.ShapeDtypeStruct((N_NODES, D_OUT), jnp.float32),
    )(nodes, partials, globals_, W, b2)


def kernel(nodes, edges, receivers, senders, globals_, W, b):
    del senders
    idx2 = receivers.astype(jnp.int32).reshape(N_TILE_COLS, LANES)
    e4 = edges.T.reshape(NUM_CORES, 8, N_TILE_COLS, LANES).transpose(0, 2, 1, 3)
    partials1d = _sc_segment_sum(e4, idx2)
    pv = partials1d.reshape(NUM_CORES, N_NODES * D_EDGE // 128, 128)
    return _tc_dense(nodes, pv, globals_, W, b.reshape(1, D_OUT))

# --- scband reference (transcript-rebuilt; emitter-appended) ---
"""Pipeline reference for scband-node-processor-17386027614329 (READ-ONLY COPY).

The authoritative reference and input builder live on the scoring server;
editing this copy changes nothing except your own understanding.
"""

import jax, jax.numpy as jnp
import numpy as np

N_NODES = 100000
N_EDGES = 3200000
D_NODE = 128
D_EDGE = 16
D_GLOBAL = 16
D_IN = D_NODE + D_EDGE + D_GLOBAL  # 160: nodes + aggregated receiver edges + broadcast globals
D_OUT = 128


def setup_inputs(seed: int = 0) -> dict:
    key = jax.random.key(seed)
    k1, k2, k3, k4, k5, k6 = jax.random.split(key, 6)
    nodes = jax.random.normal(k1, (N_NODES, D_NODE), dtype=jnp.float32)
    edges = jax.random.normal(k2, (N_EDGES, D_EDGE), dtype=jnp.float32)
    receivers = jax.random.randint(k3, (N_EDGES,), 0, N_NODES, dtype=jnp.int64 if jax.config.jax_enable_x64 else jnp.int32)
    senders = jax.random.randint(k4, (N_EDGES,), 0, N_NODES, dtype=jnp.int64 if jax.config.jax_enable_x64 else jnp.int32)
    globals_ = jax.random.normal(k5, (1, D_GLOBAL), dtype=jnp.float32)
    W = jax.random.normal(k6, (D_IN, D_OUT), dtype=jnp.float32) * 0.05
    b = jnp.zeros((D_OUT,), dtype=jnp.float32)
    return {"nodes": nodes, "edges": edges, "receivers": receivers, "senders": senders, "globals_": globals_, "W": W, "b": b}


def reference(nodes, edges, receivers, senders, globals_, W, b):
    # use_nodes=True: previous node features
    feats = [nodes]
    # use_receivers=True: EdgesToNodesAggregator -> unsorted segment sum of edge
    # features into their receiver nodes (scatter-add)
    agg_recv = jax.ops.segment_sum(edges, receivers, num_segments=N_NODES)
    feats.append(agg_recv)
    # use_senders=False: senders unused
    # use_globals=True: broadcast per-graph globals to every node (single graph)
    g = jnp.broadcast_to(globals_, (N_NODES, D_GLOBAL))
    feats.append(g)
    x = jnp.concatenate(feats, axis=-1)
    # net: Dense(128) with relu
    new_nodes = jax.nn.relu(x @ W + b)
    return new_nodes

if __name__ == "__main__":
    import jax
    _d = setup_inputs()
    print(jax.jit(kernel)(*tuple(_d.values())))

</pallas_src>

<mosaic_0001>
#map = affine_map<(d0, d1) -> (0, 0, 0, 0)>
#map1 = affine_map<(d0, d1) -> (0, 0)>
#map2 = affine_map<(d0, d1) -> (0)>
module attributes {stable_mosaic.version = 14 : i64} {
  func.func @sc_kernel(%arg0: i32, %arg1: i32, %arg2: memref<2x25000x8x128xf32, #tpu.memory_space<hbm>>, %arg3: memref<25000x128xi32, #tpu.memory_space<hbm>>, %arg4: memref<3200000xf32, #tpu.memory_space<hbm>>, %arg5: memref<100000x16xf32, #tpu.memory_space<vmem_shared>>, %arg6: memref<2x2x2x8x128xf32, #tpu.memory_space<vmem>>, %arg7: memref<2x2x128x16xf32, #tpu.memory_space<vmem>>, %arg8: memref<4x2x128xi32, #tpu.memory_space<vmem>>, %arg9: memref<2x2048xf32, #tpu.memory_space<vmem>>, %arg10: memref<!tpu.dma_semaphore, #tpu.memory_space<semaphore_mem>>, %arg11: memref<!tpu.dma_semaphore, #tpu.memory_space<semaphore_mem>>, %arg12: memref<!tpu.dma_semaphore, #tpu.memory_space<semaphore_mem>>, %arg13: memref<!tpu.dma_semaphore, #tpu.memory_space<semaphore_mem>>) attributes {dimension_semantics = [#tpu.dimension_semantics<core_parallel>, #tpu.dimension_semantics<subcore_parallel>], iteration_bounds = array<i64: 2, 16>, scalar_prefetch = 0 : i64, scratch_operands = 9 : i64, tpu.core_type = #tpu.core_type<sc_vector_subcore>, window_params = [{transform_indices = #map}, {transform_indices = #map1}, {transform_indices = #map2}]} {
    %mul3A = arith.constant 2 : i32
    %mul3A_0 = arith.muli %arg1, %mul3A : i32
    %add3A = arith.addi %mul3A_0, %arg0 : i32
    %scan3A = arith.constant 0 : i32
    %scan3A_1 = arith.constant 0 : i32
    %scan3A_2 = arith.constant 0 : i32
    %scan3A_3 = arith.constant 128 : i32
    %scan3A_4 = arith.addi %scan3A_2, %scan3A_3 : i32
    %scan3A_5 = arith.constant 1 : i32
    scf.for %scan3A_247 = %scan3A_2 to %scan3A_4 step %scan3A_5  : i32 {
      %mul3A_248 = arith.constant 1 : i32
      %mul3A_249 = arith.muli %scan3A_247, %mul3A_248 : i32
      %add3A_250 = arith.constant 0 : i32
      %add3A_251 = arith.addi %add3A_250, %mul3A_249 : i32
      %broadcast_in_dim3A = arith.constant 0.000000e+00 : f32
      %broadcast_in_dim3A_252 = vector.broadcast %broadcast_in_dim3A : f32 to vector<16xf32>
      %swap3A = arith.constant 0 : i32
      %swap3A_253 = arith.constant 0 : i32
      %swap3A_254 = tpu.memref_slice %arg7[%scan3A, %scan3A_1, %swap3A, %swap3A_253] : memref<2x2x128x16xf32, #tpu.memory_space<vmem>> -> memref<1x1x128x16xf32, #tpu.memory_space<vmem>>
      %swap3A_255 = tpu.memref_squeeze %swap3A_254 : memref<1x1x128x16xf32, #tpu.memory_space<vmem>> -> memref<128x16xf32, #tpu.memory_space<vmem>>
      %swap3A_256 = arith.index_cast %add3A_251 : i32 to index
      %swap3A_257 = arith.constant 0 : index
      %swap3A_258 = tpu.vector_load %swap3A_255[%swap3A_256, %swap3A_257] {strides = array<i32>} : memref<128x16xf32, #tpu.memory_space<vmem>>, vector<16xf32>,
      tpu.vector_store %swap3A_255[%swap3A_256, %swap3A_257], %broadcast_in_dim3A_252 {strides = array<i32>} : memref<128x16xf32, #tpu.memory_space<vmem>>, vector<16xf32>,
    }
    %scan3A_6 = arith.constant 128 : i32
    %scan3A_7 = arith.constant 0 : i32
    %scan3A_8 = arith.constant 0 : i32
    %scan3A_9 = arith.constant 0 : i32
    %scan3A_10 = arith.constant 48 : i32
    %scan3A_11 = arith.addi %scan3A_9, %scan3A_10 : i32
    %scan3A_12 = arith.constant 1 : i32
    scf.for %scan3A_247 = %scan3A_9 to %scan3A_11 step %scan3A_12  : i32 {
      %mul3A_248 = arith.constant 1 : i32
      %mul3A_249 = arith.muli %scan3A_247, %mul3A_248 : i32
      %add3A_250 = arith.constant 0 : i32
      %add3A_251 = arith.addi %add3A_250, %mul3A_249 : i32
      %mul3A_252 = arith.constant 6250 : i32
      %mul3A_253 = arith.muli %arg1, %mul3A_252 : i32
      %mul3A_254 = arith.constant 128 : i32
      %mul3A_255 = arith.muli %add3A_251, %mul3A_254 : i32
      %add3A_256 = arith.addi %mul3A_253, %mul3A_255 : i32
      "tpu.region"() ({
        %run_scoped3A_257 = tpu.sem_alloc : memref<!tpu.dma_semaphore, #tpu.memory_space<semaphore_mem>>
        %dma_start3A_258 = arith.constant 0 : i32
        %dma_start3A_259 = arith.constant 0 : i32
        %dma_start3A_260 = tpu.memref_slice %arg7[%scan3A_7, %scan3A_8, %dma_start3A_258, %dma_start3A_259] : memref<2x2x128x16xf32, #tpu.memory_space<vmem>> -> memref<1x1x128x16xf32, #tpu.memory_space<vmem>>
        %dma_start3A_261 = tpu.memref_squeeze %dma_start3A_260 : memref<1x1x128x16xf32, #tpu.memory_space<vmem>> -> memref<128x16xf32, #tpu.memory_space<vmem>>
        %dma_start3A_262 = arith.constant 0 : i32
        %dma_start3A_263 = tpu.memref_slice %arg5[%add3A_256, %dma_start3A_262] : memref<100000x16xf32, #tpu.memory_space<vmem_shared>> -> memref<128x16xf32, #tpu.memory_space<vmem_shared>>
        %dma_start3A_264 = arith.constant 0 : i32
        %dma_start3A_265 = tpu.memref_slice %arg5[%add3A_256, %dma_start3A_264] : memref<100000x16xf32, #tpu.memory_space<vmem_shared>> -> memref<128x16xf32, #tpu.memory_space<vmem_shared>>
        %dma_start3A_266 = arith.constant 0 : i32
        %dma_start3A_267 = arith.constant 0 : i32
        %dma_start3A_268 = tpu.memref_slice %arg7[%scan3A_7, %scan3A_8, %dma_start3A_266, %dma_start3A_267] : memref<2x2x128x16xf32, #tpu.memory_space<vmem>> -> memref<1x1x128x16xf32, #tpu.memory_space<vmem>>
        %dma_start3A_269 = tpu.memref_squeeze %dma_start3A_268 : memref<1x1x128x16xf32, #tpu.memory_space<vmem>> -> memref<128x16xf32, #tpu.memory_space<vmem>>
        tpu.enqueue_dma source(%dma_start3A_269 : memref<128x16xf32, #tpu.memory_space<vmem>>) target(%dma_start3A_265 : memref<128x16xf32, #tpu.memory_space<vmem_shared>>) target_semaphore(%run_scoped3A_257 : memref<!tpu.dma_semaphore, #tpu.memory_space<semaphore_mem>>)
        %dma_wait3A_270 = arith.constant 0 : i32
        %dma_wait3A_271 = arith.constant 0 : i32
        %dma_wait3A_272 = tpu.memref_slice %arg7[%scan3A_7, %scan3A_8, %dma_wait3A_270, %dma_wait3A_271] : memref<2x2x128x16xf32, #tpu.memory_space<vmem>> -> memref<1x1x128x16xf32, #tpu.memory_space<vmem>>
        %dma_wait3A_273 = tpu.memref_squeeze %dma_wait3A_272 : memref<1x1x128x16xf32, #tpu.memory_space<vmem>> -> memref<128x16xf32, #tpu.memory_space<vmem>>
        %dma_wait3A_274 = arith.constant 0 : i32
        %dma_wait3A_275 = tpu.memref_slice %arg5[%add3A_256, %dma_wait3A_274] : memref<100000x16xf32, #tpu.memory_space<vmem_shared>> -> memref<128x16xf32, #tpu.memory_space<vmem_shared>>
        %dma_wait3A_276 = arith.constant 0 : i32
        %dma_wait3A_277 = tpu.memref_slice %arg5[%add3A_256, %dma_wait3A_276] : memref<100000x16xf32, #tpu.memory_space<vmem_shared>> -> memref<128x16xf32, #tpu.memory_space<vmem_shared>>
        %dma_wait3A_278 = arith.constant 0 : i32
        %dma_wait3A_279 = arith.constant 0 : i32
        %dma_wait3A_280 = tpu.memref_slice %arg7[%scan3A_7, %scan3A_8, %dma_wait3A_278, %dma_wait3A_279] : memref<2x2x128x16xf32, #tpu.memory_space<vmem>> -> memref<1x1x128x16xf32, #tpu.memory_space<vmem>>
        %dma_wait3A_281 = tpu.memref_squeeze %dma_wait3A_280 : memref<1x1x128x16xf32, #tpu.memory_space<vmem>> -> memref<128x16xf32, #tpu.memory_space<vmem>>
        tpu.wait_dma2 semaphore(%run_scoped3A_257 : memref<!tpu.dma_semaphore, #tpu.memory_space<semaphore_mem>>) src(%dma_wait3A_281 : memref<128x16xf32, #tpu.memory_space<vmem>>) dst(%dma_wait3A_277 : memref<128x16xf32, #tpu.memory_space<vmem_shared>>)
        tpu.yield
      }) : () -> ()
    }
    %scan3A_13 = arith.constant 48 : i32
    %mul3A_14 = arith.constant 6250 : i32
    %mul3A_15 = arith.muli %arg1, %mul3A_14 : i32
    %add3A_16 = arith.constant 6144 : i32
    %add3A_17 = arith.addi %mul3A_15, %add3A_16 : i32
    %run_scoped3A = arith.constant 0 : i32
    %run_scoped3A_18 = arith.constant 0 : i32
    "tpu.region"() ({
      %run_scoped3A_247 = tpu.sem_alloc : memref<!tpu.dma_semaphore, #tpu.memory_space<semaphore_mem>>
      %dma_start3A_248 = arith.constant 0 : i32
      %dma_start3A_249 = arith.constant 0 : i32
      %dma_start3A_250 = tpu.memref_slice %arg7[%run_scoped3A, %run_scoped3A_18, %dma_start3A_248, %dma_start3A_249] : memref<2x2x128x16xf32, #tpu.memory_space<vmem>> -> memref<1x1x128x16xf32, #tpu.memory_space<vmem>>
      %dma_start3A_251 = tpu.memref_squeeze %dma_start3A_250 : memref<1x1x128x16xf32, #tpu.memory_space<vmem>> -> memref<128x16xf32, #tpu.memory_space<vmem>>
      %dma_start3A_252 = arith.constant 0 : i32
      %dma_start3A_253 = arith.constant 0 : i32
      %dma_start3A_254 = tpu.memref_slice %dma_start3A_251[%dma_start3A_252, %dma_start3A_253] : memref<128x16xf32, #tpu.memory_space<vmem>> -> memref<106x16xf32, #tpu.memory_space<vmem>>
      %dma_start3A_255 = arith.constant 0 : i32
      %dma_start3A_256 = tpu.memref_slice %arg5[%add3A_17, %dma_start3A_255] : memref<100000x16xf32, #tpu.memory_space<vmem_shared>> -> memref<106x16xf32, #tpu.memory_space<vmem_shared>>
      %dma_start3A_257 = arith.constant 0 : i32
      %dma_start3A_258 = tpu.memref_slice %arg5[%add3A_17, %dma_start3A_257] : memref<100000x16xf32, #tpu.memory_space<vmem_shared>> -> memref<106x16xf32, #tpu.memory_space<vmem_shared>>
      %dma_start3A_259 = arith.constant 0 : i32
      %dma_start3A_260 = arith.constant 0 : i32
      %dma_start3A_261 = tpu.memref_slice %arg7[%run_scoped3A, %run_scoped3A_18, %dma_start3A_259, %dma_start3A_260] : memref<2x2x128x16xf32, #tpu.memory_space<vmem>> -> memref<1x1x128x16xf32, #tpu.memory_space<vmem>>
      %dma_start3A_262 = tpu.memref_squeeze %dma_start3A_261 : memref<1x1x128x16xf32, #tpu.memory_space<vmem>> -> memref<128x16xf32, #tpu.memory_space<vmem>>
      %dma_start3A_263 = arith.constant 0 : i32
      %dma_start3A_264 = arith.constant 0 : i32
      %dma_start3A_265 = tpu.memref_slice %dma_start3A_262[%dma_start3A_263, %dma_start3A_264] : memref<128x16xf32, #tpu.memory_space<vmem>> -> memref<106x16xf32, #tpu.memory_space<vmem>>
      tpu.enqueue_dma source(%dma_start3A_265 : memref<106x16xf32, #tpu.memory_space<vmem>>) target(%dma_start3A_258 : memref<106x16xf32, #tpu.memory_space<vmem_shared>>) target_semaphore(%run_scoped3A_247 : memref<!tpu.dma_semaphore, #tpu.memory_space<semaphore_mem>>)
      %dma_wait3A_266 = arith.constant 0 : i32
      %dma_wait3A_267 = arith.constant 0 : i32
      %dma_wait3A_268 = tpu.memref_slice %arg7[%run_scoped3A, %run_scoped3A_18, %dma_wait3A_266, %dma_wait3A_267] : memref<2x2x128x16xf32, #tpu.memory_space<vmem>> -> memref<1x1x128x16xf32, #tpu.memory_space<vmem>>
      %dma_wait3A_269 = tpu.memref_squeeze %dma_wait3A_268 : memref<1x1x128x16xf32, #tpu.memory_space<vmem>> -> memref<128x16xf32, #tpu.memory_space<vmem>>
      %dma_wait3A_270 = arith.constant 0 : i32
      %dma_wait3A_271 = arith.constant 0 : i32
      %dma_wait3A_272 = tpu.memref_slice %dma_wait3A_269[%dma_wait3A_270, %dma_wait3A_271] : memref<128x16xf32, #tpu.memory_space<vmem>> -> memref<106x16xf32, #tpu.memory_space<vmem>>
      %dma_wait3A_273 = arith.constant 0 : i32
      %dma_wait3A_274 = tpu.memref_slice %arg5[%add3A_17, %dma_wait3A_273] : memref<100000x16xf32, #tpu.memory_space<vmem_shared>> -> memref<106x16xf32, #tpu.memory_space<vmem_shared>>
      %dma_wait3A_275 = arith.constant 0 : i32
      %dma_wait3A_276 = tpu.memref_slice %arg5[%add3A_17, %dma_wait3A_275] : memref<100000x16xf32, #tpu.memory_space<vmem_shared>> -> memref<106x16xf32, #tpu.memory_space<vmem_shared>>
      %dma_wait3A_277 = arith.constant 0 : i32
      %dma_wait3A_278 = arith.constant 0 : i32
      %dma_wait3A_279 = tpu.memref_slice %arg7[%run_scoped3A, %run_scoped3A_18, %dma_wait3A_277, %dma_wait3A_278] : memref<2x2x128x16xf32, #tpu.memory_space<vmem>> -> memref<1x1x128x16xf32, #tpu.memory_space<vmem>>
      %dma_wait3A_280 = tpu.memref_squeeze %dma_wait3A_279 : memref<1x1x128x16xf32, #tpu.memory_space<vmem>> -> memref<128x16xf32, #tpu.memory_space<vmem>>
      %dma_wait3A_281 = arith.constant 0 : i32
      %dma_wait3A_282 = arith.constant 0 : i32
      %dma_wait3A_283 = tpu.memref_slice %dma_wait3A_280[%dma_wait3A_281, %dma_wait3A_282] : memref<128x16xf32, #tpu.memory_space<vmem>> -> memref<106x16xf32, #tpu.memory_space<vmem>>
      tpu.wait_dma2 semaphore(%run_scoped3A_247 : memref<!tpu.dma_semaphore, #tpu.memory_space<semaphore_mem>>) src(%dma_wait3A_283 : memref<106x16xf32, #tpu.memory_space<vmem>>) dst(%dma_wait3A_276 : memref<106x16xf32, #tpu.memory_space<vmem_shared>>)
      tpu.yield
    }) : () -> ()
    %barrier3A = arith.constant 0 : index
    tpu.barrier barrier_id(%barrier3A)
    %iota3A = tpu.iota {dimensions = array<i32: 0>} : vector<16xi32>
    %add3A_19 = arith.constant 0 : i32
    %add3A_20 = vector.broadcast %add3A_19 : i32 to vector<16xi32>
    %add3A_21 = arith.addi %iota3A, %add3A_20 : vector<16xi32>
    %and3A = arith.constant 15 : i32
    %and3A_22 = vector.broadcast %and3A : i32 to vector<16xi32>
    %and3A_23 = arith.andi %add3A_21, %and3A_22 : vector<16xi32>
    %add3A_24 = arith.constant 1 : i32
    %add3A_25 = vector.broadcast %add3A_24 : i32 to vector<16xi32>
    %add3A_26 = arith.addi %iota3A, %add3A_25 : vector<16xi32>
    %and3A_27 = arith.constant 15 : i32
    %and3A_28 = vector.broadcast %and3A_27 : i32 to vector<16xi32>
    %and3A_29 = arith.andi %add3A_26, %and3A_28 : vector<16xi32>
    %add3A_30 = arith.constant 2 : i32
    %add3A_31 = vector.broadcast %add3A_30 : i32 to vector<16xi32>
    %add3A_32 = arith.addi %iota3A, %add3A_31 : vector<16xi32>
    %and3A_33 = arith.constant 15 : i32
    %and3A_34 = vector.broadcast %and3A_33 : i32 to vector<16xi32>
    %and3A_35 = arith.andi %add3A_32, %and3A_34 : vector<16xi32>
    %add3A_36 = arith.constant 3 : i32
    %add3A_37 = vector.broadcast %add3A_36 : i32 to vector<16xi32>
    %add3A_38 = arith.addi %iota3A, %add3A_37 : vector<16xi32>
    %and3A_39 = arith.constant 15 : i32
    %and3A_40 = vector.broadcast %and3A_39 : i32 to vector<16xi32>
    %and3A_41 = arith.andi %add3A_38, %and3A_40 : vector<16xi32>
    %add3A_42 = arith.constant 4 : i32
    %add3A_43 = vector.broadcast %add3A_42 : i32 to vector<16xi32>
    %add3A_44 = arith.addi %iota3A, %add3A_43 : vector<16xi32>
    %and3A_45 = arith.constant 15 : i32
    %and3A_46 = vector.broadcast %and3A_45 : i32 to vector<16xi32>
    %and3A_47 = arith.andi %add3A_44, %and3A_46 : vector<16xi32>
    %add3A_48 = arith.constant 5 : i32
    %add3A_49 = vector.broadcast %add3A_48 : i32 to vector<16xi32>
    %add3A_50 = arith.addi %iota3A, %add3A_49 : vector<16xi32>
    %and3A_51 = arith.constant 15 : i32
    %and3A_52 = vector.broadcast %and3A_51 : i32 to vector<16xi32>
    %and3A_53 = arith.andi %add3A_50, %and3A_52 : vector<16xi32>
    %add3A_54 = arith.constant 6 : i32
    %add3A_55 = vector.broadcast %add3A_54 : i32 to vector<16xi32>
    %add3A_56 = arith.addi %iota3A, %add3A_55 : vector<16xi32>
    %and3A_57 = arith.constant 15 : i32
    %and3A_58 = vector.broadcast %and3A_57 : i32 to vector<16xi32>
    %and3A_59 = arith.andi %add3A_56, %and3A_58 : vector<16xi32>
    %add3A_60 = arith.constant 7 : i32
    %add3A_61 = vector.broadcast %add3A_60 : i32 to vector<16xi32>
    %add3A_62 = arith.addi %iota3A, %add3A_61 : vector<16xi32>
    %and3A_63 = arith.constant 15 : i32
    %and3A_64 = vector.broadcast %and3A_63 : i32 to vector<16xi32>
    %and3A_65 = arith.andi %add3A_62, %and3A_64 : vector<16xi32>
    %add3A_66 = arith.constant 8 : i32
    %add3A_67 = vector.broadcast %add3A_66 : i32 to vector<16xi32>
    %add3A_68 = arith.addi %iota3A, %add3A_67 : vector<16xi32>
    %and3A_69 = arith.constant 15 : i32
    %and3A_70 = vector.broadcast %and3A_69 : i32 to vector<16xi32>
    %and3A_71 = arith.andi %add3A_68, %and3A_70 : vector<16xi32>
    %add3A_72 = arith.constant 9 : i32
    %add3A_73 = vector.broadcast %add3A_72 : i32 to vector<16xi32>
    %add3A_74 = arith.addi %iota3A, %add3A_73 : vector<16xi32>
    %and3A_75 = arith.constant 15 : i32
    %and3A_76 = vector.broadcast %and3A_75 : i32 to vector<16xi32>
    %and3A_77 = arith.andi %add3A_74, %and3A_76 : vector<16xi32>
    %add3A_78 = arith.constant 10 : i32
    %add3A_79 = vector.broadcast %add3A_78 : i32 to vector<16xi32>
    %add3A_80 = arith.addi %iota3A, %add3A_79 : vector<16xi32>
    %and3A_81 = arith.constant 15 : i32
    %and3A_82 = vector.broadcast %and3A_81 : i32 to vector<16xi32>
    %and3A_83 = arith.andi %add3A_80, %and3A_82 : vector<16xi32>
    %add3A_84 = arith.constant 11 : i32
    %add3A_85 = vector.broadcast %add3A_84 : i32 to vector<16xi32>
    %add3A_86 = arith.addi %iota3A, %add3A_85 : vector<16xi32>
    %and3A_87 = arith.constant 15 : i32
    %and3A_88 = vector.broadcast %and3A_87 : i32 to vector<16xi32>
    %and3A_89 = arith.andi %add3A_86, %and3A_88 : vector<16xi32>
    %add3A_90 = arith.constant 12 : i32
    %add3A_91 = vector.broadcast %add3A_90 : i32 to vector<16xi32>
    %add3A_92 = arith.addi %iota3A, %add3A_91 : vector<16xi32>
    %and3A_93 = arith.constant 15 : i32
    %and3A_94 = vector.broadcast %and3A_93 : i32 to vector<16xi32>
    %and3A_95 = arith.andi %add3A_92, %and3A_94 : vector<16xi32>
    %add3A_96 = arith.constant 13 : i32
    %add3A_97 = vector.broadcast %add3A_96 : i32 to vector<16xi32>
    %add3A_98 = arith.addi %iota3A, %add3A_97 : vector<16xi32>
    %and3A_99 = arith.constant 15 : i32
    %and3A_100 = vector.broadcast %and3A_99 : i32 to vector<16xi32>
    %and3A_101 = arith.andi %add3A_98, %and3A_100 : vector<16xi32>
    %add3A_102 = arith.constant 14 : i32
    %add3A_103 = vector.broadcast %add3A_102 : i32 to vector<16xi32>
    %add3A_104 = arith.addi %iota3A, %add3A_103 : vector<16xi32>
    %and3A_105 = arith.constant 15 : i32
    %and3A_106 = vector.broadcast %and3A_105 : i32 to vector<16xi32>
    %and3A_107 = arith.andi %add3A_104, %and3A_106 : vector<16xi32>
    %add3A_108 = arith.constant 15 : i32
    %add3A_109 = vector.broadcast %add3A_108 : i32 to vector<16xi32>
    %add3A_110 = arith.addi %iota3A, %add3A_109 : vector<16xi32>
    %and3A_111 = arith.constant 15 : i32
    %and3A_112 = vector.broadcast %and3A_111 : i32 to vector<16xi32>
    %and3A_113 = arith.andi %add3A_110, %and3A_112 : vector<16xi32>
    %shift_right_logical3A = arith.constant 3 : i32
    %shift_right_logical3A_114 = vector.broadcast %shift_right_logical3A : i32 to vector<16xi32>
    %shift_right_logical3A_115 = arith.shrui %iota3A, %shift_right_logical3A_114 : vector<16xi32>
    %and3A_116 = arith.constant 7 : i32
    %and3A_117 = vector.broadcast %and3A_116 : i32 to vector<16xi32>
    %and3A_118 = arith.andi %iota3A, %and3A_117 : vector<16xi32>
    %add3A_119 = arith.constant 0 : i32
    %add3A_120 = arith.addi %add3A, %add3A_119 : i32
    %lt3A = arith.constant 12500 : i32
    %lt3A_121 = arith.cmpi slt, %add3A_120, %lt3A : i32
    %convert_element_type3A = arith.extui %lt3A_121 : i1 to i32
    %cond3A = arith.constant 0 : i32
    %cond3A_122 = arith.cmpi ne, %convert_element_type3A, %cond3A : i32
    scf.if %cond3A_122 {
      %mul3A_247 = arith.constant 2 : i32
      %mul3A_248 = arith.muli %add3A_120, %mul3A_247 : i32
      %dma_start3A_249 = arith.constant 0 : i32
      %dma_start3A_250 = arith.constant 0 : i32
      %dma_start3A_251 = arith.constant 0 : i32
      %dma_start3A_252 = arith.constant 0 : i32
      %dma_start3A_253 = arith.constant 0 : i32
      %dma_start3A_254 = tpu.memref_slice %arg6[%dma_start3A_249, %dma_start3A_250, %dma_start3A_251, %dma_start3A_252, %dma_start3A_253] : memref<2x2x2x8x128xf32, #tpu.memory_space<vmem>> -> memref<1x2x2x8x128xf32, #tpu.memory_space<vmem>>
      %dma_start3A_255 = tpu.memref_squeeze %dma_start3A_254 : memref<1x2x2x8x128xf32, #tpu.memory_space<vmem>> -> memref<2x2x8x128xf32, #tpu.memory_space<vmem>>
      %dma_start3A_256 = arith.constant 0 : i32
      %dma_start3A_257 = arith.constant 0 : i32
      %dma_start3A_258 = arith.constant 0 : i32
      %dma_start3A_259 = tpu.memref_slice %arg2[%dma_start3A_256, %mul3A_248, %dma_start3A_257, %dma_start3A_258] : memref<2x25000x8x128xf32, #tpu.memory_space<hbm>> -> memref<2x2x8x128xf32, #tpu.memory_space<hbm>>
      %dma_start3A_260 = arith.constant 0 : i32
      %dma_start3A_261 = arith.constant 0 : i32
      %dma_start3A_262 = arith.constant 0 : i32
      %dma_start3A_263 = arith.constant 0 : i32
      %dma_start3A_264 = tpu.memref_slice %arg6[%dma_start3A_249, %dma_start3A_260, %dma_start3A_261, %dma_start3A_262, %dma_start3A_263] : memref<2x2x2x8x128xf32, #tpu.memory_space<vmem>> -> memref<1x2x2x8x128xf32, #tpu.memory_space<vmem>>
      %dma_start3A_265 = tpu.memref_squeeze %dma_start3A_264 : memref<1x2x2x8x128xf32, #tpu.memory_space<vmem>> -> memref<2x2x8x128xf32, #tpu.memory_space<vmem>>
      %dma_start3A_266 = arith.constant 0 : i32
      %dma_start3A_267 = arith.constant 0 : i32
      %dma_start3A_268 = arith.constant 0 : i32
      %dma_start3A_269 = tpu.memref_slice %arg2[%dma_start3A_266, %mul3A_248, %dma_start3A_267, %dma_start3A_268] : memref<2x25000x8x128xf32, #tpu.memory_space<hbm>> -> memref<2x2x8x128xf32, #tpu.memory_space<hbm>>
      tpu.enqueue_dma source(%dma_start3A_269 : memref<2x2x8x128xf32, #tpu.memory_space<hbm>>) target(%dma_start3A_265 : memref<2x2x8x128xf32, #tpu.memory_space<vmem>>) target_semaphore(%arg10 : memref<!tpu.dma_semaphore, #tpu.memory_space<semaphore_mem>>)
      %mul3A_270 = arith.constant 2 : i32
      %mul3A_271 = arith.muli %add3A_120, %mul3A_270 : i32
      %dma_start3A_272 = arith.constant 0 : i32
      %dma_start3A_273 = arith.constant 0 : i32
      %dma_start3A_274 = arith.constant 0 : i32
      %dma_start3A_275 = tpu.memref_slice %arg8[%dma_start3A_272, %dma_start3A_273, %dma_start3A_274] : memref<4x2x128xi32, #tpu.memory_space<vmem>> -> memref<1x2x128xi32, #tpu.memory_space<vmem>>
      %dma_start3A_276 = tpu.memref_squeeze %dma_start3A_275 : memref<1x2x128xi32, #tpu.memory_space<vmem>> -> memref<2x128xi32, #tpu.memory_space<vmem>>
      %dma_start3A_277 = arith.constant 0 : i32
      %dma_start3A_278 = tpu.memref_slice %arg3[%mul3A_271, %dma_start3A_277] : memref<25000x128xi32, #tpu.memory_space<hbm>> -> memref<2x128xi32, #tpu.memory_space<hbm>>
      %dma_start3A_279 = arith.constant 0 : i32
      %dma_start3A_280 = arith.constant 0 : i32
      %dma_start3A_281 = tpu.memref_slice %arg8[%dma_start3A_272, %dma_start3A_279, %dma_start3A_280] : memref<4x2x128xi32, #tpu.memory_space<vmem>> -> memref<1x2x128xi32, #tpu.memory_space<vmem>>
      %dma_start3A_282 = tpu.memref_squeeze %dma_start3A_281 : memref<1x2x128xi32, #tpu.memory_space<vmem>> -> memref<2x128xi32, #tpu.memory_space<vmem>>
      %dma_start3A_283 = arith.constant 0 : i32
      %dma_start3A_284 = tpu.memref_slice %arg3[%mul3A_271, %dma_start3A_283] : memref<25000x128xi32, #tpu.memory_space<hbm>> -> memref<2x128xi32, #tpu.memory_space<hbm>>
      tpu.enqueue_dma source(%dma_start3A_284 : memref<2x128xi32, #tpu.memory_space<hbm>>) target(%dma_start3A_282 : memref<2x128xi32, #tpu.memory_space<vmem>>) target_semaphore(%arg10 : memref<!tpu.dma_semaphore, #tpu.memory_space<semaphore_mem>>)
    } else {
    }
    %add3A_123 = arith.constant 32 : i32
    %add3A_124 = arith.addi %add3A, %add3A_123 : i32
    %lt3A_125 = arith.constant 12500 : i32
    %lt3A_126 = arith.cmpi slt, %add3A_124, %lt3A_125 : i32
    %convert_element_type3A_127 = arith.extui %lt3A_126 : i1 to i32
    %cond3A_128 = arith.constant 0 : i32
    %cond3A_129 = arith.cmpi ne, %convert_element_type3A_127, %cond3A_128 : i32
    scf.if %cond3A_129 {
      %mul3A_247 = arith.constant 2 : i32
      %mul3A_248 = arith.muli %add3A_124, %mul3A_247 : i32
      %dma_start3A_249 = arith.constant 1 : i32
      %dma_start3A_250 = arith.constant 0 : i32
      %dma_start3A_251 = arith.constant 0 : i32
      %dma_start3A_252 = arith.constant 0 : i32
      %dma_start3A_253 = arith.constant 0 : i32
      %dma_start3A_254 = tpu.memref_slice %arg6[%dma_start3A_249, %dma_start3A_250, %dma_start3A_251, %dma_start3A_252, %dma_start3A_253] : memref<2x2x2x8x128xf32, #tpu.memory_space<vmem>> -> memref<1x2x2x8x128xf32, #tpu.memory_space<vmem>>
      %dma_start3A_255 = tpu.memref_squeeze %dma_start3A_254 : memref<1x2x2x8x128xf32, #tpu.memory_space<vmem>> -> memref<2x2x8x128xf32, #tpu.memory_space<vmem>>
      %dma_start3A_256 = arith.constant 0 : i32
      %dma_start3A_257 = arith.constant 0 : i32
      %dma_start3A_258 = arith.constant 0 : i32
      %dma_start3A_259 = tpu.memref_slice %arg2[%dma_start3A_256, %mul3A_248, %dma_start3A_257, %dma_start3A_258] : memref<2x25000x8x128xf32, #tpu.memory_space<hbm>> -> memref<2x2x8x128xf32, #tpu.memory_space<hbm>>
      %dma_start3A_260 = arith.constant 0 : i32
      %dma_start3A_261 = arith.constant 0 : i32
      %dma_start3A_262 = arith.constant 0 : i32
      %dma_start3A_263 = arith.constant 0 : i32
      %dma_start3A_264 = tpu.memref_slice %arg6[%dma_start3A_249, %dma_start3A_260, %dma_start3A_261, %dma_start3A_262, %dma_start3A_263] : memref<2x2x2x8x128xf32, #tpu.memory_space<vmem>> -> memref<1x2x2x8x128xf32, #tpu.memory_space<vmem>>
      %dma_start3A_265 = tpu.memref_squeeze %dma_start3A_264 : memref<1x2x2x8x128xf32, #tpu.memory_space<vmem>> -> memref<2x2x8x128xf32, #tpu.memory_space<vmem>>
      %dma_start3A_266 = arith.constant 0 : i32
      %dma_start3A_267 = arith.constant 0 : i32
      %dma_start3A_268 = arith.constant 0 : i32
      %dma_start3A_269 = tpu.memref_slice %arg2[%dma_start3A_266, %mul3A_248, %dma_start3A_267, %dma_start3A_268] : memref<2x25000x8x128xf32, #tpu.memory_space<hbm>> -> memref<2x2x8x128xf32, #tpu.memory_space<hbm>>
      tpu.enqueue_dma source(%dma_start3A_269 : memref<2x2x8x128xf32, #tpu.memory_space<hbm>>) target(%dma_start3A_265 : memref<2x2x8x128xf32, #tpu.memory_space<vmem>>) target_semaphore(%arg11 : memref<!tpu.dma_semaphore, #tpu.memory_space<semaphore_mem>>)
      %mul3A_270 = arith.constant 2 : i32
      %mul3A_271 = arith.muli %add3A_124, %mul3A_270 : i32
      %dma_start3A_272 = arith.constant 1 : i32
      %dma_start3A_273 = arith.constant 0 : i32
      %dma_start3A_274 = arith.constant 0 : i32
      %dma_start3A_275 = tpu.memref_slice %arg8[%dma_start3A_272, %dma_start3A_273, %dma_start3A_274] : memref<4x2x128xi32, #tpu.memory_space<vmem>> -> memref<1x2x128xi32, #tpu.memory_space<vmem>>
      %dma_start3A_276 = tpu.memref_squeeze %dma_start3A_275 : memref<1x2x128xi32, #tpu.memory_space<vmem>> -> memref<2x128xi32, #tpu.memory_space<vmem>>
      %dma_start3A_277 = arith.constant 0 : i32
      %dma_start3A_278 = tpu.memref_slice %arg3[%mul3A_271, %dma_start3A_277] : memref<25000x128xi32, #tpu.memory_space<hbm>> -> memref<2x128xi32, #tpu.memory_space<hbm>>
      %dma_start3A_279 = arith.constant 0 : i32
      %dma_start3A_280 = arith.constant 0 : i32
      %dma_start3A_281 = tpu.memref_slice %arg8[%dma_start3A_272, %dma_start3A_279, %dma_start3A_280] : memref<4x2x128xi32, #tpu.memory_space<vmem>> -> memref<1x2x128xi32, #tpu.memory_space<vmem>>
      %dma_start3A_282 = tpu.memref_squeeze %dma_start3A_281 : memref<1x2x128xi32, #tpu.memory_space<vmem>> -> memref<2x128xi32, #tpu.memory_space<vmem>>
      %dma_start3A_283 = arith.constant 0 : i32
      %dma_start3A_284 = tpu.memref_slice %arg3[%mul3A_271, %dma_start3A_283] : memref<25000x128xi32, #tpu.memory_space<hbm>> -> memref<2x128xi32, #tpu.memory_space<hbm>>
      tpu.enqueue_dma source(%dma_start3A_284 : memref<2x128xi32, #tpu.memory_space<hbm>>) target(%dma_start3A_282 : memref<2x128xi32, #tpu.memory_space<vmem>>) target_semaphore(%arg11 : memref<!tpu.dma_semaphore, #tpu.memory_space<semaphore_mem>>)
    } else {
    }
    %scan3A_130 = arith.constant 0 : i32
    %scan3A_131 = arith.constant 196 : i32
    %scan3A_132 = arith.addi %scan3A_130, %scan3A_131 : i32
    %scan3A_133 = arith.constant 1 : i32
    scf.for %scan3A_247 = %scan3A_130 to %scan3A_132 step %scan3A_133  : i32 {
      %mul3A_248 = arith.constant 1 : i32
      %mul3A_249 = arith.muli %scan3A_247, %mul3A_248 : i32
      %add3A_250 = arith.constant 0 : i32
      %add3A_251 = arith.addi %add3A_250, %mul3A_249 : i32
      %mul3A_252 = arith.constant 2 : i32
      %mul3A_253 = arith.muli %mul3A_252, %add3A_251 : i32
      %add3A_254 = arith.constant 0 : i32
      %add3A_255 = arith.addi %mul3A_253, %add3A_254 : i32
      %mul3A_256 = arith.constant 32 : i32
      %mul3A_257 = arith.muli %mul3A_256, %add3A_255 : i32
      %add3A_258 = arith.addi %add3A, %mul3A_257 : i32
      %lt3A_259 = arith.constant 12500 : i32
      %lt3A_260 = arith.cmpi slt, %add3A_258, %lt3A_259 : i32
      %convert_element_type3A_261 = arith.extui %lt3A_260 : i1 to i32
      %cond3A_262 = arith.constant 0 : i32
      %cond3A_263 = arith.cmpi ne, %convert_element_type3A_261, %cond3A_262 : i32
      scf.if %cond3A_263 {
        %dma_wait3A_276 = arith.constant 0 : i32
        %dma_wait3A_277 = arith.constant 0 : i32
        %dma_wait3A_278 = arith.constant 0 : i32
        %dma_wait3A_279 = arith.constant 0 : i32
        %dma_wait3A_280 = arith.constant 0 : i32
        %dma_wait3A_281 = tpu.memref_slice %arg6[%dma_wait3A_276, %dma_wait3A_277, %dma_wait3A_278, %dma_wait3A_279, %dma_wait3A_280] : memref<2x2x2x8x128xf32, #tpu.memory_space<vmem>> -> memref<1x2x2x8x128xf32, #tpu.memory_space<vmem>>
        %dma_wait3A_282 = tpu.memref_squeeze %dma_wait3A_281 : memref<1x2x2x8x128xf32, #tpu.memory_space<vmem>> -> memref<2x2x8x128xf32, #tpu.memory_space<vmem>>
        %dma_wait3A_283 = arith.constant 0 : i32
        %dma_wait3A_284 = arith.constant 0 : i32
        %dma_wait3A_285 = arith.constant 0 : i32
        %dma_wait3A_286 = arith.constant 0 : i32
        %dma_wait3A_287 = tpu.memref_slice %arg2[%dma_wait3A_283, %dma_wait3A_284, %dma_wait3A_285, %dma_wait3A_286] : memref<2x25000x8x128xf32, #tpu.memory_space<hbm>> -> memref<2x2x8x128xf32, #tpu.memory_space<hbm>>
        %dma_wait3A_288 = arith.constant 0 : i32
        %dma_wait3A_289 = arith.constant 0 : i32
        %dma_wait3A_290 = arith.constant 0 : i32
        %dma_wait3A_291 = arith.constant 0 : i32
        %dma_wait3A_292 = tpu.memref_slice %arg6[%dma_wait3A_276, %dma_wait3A_288, %dma_wait3A_289, %dma_wait3A_290, %dma_wait3A_291] : memref<2x2x2x8x128xf32, #tpu.memory_space<vmem>> -> memref<1x2x2x8x128xf32, #tpu.memory_space<vmem>>
        %dma_wait3A_293 = tpu.memref_squeeze %dma_wait3A_292 : memref<1x2x2x8x128xf32, #tpu.memory_space<vmem>> -> memref<2x2x8x128xf32, #tpu.memory_space<vmem>>
        %dma_wait3A_294 = arith.constant 0 : i32
        %dma_wait3A_295 = arith.constant 0 : i32
        %dma_wait3A_296 = arith.constant 0 : i32
        %dma_wait3A_297 = arith.constant 0 : i32
        %dma_wait3A_298 = tpu.memref_slice %arg2[%dma_wait3A_294, %dma_wait3A_295, %dma_wait3A_296, %dma_wait3A_297] : memref<2x25000x8x128xf32, #tpu.memory_space<hbm>> -> memref<2x2x8x128xf32, #tpu.memory_space<hbm>>
        tpu.wait_dma2 semaphore(%arg10 : memref<!tpu.dma_semaphore, #tpu.memory_space<semaphore_mem>>) src(%dma_wait3A_298 : memref<2x2x8x128xf32, #tpu.memory_space<hbm>>) dst(%dma_wait3A_293 : memref<2x2x8x128xf32, #tpu.memory_space<vmem>>)
        %dma_wait3A_299 = arith.constant 0 : i32
        %dma_wait3A_300 = arith.constant 0 : i32
        %dma_wait3A_301 = arith.constant 0 : i32
        %dma_wait3A_302 = tpu.memref_slice %arg8[%dma_wait3A_299, %dma_wait3A_300, %dma_wait3A_301] : memref<4x2x128xi32, #tpu.memory_space<vmem>> -> memref<1x2x128xi32, #tpu.memory_space<vmem>>
        %dma_wait3A_303 = tpu.memref_squeeze %dma_wait3A_302 : memref<1x2x128xi32, #tpu.memory_space<vmem>> -> memref<2x128xi32, #tpu.memory_space<vmem>>
        %dma_wait3A_304 = arith.constant 0 : i32
        %dma_wait3A_305 = arith.constant 0 : i32
        %dma_wait3A_306 = tpu.memref_slice %arg3[%dma_wait3A_304, %dma_wait3A_305] : memref<25000x128xi32, #tpu.memory_space<hbm>> -> memref<2x128xi32, #tpu.memory_space<hbm>>
        %dma_wait3A_307 = arith.constant 0 : i32
        %dma_wait3A_308 = arith.constant 0 : i32
        %dma_wait3A_309 = tpu.memref_slice %arg8[%dma_wait3A_299, %dma_wait3A_307, %dma_wait3A_308] : memref<4x2x128xi32, #tpu.memory_space<vmem>> -> memref<1x2x128xi32, #tpu.memory_space<vmem>>
        %dma_wait3A_310 = tpu.memref_squeeze %dma_wait3A_309 : memref<1x2x128xi32, #tpu.memory_space<vmem>> -> memref<2x128xi32, #tpu.memory_space<vmem>>
        %dma_wait3A_311 = arith.constant 0 : i32
        %dma_wait3A_312 = arith.constant 0 : i32
        %dma_wait3A_313 = tpu.memref_slice %arg3[%dma_wait3A_311, %dma_wait3A_312] : memref<25000x128xi32, #tpu.memory_space<hbm>> -> memref<2x128xi32, #tpu.memory_space<hbm>>
        tpu.wait_dma2 semaphore(%arg10 : memref<!tpu.dma_semaphore, #tpu.memory_space<semaphore_mem>>) src(%dma_wait3A_313 : memref<2x128xi32, #tpu.memory_space<hbm>>) dst(%dma_wait3A_310 : memref<2x128xi32, #tpu.memory_space<vmem>>)
        %ge3A = arith.constant 2 : i32
        %ge3A_314 = arith.cmpi sge, %add3A_255, %ge3A : i32
        %convert_element_type3A_315 = arith.extui %ge3A_314 : i1 to i32
        %cond3A_316 = arith.constant 0 : i32
        %cond3A_317 = arith.cmpi ne, %convert_element_type3A_315, %cond3A_316 : i32
        scf.if %cond3A_317 {
          %dma_wait3A_394 = arith.constant 0 : i32
          %dma_wait3A_395 = arith.constant 0 : i32
          %dma_wait3A_396 = tpu.memref_slice %arg9[%dma_wait3A_394, %dma_wait3A_395] : memref<2x2048xf32, #tpu.memory_space<vmem>> -> memref<1x2048xf32, #tpu.memory_space<vmem>>
          %dma_wait3A_397 = tpu.memref_squeeze %dma_wait3A_396 : memref<1x2048xf32, #tpu.memory_space<vmem>> -> memref<2048xf32, #tpu.memory_space<vmem>>
          %dma_wait3A_398 = arith.constant 0 : i32
          %dma_wait3A_399 = tpu.memref_slice %arg4[%dma_wait3A_398] : memref<3200000xf32, #tpu.memory_space<hbm>> -> memref<2048xf32, #tpu.memory_space<hbm>>
          %dma_wait3A_400 = arith.constant 0 : i32
          %dma_wait3A_401 = tpu.memref_slice %arg9[%dma_wait3A_394, %dma_wait3A_400] : memref<2x2048xf32, #tpu.memory_space<vmem>> -> memref<1x2048xf32, #tpu.memory_space<vmem>>
          %dma_wait3A_402 = tpu.memref_squeeze %dma_wait3A_401 : memref<1x2048xf32, #tpu.memory_space<vmem>> -> memref<2048xf32, #tpu.memory_space<vmem>>
          %dma_wait3A_403 = arith.constant 0 : i32
          %dma_wait3A_404 = tpu.memref_slice %arg4[%dma_wait3A_403] : memref<3200000xf32, #tpu.memory_space<hbm>> -> memref<2048xf32, #tpu.memory_space<hbm>>
          tpu.wait_dma2 semaphore(%arg12 : memref<!tpu.dma_semaphore, #tpu.memory_space<semaphore_mem>>) src(%dma_wait3A_404 : memref<2048xf32, #tpu.memory_space<hbm>>) dst(%dma_wait3A_402 : memref<2048xf32, #tpu.memory_space<vmem>>)
          %dma_wait3A_405 = arith.constant 0 : i32
          %dma_wait3A_406 = arith.constant 0 : i32
          %dma_wait3A_407 = tpu.memref_slice %arg9[%dma_wait3A_405, %dma_wait3A_406] : memref<2x2048xf32, #tpu.memory_space<vmem>> -> memref<1x2048xf32, #tpu.memory_space<vmem>>
          %dma_wait3A_408 = tpu.memref_squeeze %dma_wait3A_407 : memref<1x2048xf32, #tpu.memory_space<vmem>> -> memref<2048xf32, #tpu.memory_space<vmem>>
          %dma_wait3A_409 = arith.constant 0 : i32
          %dma_wait3A_410 = tpu.memref_slice %arg4[%dma_wait3A_409] : memref<3200000xf32, #tpu.memory_space<hbm>> -> memref<2048xf32, #tpu.memory_space<hbm>>
          %dma_wait3A_411 = arith.constant 0 : i32
          %dma_wait3A_412 = tpu.memref_slice %arg9[%dma_wait3A_405, %dma_wait3A_411] : memref<2x2048xf32, #tpu.memory_space<vmem>> -> memref<1x2048xf32, #tpu.memory_space<vmem>>
          %dma_wait3A_413 = tpu.memref_squeeze %dma_wait3A_412 : memref<1x2048xf32, #tpu.memory_space<vmem>> -> memref<2048xf32, #tpu.memory_space<vmem>>
          %dma_wait3A_414 = arith.constant 0 : i32
          %dma_wait3A_415 = tpu.memref_slice %arg4[%dma_wait3A_414] : memref<3200000xf32, #tpu.memory_space<hbm>> -> memref<2048xf32, #tpu.memory_space<hbm>>
          tpu.wait_dma2 semaphore(%arg12 : memref<!tpu.dma_semaphore, #tpu.memory_space<semaphore_mem>>) src(%dma_wait3A_415 : memref<2048xf32, #tpu.memory_space<hbm>>) dst(%dma_wait3A_413 : memref<2048xf32, #tpu.memory_space<vmem>>)
        } else {
        }
        %broadcast_in_dim3A = arith.constant 0 : i32
        %broadcast_in_dim3A_318 = vector.broadcast %broadcast_in_dim3A : i32 to vector<16xi32>
        %scan3A_319 = arith.constant 0 : i32
        %scan3A_320 = arith.constant 8 : i32
        %scan3A_321 = arith.addi %scan3A_319, %scan3A_320 : i32
        %scan3A_322 = arith.constant 1 : i32
        scf.for %scan3A_394 = %scan3A_319 to %scan3A_321 step %scan3A_322  : i32 {
          %mul3A_395 = arith.constant 16 : i32
          %mul3A_396 = arith.muli %scan3A_394, %mul3A_395 : i32
          %add3A_397 = arith.constant 0 : i32
          %add3A_398 = arith.addi %add3A_397, %mul3A_396 : i32
          %broadcast_in_dim3A_399 = vector.broadcast %add3A_398 : i32 to vector<16xi32>
          %add3A_400 = arith.addi %broadcast_in_dim3A_399, %and3A_23 : vector<16xi32>
          %broadcast_in_dim3A_401 = vector.broadcast %add3A_398 : i32 to vector<16xi32>
          %add3A_402 = arith.addi %broadcast_in_dim3A_401, %and3A_29 : vector<16xi32>
          %broadcast_in_dim3A_403 = vector.broadcast %add3A_398 : i32 to vector<16xi32>
          %add3A_404 = arith.addi %broadcast_in_dim3A_403, %and3A_35 : vector<16xi32>
          %broadcast_in_dim3A_405 = vector.broadcast %add3A_398 : i32 to vector<16xi32>
          %add3A_406 = arith.addi %broadcast_in_dim3A_405, %and3A_41 : vector<16xi32>
          %broadcast_in_dim3A_407 = vector.broadcast %add3A_398 : i32 to vector<16xi32>
          %add3A_408 = arith.addi %broadcast_in_dim3A_407, %and3A_47 : vector<16xi32>
          %broadcast_in_dim3A_409 = vector.broadcast %add3A_398 : i32 to vector<16xi32>
          %add3A_410 = arith.addi %broadcast_in_dim3A_409, %and3A_53 : vector<16xi32>
          %broadcast_in_dim3A_411 = vector.broadcast %add3A_398 : i32 to vector<16xi32>
          %add3A_412 = arith.addi %broadcast_in_dim3A_411, %and3A_59 : vector<16xi32>
          %broadcast_in_dim3A_413 = vector.broadcast %add3A_398 : i32 to vector<16xi32>
          %add3A_414 = arith.addi %broadcast_in_dim3A_413, %and3A_65 : vector<16xi32>
          %broadcast_in_dim3A_415 = vector.broadcast %add3A_398 : i32 to vector<16xi32>
          %add3A_416 = arith.addi %broadcast_in_dim3A_415, %and3A_71 : vector<16xi32>
          %broadcast_in_dim3A_417 = vector.broadcast %add3A_398 : i32 to vector<16xi32>
          %add3A_418 = arith.addi %broadcast_in_dim3A_417, %and3A_77 : vector<16xi32>
          %broadcast_in_dim3A_419 = vector.broadcast %add3A_398 : i32 to vector<16xi32>
          %add3A_420 = arith.addi %broadcast_in_dim3A_419, %and3A_83 : vector<16xi32>
          %broadcast_in_dim3A_421 = vector.broadcast %add3A_398 : i32 to vector<16xi32>
          %add3A_422 = arith.addi %broadcast_in_dim3A_421, %and3A_89 : vector<16xi32>
          %broadcast_in_dim3A_423 = vector.broadcast %add3A_398 : i32 to vector<16xi32>
          %add3A_424 = arith.addi %broadcast_in_dim3A_423, %and3A_95 : vector<16xi32>
          %broadcast_in_dim3A_425 = vector.broadcast %add3A_398 : i32 to vector<16xi32>
          %add3A_426 = arith.addi %broadcast_in_dim3A_425, %and3A_101 : vector<16xi32>
          %broadcast_in_dim3A_427 = vector.broadcast %add3A_398 : i32 to vector<16xi32>
          %add3A_428 = arith.addi %broadcast_in_dim3A_427, %and3A_107 : vector<16xi32>
          %broadcast_in_dim3A_429 = vector.broadcast %add3A_398 : i32 to vector<16xi32>
          %add3A_430 = arith.addi %broadcast_in_dim3A_429, %and3A_113 : vector<16xi32>
          %gather3A = arith.constant 0 : i32
          %gather3A_431 = arith.constant 0 : i32
          %gather3A_432 = arith.constant 0 : i32
          %gather3A_433 = arith.constant 0 : i32
          %gather3A_434 = arith.constant 0 : i32
          %gather3A_435 = tpu.memref_slice %arg6[%gather3A, %gather3A_431, %gather3A_432, %gather3A_433, %gather3A_434] : memref<2x2x2x8x128xf32, #tpu.memory_space<vmem>> -> memref<1x2x2x8x128xf32, #tpu.memory_space<vmem>>
          %gather3A_436 = tpu.memref_squeeze %gather3A_435 : memref<1x2x2x8x128xf32, #tpu.memory_space<vmem>> -> memref<2x2x8x128xf32, #tpu.memory_space<vmem>>
          %gather3A_437 = tpu.vector_load_idx %gather3A_436[%shift_right_logical3A_115, %broadcast_in_dim3A_318, %and3A_118, %add3A_400] : memref<2x2x8x128xf32, #tpu.memory_space<vmem>>[vector<16xi32>, vector<16xi32>, vector<16xi32>, vector<16xi32>], vector<16xf32>,
          %gather3A_438 = arith.constant 0 : i32
          %gather3A_439 = arith.constant 0 : i32
          %gather3A_440 = arith.constant 0 : i32
          %gather3A_441 = arith.constant 0 : i32
          %gather3A_442 = arith.constant 0 : i32
          %gather3A_443 = tpu.memref_slice %arg6[%gather3A_438, %gather3A_439, %gather3A_440, %gather3A_441, %gather3A_442] : memref<2x2x2x8x128xf32, #tpu.memory_space<vmem>> -> memref<1x2x2x8x128xf32, #tpu.memory_space<vmem>>
          %gather3A_444 = tpu.memref_squeeze %gather3A_443 : memref<1x2x2x8x128xf32, #tpu.memory_space<vmem>> -> memref<2x2x8x128xf32, #tpu.memory_space<vmem>>
          %gather3A_445 = tpu.vector_load_idx %gather3A_444[%shift_right_logical3A_115, %broadcast_in_dim3A_318, %and3A_118, %add3A_402] : memref<2x2x8x128xf32, #tpu.memory_space<vmem>>[vector<16xi32>, vector<16xi32>, vector<16xi32>, vector<16xi32>], vector<16xf32>,
          %gather3A_446 = arith.constant 0 : i32
          %gather3A_447 = arith.constant 0 : i32
          %gather3A_448 = arith.constant 0 : i32
          %gather3A_449 = arith.constant 0 : i32
          %gather3A_450 = arith.constant 0 : i32
          %gather3A_451 = tpu.memref_slice %arg6[%gather3A_446, %gather3A_447, %gather3A_448, %gather3A_449, %gather3A_450] : memref<2x2x2x8x128xf32, #tpu.memory_space<vmem>> -> memref<1x2x2x8x128xf32, #tpu.memory_space<vmem>>
          %gather3A_452 = tpu.memref_squeeze %gather3A_451 : memref<1x2x2x8x128xf32, #tpu.memory_space<vmem>> -> memref<2x2x8x128xf32, #tpu.memory_space<vmem>>
          %gather3A_453 = tpu.vector_load_idx %gather3A_452[%shift_right_logical3A_115, %broadcast_in_dim3A_318, %and3A_118, %add3A_404] : memref<2x2x8x128xf32, #tpu.memory_space<vmem>>[vector<16xi32>, vector<16xi32>, vector<16xi32>, vector<16xi32>], vector<16xf32>,
          %gather3A_454 = arith.constant 0 : i32
          %gather3A_455 = arith.constant 0 : i32
          %gather3A_456 = arith.constant 0 : i32
          %gather3A_457 = arith.constant 0 : i32
          %gather3A_458 = arith.constant 0 : i32
          %gather3A_459 = tpu.memref_slice %arg6[%gather3A_454, %gather3A_455, %gather3A_456, %gather3A_457, %gather3A_458] : memref<2x2x2x8x128xf32, #tpu.memory_space<vmem>> -> memref<1x2x2x8x128xf32, #tpu.memory_space<vmem>>
          %gather3A_460 = tpu.memref_squeeze %gather3A_459 : memref<1x2x2x8x128xf32, #tpu.memory_space<vmem>> -> memref<2x2x8x128xf32, #tpu.memory_space<vmem>>
          %gather3A_461 = tpu.vector_load_idx %gather3A_460[%shift_right_logical3A_115, %broadcast_in_dim3A_318, %and3A_118, %add3A_406] : memref<2x2x8x128xf32, #tpu.memory_space<vmem>>[vector<16xi32>, vector<16xi32>, vector<16xi32>, vector<16xi32>], vector<16xf32>,
          %gather3A_462 = arith.constant 0 : i32
          %gather3A_463 = arith.constant 0 : i32
          %gather3A_464 = arith.constant 0 : i32
          %gather3A_465 = arith.constant 0 : i32
          %gather3A_466 = arith.constant 0 : i32
          %gather3A_467 = tpu.memref_slice %arg6[%gather3A_462, %gather3A_463, %gather3A_464, %gather3A_465, %gather3A_466] : memref<2x2x2x8x128xf32, #tpu.memory_space<vmem>> -> memref<1x2x2x8x128xf32, #tpu.memory_space<vmem>>
          %gather3A_468 = tpu.memref_squeeze %gather3A_467 : memref<1x2x2x8x128xf32, #tpu.memory_space<vmem>> -> memref<2x2x8x128xf32, #tpu.memory_space<vmem>>
          %gather3A_469 = tpu.vector_load_idx %gather3A_468[%shift_right_logical3A_115, %broadcast_in_dim3A_318, %and3A_118, %add3A_408] : memref<2x2x8x128xf32, #tpu.memory_space<vmem>>[vector<16xi32>, vector<16xi32>, vector<16xi32>, vector<16xi32>], vector<16xf32>,
          %gather3A_470 = arith.constant 0 : i32
          %gather3A_471 = arith.constant 0 : i32
          %gather3A_472 = arith.constant 0 : i32
          %gather3A_473 = arith.constant 0 : i32
          %gather3A_474 = arith.constant 0 : i32
          %gather3A_475 = tpu.memref_slice %arg6[%gather3A_470, %gather3A_471, %gather3A_472, %gather3A_473, %gather3A_474] : memref<2x2x2x8x128xf32, #tpu.memory_space<vmem>> -> memref<1x2x2x8x128xf32, #tpu.memory_space<vmem>>
          %gather3A_476 = tpu.memref_squeeze %gather3A_475 : memref<1x2x2x8x128xf32, #tpu.memory_space<vmem>> -> memref<2x2x8x128xf32, #tpu.memory_space<vmem>>
          %gather3A_477 = tpu.vector_load_idx %gather3A_476[%shift_right_logical3A_115, %broadcast_in_dim3A_318, %and3A_118, %add3A_410] : memref<2x2x8x128xf32, #tpu.memory_space<vmem>>[vector<16xi32>, vector<16xi32>, vector<16xi32>, vector<16xi32>], vector<16xf32>,
          %gather3A_478 = arith.constant 0 : i32
          %gather3A_479 = arith.constant 0 : i32
          %gather3A_480 = arith.constant 0 : i32
          %gather3A_481 = arith.constant 0 : i32
          %gather3A_482 = arith.constant 0 : i32
          %gather3A_483 = tpu.memref_slice %arg6[%gather3A_478, %gather3A_479, %gather3A_480, %gather3A_481, %gather3A_482] : memref<2x2x2x8x128xf32, #tpu.memory_space<vmem>> -> memref<1x2x2x8x128xf32, #tpu.memory_space<vmem>>
          %gather3A_484 = tpu.memref_squeeze %gather3A_483 : memref<1x2x2x8x128xf32, #tpu.memory_space<vmem>> -> memref<2x2x8x128xf32, #tpu.memory_space<vmem>>
          %gather3A_485 = tpu.vector_load_idx %gather3A_484[%shift_right_logical3A_115, %broadcast_in_dim3A_318, %and3A_118, %add3A_412] : memref<2x2x8x128xf32, #tpu.memory_space<vmem>>[vector<16xi32>, vector<16xi32>, vector<16xi32>, vector<16xi32>], vector<16xf32>,
          %gather3A_486 = arith.constant 0 : i32
          %gather3A_487 = arith.constant 0 : i32
          %gather3A_488 = arith.constant 0 : i32
          %gather3A_489 = arith.constant 0 : i32
          %gather3A_490 = arith.constant 0 : i32
          %gather3A_491 = tpu.memref_slice %arg6[%gather3A_486, %gather3A_487, %gather3A_488, %gather3A_489, %gather3A_490] : memref<2x2x2x8x128xf32, #tpu.memory_space<vmem>> -> memref<1x2x2x8x128xf32, #tpu.memory_space<vmem>>
          %gather3A_492 = tpu.memref_squeeze %gather3A_491 : memref<1x2x2x8x128xf32, #tpu.memory_space<vmem>> -> memref<2x2x8x128xf32, #tpu.memory_space<vmem>>
          %gather3A_493 = tpu.vector_load_idx %gather3A_492[%shift_right_logical3A_115, %broadcast_in_dim3A_318, %and3A_118, %add3A_414] : memref<2x2x8x128xf32, #tpu.memory_space<vmem>>[vector<16xi32>, vector<16xi32>, vector<16xi32>, vector<16xi32>], vector<16xf32>,
          %gather3A_494 = arith.constant 0 : i32
          %gather3A_495 = arith.constant 0 : i32
          %gather3A_496 = arith.constant 0 : i32
          %gather3A_497 = arith.constant 0 : i32
          %gather3A_498 = arith.constant 0 : i32
          %gather3A_499 = tpu.memref_slice %arg6[%gather3A_494, %gather3A_495, %gather3A_496, %gather3A_497, %gather3A_498] : memref<2x2x2x8x128xf32, #tpu.memory_space<vmem>> -> memref<1x2x2x8x128xf32, #tpu.memory_space<vmem>>
          %gather3A_500 = tpu.memref_squeeze %gather3A_499 : memref<1x2x2x8x128xf32, #tpu.memory_space<vmem>> -> memref<2x2x8x128xf32, #tpu.memory_space<vmem>>
          %gather3A_501 = tpu.vector_load_idx %gather3A_500[%shift_right_logical3A_115, %broadcast_in_dim3A_318, %and3A_118, %add3A_416] : memref<2x2x8x128xf32, #tpu.memory_space<vmem>>[vector<16xi32>, vector<16xi32>, vector<16xi32>, vector<16xi32>], vector<16xf32>,
          %gather3A_502 = arith.constant 0 : i32
          %gather3A_503 = arith.constant 0 : i32
          %gather3A_504 = arith.constant 0 : i32
          %gather3A_505 = arith.constant 0 : i32
          %gather3A_506 = arith.constant 0 : i32
          %gather3A_507 = tpu.memref_slice %arg6[%gather3A_502, %gather3A_503, %gather3A_504, %gather3A_505, %gather3A_506] : memref<2x2x2x8x128xf32, #tpu.memory_space<vmem>> -> memref<1x2x2x8x128xf32, #tpu.memory_space<vmem>>
          %gather3A_508 = tpu.memref_squeeze %gather3A_507 : memref<1x2x2x8x128xf32, #tpu.memory_space<vmem>> -> memref<2x2x8x128xf32, #tpu.memory_space<vmem>>
          %gather3A_509 = tpu.vector_load_idx %gather3A_508[%shift_right_logical3A_115, %broadcast_in_dim3A_318, %and3A_118, %add3A_418] : memref<2x2x8x128xf32, #tpu.memory_space<vmem>>[vector<16xi32>, vector<16xi32>, vector<16xi32>, vector<16xi32>], vector<16xf32>,
          %gather3A_510 = arith.constant 0 : i32
          %gather3A_511 = arith.constant 0 : i32
          %gather3A_512 = arith.constant 0 : i32
          %gather3A_513 = arith.constant 0 : i32
          %gather3A_514 = arith.constant 0 : i32
          %gather3A_515 = tpu.memref_slice %arg6[%gather3A_510, %gather3A_511, %gather3A_512, %gather3A_513, %gather3A_514] : memref<2x2x2x8x128xf32, #tpu.memory_space<vmem>> -> memref<1x2x2x8x128xf32, #tpu.memory_space<vmem>>
          %gather3A_516 = tpu.memref_squeeze %gather3A_515 : memref<1x2x2x8x128xf32, #tpu.memory_space<vmem>> -> memref<2x2x8x128xf32, #tpu.memory_space<vmem>>
          %gather3A_517 = tpu.vector_load_idx %gather3A_516[%shift_right_logical3A_115, %broadcast_in_dim3A_318, %and3A_118, %add3A_420] : memref<2x2x8x128xf32, #tpu.memory_space<vmem>>[vector<16xi32>, vector<16xi32>, vector<16xi32>, vector<16xi32>], vector<16xf32>,
          %gather3A_518 = arith.constant 0 : i32
          %gather3A_519 = arith.constant 0 : i32
          %gather3A_520 = arith.constant 0 : i32
          %gather3A_521 = arith.constant 0 : i32
          %gather3A_522 = arith.constant 0 : i32
          %gather3A_523 = tpu.memref_slice %arg6[%gather3A_518, %gather3A_519, %gather3A_520, %gather3A_521, %gather3A_522] : memref<2x2x2x8x128xf32, #tpu.memory_space<vmem>> -> memref<1x2x2x8x128xf32, #tpu.memory_space<vmem>>
          %gather3A_524 = tpu.memref_squeeze %gather3A_523 : memref<1x2x2x8x128xf32, #tpu.memory_space<vmem>> -> memref<2x2x8x128xf32, #tpu.memory_space<vmem>>
          %gather3A_525 = tpu.vector_load_idx %gather3A_524[%shift_right_logical3A_115, %broadcast_in_dim3A_318, %and3A_118, %add3A_422] : memref<2x2x8x128xf32, #tpu.memory_space<vmem>>[vector<16xi32>, vector<16xi32>, vector<16xi32>, vector<16xi32>], vector<16xf32>,
          %gather3A_526 = arith.constant 0 : i32
          %gather3A_527 = arith.constant 0 : i32
          %gather3A_528 = arith.constant 0 : i32
          %gather3A_529 = arith.constant 0 : i32
          %gather3A_530 = arith.constant 0 : i32
          %gather3A_531 = tpu.memref_slice %arg6[%gather3A_526, %gather3A_527, %gather3A_528, %gather3A_529, %gather3A_530] : memref<2x2x2x8x128xf32, #tpu.memory_space<vmem>> -> memref<1x2x2x8x128xf32, #tpu.memory_space<vmem>>
          %gather3A_532 = tpu.memref_squeeze %gather3A_531 : memref<1x2x2x8x128xf32, #tpu.memory_space<vmem>> -> memref<2x2x8x128xf32, #tpu.memory_space<vmem>>
          %gather3A_533 = tpu.vector_load_idx %gather3A_532[%shift_right_logical3A_115, %broadcast_in_dim3A_318, %and3A_118, %add3A_424] : memref<2x2x8x128xf32, #tpu.memory_space<vmem>>[vector<16xi32>, vector<16xi32>, vector<16xi32>, vector<16xi32>], vector<16xf32>,
          %gather3A_534 = arith.constant 0 : i32
          %gather3A_535 = arith.constant 0 : i32
          %gather3A_536 = arith.constant 0 : i32
          %gather3A_537 = arith.constant 0 : i32
          %gather3A_538 = arith.constant 0 : i32
          %gather3A_539 = tpu.memref_slice %arg6[%gather3A_534, %gather3A_535, %gather3A_536, %gather3A_537, %gather3A_538] : memref<2x2x2x8x128xf32, #tpu.memory_space<vmem>> -> memref<1x2x2x8x128xf32, #tpu.memory_space<vmem>>
          %gather3A_540 = tpu.memref_squeeze %gather3A_539 : memref<1x2x2x8x128xf32, #tpu.memory_space<vmem>> -> memref<2x2x8x128xf32, #tpu.memory_space<vmem>>
          %gather3A_541 = tpu.vector_load_idx %gather3A_540[%shift_right_logical3A_115, %broadcast_in_dim3A_318, %and3A_118, %add3A_426] : memref<2x2x8x128xf32, #tpu.memory_space<vmem>>[vector<16xi32>, vector<16xi32>, vector<16xi32>, vector<16xi32>], vector<16xf32>,
          %gather3A_542 = arith.constant 0 : i32
          %gather3A_543 = arith.constant 0 : i32
          %gather3A_544 = arith.constant 0 : i32
          %gather3A_545 = arith.constant 0 : i32
          %gather3A_546 = arith.constant 0 : i32
          %gather3A_547 = tpu.memref_slice %arg6[%gather3A_542, %gather3A_543, %gather3A_544, %gather3A_545, %gather3A_546] : memref<2x2x2x8x128xf32, #tpu.memory_space<vmem>> -> memref<1x2x2x8x128xf32, #tpu.memory_space<vmem>>
          %gather3A_548 = tpu.memref_squeeze %gather3A_547 : memref<1x2x2x8x128xf32, #tpu.memory_space<vmem>> -> memref<2x2x8x128xf32, #tpu.memory_space<vmem>>
          %gather3A_549 = tpu.vector_load_idx %gather3A_548[%shift_right_logical3A_115, %broadcast_in_dim3A_318, %and3A_118, %add3A_428] : memref<2x2x8x128xf32, #tpu.memory_space<vmem>>[vector<16xi32>, vector<16xi32>, vector<16xi32>, vector<16xi32>], vector<16xf32>,
          %gather3A_550 = arith.constant 0 : i32
          %gather3A_551 = arith.constant 0 : i32
          %gather3A_552 = arith.constant 0 : i32
          %gather3A_553 = arith.constant 0 : i32
          %gather3A_554 = arith.constant 0 : i32
          %gather3A_555 = tpu.memref_slice %arg6[%gather3A_550, %gather3A_551, %gather3A_552, %gather3A_553, %gather3A_554] : memref<2x2x2x8x128xf32, #tpu.memory_space<vmem>> -> memref<1x2x2x8x128xf32, #tpu.memory_space<vmem>>
          %gather3A_556 = tpu.memref_squeeze %gather3A_555 : memref<1x2x2x8x128xf32, #tpu.memory_space<vmem>> -> memref<2x2x8x128xf32, #tpu.memory_space<vmem>>
          %gather3A_557 = tpu.vector_load_idx %gather3A_556[%shift_right_logical3A_115, %broadcast_in_dim3A_318, %and3A_118, %add3A_430] : memref<2x2x8x128xf32, #tpu.memory_space<vmem>>[vector<16xi32>, vector<16xi32>, vector<16xi32>, vector<16xi32>], vector<16xf32>,
          %scatter3A = arith.constant 0 : i32
          %scatter3A_558 = arith.constant 0 : i32
          %scatter3A_559 = arith.constant 0 : i32
          %scatter3A_560 = arith.constant 0 : i32
          %scatter3A_561 = tpu.memref_slice %arg7[%scatter3A, %scatter3A_558, %scatter3A_559, %scatter3A_560] : memref<2x2x128x16xf32, #tpu.memory_space<vmem>> -> memref<1x2x128x16xf32, #tpu.memory_space<vmem>>
          %scatter3A_562 = tpu.memref_squeeze %scatter3A_561 : memref<1x2x128x16xf32, #tpu.memory_space<vmem>> -> memref<2x128x16xf32, #tpu.memory_space<vmem>>
          tpu.vector_store_idx %scatter3A_562[%broadcast_in_dim3A_318, %add3A_400, %iota3A], %gather3A_437 : memref<2x128x16xf32, #tpu.memory_space<vmem>>[vector<16xi32>, vector<16xi32>, vector<16xi32>], vector<16xf32>,
          %scatter3A_563 = arith.constant 0 : i32
          %scatter3A_564 = arith.constant 0 : i32
          %scatter3A_565 = arith.constant 0 : i32
          %scatter3A_566 = arith.constant 0 : i32
          %scatter3A_567 = tpu.memref_slice %arg7[%scatter3A_563, %scatter3A_564, %scatter3A_565, %scatter3A_566] : memref<2x2x128x16xf32, #tpu.memory_space<vmem>> -> memref<1x2x128x16xf32, #tpu.memory_space<vmem>>
          %scatter3A_568 = tpu.memref_squeeze %scatter3A_567 : memref<1x2x128x16xf32, #tpu.memory_space<vmem>> -> memref<2x128x16xf32, #tpu.memory_space<vmem>>
          tpu.vector_store_idx %scatter3A_568[%broadcast_in_dim3A_318, %add3A_402, %iota3A], %gather3A_445 : memref<2x128x16xf32, #tpu.memory_space<vmem>>[vector<16xi32>, vector<16xi32>, vector<16xi32>], vector<16xf32>,
          %scatter3A_569 = arith.constant 0 : i32
          %scatter3A_570 = arith.constant 0 : i32
          %scatter3A_571 = arith.constant 0 : i32
          %scatter3A_572 = arith.constant 0 : i32
          %scatter3A_573 = tpu.memref_slice %arg7[%scatter3A_569, %scatter3A_570, %scatter3A_571, %scatter3A_572] : memref<2x2x128x16xf32, #tpu.memory_space<vmem>> -> memref<1x2x128x16xf32, #tpu.memory_space<vmem>>
          %scatter3A_574 = tpu.memref_squeeze %scatter3A_573 : memref<1x2x128x16xf32, #tpu.memory_space<vmem>> -> memref<2x128x16xf32, #tpu.memory_space<vmem>>
          tpu.vector_store_idx %scatter3A_574[%broadcast_in_dim3A_318, %add3A_404, %iota3A], %gather3A_453 : memref<2x128x16xf32, #tpu.memory_space<vmem>>[vector<16xi32>, vector<16xi32>, vector<16xi32>], vector<16xf32>,
          %scatter3A_575 = arith.constant 0 : i32
          %scatter3A_576 = arith.constant 0 : i32
          %scatter3A_577 = arith.constant 0 : i32
          %scatter3A_578 = arith.constant 0 : i32
          %scatter3A_579 = tpu.memref_slice %arg7[%scatter3A_575, %scatter3A_576, %scatter3A_577, %scatter3A_578] : memref<2x2x128x16xf32, #tpu.memory_space<vmem>> -> memref<1x2x128x16xf32, #tpu.memory_space<vmem>>
          %scatter3A_580 = tpu.memref_squeeze %scatter3A_579 : memref<1x2x128x16xf32, #tpu.memory_space<vmem>> -> memref<2x128x16xf32, #tpu.memory_space<vmem>>
          tpu.vector_store_idx %scatter3A_580[%broadcast_in_dim3A_318, %add3A_406, %iota3A], %gather3A_461 : memref<2x128x16xf32, #tpu.memory_space<vmem>>[vector<16xi32>, vector<16xi32>, vector<16xi32>], vector<16xf32>,
          %scatter3A_581 = arith.constant 0 : i32
          %scatter3A_582 = arith.constant 0 : i32
          %scatter3A_583 = arith.constant 0 : i32
          %scatter3A_584 = arith.constant 0 : i32
          %scatter3A_585 = tpu.memref_slice %arg7[%scatter3A_581, %scatter3A_582, %scatter3A_583, %scatter3A_584] : memref<2x2x128x16xf32, #tpu.memory_space<vmem>> -> memref<1x2x128x16xf32, #tpu.memory_space<vmem>>
          %scatter3A_586 = tpu.memref_squeeze %scatter3A_585 : memref<1x2x128x16xf32, #tpu.memory_space<vmem>> -> memref<2x128x16xf32, #tpu.memory_space<vmem>>
          tpu.vector_store_idx %scatter3A_586[%broadcast_in_dim3A_318, %add3A_408, %iota3A], %gather3A_469 : memref<2x128x16xf32, #tpu.memory_space<vmem>>[vector<16xi32>, vector<16xi32>, vector<16xi32>], vector<16xf32>,
          %scatter3A_587 = arith.constant 0 : i32
          %scatter3A_588 = arith.constant 0 : i32
          %scatter3A_589 = arith.constant 0 : i32
          %scatter3A_590 = arith.constant 0 : i32
          %scatter3A_591 = tpu.memref_slice %arg7[%scatter3A_587, %scatter3A_588, %scatter3A_589, %scatter3A_590] : memref<2x2x128x16xf32, #tpu.memory_space<vmem>> -> memref<1x2x128x16xf32, #tpu.memory_space<vmem>>
          %scatter3A_592 = tpu.memref_squeeze %scatter3A_591 : memref<1x2x128x16xf32, #tpu.memory_space<vmem>> -> memref<2x128x16xf32, #tpu.memory_space<vmem>>
          tpu.vector_store_idx %scatter3A_592[%broadcast_in_dim3A_318, %add3A_410, %iota3A], %gather3A_477 : memref<2x128x16xf32, #tpu.memory_space<vmem>>[vector<16xi32>, vector<16xi32>, vector<16xi32>], vector<16xf32>,
          %scatter3A_593 = arith.constant 0 : i32
          %scatter3A_594 = arith.constant 0 : i32
          %scatter3A_595 = arith.constant 0 : i32
          %scatter3A_596 = arith.constant 0 : i32
          %scatter3A_597 = tpu.memref_slice %arg7[%scatter3A_593, %scatter3A_594, %scatter3A_595, %scatter3A_596] : memref<2x2x128x16xf32, #tpu.memory_space<vmem>> -> memref<1x2x128x16xf32, #tpu.memory_space<vmem>>
          %scatter3A_598 = tpu.memref_squeeze %scatter3A_597 : memref<1x2x128x16xf32, #tpu.memory_space<vmem>> -> memref<2x128x16xf32, #tpu.memory_space<vmem>>
          tpu.vector_store_idx %scatter3A_598[%broadcast_in_dim3A_318, %add3A_412, %iota3A], %gather3A_485 : memref<2x128x16xf32, #tpu.memory_space<vmem>>[vector<16xi32>, vector<16xi32>, vector<16xi32>], vector<16xf32>,
          %scatter3A_599 = arith.constant 0 : i32
          %scatter3A_600 = arith.constant 0 : i32
          %scatter3A_601 = arith.constant 0 : i32
          %scatter3A_602 = arith.constant 0 : i32
          %scatter3A_603 = tpu.memref_slice %arg7[%scatter3A_599, %scatter3A_600, %scatter3A_601, %scatter3A_602] : memref<2x2x128x16xf32, #tpu.memory_space<vmem>> -> memref<1x2x128x16xf32, #tpu.memory_space<vmem>>
          %scatter3A_604 = tpu.memref_squeeze %scatter3A_603 : memref<1x2x128x16xf32, #tpu.memory_space<vmem>> -> memref<2x128x16xf32, #tpu.memory_space<vmem>>
          tpu.vector_store_idx %scatter3A_604[%broadcast_in_dim3A_318, %add3A_414, %iota3A], %gather3A_493 : memref<2x128x16xf32, #tpu.memory_space<vmem>>[vector<16xi32>, vector<16xi32>, vector<16xi32>], vector<16xf32>,
          %scatter3A_605 = arith.constant 0 : i32
          %scatter3A_606 = arith.constant 0 : i32
          %scatter3A_607 = arith.constant 0 : i32
          %scatter3A_608 = arith.constant 0 : i32
          %scatter3A_609 = tpu.memref_slice %arg7[%scatter3A_605, %scatter3A_606, %scatter3A_607, %scatter3A_608] : memref<2x2x128x16xf32, #tpu.memory_space<vmem>> -> memref<1x2x128x16xf32, #tpu.memory_space<vmem>>
          %scatter3A_610 = tpu.memref_squeeze %scatter3A_609 : memref<1x2x128x16xf32, #tpu.memory_space<vmem>> -> memref<2x128x16xf32, #tpu.memory_space<vmem>>
          tpu.vector_store_idx %scatter3A_610[%broadcast_in_dim3A_318, %add3A_416, %iota3A], %gather3A_501 : memref<2x128x16xf32, #tpu.memory_space<vmem>>[vector<16xi32>, vector<16xi32>, vector<16xi32>], vector<16xf32>,
          %scatter3A_611 = arith.constant 0 : i32
          %scatter3A_612 = arith.constant 0 : i32
          %scatter3A_613 = arith.constant 0 : i32
          %scatter3A_614 = arith.constant 0 : i32
          %scatter3A_615 = tpu.memref_slice %arg7[%scatter3A_611, %scatter3A_612, %scatter3A_613, %scatter3A_614] : memref<2x2x128x16xf32, #tpu.memory_space<vmem>> -> memref<1x2x128x16xf32, #tpu.memory_space<vmem>>
          %scatter3A_616 = tpu.memref_squeeze %scatter3A_615 : memref<1x2x128x16xf32, #tpu.memory_space<vmem>> -> memref<2x128x16xf32, #tpu.memory_space<vmem>>
          tpu.vector_store_idx %scatter3A_616[%broadcast_in_dim3A_318, %add3A_418, %iota3A], %gather3A_509 : memref<2x128x16xf32, #tpu.memory_space<vmem>>[vector<16xi32>, vector<16xi32>, vector<16xi32>], vector<16xf32>,
          %scatter3A_617 = arith.constant 0 : i32
          %scatter3A_618 = arith.constant 0 : i32
          %scatter3A_619 = arith.constant 0 : i32
          %scatter3A_620 = arith.constant 0 : i32
          %scatter3A_621 = tpu.memref_slice %arg7[%scatter3A_617, %scatter3A_618, %scatter3A_619, %scatter3A_620] : memref<2x2x128x16xf32, #tpu.memory_space<vmem>> -> memref<1x2x128x16xf32, #tpu.memory_space<vmem>>
          %scatter3A_622 = tpu.memref_squeeze %scatter3A_621 : memref<1x2x128x16xf32, #tpu.memory_space<vmem>> -> memref<2x128x16xf32, #tpu.memory_space<vmem>>
          tpu.vector_store_idx %scatter3A_622[%broadcast_in_dim3A_318, %add3A_420, %iota3A], %gather3A_517 : memref<2x128x16xf32, #tpu.memory_space<vmem>>[vector<16xi32>, vector<16xi32>, vector<16xi32>], vector<16xf32>,
          %scatter3A_623 = arith.constant 0 : i32
          %scatter3A_624 = arith.constant 0 : i32
          %scatter3A_625 = arith.constant 0 : i32
          %scatter3A_626 = arith.constant 0 : i32
          %scatter3A_627 = tpu.memref_slice %arg7[%scatter3A_623, %scatter3A_624, %scatter3A_625, %scatter3A_626] : memref<2x2x128x16xf32, #tpu.memory_space<vmem>> -> memref<1x2x128x16xf32, #tpu.memory_space<vmem>>
          %scatter3A_628 = tpu.memref_squeeze %scatter3A_627 : memref<1x2x128x16xf32, #tpu.memory_space<vmem>> -> memref<2x128x16xf32, #tpu.memory_space<vmem>>
          tpu.vector_store_idx %scatter3A_628[%broadcast_in_dim3A_318, %add3A_422, %iota3A], %gather3A_525 : memref<2x128x16xf32, #tpu.memory_space<vmem>>[vector<16xi32>, vector<16xi32>, vector<16xi32>], vector<16xf32>,
          %scatter3A_629 = arith.constant 0 : i32
          %scatter3A_630 = arith.constant 0 : i32
          %scatter3A_631 = arith.constant 0 : i32
          %scatter3A_632 = arith.constant 0 : i32
          %scatter3A_633 = tpu.memref_slice %arg7[%scatter3A_629, %scatter3A_630, %scatter3A_631, %scatter3A_632] : memref<2x2x128x16xf32, #tpu.memory_space<vmem>> -> memref<1x2x128x16xf32, #tpu.memory_space<vmem>>
          %scatter3A_634 = tpu.memref_squeeze %scatter3A_633 : memref<1x2x128x16xf32, #tpu.memory_space<vmem>> -> memref<2x128x16xf32, #tpu.memory_space<vmem>>
          tpu.vector_store_idx %scatter3A_634[%broadcast_in_dim3A_318, %add3A_424, %iota3A], %gather3A_533 : memref<2x128x16xf32, #tpu.memory_space<vmem>>[vector<16xi32>, vector<16xi32>, vector<16xi32>], vector<16xf32>,
          %scatter3A_635 = arith.constant 0 : i32
          %scatter3A_636 = arith.constant 0 : i32
          %scatter3A_637 = arith.constant 0 : i32
          %scatter3A_638 = arith.constant 0 : i32
          %scatter3A_639 = tpu.memref_slice %arg7[%scatter3A_635, %scatter3A_636, %scatter3A_637, %scatter3A_638] : memref<2x2x128x16xf32, #tpu.memory_space<vmem>> -> memref<1x2x128x16xf32, #tpu.memory_space<vmem>>
          %scatter3A_640 = tpu.memref_squeeze %scatter3A_639 : memref<1x2x128x16xf32, #tpu.memory_space<vmem>> -> memref<2x128x16xf32, #tpu.memory_space<vmem>>
          tpu.vector_store_idx %scatter3A_640[%broadcast_in_dim3A_318, %add3A_426, %iota3A], %gather3A_541 : memref<2x128x16xf32, #tpu.memory_space<vmem>>[vector<16xi32>, vector<16xi32>, vector<16xi32>], vector<16xf32>,
          %scatter3A_641 = arith.constant 0 : i32
          %scatter3A_642 = arith.constant 0 : i32
          %scatter3A_643 = arith.constant 0 : i32
          %scatter3A_644 = arith.constant 0 : i32
          %scatter3A_645 = tpu.memref_slice %arg7[%scatter3A_641, %scatter3A_642, %scatter3A_643, %scatter3A_644] : memref<2x2x128x16xf32, #tpu.memory_space<vmem>> -> memref<1x2x128x16xf32, #tpu.memory_space<vmem>>
          %scatter3A_646 = tpu.memref_squeeze %scatter3A_645 : memref<1x2x128x16xf32, #tpu.memory_space<vmem>> -> memref<2x128x16xf32, #tpu.memory_space<vmem>>
          tpu.vector_store_idx %scatter3A_646[%broadcast_in_dim3A_318, %add3A_428, %iota3A], %gather3A_549 : memref<2x128x16xf32, #tpu.memory_space<vmem>>[vector<16xi32>, vector<16xi32>, vector<16xi32>], vector<16xf32>,
          %scatter3A_647 = arith.constant 0 : i32
          %scatter3A_648 = arith.constant 0 : i32
          %scatter3A_649 = arith.constant 0 : i32
          %scatter3A_650 = arith.constant 0 : i32
          %scatter3A_651 = tpu.memref_slice %arg7[%scatter3A_647, %scatter3A_648, %scatter3A_649, %scatter3A_650] : memref<2x2x128x16xf32, #tpu.memory_space<vmem>> -> memref<1x2x128x16xf32, #tpu.memory_space<vmem>>
          %scatter3A_652 = tpu.memref_squeeze %scatter3A_651 : memref<1x2x128x16xf32, #tpu.memory_space<vmem>> -> memref<2x128x16xf32, #tpu.memory_space<vmem>>
          tpu.vector_store_idx %scatter3A_652[%broadcast_in_dim3A_318, %add3A_430, %iota3A], %gather3A_557 : memref<2x128x16xf32, #tpu.memory_space<vmem>>[vector<16xi32>, vector<16xi32>, vector<16xi32>], vector<16xf32>,
        }
        %scan3A_323 = arith.constant 8 : i32
        %jit3A = arith.constant 4 : i32
        %eq3A = arith.constant 0 : i32
        %eq3A_324 = arith.cmpi eq, %jit3A, %eq3A : i32
        %jit3A_325 = arith.constant 1 : i32
        %select_n3A = arith.select %eq3A_324, %jit3A_325, %jit3A : i32
        %rem3A = arith.remsi %add3A_255, %select_n3A : i32
        %ne3A = arith.constant 0 : i32
        %ne3A_326 = arith.cmpi ne, %rem3A, %ne3A : i32
        %lt3A_327 = arith.constant 0 : i32
        %lt3A_328 = arith.cmpi slt, %rem3A, %lt3A_327 : i32
        %lt3A_329 = arith.constant 0 : i32
        %lt3A_330 = arith.cmpi slt, %select_n3A, %lt3A_329 : i32
        %ne3A_331 = arith.xori %lt3A_328, %lt3A_330 : i1
        %and3A_332 = arith.andi %ne3A_331, %ne3A_326 : i1
        %add3A_333 = arith.addi %rem3A, %select_n3A : i32
        %select_n3A_334 = arith.select %and3A_332, %add3A_333, %rem3A : i32
        %dma_start3A_335 = arith.constant 0 : i32
        %dma_start3A_336 = arith.constant 0 : i32
        %dma_start3A_337 = arith.constant 0 : i32
        %dma_start3A_338 = arith.constant 0 : i32
        %dma_start3A_339 = arith.constant 0 : i32
        %dma_start3A_340 = tpu.memref_slice %arg7[%dma_start3A_335, %dma_start3A_336, %dma_start3A_338, %dma_start3A_339] : memref<2x2x128x16xf32, #tpu.memory_space<vmem>> -> memref<1x1x128x16xf32, #tpu.memory_space<vmem>>
        %dma_start3A_341 = tpu.memref_squeeze %dma_start3A_340 : memref<1x1x128x16xf32, #tpu.memory_space<vmem>> -> memref<128x16xf32, #tpu.memory_space<vmem>>
        %dma_start3A_342 = arith.constant 0 : i32
        %dma_start3A_343 = tpu.memref_slice %arg8[%select_n3A_334, %dma_start3A_337, %dma_start3A_342] : memref<4x2x128xi32, #tpu.memory_space<vmem>> -> memref<1x1x128xi32, #tpu.memory_space<vmem>>
        %dma_start3A_344 = tpu.memref_squeeze %dma_start3A_343 : memref<1x1x128xi32, #tpu.memory_space<vmem>> -> memref<128xi32, #tpu.memory_space<vmem>>
        %dma_start3A_345 = arith.constant 0 : i32
        %dma_start3A_346 = arith.constant 0 : i32
        %dma_start3A_347 = tpu.memref_slice %arg5[%dma_start3A_345, %dma_start3A_346] : memref<100000x16xf32, #tpu.memory_space<vmem_shared>> -> memref<100000x16xf32, #tpu.memory_space<vmem_shared>>
        tpu.enqueue_indirect_dma source(%dma_start3A_341 : memref<128x16xf32, #tpu.memory_space<vmem>>) target(%dma_start3A_347 : memref<100000x16xf32, #tpu.memory_space<vmem_shared>>) offsets(%dma_start3A_344 : memref<128xi32, #tpu.memory_space<vmem>>) semaphore(%arg12 : memref<!tpu.dma_semaphore, #tpu.memory_space<semaphore_mem>>) {add = true}
        %broadcast_in_dim3A_348 = arith.constant 1 : i32
        %broadcast_in_dim3A_349 = vector.broadcast %broadcast_in_dim3A_348 : i32 to vector<16xi32>
        %scan3A_350 = arith.constant 0 : i32
        %scan3A_351 = arith.constant 8 : i32
        %scan3A_352 = arith.addi %scan3A_350, %scan3A_351 : i32
        %scan3A_353 = arith.constant 1 : i32
        scf.for %scan3A_394 = %scan3A_350 to %scan3A_352 step %scan3A_353  : i32 {
          %mul3A_395 = arith.constant 16 : i32
          %mul3A_396 = arith.muli %scan3A_394, %mul3A_395 : i32
          %add3A_397 = arith.constant 0 : i32
          %add3A_398 = arith.addi %add3A_397, %mul3A_396 : i32
          %broadcast_in_dim3A_399 = vector.broadcast %add3A_398 : i32 to vector<16xi32>
          %add3A_400 = arith.addi %broadcast_in_dim3A_399, %and3A_23 : vector<16xi32>
          %broadcast_in_dim3A_401 = vector.broadcast %add3A_398 : i32 to vector<16xi32>
          %add3A_402 = arith.addi %broadcast_in_dim3A_401, %and3A_29 : vector<16xi32>
          %broadcast_in_dim3A_403 = vector.broadcast %add3A_398 : i32 to vector<16xi32>
          %add3A_404 = arith.addi %broadcast_in_dim3A_403, %and3A_35 : vector<16xi32>
          %broadcast_in_dim3A_405 = vector.broadcast %add3A_398 : i32 to vector<16xi32>
          %add3A_406 = arith.addi %broadcast_in_dim3A_405, %and3A_41 : vector<16xi32>
          %broadcast_in_dim3A_407 = vector.broadcast %add3A_398 : i32 to vector<16xi32>
          %add3A_408 = arith.addi %broadcast_in_dim3A_407, %and3A_47 : vector<16xi32>
          %broadcast_in_dim3A_409 = vector.broadcast %add3A_398 : i32 to vector<16xi32>
          %add3A_410 = arith.addi %broadcast_in_dim3A_409, %and3A_53 : vector<16xi32>
          %broadcast_in_dim3A_411 = vector.broadcast %add3A_398 : i32 to vector<16xi32>
          %add3A_412 = arith.addi %broadcast_in_dim3A_411, %and3A_59 : vector<16xi32>
          %broadcast_in_dim3A_413 = vector.broadcast %add3A_398 : i32 to vector<16xi32>
          %add3A_414 = arith.addi %broadcast_in_dim3A_413, %and3A_65 : vector<16xi32>
          %broadcast_in_dim3A_415 = vector.broadcast %add3A_398 : i32 to vector<16xi32>
          %add3A_416 = arith.addi %broadcast_in_dim3A_415, %and3A_71 : vector<16xi32>
          %broadcast_in_dim3A_417 = vector.broadcast %add3A_398 : i32 to vector<16xi32>
          %add3A_418 = arith.addi %broadcast_in_dim3A_417, %and3A_77 : vector<16xi32>
          %broadcast_in_dim3A_419 = vector.broadcast %add3A_398 : i32 to vector<16xi32>
          %add3A_420 = arith.addi %broadcast_in_dim3A_419, %and3A_83 : vector<16xi32>
          %broadcast_in_dim3A_421 = vector.broadcast %add3A_398 : i32 to vector<16xi32>
          %add3A_422 = arith.addi %broadcast_in_dim3A_421, %and3A_89 : vector<16xi32>
          %broadcast_in_dim3A_423 = vector.broadcast %add3A_398 : i32 to vector<16xi32>
          %add3A_424 = arith.addi %broadcast_in_dim3A_423, %and3A_95 : vector<16xi32>
          %broadcast_in_dim3A_425 = vector.broadcast %add3A_398 : i32 to vector<16xi32>
          %add3A_426 = arith.addi %broadcast_in_dim3A_425, %and3A_101 : vector<16xi32>
          %broadcast_in_dim3A_427 = vector.broadcast %add3A_398 : i32 to vector<16xi32>
          %add3A_428 = arith.addi %broadcast_in_dim3A_427, %and3A_107 : vector<16xi32>
          %broadcast_in_dim3A_429 = vector.broadcast %add3A_398 : i32 to vector<16xi32>
          %add3A_430 = arith.addi %broadcast_in_dim3A_429, %and3A_113 : vector<16xi32>
          %gather3A = arith.constant 0 : i32
          %gather3A_431 = arith.constant 0 : i32
          %gather3A_432 = arith.constant 0 : i32
          %gather3A_433 = arith.constant 0 : i32
          %gather3A_434 = arith.constant 0 : i32
          %gather3A_435 = tpu.memref_slice %arg6[%gather3A, %gather3A_431, %gather3A_432, %gather3A_433, %gather3A_434] : memref<2x2x2x8x128xf32, #tpu.memory_space<vmem>> -> memref<1x2x2x8x128xf32, #tpu.memory_space<vmem>>
          %gather3A_436 = tpu.memref_squeeze %gather3A_435 : memref<1x2x2x8x128xf32, #tpu.memory_space<vmem>> -> memref<2x2x8x128xf32, #tpu.memory_space<vmem>>
          %gather3A_437 = tpu.vector_load_idx %gather3A_436[%shift_right_logical3A_115, %broadcast_in_dim3A_349, %and3A_118, %add3A_400] : memref<2x2x8x128xf32, #tpu.memory_space<vmem>>[vector<16xi32>, vector<16xi32>, vector<16xi32>, vector<16xi32>], vector<16xf32>,
          %gather3A_438 = arith.constant 0 : i32
          %gather3A_439 = arith.constant 0 : i32
          %gather3A_440 = arith.constant 0 : i32
          %gather3A_441 = arith.constant 0 : i32
          %gather3A_442 = arith.constant 0 : i32
          %gather3A_443 = tpu.memref_slice %arg6[%gather3A_438, %gather3A_439, %gather3A_440, %gather3A_441, %gather3A_442] : memref<2x2x2x8x128xf32, #tpu.memory_space<vmem>> -> memref<1x2x2x8x128xf32, #tpu.memory_space<vmem>>
          %gather3A_444 = tpu.memref_squeeze %gather3A_443 : memref<1x2x2x8x128xf32, #tpu.memory_space<vmem>> -> memref<2x2x8x128xf32, #tpu.memory_space<vmem>>
          %gather3A_445 = tpu.vector_load_idx %gather3A_444[%shift_right_logical3A_115, %broadcast_in_dim3A_349, %and3A_118, %add3A_402] : memref<2x2x8x128xf32, #tpu.memory_space<vmem>>[vector<16xi32>, vector<16xi32>, vector<16xi32>, vector<16xi32>], vector<16xf32>,
          %gather3A_446 = arith.constant 0 : i32
          %gather3A_447 = arith.constant 0 : i32
          %gather3A_448 = arith.constant 0 : i32
          %gather3A_449 = arith.constant 0 : i32
          %gather3A_450 = arith.constant 0 : i32
          %gather3A_451 = tpu.memref_slice %arg6[%gather3A_446, %gather3A_447, %gather3A_448, %gather3A_449, %gather3A_450] : memref<2x2x2x8x128xf32, #tpu.memory_space<vmem>> -> memref<1x2x2x8x128xf32, #tpu.memory_space<vmem>>
          %gather3A_452 = tpu.memref_squeeze %gather3A_451 : memref<1x2x2x8x128xf32, #tpu.memory_space<vmem>> -> memref<2x2x8x128xf32, #tpu.memory_space<vmem>>
          %gather3A_453 = tpu.vector_load_idx %gather3A_452[%shift_right_logical3A_115, %broadcast_in_dim3A_349, %and3A_118, %add3A_404] : memref<2x2x8x128xf32, #tpu.memory_space<vmem>>[vector<16xi32>, vector<16xi32>, vector<16xi32>, vector<16xi32>], vector<16xf32>,
          %gather3A_454 = arith.constant 0 : i32
          %gather3A_455 = arith.constant 0 : i32
          %gather3A_456 = arith.constant 0 : i32
          %gather3A_457 = arith.constant 0 : i32
          %gather3A_458 = arith.constant 0 : i32
          %gather3A_459 = tpu.memref_slice %arg6[%gather3A_454, %gather3A_455, %gather3A_456, %gather3A_457, %gather3A_458] : memref<2x2x2x8x128xf32, #tpu.memory_space<vmem>> -> memref<1x2x2x8x128xf32, #tpu.memory_space<vmem>>
          %gather3A_460 = tpu.memref_squeeze %gather3A_459 : memref<1x2x2x8x128xf32, #tpu.memory_space<vmem>> -> memref<2x2x8x128xf32, #tpu.memory_space<vmem>>
          %gather3A_461 = tpu.vector_load_idx %gather3A_460[%shift_right_logical3A_115, %broadcast_in_dim3A_349, %and3A_118, %add3A_406] : memref<2x2x8x128xf32, #tpu.memory_space<vmem>>[vector<16xi32>, vector<16xi32>, vector<16xi32>, vector<16xi32>], vector<16xf32>,
          %gather3A_462 = arith.constant 0 : i32
          %gather3A_463 = arith.constant 0 : i32
          %gather3A_464 = arith.constant 0 : i32
          %gather3A_465 = arith.constant 0 : i32
          %gather3A_466 = arith.constant 0 : i32
          %gather3A_467 = tpu.memref_slice %arg6[%gather3A_462, %gather3A_463, %gather3A_464, %gather3A_465, %gather3A_466] : memref<2x2x2x8x128xf32, #tpu.memory_space<vmem>> -> memref<1x2x2x8x128xf32, #tpu.memory_space<vmem>>
          %gather3A_468 = tpu.memref_squeeze %gather3A_467 : memref<1x2x2x8x128xf32, #tpu.memory_space<vmem>> -> memref<2x2x8x128xf32, #tpu.memory_space<vmem>>
          %gather3A_469 = tpu.vector_load_idx %gather3A_468[%shift_right_logical3A_115, %broadcast_in_dim3A_349, %and3A_118, %add3A_408] : memref<2x2x8x128xf32, #tpu.memory_space<vmem>>[vector<16xi32>, vector<16xi32>, vector<16xi32>, vector<16xi32>], vector<16xf32>,
          %gather3A_470 = arith.constant 0 : i32
          %gather3A_471 = arith.constant 0 : i32
          %gather3A_472 = arith.constant 0 : i32
          %gather3A_473 = arith.constant 0 : i32
          %gather3A_474 = arith.constant 0 : i32
          %gather3A_475 = tpu.memref_slice %arg6[%gather3A_470, %gather3A_471, %gather3A_472, %gather3A_473, %gather3A_474] : memref<2x2x2x8x128xf32, #tpu.memory_space<vmem>> -> memref<1x2x2x8x128xf32, #tpu.memory_space<vmem>>
          %gather3A_476 = tpu.memref_squeeze %gather3A_475 : memref<1x2x2x8x128xf32, #tpu.memory_space<vmem>> -> memref<2x2x8x128xf32, #tpu.memory_space<vmem>>
          %gather3A_477 = tpu.vector_load_idx %gather3A_476[%shift_right_logical3A_115, %broadcast_in_dim3A_349, %and3A_118, %add3A_410] : memref<2x2x8x128xf32, #tpu.memory_space<vmem>>[vector<16xi32>, vector<16xi32>, vector<16xi32>, vector<16xi32>], vector<16xf32>,
          %gather3A_478 = arith.constant 0 : i32
          %gather3A_479 = arith.constant 0 : i32
          %gather3A_480 = arith.constant 0 : i32
          %gather3A_481 = arith.constant 0 : i32
          %gather3A_482 = arith.constant 0 : i32
          %gather3A_483 = tpu.memref_slice %arg6[%gather3A_478, %gather3A_479, %gather3A_480, %gather3A_481, %gather3A_482] : memref<2x2x2x8x128xf32, #tpu.memory_space<vmem>> -> memref<1x2x2x8x128xf32, #tpu.memory_space<vmem>>
          %gather3A_484 = tpu.memref_squeeze %gather3A_483 : memref<1x2x2x8x128xf32, #tpu.memory_space<vmem>> -> memref<2x2x8x128xf32, #tpu.memory_space<vmem>>
          %gather3A_485 = tpu.vector_load_idx %gather3A_484[%shift_right_logical3A_115, %broadcast_in_dim3A_349, %and3A_118, %add3A_412] : memref<2x2x8x128xf32, #tpu.memory_space<vmem>>[vector<16xi32>, vector<16xi32>, vector<16xi32>, vector<16xi32>], vector<16xf32>,
          %gather3A_486 = arith.constant 0 : i32
          %gather3A_487 = arith.constant 0 : i32
          %gather3A_488 = arith.constant 0 : i32
          %gather3A_489 = arith.constant 0 : i32
          %gather3A_490 = arith.constant 0 : i32
          %gather3A_491 = tpu.memref_slice %arg6[%gather3A_486, %gather3A_487, %gather3A_488, %gather3A_489, %gather3A_490] : memref<2x2x2x8x128xf32, #tpu.memory_space<vmem>> -> memref<1x2x2x8x128xf32, #tpu.memory_space<vmem>>
          %gather3A_492 = tpu.memref_squeeze %gather3A_491 : memref<1x2x2x8x128xf32, #tpu.memory_space<vmem>> -> memref<2x2x8x128xf32, #tpu.memory_space<vmem>>
          %gather3A_493 = tpu.vector_load_idx %gather3A_492[%shift_right_logical3A_115, %broadcast_in_dim3A_349, %and3A_118, %add3A_414] : memref<2x2x8x128xf32, #tpu.memory_space<vmem>>[vector<16xi32>, vector<16xi32>, vector<16xi32>, vector<16xi32>], vector<16xf32>,
          %gather3A_494 = arith.constant 0 : i32
          %gather3A_495 = arith.constant 0 : i32
          %gather3A_496 = arith.constant 0 : i32
          %gather3A_497 = arith.constant 0 : i32
          %gather3A_498 = arith.constant 0 : i32
          %gather3A_499 = tpu.memref_slice %arg6[%gather3A_494, %gather3A_495, %gather3A_496, %gather3A_497, %gather3A_498] : memref<2x2x2x8x128xf32, #tpu.memory_space<vmem>> -> memref<1x2x2x8x128xf32, #tpu.memory_space<vmem>>
          %gather3A_500 = tpu.memref_squeeze %gather3A_499 : memref<1x2x2x8x128xf32, #tpu.memory_space<vmem>> -> memref<2x2x8x128xf32, #tpu.memory_space<vmem>>
          %gather3A_501 = tpu.vector_load_idx %gather3A_500[%shift_right_logical3A_115, %broadcast_in_dim3A_349, %and3A_118, %add3A_416] : memref<2x2x8x128xf32, #tpu.memory_space<vmem>>[vector<16xi32>, vector<16xi32>, vector<16xi32>, vector<16xi32>], vector<16xf32>,
          %gather3A_502 = arith.constant 0 : i32
          %gather3A_503 = arith.constant 0 : i32
          %gather3A_504 = arith.constant 0 : i32
          %gather3A_505 = arith.constant 0 : i32
          %gather3A_506 = arith.constant 0 : i32
          %gather3A_507 = tpu.memref_slice %arg6[%gather3A_502, %gather3A_503, %gather3A_504, %gather3A_505, %gather3A_506] : memref<2x2x2x8x128xf32, #tpu.memory_space<vmem>> -> memref<1x2x2x8x128xf32, #tpu.memory_space<vmem>>
          %gather3A_508 = tpu.memref_squeeze %gather3A_507 : memref<1x2x2x8x128xf32, #tpu.memory_space<vmem>> -> memref<2x2x8x128xf32, #tpu.memory_space<vmem>>
          %gather3A_509 = tpu.vector_load_idx %gather3A_508[%shift_right_logical3A_115, %broadcast_in_dim3A_349, %and3A_118, %add3A_418] : memref<2x2x8x128xf32, #tpu.memory_space<vmem>>[vector<16xi32>, vector<16xi32>, vector<16xi32>, vector<16xi32>], vector<16xf32>,
          %gather3A_510 = arith.constant 0 : i32
          %gather3A_511 = arith.constant 0 : i32
          %gather3A_512 = arith.constant 0 : i32
          %gather3A_513 = arith.constant 0 : i32
          %gather3A_514 = arith.constant 0 : i32
          %gather3A_515 = tpu.memref_slice %arg6[%gather3A_510, %gather3A_511, %gather3A_512, %gather3A_513, %gather3A_514] : memref<2x2x2x8x128xf32, #tpu.memory_space<vmem>> -> memref<1x2x2x8x128xf32, #tpu.memory_space<vmem>>
          %gather3A_516 = tpu.memref_squeeze %gather3A_515 : memref<1x2x2x8x128xf32, #tpu.memory_space<vmem>> -> memref<2x2x8x128xf32, #tpu.memory_space<vmem>>
          %gather3A_517 = tpu.vector_load_idx %gather3A_516[%shift_right_logical3A_115, %broadcast_in_dim3A_349, %and3A_118, %add3A_420] : memref<2x2x8x128xf32, #tpu.memory_space<vmem>>[vector<16xi32>, vector<16xi32>, vector<16xi32>, vector<16xi32>], vector<16xf32>,
          %gather3A_518 = arith.constant 0 : i32
          %gather3A_519 = arith.constant 0 : i32
          %gather3A_520 = arith.constant 0 : i32
          %gather3A_521 = arith.constant 0 : i32
          %gather3A_522 = arith.constant 0 : i32
          %gather3A_523 = tpu.memref_slice %arg6[%gather3A_518, %gather3A_519, %gather3A_520, %gather3A_521, %gather3A_522] : memref<2x2x2x8x128xf32, #tpu.memory_space<vmem>> -> memref<1x2x2x8x128xf32, #tpu.memory_space<vmem>>
          %gather3A_524 = tpu.memref_squeeze %gather3A_523 : memref<1x2x2x8x128xf32, #tpu.memory_space<vmem>> -> memref<2x2x8x128xf32, #tpu.memory_space<vmem>>
          %gather3A_525 = tpu.vector_load_idx %gather3A_524[%shift_right_logical3A_115, %broadcast_in_dim3A_349, %and3A_118, %add3A_422] : memref<2x2x8x128xf32, #tpu.memory_space<vmem>>[vector<16xi32>, vector<16xi32>, vector<16xi32>, vector<16xi32>], vector<16xf32>,
          %gather3A_526 = arith.constant 0 : i32
          %gather3A_527 = arith.constant 0 : i32
          %gather3A_528 = arith.constant 0 : i32
          %gather3A_529 = arith.constant 0 : i32
          %gather3A_530 = arith.constant 0 : i32
          %gather3A_531 = tpu.memref_slice %arg6[%gather3A_526, %gather3A_527, %gather3A_528, %gather3A_529, %gather3A_530] : memref<2x2x2x8x128xf32, #tpu.memory_space<vmem>> -> memref<1x2x2x8x128xf32, #tpu.memory_space<vmem>>
          %gather3A_532 = tpu.memref_squeeze %gather3A_531 : memref<1x2x2x8x128xf32, #tpu.memory_space<vmem>> -> memref<2x2x8x128xf32, #tpu.memory_space<vmem>>
          %gather3A_533 = tpu.vector_load_idx %gather3A_532[%shift_right_logical3A_115, %broadcast_in_dim3A_349, %and3A_118, %add3A_424] : memref<2x2x8x128xf32, #tpu.memory_space<vmem>>[vector<16xi32>, vector<16xi32>, vector<16xi32>, vector<16xi32>], vector<16xf32>,
          %gather3A_534 = arith.constant 0 : i32
          %gather3A_535 = arith.constant 0 : i32
          %gather3A_536 = arith.constant 0 : i32
          %gather3A_537 = arith.constant 0 : i32
          %gather3A_538 = arith.constant 0 : i32
          %gather3A_539 = tpu.memref_slice %arg6[%gather3A_534, %gather3A_535, %gather3A_536, %gather3A_537, %gather3A_538] : memref<2x2x2x8x128xf32, #tpu.memory_space<vmem>> -> memref<1x2x2x8x128xf32, #tpu.memory_space<vmem>>
          %gather3A_540 = tpu.memref_squeeze %gather3A_539 : memref<1x2x2x8x128xf32, #tpu.memory_space<vmem>> -> memref<2x2x8x128xf32, #tpu.memory_space<vmem>>
          %gather3A_541 = tpu.vector_load_idx %gather3A_540[%shift_right_logical3A_115, %broadcast_in_dim3A_349, %and3A_118, %add3A_426] : memref<2x2x8x128xf32, #tpu.memory_space<vmem>>[vector<16xi32>, vector<16xi32>, vector<16xi32>, vector<16xi32>], vector<16xf32>,
          %gather3A_542 = arith.constant 0 : i32
          %gather3A_543 = arith.constant 0 : i32
          %gather3A_544 = arith.constant 0 : i32
          %gather3A_545 = arith.constant 0 : i32
          %gather3A_546 = arith.constant 0 : i32
          %gather3A_547 = tpu.memref_slice %arg6[%gather3A_542, %gather3A_543, %gather3A_544, %gather3A_545, %gather3A_546] : memref<2x2x2x8x128xf32, #tpu.memory_space<vmem>> -> memref<1x2x2x8x128xf32, #tpu.memory_space<vmem>>
          %gather3A_548 = tpu.memref_squeeze %gather3A_547 : memref<1x2x2x8x128xf32, #tpu.memory_space<vmem>> -> memref<2x2x8x128xf32, #tpu.memory_space<vmem>>
          %gather3A_549 = tpu.vector_load_idx %gather3A_548[%shift_right_logical3A_115, %broadcast_in_dim3A_349, %and3A_118, %add3A_428] : memref<2x2x8x128xf32, #tpu.memory_space<vmem>>[vector<16xi32>, vector<16xi32>, vector<16xi32>, vector<16xi32>], vector<16xf32>,
          %gather3A_550 = arith.constant 0 : i32
          %gather3A_551 = arith.constant 0 : i32
          %gather3A_552 = arith.constant 0 : i32
          %gather3A_553 = arith.constant 0 : i32
          %gather3A_554 = arith.constant 0 : i32
          %gather3A_555 = tpu.memref_slice %arg6[%gather3A_550, %gather3A_551, %gather3A_552, %gather3A_553, %gather3A_554] : memref<2x2x2x8x128xf32, #tpu.memory_space<vmem>> -> memref<1x2x2x8x128xf32, #tpu.memory_space<vmem>>
          %gather3A_556 = tpu.memref_squeeze %gather3A_555 : memref<1x2x2x8x128xf32, #tpu.memory_space<vmem>> -> memref<2x2x8x128xf32, #tpu.memory_space<vmem>>
          %gather3A_557 = tpu.vector_load_idx %gather3A_556[%shift_right_logical3A_115, %broadcast_in_dim3A_349, %and3A_118, %add3A_430] : memref<2x2x8x128xf32, #tpu.memory_space<vmem>>[vector<16xi32>, vector<16xi32>, vector<16xi32>, vector<16xi32>], vector<16xf32>,
          %scatter3A = arith.constant 0 : i32
          %scatter3A_558 = arith.constant 0 : i32
          %scatter3A_559 = arith.constant 0 : i32
          %scatter3A_560 = arith.constant 0 : i32
          %scatter3A_561 = tpu.memref_slice %arg7[%scatter3A, %scatter3A_558, %scatter3A_559, %scatter3A_560] : memref<2x2x128x16xf32, #tpu.memory_space<vmem>> -> memref<1x2x128x16xf32, #tpu.memory_space<vmem>>
          %scatter3A_562 = tpu.memref_squeeze %scatter3A_561 : memref<1x2x128x16xf32, #tpu.memory_space<vmem>> -> memref<2x128x16xf32, #tpu.memory_space<vmem>>
          tpu.vector_store_idx %scatter3A_562[%broadcast_in_dim3A_349, %add3A_400, %iota3A], %gather3A_437 : memref<2x128x16xf32, #tpu.memory_space<vmem>>[vector<16xi32>, vector<16xi32>, vector<16xi32>], vector<16xf32>,
          %scatter3A_563 = arith.constant 0 : i32
          %scatter3A_564 = arith.constant 0 : i32
          %scatter3A_565 = arith.constant 0 : i32
          %scatter3A_566 = arith.constant 0 : i32
          %scatter3A_567 = tpu.memref_slice %arg7[%scatter3A_563, %scatter3A_564, %scatter3A_565, %scatter3A_566] : memref<2x2x128x16xf32, #tpu.memory_space<vmem>> -> memref<1x2x128x16xf32, #tpu.memory_space<vmem>>
          %scatter3A_568 = tpu.memref_squeeze %scatter3A_567 : memref<1x2x128x16xf32, #tpu.memory_space<vmem>> -> memref<2x128x16xf32, #tpu.memory_space<vmem>>
          tpu.vector_store_idx %scatter3A_568[%broadcast_in_dim3A_349, %add3A_402, %iota3A], %gather3A_445 : memref<2x128x16xf32, #tpu.memory_space<vmem>>[vector<16xi32>, vector<16xi32>, vector<16xi32>], vector<16xf32>,
          %scatter3A_569 = arith.constant 0 : i32
          %scatter3A_570 = arith.constant 0 : i32
          %scatter3A_571 = arith.constant 0 : i32
          %scatter3A_572 = arith.constant 0 : i32
          %scatter3A_573 = tpu.memref_slice %arg7[%scatter3A_569, %scatter3A_570, %scatter3A_571, %scatter3A_572] : memref<2x2x128x16xf32, #tpu.memory_space<vmem>> -> memref<1x2x128x16xf32, #tpu.memory_space<vmem>>
          %scatter3A_574 = tpu.memref_squeeze %scatter3A_573 : memref<1x2x128x16xf32, #tpu.memory_space<vmem>> -> memref<2x128x16xf32, #tpu.memory_space<vmem>>
          tpu.vector_store_idx %scatter3A_574[%broadcast_in_dim3A_349, %add3A_404, %iota3A], %gather3A_453 : memref<2x128x16xf32, #tpu.memory_space<vmem>>[vector<16xi32>, vector<16xi32>, vector<16xi32>], vector<16xf32>,
          %scatter3A_575 = arith.constant 0 : i32
          %scatter3A_576 = arith.constant 0 : i32
          %scatter3A_577 = arith.constant 0 : i32
          %scatter3A_578 = arith.constant 0 : i32
          %scatter3A_579 = tpu.memref_slice %arg7[%scatter3A_575, %scatter3A_576, %scatter3A_577, %scatter3A_578] : memref<2x2x128x16xf32, #tpu.memory_space<vmem>> -> memref<1x2x128x16xf32, #tpu.memory_space<vmem>>
          %scatter3A_580 = tpu.memref_squeeze %scatter3A_579 : memref<1x2x128x16xf32, #tpu.memory_space<vmem>> -> memref<2x128x16xf32, #tpu.memory_space<vmem>>
          tpu.vector_store_idx %scatter3A_580[%broadcast_in_dim3A_349, %add3A_406, %iota3A], %gather3A_461 : memref<2x128x16xf32, #tpu.memory_space<vmem>>[vector<16xi32>, vector<16xi32>, vector<16xi32>], vector<16xf32>,
          %scatter3A_581 = arith.constant 0 : i32
          %scatter3A_582 = arith.constant 0 : i32
          %scatter3A_583 = arith.constant 0 : i32
          %scatter3A_584 = arith.constant 0 : i32
          %scatter3A_585 = tpu.memref_slice %arg7[%scatter3A_581, %scatter3A_582, %scatter3A_583, %scatter3A_584] : memref<2x2x128x16xf32, #tpu.memory_space<vmem>> -> memref<1x2x128x16xf32, #tpu.memory_space<vmem>>
          %scatter3A_586 = tpu.memref_squeeze %scatter3A_585 : memref<1x2x128x16xf32, #tpu.memory_space<vmem>> -> memref<2x128x16xf32, #tpu.memory_space<vmem>>
          tpu.vector_store_idx %scatter3A_586[%broadcast_in_dim3A_349, %add3A_408, %iota3A], %gather3A_469 : memref<2x128x16xf32, #tpu.memory_space<vmem>>[vector<16xi32>, vector<16xi32>, vector<16xi32>], vector<16xf32>,
          %scatter3A_587 = arith.constant 0 : i32
          %scatter3A_588 = arith.constant 0 : i32
          %scatter3A_589 = arith.constant 0 : i32
          %scatter3A_590 = arith.constant 0 : i32
          %scatter3A_591 = tpu.memref_slice %arg7[%scatter3A_587, %scatter3A_588, %scatter3A_589, %scatter3A_590] : memref<2x2x128x16xf32, #tpu.memory_space<vmem>> -> memref<1x2x128x16xf32, #tpu.memory_space<vmem>>
          %scatter3A_592 = tpu.memref_squeeze %scatter3A_591 : memref<1x2x128x16xf32, #tpu.memory_space<vmem>> -> memref<2x128x16xf32, #tpu.memory_space<vmem>>
          tpu.vector_store_idx %scatter3A_592[%broadcast_in_dim3A_349, %add3A_410, %iota3A], %gather3A_477 : memref<2x128x16xf32, #tpu.memory_space<vmem>>[vector<16xi32>, vector<16xi32>, vector<16xi32>], vector<16xf32>,
          %scatter3A_593 = arith.constant 0 : i32
          %scatter3A_594 = arith.constant 0 : i32
          %scatter3A_595 = arith.constant 0 : i32
          %scatter3A_596 = arith.constant 0 : i32
          %scatter3A_597 = tpu.memref_slice %arg7[%scatter3A_593, %scatter3A_594, %scatter3A_595, %scatter3A_596] : memref<2x2x128x16xf32, #tpu.memory_space<vmem>> -> memref<1x2x128x16xf32, #tpu.memory_space<vmem>>
          %scatter3A_598 = tpu.memref_squeeze %scatter3A_597 : memref<1x2x128x16xf32, #tpu.memory_space<vmem>> -> memref<2x128x16xf32, #tpu.memory_space<vmem>>
          tpu.vector_store_idx %scatter3A_598[%broadcast_in_dim3A_349, %add3A_412, %iota3A], %gather3A_485 : memref<2x128x16xf32, #tpu.memory_space<vmem>>[vector<16xi32>, vector<16xi32>, vector<16xi32>], vector<16xf32>,
          %scatter3A_599 = arith.constant 0 : i32
          %scatter3A_600 = arith.constant 0 : i32
          %scatter3A_601 = arith.constant 0 : i32
          %scatter3A_602 = arith.constant 0 : i32
          %scatter3A_603 = tpu.memref_slice %arg7[%scatter3A_599, %scatter3A_600, %scatter3A_601, %scatter3A_602] : memref<2x2x128x16xf32, #tpu.memory_space<vmem>> -> memref<1x2x128x16xf32, #tpu.memory_space<vmem>>
          %scatter3A_604 = tpu.memref_squeeze %scatter3A_603 : memref<1x2x128x16xf32, #tpu.memory_space<vmem>> -> memref<2x128x16xf32, #tpu.memory_space<vmem>>
          tpu.vector_store_idx %scatter3A_604[%broadcast_in_dim3A_349, %add3A_414, %iota3A], %gather3A_493 : memref<2x128x16xf32, #tpu.memory_space<vmem>>[vector<16xi32>, vector<16xi32>, vector<16xi32>], vector<16xf32>,
          %scatter3A_605 = arith.constant 0 : i32
          %scatter3A_606 = arith.constant 0 : i32
          %scatter3A_607 = arith.constant 0 : i32
          %scatter3A_608 = arith.constant 0 : i32
          %scatter3A_609 = tpu.memref_slice %arg7[%scatter3A_605, %scatter3A_606, %scatter3A_607, %scatter3A_608] : memref<2x2x128x16xf32, #tpu.memory_space<vmem>> -> memref<1x2x128x16xf32, #tpu.memory_space<vmem>>
          %scatter3A_610 = tpu.memref_squeeze %scatter3A_609 : memref<1x2x128x16xf32, #tpu.memory_space<vmem>> -> memref<2x128x16xf32, #tpu.memory_space<vmem>>
          tpu.vector_store_idx %scatter3A_610[%broadcast_in_dim3A_349, %add3A_416, %iota3A], %gather3A_501 : memref<2x128x16xf32, #tpu.memory_space<vmem>>[vector<16xi32>, vector<16xi32>, vector<16xi32>], vector<16xf32>,
          %scatter3A_611 = arith.constant 0 : i32
          %scatter3A_612 = arith.constant 0 : i32
          %scatter3A_613 = arith.constant 0 : i32
          %scatter3A_614 = arith.constant 0 : i32
          %scatter3A_615 = tpu.memref_slice %arg7[%scatter3A_611, %scatter3A_612, %scatter3A_613, %scatter3A_614] : memref<2x2x128x16xf32, #tpu.memory_space<vmem>> -> memref<1x2x128x16xf32, #tpu.memory_space<vmem>>
          %scatter3A_616 = tpu.memref_squeeze %scatter3A_615 : memref<1x2x128x16xf32, #tpu.memory_space<vmem>> -> memref<2x128x16xf32, #tpu.memory_space<vmem>>
          tpu.vector_store_idx %scatter3A_616[%broadcast_in_dim3A_349, %add3A_418, %iota3A], %gather3A_509 : memref<2x128x16xf32, #tpu.memory_space<vmem>>[vector<16xi32>, vector<16xi32>, vector<16xi32>], vector<16xf32>,
          %scatter3A_617 = arith.constant 0 : i32
          %scatter3A_618 = arith.constant 0 : i32
          %scatter3A_619 = arith.constant 0 : i32
          %scatter3A_620 = arith.constant 0 : i32
          %scatter3A_621 = tpu.memref_slice %arg7[%scatter3A_617, %scatter3A_618, %scatter3A_619, %scatter3A_620] : memref<2x2x128x16xf32, #tpu.memory_space<vmem>> -> memref<1x2x128x16xf32, #tpu.memory_space<vmem>>
          %scatter3A_622 = tpu.memref_squeeze %scatter3A_621 : memref<1x2x128x16xf32, #tpu.memory_space<vmem>> -> memref<2x128x16xf32, #tpu.memory_space<vmem>>
          tpu.vector_store_idx %scatter3A_622[%broadcast_in_dim3A_349, %add3A_420, %iota3A], %gather3A_517 : memref<2x128x16xf32, #tpu.memory_space<vmem>>[vector<16xi32>, vector<16xi32>, vector<16xi32>], vector<16xf32>,
          %scatter3A_623 = arith.constant 0 : i32
          %scatter3A_624 = arith.constant 0 : i32
          %scatter3A_625 = arith.constant 0 : i32
          %scatter3A_626 = arith.constant 0 : i32
          %scatter3A_627 = tpu.memref_slice %arg7[%scatter3A_623, %scatter3A_624, %scatter3A_625, %scatter3A_626] : memref<2x2x128x16xf32, #tpu.memory_space<vmem>> -> memref<1x2x128x16xf32, #tpu.memory_space<vmem>>
          %scatter3A_628 = tpu.memref_squeeze %scatter3A_627 : memref<1x2x128x16xf32, #tpu.memory_space<vmem>> -> memref<2x128x16xf32, #tpu.memory_space<vmem>>
          tpu.vector_store_idx %scatter3A_628[%broadcast_in_dim3A_349, %add3A_422, %iota3A], %gather3A_525 : memref<2x128x16xf32, #tpu.memory_space<vmem>>[vector<16xi32>, vector<16xi32>, vector<16xi32>], vector<16xf32>,
          %scatter3A_629 = arith.constant 0 : i32
          %scatter3A_630 = arith.constant 0 : i32
          %scatter3A_631 = arith.constant 0 : i32
          %scatter3A_632 = arith.constant 0 : i32
          %scatter3A_633 = tpu.memref_slice %arg7[%scatter3A_629, %scatter3A_630, %scatter3A_631, %scatter3A_632] : memref<2x2x128x16xf32, #tpu.memory_space<vmem>> -> memref<1x2x128x16xf32, #tpu.memory_space<vmem>>
          %scatter3A_634 = tpu.memref_squeeze %scatter3A_633 : memref<1x2x128x16xf32, #tpu.memory_space<vmem>> -> memref<2x128x16xf32, #tpu.memory_space<vmem>>
          tpu.vector_store_idx %scatter3A_634[%broadcast_in_dim3A_349, %add3A_424, %iota3A], %gather3A_533 : memref<2x128x16xf32, #tpu.memory_space<vmem>>[vector<16xi32>, vector<16xi32>, vector<16xi32>], vector<16xf32>,
          %scatter3A_635 = arith.constant 0 : i32
          %scatter3A_636 = arith.constant 0 : i32
          %scatter3A_637 = arith.constant 0 : i32
          %scatter3A_638 = arith.constant 0 : i32
          %scatter3A_639 = tpu.memref_slice %arg7[%scatter3A_635, %scatter3A_636, %scatter3A_637, %scatter3A_638] : memref<2x2x128x16xf32, #tpu.memory_space<vmem>> -> memref<1x2x128x16xf32, #tpu.memory_space<vmem>>
          %scatter3A_640 = tpu.memref_squeeze %scatter3A_639 : memref<1x2x128x16xf32, #tpu.memory_space<vmem>> -> memref<2x128x16xf32, #tpu.memory_space<vmem>>
          tpu.vector_store_idx %scatter3A_640[%broadcast_in_dim3A_349, %add3A_426, %iota3A], %gather3A_541 : memref<2x128x16xf32, #tpu.memory_space<vmem>>[vector<16xi32>, vector<16xi32>, vector<16xi32>], vector<16xf32>,
          %scatter3A_641 = arith.constant 0 : i32
          %scatter3A_642 = arith.constant 0 : i32
          %scatter3A_643 = arith.constant 0 : i32
          %scatter3A_644 = arith.constant 0 : i32
          %scatter3A_645 = tpu.memref_slice %arg7[%scatter3A_641, %scatter3A_642, %scatter3A_643, %scatter3A_644] : memref<2x2x128x16xf32, #tpu.memory_space<vmem>> -> memref<1x2x128x16xf32, #tpu.memory_space<vmem>>
          %scatter3A_646 = tpu.memref_squeeze %scatter3A_645 : memref<1x2x128x16xf32, #tpu.memory_space<vmem>> -> memref<2x128x16xf32, #tpu.memory_space<vmem>>
          tpu.vector_store_idx %scatter3A_646[%broadcast_in_dim3A_349, %add3A_428, %iota3A], %gather3A_549 : memref<2x128x16xf32, #tpu.memory_space<vmem>>[vector<16xi32>, vector<16xi32>, vector<16xi32>], vector<16xf32>,
          %scatter3A_647 = arith.constant 0 : i32
          %scatter3A_648 = arith.constant 0 : i32
          %scatter3A_649 = arith.constant 0 : i32
          %scatter3A_650 = arith.constant 0 : i32
          %scatter3A_651 = tpu.memref_slice %arg7[%scatter3A_647, %scatter3A_648, %scatter3A_649, %scatter3A_650] : memref<2x2x128x16xf32, #tpu.memory_space<vmem>> -> memref<1x2x128x16xf32, #tpu.memory_space<vmem>>
          %scatter3A_652 = tpu.memref_squeeze %scatter3A_651 : memref<1x2x128x16xf32, #tpu.memory_space<vmem>> -> memref<2x128x16xf32, #tpu.memory_space<vmem>>
          tpu.vector_store_idx %scatter3A_652[%broadcast_in_dim3A_349, %add3A_430, %iota3A], %gather3A_557 : memref<2x128x16xf32, #tpu.memory_space<vmem>>[vector<16xi32>, vector<16xi32>, vector<16xi32>], vector<16xf32>,
        }
        %scan3A_354 = arith.constant 8 : i32
        %jit3A_355 = arith.constant 4 : i32
        %eq3A_356 = arith.constant 0 : i32
        %eq3A_357 = arith.cmpi eq, %jit3A_355, %eq3A_356 : i32
        %jit3A_358 = arith.constant 1 : i32
        %select_n3A_359 = arith.select %eq3A_357, %jit3A_358, %jit3A_355 : i32
        %rem3A_360 = arith.remsi %add3A_255, %select_n3A_359 : i32
        %ne3A_361 = arith.constant 0 : i32
        %ne3A_362 = arith.cmpi ne, %rem3A_360, %ne3A_361 : i32
        %lt3A_363 = arith.constant 0 : i32
        %lt3A_364 = arith.cmpi slt, %rem3A_360, %lt3A_363 : i32
        %lt3A_365 = arith.constant 0 : i32
        %lt3A_366 = arith.cmpi slt, %select_n3A_359, %lt3A_365 : i32
        %ne3A_367 = arith.xori %lt3A_364, %lt3A_366 : i1
        %and3A_368 = arith.andi %ne3A_367, %ne3A_362 : i1
        %add3A_369 = arith.addi %rem3A_360, %select_n3A_359 : i32
        %select_n3A_370 = arith.select %and3A_368, %add3A_369, %rem3A_360 : i32
        %dma_start3A_371 = arith.constant 0 : i32
        %dma_start3A_372 = arith.constant 1 : i32
        %dma_start3A_373 = arith.constant 1 : i32
        %dma_start3A_374 = arith.constant 0 : i32
        %dma_start3A_375 = arith.constant 0 : i32
        %dma_start3A_376 = tpu.memref_slice %arg7[%dma_start3A_371, %dma_start3A_372, %dma_start3A_374, %dma_start3A_375] : memref<2x2x128x16xf32, #tpu.memory_space<vmem>> -> memref<1x1x128x16xf32, #tpu.memory_space<vmem>>
        %dma_start3A_377 = tpu.memref_squeeze %dma_start3A_376 : memref<1x1x128x16xf32, #tpu.memory_space<vmem>> -> memref<128x16xf32, #tpu.memory_space<vmem>>
        %dma_start3A_378 = arith.constant 0 : i32
        %dma_start3A_379 = tpu.memref_slice %arg8[%select_n3A_370, %dma_start3A_373, %dma_start3A_378] : memref<4x2x128xi32, #tpu.memory_space<vmem>> -> memref<1x1x128xi32, #tpu.memory_space<vmem>>
        %dma_start3A_380 = tpu.memref_squeeze %dma_start3A_379 : memref<1x1x128xi32, #tpu.memory_space<vmem>> -> memref<128xi32, #tpu.memory_space<vmem>>
        %dma_start3A_381 = arith.constant 0 : i32
        %dma_start3A_382 = arith.constant 0 : i32
        %dma_start3A_383 = tpu.memref_slice %arg5[%dma_start3A_381, %dma_start3A_382] : memref<100000x16xf32, #tpu.memory_space<vmem_shared>> -> memref<100000x16xf32, #tpu.memory_space<vmem_shared>>
        tpu.enqueue_indirect_dma source(%dma_start3A_377 : memref<128x16xf32, #tpu.memory_space<vmem>>) target(%dma_start3A_383 : memref<100000x16xf32, #tpu.memory_space<vmem_shared>>) offsets(%dma_start3A_380 : memref<128xi32, #tpu.memory_space<vmem>>) semaphore(%arg12 : memref<!tpu.dma_semaphore, #tpu.memory_space<semaphore_mem>>) {add = true}
        %add3A_384 = arith.constant 2 : i32
        %add3A_385 = arith.addi %add3A_255, %add3A_384 : i32
        %mul3A_386 = arith.constant 32 : i32
        %mul3A_387 = arith.muli %mul3A_386, %add3A_385 : i32
        %add3A_388 = arith.addi %add3A, %mul3A_387 : i32
        %lt3A_389 = arith.constant 12500 : i32
        %lt3A_390 = arith.cmpi slt, %add3A_388, %lt3A_389 : i32
        %convert_element_type3A_391 = arith.extui %lt3A_390 : i1 to i32
        %cond3A_392 = arith.constant 0 : i32
        %cond3A_393 = arith.cmpi ne, %convert_element_type3A_391, %cond3A_392 : i32
        scf.if %cond3A_393 {
          %mul3A_394 = arith.constant 2 : i32
          %mul3A_395 = arith.muli %add3A_388, %mul3A_394 : i32
          %dma_start3A_396 = arith.constant 0 : i32
          %dma_start3A_397 = arith.constant 0 : i32
          %dma_start3A_398 = arith.constant 0 : i32
          %dma_start3A_399 = arith.constant 0 : i32
          %dma_start3A_400 = arith.constant 0 : i32
          %dma_start3A_401 = tpu.memref_slice %arg6[%dma_start3A_396, %dma_start3A_397, %dma_start3A_398, %dma_start3A_399, %dma_start3A_400] : memref<2x2x2x8x128xf32, #tpu.memory_space<vmem>> -> memref<1x2x2x8x128xf32, #tpu.memory_space<vmem>>
          %dma_start3A_402 = tpu.memref_squeeze %dma_start3A_401 : memref<1x2x2x8x128xf32, #tpu.memory_space<vmem>> -> memref<2x2x8x128xf32, #tpu.memory_space<vmem>>
          %dma_start3A_403 = arith.constant 0 : i32
          %dma_start3A_404 = arith.constant 0 : i32
          %dma_start3A_405 = arith.constant 0 : i32
          %dma_start3A_406 = tpu.memref_slice %arg2[%dma_start3A_403, %mul3A_395, %dma_start3A_404, %dma_start3A_405] : memref<2x25000x8x128xf32, #tpu.memory_space<hbm>> -> memref<2x2x8x128xf32, #tpu.memory_space<hbm>>
          %dma_start3A_407 = arith.constant 0 : i32
          %dma_start3A_408 = arith.constant 0 : i32
          %dma_start3A_409 = arith.constant 0 : i32
          %dma_start3A_410 = arith.constant 0 : i32
          %dma_start3A_411 = tpu.memref_slice %arg6[%dma_start3A_396, %dma_start3A_407, %dma_start3A_408, %dma_start3A_409, %dma_start3A_410] : memref<2x2x2x8x128xf32, #tpu.memory_space<vmem>> -> memref<1x2x2x8x128xf32, #tpu.memory_space<vmem>>
          %dma_start3A_412 = tpu.memref_squeeze %dma_start3A_411 : memref<1x2x2x8x128xf32, #tpu.memory_space<vmem>> -> memref<2x2x8x128xf32, #tpu.memory_space<vmem>>
          %dma_start3A_413 = arith.constant 0 : i32
          %dma_start3A_414 = arith.constant 0 : i32
          %dma_start3A_415 = arith.constant 0 : i32
          %dma_start3A_416 = tpu.memref_slice %arg2[%dma_start3A_413, %mul3A_395, %dma_start3A_414, %dma_start3A_415] : memref<2x25000x8x128xf32, #tpu.memory_space<hbm>> -> memref<2x2x8x128xf32, #tpu.memory_space<hbm>>
          tpu.enqueue_dma source(%dma_start3A_416 : memref<2x2x8x128xf32, #tpu.memory_space<hbm>>) target(%dma_start3A_412 : memref<2x2x8x128xf32, #tpu.memory_space<vmem>>) target_semaphore(%arg10 : memref<!tpu.dma_semaphore, #tpu.memory_space<semaphore_mem>>)
          %mul3A_417 = arith.constant 2 : i32
          %mul3A_418 = arith.muli %add3A_388, %mul3A_417 : i32
          %jit3A_419 = arith.constant 4 : i32
          %eq3A_420 = arith.constant 0 : i32
          %eq3A_421 = arith.cmpi eq, %jit3A_419, %eq3A_420 : i32
          %jit3A_422 = arith.constant 1 : i32
          %select_n3A_423 = arith.select %eq3A_421, %jit3A_422, %jit3A_419 : i32
          %rem3A_424 = arith.remsi %add3A_385, %select_n3A_423 : i32
          %ne3A_425 = arith.constant 0 : i32
          %ne3A_426 = arith.cmpi ne, %rem3A_424, %ne3A_425 : i32
          %lt3A_427 = arith.constant 0 : i32
          %lt3A_428 = arith.cmpi slt, %rem3A_424, %lt3A_427 : i32
          %lt3A_429 = arith.constant 0 : i32
          %lt3A_430 = arith.cmpi slt, %select_n3A_423, %lt3A_429 : i32
          %ne3A_431 = arith.xori %lt3A_428, %lt3A_430 : i1
          %and3A_432 = arith.andi %ne3A_431, %ne3A_426 : i1
          %add3A_433 = arith.addi %rem3A_424, %select_n3A_423 : i32
          %select_n3A_434 = arith.select %and3A_432, %add3A_433, %rem3A_424 : i32
          %dma_start3A_435 = arith.constant 0 : i32
          %dma_start3A_436 = arith.constant 0 : i32
          %dma_start3A_437 = tpu.memref_slice %arg8[%select_n3A_434, %dma_start3A_435, %dma_start3A_436] : memref<4x2x128xi32, #tpu.memory_space<vmem>> -> memref<1x2x128xi32, #tpu.memory_space<vmem>>
          %dma_start3A_438 = tpu.memref_squeeze %dma_start3A_437 : memref<1x2x128xi32, #tpu.memory_space<vmem>> -> memref<2x128xi32, #tpu.memory_space<vmem>>
          %dma_start3A_439 = arith.constant 0 : i32
          %dma_start3A_440 = tpu.memref_slice %arg3[%mul3A_418, %dma_start3A_439] : memref<25000x128xi32, #tpu.memory_space<hbm>> -> memref<2x128xi32, #tpu.memory_space<hbm>>
          %dma_start3A_441 = arith.constant 0 : i32
          %dma_start3A_442 = arith.constant 0 : i32
          %dma_start3A_443 = tpu.memref_slice %arg8[%select_n3A_434, %dma_start3A_441, %dma_start3A_442] : memref<4x2x128xi32, #tpu.memory_space<vmem>> -> memref<1x2x128xi32, #tpu.memory_space<vmem>>
          %dma_start3A_444 = tpu.memref_squeeze %dma_start3A_443 : memref<1x2x128xi32, #tpu.memory_space<vmem>> -> memref<2x128xi32, #tpu.memory_space<vmem>>
          %dma_start3A_445 = arith.constant 0 : i32
          %dma_start3A_446 = tpu.memref_slice %arg3[%mul3A_418, %dma_start3A_445] : memref<25000x128xi32, #tpu.memory_space<hbm>> -> memref<2x128xi32, #tpu.memory_space<hbm>>
          tpu.enqueue_dma source(%dma_start3A_446 : memref<2x128xi32, #tpu.memory_space<hbm>>) target(%dma_start3A_444 : memref<2x128xi32, #tpu.memory_space<vmem>>) target_semaphore(%arg10 : memref<!tpu.dma_semaphore, #tpu.memory_space<semaphore_mem>>)
        } else {
        }
      } else {
      }
      %mul3A_264 = arith.constant 2 : i32
      %mul3A_265 = arith.muli %mul3A_264, %add3A_251 : i32
      %add3A_266 = arith.constant 1 : i32
      %add3A_267 = arith.addi %mul3A_265, %add3A_266 : i32
      %mul3A_268 = arith.constant 32 : i32
      %mul3A_269 = arith.muli %mul3A_268, %add3A_267 : i32
      %add3A_270 = arith.addi %add3A, %mul3A_269 : i32
      %lt3A_271 = arith.constant 12500 : i32
      %lt3A_272 = arith.cmpi slt, %add3A_270, %lt3A_271 : i32
      %convert_element_type3A_273 = arith.extui %lt3A_272 : i1 to i32
      %cond3A_274 = arith.constant 0 : i32
      %cond3A_275 = arith.cmpi ne, %convert_element_type3A_273, %cond3A_274 : i32
      scf.if %cond3A_275 {
        %dma_wait3A_276 = arith.constant 1 : i32
        %dma_wait3A_277 = arith.constant 0 : i32
        %dma_wait3A_278 = arith.constant 0 : i32
        %dma_wait3A_279 = arith.constant 0 : i32
        %dma_wait3A_280 = arith.constant 0 : i32
        %dma_wait3A_281 = tpu.memref_slice %arg6[%dma_wait3A_276, %dma_wait3A_277, %dma_wait3A_278, %dma_wait3A_279, %dma_wait3A_280] : memref<2x2x2x8x128xf32, #tpu.memory_space<vmem>> -> memref<1x2x2x8x128xf32, #tpu.memory_space<vmem>>
        %dma_wait3A_282 = tpu.memref_squeeze %dma_wait3A_281 : memref<1x2x2x8x128xf32, #tpu.memory_space<vmem>> -> memref<2x2x8x128xf32, #tpu.memory_space<vmem>>
        %dma_wait3A_283 = arith.constant 0 : i32
        %dma_wait3A_284 = arith.constant 0 : i32
        %dma_wait3A_285 = arith.constant 0 : i32
        %dma_wait3A_286 = arith.constant 0 : i32
        %dma_wait3A_287 = tpu.memref_slice %arg2[%dma_wait3A_283, %dma_wait3A_284, %dma_wait3A_285, %dma_wait3A_286] : memref<2x25000x8x128xf32, #tpu.memory_space<hbm>> -> memref<2x2x8x128xf32, #tpu.memory_space<hbm>>
        %dma_wait3A_288 = arith.constant 0 : i32
        %dma_wait3A_289 = arith.constant 0 : i32
        %dma_wait3A_290 = arith.constant 0 : i32
        %dma_wait3A_291 = arith.constant 0 : i32
        %dma_wait3A_292 = tpu.memref_slice %arg6[%dma_wait3A_276, %dma_wait3A_288, %dma_wait3A_289, %dma_wait3A_290, %dma_wait3A_291] : memref<2x2x2x8x128xf32, #tpu.memory_space<vmem>> -> memref<1x2x2x8x128xf32, #tpu.memory_space<vmem>>
        %dma_wait3A_293 = tpu.memref_squeeze %dma_wait3A_292 : memref<1x2x2x8x128xf32, #tpu.memory_space<vmem>> -> memref<2x2x8x128xf32, #tpu.memory_space<vmem>>
        %dma_wait3A_294 = arith.constant 0 : i32
        %dma_wait3A_295 = arith.constant 0 : i32
        %dma_wait3A_296 = arith.constant 0 : i32
        %dma_wait3A_297 = arith.constant 0 : i32
        %dma_wait3A_298 = tpu.memref_slice %arg2[%dma_wait3A_294, %dma_wait3A_295, %dma_wait3A_296, %dma_wait3A_297] : memref<2x25000x8x128xf32, #tpu.memory_space<hbm>> -> memref<2x2x8x128xf32, #tpu.memory_space<hbm>>
        tpu.wait_dma2 semaphore(%arg11 : memref<!tpu.dma_semaphore, #tpu.memory_space<semaphore_mem>>) src(%dma_wait3A_298 : memref<2x2x8x128xf32, #tpu.memory_space<hbm>>) dst(%dma_wait3A_293 : memref<2x2x8x128xf32, #tpu.memory_space<vmem>>)
        %dma_wait3A_299 = arith.constant 0 : i32
        %dma_wait3A_300 = arith.constant 0 : i32
        %dma_wait3A_301 = arith.constant 0 : i32
        %dma_wait3A_302 = tpu.memref_slice %arg8[%dma_wait3A_299, %dma_wait3A_300, %dma_wait3A_301] : memref<4x2x128xi32, #tpu.memory_space<vmem>> -> memref<1x2x128xi32, #tpu.memory_space<vmem>>
        %dma_wait3A_303 = tpu.memref_squeeze %dma_wait3A_302 : memref<1x2x128xi32, #tpu.memory_space<vmem>> -> memref<2x128xi32, #tpu.memory_space<vmem>>
        %dma_wait3A_304 = arith.constant 0 : i32
        %dma_wait3A_305 = arith.constant 0 : i32
        %dma_wait3A_306 = tpu.memref_slice %arg3[%dma_wait3A_304, %dma_wait3A_305] : memref<25000x128xi32, #tpu.memory_space<hbm>> -> memref<2x128xi32, #tpu.memory_space<hbm>>
        %dma_wait3A_307 = arith.constant 0 : i32
        %dma_wait3A_308 = arith.constant 0 : i32
        %dma_wait3A_309 = tpu.memref_slice %arg8[%dma_wait3A_299, %dma_wait3A_307, %dma_wait3A_308] : memref<4x2x128xi32, #tpu.memory_space<vmem>> -> memref<1x2x128xi32, #tpu.memory_space<vmem>>
        %dma_wait3A_310 = tpu.memref_squeeze %dma_wait3A_309 : memref<1x2x128xi32, #tpu.memory_space<vmem>> -> memref<2x128xi32, #tpu.memory_space<vmem>>
        %dma_wait3A_311 = arith.constant 0 : i32
        %dma_wait3A_312 = arith.constant 0 : i32
        %dma_wait3A_313 = tpu.memref_slice %arg3[%dma_wait3A_311, %dma_wait3A_312] : memref<25000x128xi32, #tpu.memory_space<hbm>> -> memref<2x128xi32, #tpu.memory_space<hbm>>
        tpu.wait_dma2 semaphore(%arg11 : memref<!tpu.dma_semaphore, #tpu.memory_space<semaphore_mem>>) src(%dma_wait3A_313 : memref<2x128xi32, #tpu.memory_space<hbm>>) dst(%dma_wait3A_310 : memref<2x128xi32, #tpu.memory_space<vmem>>)
        %ge3A = arith.constant 2 : i32
        %ge3A_314 = arith.cmpi sge, %add3A_267, %ge3A : i32
        %convert_element_type3A_315 = arith.extui %ge3A_314 : i1 to i32
        %cond3A_316 = arith.constant 0 : i32
        %cond3A_317 = arith.cmpi ne, %convert_element_type3A_315, %cond3A_316 : i32
        scf.if %cond3A_317 {
          %dma_wait3A_394 = arith.constant 0 : i32
          %dma_wait3A_395 = arith.constant 0 : i32
          %dma_wait3A_396 = tpu.memref_slice %arg9[%dma_wait3A_394, %dma_wait3A_395] : memref<2x2048xf32, #tpu.memory_space<vmem>> -> memref<1x2048xf32, #tpu.memory_space<vmem>>
          %dma_wait3A_397 = tpu.memref_squeeze %dma_wait3A_396 : memref<1x2048xf32, #tpu.memory_space<vmem>> -> memref<2048xf32, #tpu.memory_space<vmem>>
          %dma_wait3A_398 = arith.constant 0 : i32
          %dma_wait3A_399 = tpu.memref_slice %arg4[%dma_wait3A_398] : memref<3200000xf32, #tpu.memory_space<hbm>> -> memref<2048xf32, #tpu.memory_space<hbm>>
          %dma_wait3A_400 = arith.constant 0 : i32
          %dma_wait3A_401 = tpu.memref_slice %arg9[%dma_wait3A_394, %dma_wait3A_400] : memref<2x2048xf32, #tpu.memory_space<vmem>> -> memref<1x2048xf32, #tpu.memory_space<vmem>>
          %dma_wait3A_402 = tpu.memref_squeeze %dma_wait3A_401 : memref<1x2048xf32, #tpu.memory_space<vmem>> -> memref<2048xf32, #tpu.memory_space<vmem>>
          %dma_wait3A_403 = arith.constant 0 : i32
          %dma_wait3A_404 = tpu.memref_slice %arg4[%dma_wait3A_403] : memref<3200000xf32, #tpu.memory_space<hbm>> -> memref<2048xf32, #tpu.memory_space<hbm>>
          tpu.wait_dma2 semaphore(%arg13 : memref<!tpu.dma_semaphore, #tpu.memory_space<semaphore_mem>>) src(%dma_wait3A_404 : memref<2048xf32, #tpu.memory_space<hbm>>) dst(%dma_wait3A_402 : memref<2048xf32, #tpu.memory_space<vmem>>)
          %dma_wait3A_405 = arith.constant 0 : i32
          %dma_wait3A_406 = arith.constant 0 : i32
          %dma_wait3A_407 = tpu.memref_slice %arg9[%dma_wait3A_405, %dma_wait3A_406] : memref<2x2048xf32, #tpu.memory_space<vmem>> -> memref<1x2048xf32, #tpu.memory_space<vmem>>
          %dma_wait3A_408 = tpu.memref_squeeze %dma_wait3A_407 : memref<1x2048xf32, #tpu.memory_space<vmem>> -> memref<2048xf32, #tpu.memory_space<vmem>>
          %dma_wait3A_409 = arith.constant 0 : i32
          %dma_wait3A_410 = tpu.memref_slice %arg4[%dma_wait3A_409] : memref<3200000xf32, #tpu.memory_space<hbm>> -> memref<2048xf32, #tpu.memory_space<hbm>>
          %dma_wait3A_411 = arith.constant 0 : i32
          %dma_wait3A_412 = tpu.memref_slice %arg9[%dma_wait3A_405, %dma_wait3A_411] : memref<2x2048xf32, #tpu.memory_space<vmem>> -> memref<1x2048xf32, #tpu.memory_space<vmem>>
          %dma_wait3A_413 = tpu.memref_squeeze %dma_wait3A_412 : memref<1x2048xf32, #tpu.memory_space<vmem>> -> memref<2048xf32, #tpu.memory_space<vmem>>
          %dma_wait3A_414 = arith.constant 0 : i32
          %dma_wait3A_415 = tpu.memref_slice %arg4[%dma_wait3A_414] : memref<3200000xf32, #tpu.memory_space<hbm>> -> memref<2048xf32, #tpu.memory_space<hbm>>
          tpu.wait_dma2 semaphore(%arg13 : memref<!tpu.dma_semaphore, #tpu.memory_space<semaphore_mem>>) src(%dma_wait3A_415 : memref<2048xf32, #tpu.memory_space<hbm>>) dst(%dma_wait3A_413 : memref<2048xf32, #tpu.memory_space<vmem>>)
        } else {
        }
        %broadcast_in_dim3A = arith.constant 0 : i32
        %broadcast_in_dim3A_318 = vector.broadcast %broadcast_in_dim3A : i32 to vector<16xi32>
        %scan3A_319 = arith.constant 0 : i32
        %scan3A_320 = arith.constant 8 : i32
        %scan3A_321 = arith.addi %scan3A_319, %scan3A_320 : i32
        %scan3A_322 = arith.constant 1 : i32
        scf.for %scan3A_394 = %scan3A_319 to %scan3A_321 step %scan3A_322  : i32 {
          %mul3A_395 = arith.constant 16 : i32
          %mul3A_396 = arith.muli %scan3A_394, %mul3A_395 : i32
          %add3A_397 = arith.constant 0 : i32
          %add3A_398 = arith.addi %add3A_397, %mul3A_396 : i32
          %broadcast_in_dim3A_399 = vector.broadcast %add3A_398 : i32 to vector<16xi32>
          %add3A_400 = arith.addi %broadcast_in_dim3A_399, %and3A_23 : vector<16xi32>
          %broadcast_in_dim3A_401 = vector.broadcast %add3A_398 : i32 to vector<16xi32>
          %add3A_402 = arith.addi %broadcast_in_dim3A_401, %and3A_29 : vector<16xi32>
          %broadcast_in_dim3A_403 = vector.broadcast %add3A_398 : i32 to vector<16xi32>
          %add3A_404 = arith.addi %broadcast_in_dim3A_403, %and3A_35 : vector<16xi32>
          %broadcast_in_dim3A_405 = vector.broadcast %add3A_398 : i32 to vector<16xi32>
          %add3A_406 = arith.addi %broadcast_in_dim3A_405, %and3A_41 : vector<16xi32>
          %broadcast_in_dim3A_407 = vector.broadcast %add3A_398 : i32 to vector<16xi32>
          %add3A_408 = arith.addi %broadcast_in_dim3A_407, %and3A_47 : vector<16xi32>
          %broadcast_in_dim3A_409 = vector.broadcast %add3A_398 : i32 to vector<16xi32>
          %add3A_410 = arith.addi %broadcast_in_dim3A_409, %and3A_53 : vector<16xi32>
          %broadcast_in_dim3A_411 = vector.broadcast %add3A_398 : i32 to vector<16xi32>
          %add3A_412 = arith.addi %broadcast_in_dim3A_411, %and3A_59 : vector<16xi32>
          %broadcast_in_dim3A_413 = vector.broadcast %add3A_398 : i32 to vector<16xi32>
          %add3A_414 = arith.addi %broadcast_in_dim3A_413, %and3A_65 : vector<16xi32>
          %broadcast_in_dim3A_415 = vector.broadcast %add3A_398 : i32 to vector<16xi32>
          %add3A_416 = arith.addi %broadcast_in_dim3A_415, %and3A_71 : vector<16xi32>
          %broadcast_in_dim3A_417 = vector.broadcast %add3A_398 : i32 to vector<16xi32>
          %add3A_418 = arith.addi %broadcast_in_dim3A_417, %and3A_77 : vector<16xi32>
          %broadcast_in_dim3A_419 = vector.broadcast %add3A_398 : i32 to vector<16xi32>
          %add3A_420 = arith.addi %broadcast_in_dim3A_419, %and3A_83 : vector<16xi32>
          %broadcast_in_dim3A_421 = vector.broadcast %add3A_398 : i32 to vector<16xi32>
          %add3A_422 = arith.addi %broadcast_in_dim3A_421, %and3A_89 : vector<16xi32>
          %broadcast_in_dim3A_423 = vector.broadcast %add3A_398 : i32 to vector<16xi32>
          %add3A_424 = arith.addi %broadcast_in_dim3A_423, %and3A_95 : vector<16xi32>
          %broadcast_in_dim3A_425 = vector.broadcast %add3A_398 : i32 to vector<16xi32>
          %add3A_426 = arith.addi %broadcast_in_dim3A_425, %and3A_101 : vector<16xi32>
          %broadcast_in_dim3A_427 = vector.broadcast %add3A_398 : i32 to vector<16xi32>
          %add3A_428 = arith.addi %broadcast_in_dim3A_427, %and3A_107 : vector<16xi32>
          %broadcast_in_dim3A_429 = vector.broadcast %add3A_398 : i32 to vector<16xi32>
          %add3A_430 = arith.addi %broadcast_in_dim3A_429, %and3A_113 : vector<16xi32>
          %gather3A = arith.constant 1 : i32
          %gather3A_431 = arith.constant 0 : i32
          %gather3A_432 = arith.constant 0 : i32
          %gather3A_433 = arith.constant 0 : i32
          %gather3A_434 = arith.constant 0 : i32
          %gather3A_435 = tpu.memref_slice %arg6[%gather3A, %gather3A_431, %gather3A_432, %gather3A_433, %gather3A_434] : memref<2x2x2x8x128xf32, #tpu.memory_space<vmem>> -> memref<1x2x2x8x128xf32, #tpu.memory_space<vmem>>
          %gather3A_436 = tpu.memref_squeeze %gather3A_435 : memref<1x2x2x8x128xf32, #tpu.memory_space<vmem>> -> memref<2x2x8x128xf32, #tpu.memory_space<vmem>>
          %gather3A_437 = tpu.vector_load_idx %gather3A_436[%shift_right_logical3A_115, %broadcast_in_dim3A_318, %and3A_118, %add3A_400] : memref<2x2x8x128xf32, #tpu.memory_space<vmem>>[vector<16xi32>, vector<16xi32>, vector<16xi32>, vector<16xi32>], vector<16xf32>,
          %gather3A_438 = arith.constant 1 : i32
          %gather3A_439 = arith.constant 0 : i32
          %gather3A_440 = arith.constant 0 : i32
          %gather3A_441 = arith.constant 0 : i32
          %gather3A_442 = arith.constant 0 : i32
          %gather3A_443 = tpu.memref_slice %arg6[%gather3A_438, %gather3A_439, %gather3A_440, %gather3A_441, %gather3A_442] : memref<2x2x2x8x128xf32, #tpu.memory_space<vmem>> -> memref<1x2x2x8x128xf32, #tpu.memory_space<vmem>>
          %gather3A_444 = tpu.memref_squeeze %gather3A_443 : memref<1x2x2x8x128xf32, #tpu.memory_space<vmem>> -> memref<2x2x8x128xf32, #tpu.memory_space<vmem>>
          %gather3A_445 = tpu.vector_load_idx %gather3A_444[%shift_right_logical3A_115, %broadcast_in_dim3A_318, %and3A_118, %add3A_402] : memref<2x2x8x128xf32, #tpu.memory_space<vmem>>[vector<16xi32>, vector<16xi32>, vector<16xi32>, vector<16xi32>], vector<16xf32>,
          %gather3A_446 = arith.constant 1 : i32
          %gather3A_447 = arith.constant 0 : i32
          %gather3A_448 = arith.constant 0 : i32
          %gather3A_449 = arith.constant 0 : i32
          %gather3A_450 = arith.constant 0 : i32
          %gather3A_451 = tpu.memref_slice %arg6[%gather3A_446, %gather3A_447, %gather3A_448, %gather3A_449, %gather3A_450] : memref<2x2x2x8x128xf32, #tpu.memory_space<vmem>> -> memref<1x2x2x8x128xf32, #tpu.memory_space<vmem>>
          %gather3A_452 = tpu.memref_squeeze %gather3A_451 : memref<1x2x2x8x128xf32, #tpu.memory_space<vmem>> -> memref<2x2x8x128xf32, #tpu.memory_space<vmem>>
          %gather3A_453 = tpu.vector_load_idx %gather3A_452[%shift_right_logical3A_115, %broadcast_in_dim3A_318, %and3A_118, %add3A_404] : memref<2x2x8x128xf32, #tpu.memory_space<vmem>>[vector<16xi32>, vector<16xi32>, vector<16xi32>, vector<16xi32>], vector<16xf32>,
          %gather3A_454 = arith.constant 1 : i32
          %gather3A_455 = arith.constant 0 : i32
          %gather3A_456 = arith.constant 0 : i32
          %gather3A_457 = arith.constant 0 : i32
          %gather3A_458 = arith.constant 0 : i32
          %gather3A_459 = tpu.memref_slice %arg6[%gather3A_454, %gather3A_455, %gather3A_456, %gather3A_457, %gather3A_458] : memref<2x2x2x8x128xf32, #tpu.memory_space<vmem>> -> memref<1x2x2x8x128xf32, #tpu.memory_space<vmem>>
          %gather3A_460 = tpu.memref_squeeze %gather3A_459 : memref<1x2x2x8x128xf32, #tpu.memory_space<vmem>> -> memref<2x2x8x128xf32, #tpu.memory_space<vmem>>
          %gather3A_461 = tpu.vector_load_idx %gather3A_460[%shift_right_logical3A_115, %broadcast_in_dim3A_318, %and3A_118, %add3A_406] : memref<2x2x8x128xf32, #tpu.memory_space<vmem>>[vector<16xi32>, vector<16xi32>, vector<16xi32>, vector<16xi32>], vector<16xf32>,
          %gather3A_462 = arith.constant 1 : i32
          %gather3A_463 = arith.constant 0 : i32
          %gather3A_464 = arith.constant 0 : i32
          %gather3A_465 = arith.constant 0 : i32
          %gather3A_466 = arith.constant 0 : i32
          %gather3A_467 = tpu.memref_slice %arg6[%gather3A_462, %gather3A_463, %gather3A_464, %gather3A_465, %gather3A_466] : memref<2x2x2x8x128xf32, #tpu.memory_space<vmem>> -> memref<1x2x2x8x128xf32, #tpu.memory_space<vmem>>
          %gather3A_468 = tpu.memref_squeeze %gather3A_467 : memref<1x2x2x8x128xf32, #tpu.memory_space<vmem>> -> memref<2x2x8x128xf32, #tpu.memory_space<vmem>>
          %gather3A_469 = tpu.vector_load_idx %gather3A_468[%shift_right_logical3A_115, %broadcast_in_dim3A_318, %and3A_118, %add3A_408] : memref<2x2x8x128xf32, #tpu.memory_space<vmem>>[vector<16xi32>, vector<16xi32>, vector<16xi32>, vector<16xi32>], vector<16xf32>,
          %gather3A_470 = arith.constant 1 : i32
          %gather3A_471 = arith.constant 0 : i32
          %gather3A_472 = arith.constant 0 : i32
          %gather3A_473 = arith.constant 0 : i32
          %gather3A_474 = arith.constant 0 : i32
          %gather3A_475 = tpu.memref_slice %arg6[%gather3A_470, %gather3A_471, %gather3A_472, %gather3A_473, %gather3A_474] : memref<2x2x2x8x128xf32, #tpu.memory_space<vmem>> -> memref<1x2x2x8x128xf32, #tpu.memory_space<vmem>>
          %gather3A_476 = tpu.memref_squeeze %gather3A_475 : memref<1x2x2x8x128xf32, #tpu.memory_space<vmem>> -> memref<2x2x8x128xf32, #tpu.memory_space<vmem>>
          %gather3A_477 = tpu.vector_load_idx %gather3A_476[%shift_right_logical3A_115, %broadcast_in_dim3A_318, %and3A_118, %add3A_410] : memref<2x2x8x128xf32, #tpu.memory_space<vmem>>[vector<16xi32>, vector<16xi32>, vector<16xi32>, vector<16xi32>], vector<16xf32>,
          %gather3A_478 = arith.constant 1 : i32
          %gather3A_479 = arith.constant 0 : i32
          %gather3A_480 = arith.constant 0 : i32
          %gather3A_481 = arith.constant 0 : i32
          %gather3A_482 = arith.constant 0 : i32
          %gather3A_483 = tpu.memref_slice %arg6[%gather3A_478, %gather3A_479, %gather3A_480, %gather3A_481, %gather3A_482] : memref<2x2x2x8x128xf32, #tpu.memory_space<vmem>> -> memref<1x2x2x8x128xf32, #tpu.memory_space<vmem>>
          %gather3A_484 = tpu.memref_squeeze %gather3A_483 : memref<1x2x2x8x128xf32, #tpu.memory_space<vmem>> -> memref<2x2x8x128xf32, #tpu.memory_space<vmem>>
          %gather3A_485 = tpu.vector_load_idx %gather3A_484[%shift_right_logical3A_115, %broadcast_in_dim3A_318, %and3A_118, %add3A_412] : memref<2x2x8x128xf32, #tpu.memory_space<vmem>>[vector<16xi32>, vector<16xi32>, vector<16xi32>, vector<16xi32>], vector<16xf32>,
          %gather3A_486 = arith.constant 1 : i32
          %gather3A_487 = arith.constant 0 : i32
          %gather3A_488 = arith.constant 0 : i32
          %gather3A_489 = arith.constant 0 : i32
          %gather3A_490 = arith.constant 0 : i32
          %gather3A_491 = tpu.memref_slice %arg6[%gather3A_486, %gather3A_487, %gather3A_488, %gather3A_489, %gather3A_490] : memref<2x2x2x8x128xf32, #tpu.memory_space<vmem>> -> memref<1x2x2x8x128xf32, #tpu.memory_space<vmem>>
          %gather3A_492 = tpu.memref_squeeze %gather3A_491 : memref<1x2x2x8x128xf32, #tpu.memory_space<vmem>> -> memref<2x2x8x128xf32, #tpu.memory_space<vmem>>
          %gather3A_493 = tpu.vector_load_idx %gather3A_492[%shift_right_logical3A_115, %broadcast_in_dim3A_318, %and3A_118, %add3A_414] : memref<2x2x8x128xf32, #tpu.memory_space<vmem>>[vector<16xi32>, vector<16xi32>, vector<16xi32>, vector<16xi32>], vector<16xf32>,
          %gather3A_494 = arith.constant 1 : i32
          %gather3A_495 = arith.constant 0 : i32
          %gather3A_496 = arith.constant 0 : i32
          %gather3A_497 = arith.constant 0 : i32
          %gather3A_498 = arith.constant 0 : i32
          %gather3A_499 = tpu.memref_slice %arg6[%gather3A_494, %gather3A_495, %gather3A_496, %gather3A_497, %gather3A_498] : memref<2x2x2x8x128xf32, #tpu.memory_space<vmem>> -> memref<1x2x2x8x128xf32, #tpu.memory_space<vmem>>
          %gather3A_500 = tpu.memref_squeeze %gather3A_499 : memref<1x2x2x8x128xf32, #tpu.memory_space<vmem>> -> memref<2x2x8x128xf32, #tpu.memory_space<vmem>>
          %gather3A_501 = tpu.vector_load_idx %gather3A_500[%shift_right_logical3A_115, %broadcast_in_dim3A_318, %and3A_118, %add3A_416] : memref<2x2x8x128xf32, #tpu.memory_space<vmem>>[vector<16xi32>, vector<16xi32>, vector<16xi32>, vector<16xi32>], vector<16xf32>,
          %gather3A_502 = arith.constant 1 : i32
          %gather3A_503 = arith.constant 0 : i32
          %gather3A_504 = arith.constant 0 : i32
          %gather3A_505 = arith.constant 0 : i32
          %gather3A_506 = arith.constant 0 : i32
          %gather3A_507 = tpu.memref_slice %arg6[%gather3A_502, %gather3A_503, %gather3A_504, %gather3A_505, %gather3A_506] : memref<2x2x2x8x128xf32, #tpu.memory_space<vmem>> -> memref<1x2x2x8x128xf32, #tpu.memory_space<vmem>>
          %gather3A_508 = tpu.memref_squeeze %gather3A_507 : memref<1x2x2x8x128xf32, #tpu.memory_space<vmem>> -> memref<2x2x8x128xf32, #tpu.memory_space<vmem>>
          %gather3A_509 = tpu.vector_load_idx %gather3A_508[%shift_right_logical3A_115, %broadcast_in_dim3A_318, %and3A_118, %add3A_418] : memref<2x2x8x128xf32, #tpu.memory_space<vmem>>[vector<16xi32>, vector<16xi32>, vector<16xi32>, vector<16xi32>], vector<16xf32>,
          %gather3A_510 = arith.constant 1 : i32
          %gather3A_511 = arith.constant 0 : i32
          %gather3A_512 = arith.constant 0 : i32
          %gather3A_513 = arith.constant 0 : i32
          %gather3A_514 = arith.constant 0 : i32
          %gather3A_515 = tpu.memref_slice %arg6[%gather3A_510, %gather3A_511, %gather3A_512, %gather3A_513, %gather3A_514] : memref<2x2x2x8x128xf32, #tpu.memory_space<vmem>> -> memref<1x2x2x8x128xf32, #tpu.memory_space<vmem>>
          %gather3A_516 = tpu.memref_squeeze %gather3A_515 : memref<1x2x2x8x128xf32, #tpu.memory_space<vmem>> -> memref<2x2x8x128xf32, #tpu.memory_space<vmem>>
          %gather3A_517 = tpu.vector_load_idx %gather3A_516[%shift_right_logical3A_115, %broadcast_in_dim3A_318, %and3A_118, %add3A_420] : memref<2x2x8x128xf32, #tpu.memory_space<vmem>>[vector<16xi32>, vector<16xi32>, vector<16xi32>, vector<16xi32>], vector<16xf32>,
          %gather3A_518 = arith.constant 1 : i32
          %gather3A_519 = arith.constant 0 : i32
          %gather3A_520 = arith.constant 0 : i32
          %gather3A_521 = arith.constant 0 : i32
          %gather3A_522 = arith.constant 0 : i32
          %gather3A_523 = tpu.memref_slice %arg6[%gather3A_518, %gather3A_519, %gather3A_520, %gather3A_521, %gather3A_522] : memref<2x2x2x8x128xf32, #tpu.memory_space<vmem>> -> memref<1x2x2x8x128xf32, #tpu.memory_space<vmem>>
          %gather3A_524 = tpu.memref_squeeze %gather3A_523 : memref<1x2x2x8x128xf32, #tpu.memory_space<vmem>> -> memref<2x2x8x128xf32, #tpu.memory_space<vmem>>
          %gather3A_525 = tpu.vector_load_idx %gather3A_524[%shift_right_logical3A_115, %broadcast_in_dim3A_318, %and3A_118, %add3A_422] : memref<2x2x8x128xf32, #tpu.memory_space<vmem>>[vector<16xi32>, vector<16xi32>, vector<16xi32>, vector<16xi32>], vector<16xf32>,
          %gather3A_526 = arith.constant 1 : i32
          %gather3A_527 = arith.constant 0 : i32
          %gather3A_528 = arith.constant 0 : i32
          %gather3A_529 = arith.constant 0 : i32
          %gather3A_530 = arith.constant 0 : i32
          %gather3A_531 = tpu.memref_slice %arg6[%gather3A_526, %gather3A_527, %gather3A_528, %gather3A_529, %gather3A_530] : memref<2x2x2x8x128xf32, #tpu.memory_space<vmem>> -> memref<1x2x2x8x128xf32, #tpu.memory_space<vmem>>
          %gather3A_532 = tpu.memref_squeeze %gather3A_531 : memref<1x2x2x8x128xf32, #tpu.memory_space<vmem>> -> memref<2x2x8x128xf32, #tpu.memory_space<vmem>>
          %gather3A_533 = tpu.vector_load_idx %gather3A_532[%shift_right_logical3A_115, %broadcast_in_dim3A_318, %and3A_118, %add3A_424] : memref<2x2x8x128xf32, #tpu.memory_space<vmem>>[vector<16xi32>, vector<16xi32>, vector<16xi32>, vector<16xi32>], vector<16xf32>,
          %gather3A_534 = arith.constant 1 : i32
          %gather3A_535 = arith.constant 0 : i32
          %gather3A_536 = arith.constant 0 : i32
          %gather3A_537 = arith.constant 0 : i32
          %gather3A_538 = arith.constant 0 : i32
          %gather3A_539 = tpu.memref_slice %arg6[%gather3A_534, %gather3A_535, %gather3A_536, %gather3A_537, %gather3A_538] : memref<2x2x2x8x128xf32, #tpu.memory_space<vmem>> -> memref<1x2x2x8x128xf32, #tpu.memory_space<vmem>>
          %gather3A_540 = tpu.memref_squeeze %gather3A_539 : memref<1x2x2x8x128xf32, #tpu.memory_space<vmem>> -> memref<2x2x8x128xf32, #tpu.memory_space<vmem>>
          %gather3A_541 = tpu.vector_load_idx %gather3A_540[%shift_right_logical3A_115, %broadcast_in_dim3A_318, %and3A_118, %add3A_426] : memref<2x2x8x128xf32, #tpu.memory_space<vmem>>[vector<16xi32>, vector<16xi32>, vector<16xi32>, vector<16xi32>], vector<16xf32>,
          %gather3A_542 = arith.constant 1 : i32
          %gather3A_543 = arith.constant 0 : i32
          %gather3A_544 = arith.constant 0 : i32
          %gather3A_545 = arith.constant 0 : i32
          %gather3A_546 = arith.constant 0 : i32
          %gather3A_547 = tpu.memref_slice %arg6[%gather3A_542, %gather3A_543, %gather3A_544, %gather3A_545, %gather3A_546] : memref<2x2x2x8x128xf32, #tpu.memory_space<vmem>> -> memref<1x2x2x8x128xf32, #tpu.memory_space<vmem>>
          %gather3A_548 = tpu.memref_squeeze %gather3A_547 : memref<1x2x2x8x128xf32, #tpu.memory_space<vmem>> -> memref<2x2x8x128xf32, #tpu.memory_space<vmem>>
          %gather3A_549 = tpu.vector_load_idx %gather3A_548[%shift_right_logical3A_115, %broadcast_in_dim3A_318, %and3A_118, %add3A_428] : memref<2x2x8x128xf32, #tpu.memory_space<vmem>>[vector<16xi32>, vector<16xi32>, vector<16xi32>, vector<16xi32>], vector<16xf32>,
          %gather3A_550 = arith.constant 1 : i32
          %gather3A_551 = arith.constant 0 : i32
          %gather3A_552 = arith.constant 0 : i32
          %gather3A_553 = arith.constant 0 : i32
          %gather3A_554 = arith.constant 0 : i32
          %gather3A_555 = tpu.memref_slice %arg6[%gather3A_550, %gather3A_551, %gather3A_552, %gather3A_553, %gather3A_554] : memref<2x2x2x8x128xf32, #tpu.memory_space<vmem>> -> memref<1x2x2x8x128xf32, #tpu.memory_space<vmem>>
          %gather3A_556 = tpu.memref_squeeze %gather3A_555 : memref<1x2x2x8x128xf32, #tpu.memory_space<vmem>> -> memref<2x2x8x128xf32, #tpu.memory_space<vmem>>
          %gather3A_557 = tpu.vector_load_idx %gather3A_556[%shift_right_logical3A_115, %broadcast_in_dim3A_318, %and3A_118, %add3A_430] : memref<2x2x8x128xf32, #tpu.memory_space<vmem>>[vector<16xi32>, vector<16xi32>, vector<16xi32>, vector<16xi32>], vector<16xf32>,
          %scatter3A = arith.constant 1 : i32
          %scatter3A_558 = arith.constant 0 : i32
          %scatter3A_559 = arith.constant 0 : i32
          %scatter3A_560 = arith.constant 0 : i32
          %scatter3A_561 = tpu.memref_slice %arg7[%scatter3A, %scatter3A_558, %scatter3A_559, %scatter3A_560] : memref<2x2x128x16xf32, #tpu.memory_space<vmem>> -> memref<1x2x128x16xf32, #tpu.memory_space<vmem>>
          %scatter3A_562 = tpu.memref_squeeze %scatter3A_561 : memref<1x2x128x16xf32, #tpu.memory_space<vmem>> -> memref<2x128x16xf32, #tpu.memory_space<vmem>>
          tpu.vector_store_idx %scatter3A_562[%broadcast_in_dim3A_318, %add3A_400, %iota3A], %gather3A_437 : memref<2x128x16xf32, #tpu.memory_space<vmem>>[vector<16xi32>, vector<16xi32>, vector<16xi32>], vector<16xf32>,
          %scatter3A_563 = arith.constant 1 : i32
          %scatter3A_564 = arith.constant 0 : i32
          %scatter3A_565 = arith.constant 0 : i32
          %scatter3A_566 = arith.constant 0 : i32
          %scatter3A_567 = tpu.memref_slice %arg7[%scatter3A_563, %scatter3A_564, %scatter3A_565, %scatter3A_566] : memref<2x2x128x16xf32, #tpu.memory_space<vmem>> -> memref<1x2x128x16xf32, #tpu.memory_space<vmem>>
          %scatter3A_568 = tpu.memref_squeeze %scatter3A_567 : memref<1x2x128x16xf32, #tpu.memory_space<vmem>> -> memref<2x128x16xf32, #tpu.memory_space<vmem>>
          tpu.vector_store_idx %scatter3A_568[%broadcast_in_dim3A_318, %add3A_402, %iota3A], %gather3A_445 : memref<2x128x16xf32, #tpu.memory_space<vmem>>[vector<16xi32>, vector<16xi32>, vector<16xi32>], vector<16xf32>,
          %scatter3A_569 = arith.constant 1 : i32
          %scatter3A_570 = arith.constant 0 : i32
          %scatter3A_571 = arith.constant 0 : i32
          %scatter3A_572 = arith.constant 0 : i32
          %scatter3A_573 = tpu.memref_slice %arg7[%scatter3A_569, %scatter3A_570, %scatter3A_571, %scatter3A_572] : memref<2x2x128x16xf32, #tpu.memory_space<vmem>> -> memref<1x2x128x16xf32, #tpu.memory_space<vmem>>
          %scatter3A_574 = tpu.memref_squeeze %scatter3A_573 : memref<1x2x128x16xf32, #tpu.memory_space<vmem>> -> memref<2x128x16xf32, #tpu.memory_space<vmem>>
          tpu.vector_store_idx %scatter3A_574[%broadcast_in_dim3A_318, %add3A_404, %iota3A], %gather3A_453 : memref<2x128x16xf32, #tpu.memory_space<vmem>>[vector<16xi32>, vector<16xi32>, vector<16xi32>], vector<16xf32>,
          %scatter3A_575 = arith.constant 1 : i32
          %scatter3A_576 = arith.constant 0 : i32
          %scatter3A_577 = arith.constant 0 : i32
          %scatter3A_578 = arith.constant 0 : i32
          %scatter3A_579 = tpu.memref_slice %arg7[%scatter3A_575, %scatter3A_576, %scatter3A_577, %scatter3A_578] : memref<2x2x128x16xf32, #tpu.memory_space<vmem>> -> memref<1x2x128x16xf32, #tpu.memory_space<vmem>>
          %scatter3A_580 = tpu.memref_squeeze %scatter3A_579 : memref<1x2x128x16xf32, #tpu.memory_space<vmem>> -> memref<2x128x16xf32, #tpu.memory_space<vmem>>
          tpu.vector_store_idx %scatter3A_580[%broadcast_in_dim3A_318, %add3A_406, %iota3A], %gather3A_461 : memref<2x128x16xf32, #tpu.memory_space<vmem>>[vector<16xi32>, vector<16xi32>, vector<16xi32>], vector<16xf32>,
          %scatter3A_581 = arith.constant 1 : i32
          %scatter3A_582 = arith.constant 0 : i32
          %scatter3A_583 = arith.constant 0 : i32
          %scatter3A_584 = arith.constant 0 : i32
          %scatter3A_585 = tpu.memref_slice %arg7[%scatter3A_581, %scatter3A_582, %scatter3A_583, %scatter3A_584] : memref<2x2x128x16xf32, #tpu.memory_space<vmem>> -> memref<1x2x128x16xf32, #tpu.memory_space<vmem>>
          %scatter3A_586 = tpu.memref_squeeze %scatter3A_585 : memref<1x2x128x16xf32, #tpu.memory_space<vmem>> -> memref<2x128x16xf32, #tpu.memory_space<vmem>>
          tpu.vector_store_idx %scatter3A_586[%broadcast_in_dim3A_318, %add3A_408, %iota3A], %gather3A_469 : memref<2x128x16xf32, #tpu.memory_space<vmem>>[vector<16xi32>, vector<16xi32>, vector<16xi32>], vector<16xf32>,
          %scatter3A_587 = arith.constant 1 : i32
          %scatter3A_588 = arith.constant 0 : i32
          %scatter3A_589 = arith.constant 0 : i32
          %scatter3A_590 = arith.constant 0 : i32
          %scatter3A_591 = tpu.memref_slice %arg7[%scatter3A_587, %scatter3A_588, %scatter3A_589, %scatter3A_590] : memref<2x2x128x16xf32, #tpu.memory_space<vmem>> -> memref<1x2x128x16xf32, #tpu.memory_space<vmem>>
          %scatter3A_592 = tpu.memref_squeeze %scatter3A_591 : memref<1x2x128x16xf32, #tpu.memory_space<vmem>> -> memref<2x128x16xf32, #tpu.memory_space<vmem>>
          tpu.vector_store_idx %scatter3A_592[%broadcast_in_dim3A_318, %add3A_410, %iota3A], %gather3A_477 : memref<2x128x16xf32, #tpu.memory_space<vmem>>[vector<16xi32>, vector<16xi32>, vector<16xi32>], vector<16xf32>,
          %scatter3A_593 = arith.constant 1 : i32
          %scatter3A_594 = arith.constant 0 : i32
          %scatter3A_595 = arith.constant 0 : i32
          %scatter3A_596 = arith.constant 0 : i32
          %scatter3A_597 = tpu.memref_slice %arg7[%scatter3A_593, %scatter3A_594, %scatter3A_595, %scatter3A_596] : memref<2x2x128x16xf32, #tpu.memory_space<vmem>> -> memref<1x2x128x16xf32, #tpu.memory_space<vmem>>
          %scatter3A_598 = tpu.memref_squeeze %scatter3A_597 : memref<1x2x128x16xf32, #tpu.memory_space<vmem>> -> memref<2x128x16xf32, #tpu.memory_space<vmem>>
          tpu.vector_store_idx %scatter3A_598[%broadcast_in_dim3A_318, %add3A_412, %iota3A], %gather3A_485 : memref<2x128x16xf32, #tpu.memory_space<vmem>>[vector<16xi32>, vector<16xi32>, vector<16xi32>], vector<16xf32>,
          %scatter3A_599 = arith.constant 1 : i32
          %scatter3A_600 = arith.constant 0 : i32
          %scatter3A_601 = arith.constant 0 : i32
          %scatter3A_602 = arith.constant 0 : i32
          %scatter3A_603 = tpu.memref_slice %arg7[%scatter3A_599, %scatter3A_600, %scatter3A_601, %scatter3A_602] : memref<2x2x128x16xf32, #tpu.memory_space<vmem>> -> memref<1x2x128x16xf32, #tpu.memory_space<vmem>>
          %scatter3A_604 = tpu.memref_squeeze %scatter3A_603 : memref<1x2x128x16xf32, #tpu.memory_space<vmem>> -> memref<2x128x16xf32, #tpu.memory_space<vmem>>
          tpu.vector_store_idx %scatter3A_604[%broadcast_in_dim3A_318, %add3A_414, %iota3A], %gather3A_493 : memref<2x128x16xf32, #tpu.memory_space<vmem>>[vector<16xi32>, vector<16xi32>, vector<16xi32>], vector<16xf32>,
          %scatter3A_605 = arith.constant 1 : i32
          %scatter3A_606 = arith.constant 0 : i32
          %scatter3A_607 = arith.constant 0 : i32
          %scatter3A_608 = arith.constant 0 : i32
          %scatter3A_609 = tpu.memref_slice %arg7[%scatter3A_605, %scatter3A_606, %scatter3A_607, %scatter3A_608] : memref<2x2x128x16xf32, #tpu.memory_space<vmem>> -> memref<1x2x128x16xf32, #tpu.memory_space<vmem>>
          %scatter3A_610 = tpu.memref_squeeze %scatter3A_609 : memref<1x2x128x16xf32, #tpu.memory_space<vmem>> -> memref<2x128x16xf32, #tpu.memory_space<vmem>>
          tpu.vector_store_idx %scatter3A_610[%broadcast_in_dim3A_318, %add3A_416, %iota3A], %gather3A_501 : memref<2x128x16xf32, #tpu.memory_space<vmem>>[vector<16xi32>, vector<16xi32>, vector<16xi32>], vector<16xf32>,
          %scatter3A_611 = arith.constant 1 : i32
          %scatter3A_612 = arith.constant 0 : i32
          %scatter3A_613 = arith.constant 0 : i32
          %scatter3A_614 = arith.constant 0 : i32
          %scatter3A_615 = tpu.memref_slice %arg7[%scatter3A_611, %scatter3A_612, %scatter3A_613, %scatter3A_614] : memref<2x2x128x16xf32, #tpu.memory_space<vmem>> -> memref<1x2x128x16xf32, #tpu.memory_space<vmem>>
          %scatter3A_616 = tpu.memref_squeeze %scatter3A_615 : memref<1x2x128x16xf32, #tpu.memory_space<vmem>> -> memref<2x128x16xf32, #tpu.memory_space<vmem>>
          tpu.vector_store_idx %scatter3A_616[%broadcast_in_dim3A_318, %add3A_418, %iota3A], %gather3A_509 : memref<2x128x16xf32, #tpu.memory_space<vmem>>[vector<16xi32>, vector<16xi32>, vector<16xi32>], vector<16xf32>,
          %scatter3A_617 = arith.constant 1 : i32
          %scatter3A_618 = arith.constant 0 : i32
          %scatter3A_619 = arith.constant 0 : i32
          %scatter3A_620 = arith.constant 0 : i32
          %scatter3A_621 = tpu.memref_slice %arg7[%scatter3A_617, %scatter3A_618, %scatter3A_619, %scatter3A_620] : memref<2x2x128x16xf32, #tpu.memory_space<vmem>> -> memref<1x2x128x16xf32, #tpu.memory_space<vmem>>
          %scatter3A_622 = tpu.memref_squeeze %scatter3A_621 : memref<1x2x128x16xf32, #tpu.memory_space<vmem>> -> memref<2x128x16xf32, #tpu.memory_space<vmem>>
          tpu.vector_store_idx %scatter3A_622[%broadcast_in_dim3A_318, %add3A_420, %iota3A], %gather3A_517 : memref<2x128x16xf32, #tpu.memory_space<vmem>>[vector<16xi32>, vector<16xi32>, vector<16xi32>], vector<16xf32>,
          %scatter3A_623 = arith.constant 1 : i32
          %scatter3A_624 = arith.constant 0 : i32
          %scatter3A_625 = arith.constant 0 : i32
          %scatter3A_626 = arith.constant 0 : i32
          %scatter3A_627 = tpu.memref_slice %arg7[%scatter3A_623, %scatter3A_624, %scatter3A_625, %scatter3A_626] : memref<2x2x128x16xf32, #tpu.memory_space<vmem>> -> memref<1x2x128x16xf32, #tpu.memory_space<vmem>>
          %scatter3A_628 = tpu.memref_squeeze %scatter3A_627 : memref<1x2x128x16xf32, #tpu.memory_space<vmem>> -> memref<2x128x16xf32, #tpu.memory_space<vmem>>
          tpu.vector_store_idx %scatter3A_628[%broadcast_in_dim3A_318, %add3A_422, %iota3A], %gather3A_525 : memref<2x128x16xf32, #tpu.memory_space<vmem>>[vector<16xi32>, vector<16xi32>, vector<16xi32>], vector<16xf32>,
          %scatter3A_629 = arith.constant 1 : i32
          %scatter3A_630 = arith.constant 0 : i32
          %scatter3A_631 = arith.constant 0 : i32
          %scatter3A_632 = arith.constant 0 : i32
          %scatter3A_633 = tpu.memref_slice %arg7[%scatter3A_629, %scatter3A_630, %scatter3A_631, %scatter3A_632] : memref<2x2x128x16xf32, #tpu.memory_space<vmem>> -> memref<1x2x128x16xf32, #tpu.memory_space<vmem>>
          %scatter3A_634 = tpu.memref_squeeze %scatter3A_633 : memref<1x2x128x16xf32, #tpu.memory_space<vmem>> -> memref<2x128x16xf32, #tpu.memory_space<vmem>>
          tpu.vector_store_idx %scatter3A_634[%broadcast_in_dim3A_318, %add3A_424, %iota3A], %gather3A_533 : memref<2x128x16xf32, #tpu.memory_space<vmem>>[vector<16xi32>, vector<16xi32>, vector<16xi32>], vector<16xf32>,
          %scatter3A_635 = arith.constant 1 : i32
          %scatter3A_636 = arith.constant 0 : i32
          %scatter3A_637 = arith.constant 0 : i32
          %scatter3A_638 = arith.constant 0 : i32
          %scatter3A_639 = tpu.memref_slice %arg7[%scatter3A_635, %scatter3A_636, %scatter3A_637, %scatter3A_638] : memref<2x2x128x16xf32, #tpu.memory_space<vmem>> -> memref<1x2x128x16xf32, #tpu.memory_space<vmem>>
          %scatter3A_640 = tpu.memref_squeeze %scatter3A_639 : memref<1x2x128x16xf32, #tpu.memory_space<vmem>> -> memref<2x128x16xf32, #tpu.memory_space<vmem>>
          tpu.vector_store_idx %scatter3A_640[%broadcast_in_dim3A_318, %add3A_426, %iota3A], %gather3A_541 : memref<2x128x16xf32, #tpu.memory_space<vmem>>[vector<16xi32>, vector<16xi32>, vector<16xi32>], vector<16xf32>,
          %scatter3A_641 = arith.constant 1 : i32
          %scatter3A_642 = arith.constant 0 : i32
          %scatter3A_643 = arith.constant 0 : i32
          %scatter3A_644 = arith.constant 0 : i32
          %scatter3A_645 = tpu.memref_slice %arg7[%scatter3A_641, %scatter3A_642, %scatter3A_643, %scatter3A_644] : memref<2x2x128x16xf32, #tpu.memory_space<vmem>> -> memref<1x2x128x16xf32, #tpu.memory_space<vmem>>
          %scatter3A_646 = tpu.memref_squeeze %scatter3A_645 : memref<1x2x128x16xf32, #tpu.memory_space<vmem>> -> memref<2x128x16xf32, #tpu.memory_space<vmem>>
          tpu.vector_store_idx %scatter3A_646[%broadcast_in_dim3A_318, %add3A_428, %iota3A], %gather3A_549 : memref<2x128x16xf32, #tpu.memory_space<vmem>>[vector<16xi32>, vector<16xi32>, vector<16xi32>], vector<16xf32>,
          %scatter3A_647 = arith.constant 1 : i32
          %scatter3A_648 = arith.constant 0 : i32
          %scatter3A_649 = arith.constant 0 : i32
          %scatter3A_650 = arith.constant 0 : i32
          %scatter3A_651 = tpu.memref_slice %arg7[%scatter3A_647, %scatter3A_648, %scatter3A_649, %scatter3A_650] : memref<2x2x128x16xf32, #tpu.memory_space<vmem>> -> memref<1x2x128x16xf32, #tpu.memory_space<vmem>>
          %scatter3A_652 = tpu.memref_squeeze %scatter3A_651 : memref<1x2x128x16xf32, #tpu.memory_space<vmem>> -> memref<2x128x16xf32, #tpu.memory_space<vmem>>
          tpu.vector_store_idx %scatter3A_652[%broadcast_in_dim3A_318, %add3A_430, %iota3A], %gather3A_557 : memref<2x128x16xf32, #tpu.memory_space<vmem>>[vector<16xi32>, vector<16xi32>, vector<16xi32>], vector<16xf32>,
        }
        %scan3A_323 = arith.constant 8 : i32
        %jit3A = arith.constant 4 : i32
        %eq3A = arith.constant 0 : i32
        %eq3A_324 = arith.cmpi eq, %jit3A, %eq3A : i32
        %jit3A_325 = arith.constant 1 : i32
        %select_n3A = arith.select %eq3A_324, %jit3A_325, %jit3A : i32
        %rem3A = arith.remsi %add3A_267, %select_n3A : i32
        %ne3A = arith.constant 0 : i32
        %ne3A_326 = arith.cmpi ne, %rem3A, %ne3A : i32
        %lt3A_327 = arith.constant 0 : i32
        %lt3A_328 = arith.cmpi slt, %rem3A, %lt3A_327 : i32
        %lt3A_329 = arith.constant 0 : i32
        %lt3A_330 = arith.cmpi slt, %select_n3A, %lt3A_329 : i32
        %ne3A_331 = arith.xori %lt3A_328, %lt3A_330 : i1
        %and3A_332 = arith.andi %ne3A_331, %ne3A_326 : i1
        %add3A_333 = arith.addi %rem3A, %select_n3A : i32
        %select_n3A_334 = arith.select %and3A_332, %add3A_333, %rem3A : i32
        %dma_start3A_335 = arith.constant 1 : i32
        %dma_start3A_336 = arith.constant 0 : i32
        %dma_start3A_337 = arith.constant 0 : i32
        %dma_start3A_338 = arith.constant 0 : i32
        %dma_start3A_339 = arith.constant 0 : i32
        %dma_start3A_340 = tpu.memref_slice %arg7[%dma_start3A_335, %dma_start3A_336, %dma_start3A_338, %dma_start3A_339] : memref<2x2x128x16xf32, #tpu.memory_space<vmem>> -> memref<1x1x128x16xf32, #tpu.memory_space<vmem>>
        %dma_start3A_341 = tpu.memref_squeeze %dma_start3A_340 : memref<1x1x128x16xf32, #tpu.memory_space<vmem>> -> memref<128x16xf32, #tpu.memory_space<vmem>>
        %dma_start3A_342 = arith.constant 0 : i32
        %dma_start3A_343 = tpu.memref_slice %arg8[%select_n3A_334, %dma_start3A_337, %dma_start3A_342] : memref<4x2x128xi32, #tpu.memory_space<vmem>> -> memref<1x1x128xi32, #tpu.memory_space<vmem>>
        %dma_start3A_344 = tpu.memref_squeeze %dma_start3A_343 : memref<1x1x128xi32, #tpu.memory_space<vmem>> -> memref<128xi32, #tpu.memory_space<vmem>>
        %dma_start3A_345 = arith.constant 0 : i32
        %dma_start3A_346 = arith.constant 0 : i32
        %dma_start3A_347 = tpu.memref_slice %arg5[%dma_start3A_345, %dma_start3A_346] : memref<100000x16xf32, #tpu.memory_space<vmem_shared>> -> memref<100000x16xf32, #tpu.memory_space<vmem_shared>>
        tpu.enqueue_indirect_dma source(%dma_start3A_341 : memref<128x16xf32, #tpu.memory_space<vmem>>) target(%dma_start3A_347 : memref<100000x16xf32, #tpu.memory_space<vmem_shared>>) offsets(%dma_start3A_344 : memref<128xi32, #tpu.memory_space<vmem>>) semaphore(%arg13 : memref<!tpu.dma_semaphore, #tpu.memory_space<semaphore_mem>>) {add = true}
        %broadcast_in_dim3A_348 = arith.constant 1 : i32
        %broadcast_in_dim3A_349 = vector.broadcast %broadcast_in_dim3A_348 : i32 to vector<16xi32>
        %scan3A_350 = arith.constant 0 : i32
        %scan3A_351 = arith.constant 8 : i32
        %scan3A_352 = arith.addi %scan3A_350, %scan3A_351 : i32
        %scan3A_353 = arith.constant 1 : i32
        scf.for %scan3A_394 = %scan3A_350 to %scan3A_352 step %scan3A_353  : i32 {
          %mul3A_395 = arith.constant 16 : i32
          %mul3A_396 = arith.muli %scan3A_394, %mul3A_395 : i32
          %add3A_397 = arith.constant 0 : i32
          %add3A_398 = arith.addi %add3A_397, %mul3A_396 : i32
          %broadcast_in_dim3A_399 = vector.broadcast %add3A_398 : i32 to vector<16xi32>
          %add3A_400 = arith.addi %broadcast_in_dim3A_399, %and3A_23 : vector<16xi32>
          %broadcast_in_dim3A_401 = vector.broadcast %add3A_398 : i32 to vector<16xi32>
          %add3A_402 = arith.addi %broadcast_in_dim3A_401, %and3A_29 : vector<16xi32>
          %broadcast_in_dim3A_403 = vector.broadcast %add3A_398 : i32 to vector<16xi32>
          %add3A_404 = arith.addi %broadcast_in_dim3A_403, %and3A_35 : vector<16xi32>
          %broadcast_in_dim3A_405 = vector.broadcast %add3A_398 : i32 to vector<16xi32>
          %add3A_406 = arith.addi %broadcast_in_dim3A_405, %and3A_41 : vector<16xi32>
          %broadcast_in_dim3A_407 = vector.broadcast %add3A_398 : i32 to vector<16xi32>
          %add3A_408 = arith.addi %broadcast_in_dim3A_407, %and3A_47 : vector<16xi32>
          %broadcast_in_dim3A_409 = vector.broadcast %add3A_398 : i32 to vector<16xi32>
          %add3A_410 = arith.addi %broadcast_in_dim3A_409, %and3A_53 : vector<16xi32>
          %broadcast_in_dim3A_411 = vector.broadcast %add3A_398 : i32 to vector<16xi32>
          %add3A_412 = arith.addi %broadcast_in_dim3A_411, %and3A_59 : vector<16xi32>
          %broadcast_in_dim3A_413 = vector.broadcast %add3A_398 : i32 to vector<16xi32>
          %add3A_414 = arith.addi %broadcast_in_dim3A_413, %and3A_65 : vector<16xi32>
          %broadcast_in_dim3A_415 = vector.broadcast %add3A_398 : i32 to vector<16xi32>
          %add3A_416 = arith.addi %broadcast_in_dim3A_415, %and3A_71 : vector<16xi32>
          %broadcast_in_dim3A_417 = vector.broadcast %add3A_398 : i32 to vector<16xi32>
          %add3A_418 = arith.addi %broadcast_in_dim3A_417, %and3A_77 : vector<16xi32>
          %broadcast_in_dim3A_419 = vector.broadcast %add3A_398 : i32 to vector<16xi32>
          %add3A_420 = arith.addi %broadcast_in_dim3A_419, %and3A_83 : vector<16xi32>
          %broadcast_in_dim3A_421 = vector.broadcast %add3A_398 : i32 to vector<16xi32>
          %add3A_422 = arith.addi %broadcast_in_dim3A_421, %and3A_89 : vector<16xi32>
          %broadcast_in_dim3A_423 = vector.broadcast %add3A_398 : i32 to vector<16xi32>
          %add3A_424 = arith.addi %broadcast_in_dim3A_423, %and3A_95 : vector<16xi32>
          %broadcast_in_dim3A_425 = vector.broadcast %add3A_398 : i32 to vector<16xi32>
          %add3A_426 = arith.addi %broadcast_in_dim3A_425, %and3A_101 : vector<16xi32>
          %broadcast_in_dim3A_427 = vector.broadcast %add3A_398 : i32 to vector<16xi32>
          %add3A_428 = arith.addi %broadcast_in_dim3A_427, %and3A_107 : vector<16xi32>
          %broadcast_in_dim3A_429 = vector.broadcast %add3A_398 : i32 to vector<16xi32>
          %add3A_430 = arith.addi %broadcast_in_dim3A_429, %and3A_113 : vector<16xi32>
          %gather3A = arith.constant 1 : i32
          %gather3A_431 = arith.constant 0 : i32
          %gather3A_432 = arith.constant 0 : i32
          %gather3A_433 = arith.constant 0 : i32
          %gather3A_434 = arith.constant 0 : i32
          %gather3A_435 = tpu.memref_slice %arg6[%gather3A, %gather3A_431, %gather3A_432, %gather3A_433, %gather3A_434] : memref<2x2x2x8x128xf32, #tpu.memory_space<vmem>> -> memref<1x2x2x8x128xf32, #tpu.memory_space<vmem>>
          %gather3A_436 = tpu.memref_squeeze %gather3A_435 : memref<1x2x2x8x128xf32, #tpu.memory_space<vmem>> -> memref<2x2x8x128xf32, #tpu.memory_space<vmem>>
          %gather3A_437 = tpu.vector_load_idx %gather3A_436[%shift_right_logical3A_115, %broadcast_in_dim3A_349, %and3A_118, %add3A_400] : memref<2x2x8x128xf32, #tpu.memory_space<vmem>>[vector<16xi32>, vector<16xi32>, vector<16xi32>, vector<16xi32>], vector<16xf32>,
          %gather3A_438 = arith.constant 1 : i32
          %gather3A_439 = arith.constant 0 : i32
          %gather3A_440 = arith.constant 0 : i32
          %gather3A_441 = arith.constant 0 : i32
          %gather3A_442 = arith.constant 0 : i32
          %gather3A_443 = tpu.memref_slice %arg6[%gather3A_438, %gather3A_439, %gather3A_440, %gather3A_441, %gather3A_442] : memref<2x2x2x8x128xf32, #tpu.memory_space<vmem>> -> memref<1x2x2x8x128xf32, #tpu.memory_space<vmem>>
          %gather3A_444 = tpu.memref_squeeze %gather3A_443 : memref<1x2x2x8x128xf32, #tpu.memory_space<vmem>> -> memref<2x2x8x128xf32, #tpu.memory_space<vmem>>
          %gather3A_445 = tpu.vector_load_idx %gather3A_444[%shift_right_logical3A_115, %broadcast_in_dim3A_349, %and3A_118, %add3A_402] : memref<2x2x8x128xf32, #tpu.memory_space<vmem>>[vector<16xi32>, vector<16xi32>, vector<16xi32>, vector<16xi32>], vector<16xf32>,
          %gather3A_446 = arith.constant 1 : i32
          %gather3A_447 = arith.constant 0 : i32
          %gather3A_448 = arith.constant 0 : i32
          %gather3A_449 = arith.constant 0 : i32
          %gather3A_450 = arith.constant 0 : i32
          %gather3A_451 = tpu.memref_slice %arg6[%gather3A_446, %gather3A_447, %gather3A_448, %gather3A_449, %gather3A_450] : memref<2x2x2x8x128xf32, #tpu.memory_space<vmem>> -> memref<1x2x2x8x128xf32, #tpu.memory_space<vmem>>
          %gather3A_452 = tpu.memref_squeeze %gather3A_451 : memref<1x2x2x8x128xf32, #tpu.memory_space<vmem>> -> memref<2x2x8x128xf32, #tpu.memory_space<vmem>>
          %gather3A_453 = tpu.vector_load_idx %gather3A_452[%shift_right_logical3A_115, %broadcast_in_dim3A_349, %and3A_118, %add3A_404] : memref<2x2x8x128xf32, #tpu.memory_space<vmem>>[vector<16xi32>, vector<16xi32>, vector<16xi32>, vector<16xi32>], vector<16xf32>,
          %gather3A_454 = arith.constant 1 : i32
          %gather3A_455 = arith.constant 0 : i32
          %gather3A_456 = arith.constant 0 : i32
          %gather3A_457 = arith.constant 0 : i32
          %gather3A_458 = arith.constant 0 : i32
          %gather3A_459 = tpu.memref_slice %arg6[%gather3A_454, %gather3A_455, %gather3A_456, %gather3A_457, %gather3A_458] : memref<2x2x2x8x128xf32, #tpu.memory_space<vmem>> -> memref<1x2x2x8x128xf32, #tpu.memory_space<vmem>>
          %gather3A_460 = tpu.memref_squeeze %gather3A_459 : memref<1x2x2x8x128xf32, #tpu.memory_space<vmem>> -> memref<2x2x8x128xf32, #tpu.memory_space<vmem>>
          %gather3A_461 = tpu.vector_load_idx %gather3A_460[%shift_right_logical3A_115, %broadcast_in_dim3A_349, %and3A_118, %add3A_406] : memref<2x2x8x128xf32, #tpu.memory_space<vmem>>[vector<16xi32>, vector<16xi32>, vector<16xi32>, vector<16xi32>], vector<16xf32>,
          %gather3A_462 = arith.constant 1 : i32
          %gather3A_463 = arith.constant 0 : i32
          %gather3A_464 = arith.constant 0 : i32
          %gather3A_465 = arith.constant 0 : i32
          %gather3A_466 = arith.constant 0 : i32
          %gather3A_467 = tpu.memref_slice %arg6[%gather3A_462, %gather3A_463, %gather3A_464, %gather3A_465, %gather3A_466] : memref<2x2x2x8x128xf32, #tpu.memory_space<vmem>> -> memref<1x2x2x8x128xf32, #tpu.memory_space<vmem>>
          %gather3A_468 = tpu.memref_squeeze %gather3A_467 : memref<1x2x2x8x128xf32, #tpu.memory_space<vmem>> -> memref<2x2x8x128xf32, #tpu.memory_space<vmem>>
          %gather3A_469 = tpu.vector_load_idx %gather3A_468[%shift_right_logical3A_115, %broadcast_in_dim3A_349, %and3A_118, %add3A_408] : memref<2x2x8x128xf32, #tpu.memory_space<vmem>>[vector<16xi32>, vector<16xi32>, vector<16xi32>, vector<16xi32>], vector<16xf32>,
          %gather3A_470 = arith.constant 1 : i32
          %gather3A_471 = arith.constant 0 : i32
          %gather3A_472 = arith.constant 0 : i32
          %gather3A_473 = arith.constant 0 : i32
          %gather3A_474 = arith.constant 0 : i32
          %gather3A_475 = tpu.memref_slice %arg6[%gather3A_470, %gather3A_471, %gather3A_472, %gather3A_473, %gather3A_474] : memref<2x2x2x8x128xf32, #tpu.memory_space<vmem>> -> memref<1x2x2x8x128xf32, #tpu.memory_space<vmem>>
          %gather3A_476 = tpu.memref_squeeze %gather3A_475 : memref<1x2x2x8x128xf32, #tpu.memory_space<vmem>> -> memref<2x2x8x128xf32, #tpu.memory_space<vmem>>
          %gather3A_477 = tpu.vector_load_idx %gather3A_476[%shift_right_logical3A_115, %broadcast_in_dim3A_349, %and3A_118, %add3A_410] : memref<2x2x8x128xf32, #tpu.memory_space<vmem>>[vector<16xi32>, vector<16xi32>, vector<16xi32>, vector<16xi32>], vector<16xf32>,
          %gather3A_478 = arith.constant 1 : i32
          %gather3A_479 = arith.constant 0 : i32
          %gather3A_480 = arith.constant 0 : i32
          %gather3A_481 = arith.constant 0 : i32
          %gather3A_482 = arith.constant 0 : i32
          %gather3A_483 = tpu.memref_slice %arg6[%gather3A_478, %gather3A_479, %gather3A_480, %gather3A_481, %gather3A_482] : memref<2x2x2x8x128xf32, #tpu.memory_space<vmem>> -> memref<1x2x2x8x128xf32, #tpu.memory_space<vmem>>
          %gather3A_484 = tpu.memref_squeeze %gather3A_483 : memref<1x2x2x8x128xf32, #tpu.memory_space<vmem>> -> memref<2x2x8x128xf32, #tpu.memory_space<vmem>>
          %gather3A_485 = tpu.vector_load_idx %gather3A_484[%shift_right_logical3A_115, %broadcast_in_dim3A_349, %and3A_118, %add3A_412] : memref<2x2x8x128xf32, #tpu.memory_space<vmem>>[vector<16xi32>, vector<16xi32>, vector<16xi32>, vector<16xi32>], vector<16xf32>,
          %gather3A_486 = arith.constant 1 : i32
          %gather3A_487 = arith.constant 0 : i32
          %gather3A_488 = arith.constant 0 : i32
          %gather3A_489 = arith.constant 0 : i32
          %gather3A_490 = arith.constant 0 : i32
          %gather3A_491 = tpu.memref_slice %arg6[%gather3A_486, %gather3A_487, %gather3A_488, %gather3A_489, %gather3A_490] : memref<2x2x2x8x128xf32, #tpu.memory_space<vmem>> -> memref<1x2x2x8x128xf32, #tpu.memory_space<vmem>>
          %gather3A_492 = tpu.memref_squeeze %gather3A_491 : memref<1x2x2x8x128xf32, #tpu.memory_space<vmem>> -> memref<2x2x8x128xf32, #tpu.memory_space<vmem>>
          %gather3A_493 = tpu.vector_load_idx %gather3A_492[%shift_right_logical3A_115, %broadcast_in_dim3A_349, %and3A_118, %add3A_414] : memref<2x2x8x128xf32, #tpu.memory_space<vmem>>[vector<16xi32>, vector<16xi32>, vector<16xi32>, vector<16xi32>], vector<16xf32>,
          %gather3A_494 = arith.constant 1 : i32
          %gather3A_495 = arith.constant 0 : i32
          %gather3A_496 = arith.constant 0 : i32
          %gather3A_497 = arith.constant 0 : i32
          %gather3A_498 = arith.constant 0 : i32
          %gather3A_499 = tpu.memref_slice %arg6[%gather3A_494, %gather3A_495, %gather3A_496, %gather3A_497, %gather3A_498] : memref<2x2x2x8x128xf32, #tpu.memory_space<vmem>> -> memref<1x2x2x8x128xf32, #tpu.memory_space<vmem>>
          %gather3A_500 = tpu.memref_squeeze %gather3A_499 : memref<1x2x2x8x128xf32, #tpu.memory_space<vmem>> -> memref<2x2x8x128xf32, #tpu.memory_space<vmem>>
          %gather3A_501 = tpu.vector_load_idx %gather3A_500[%shift_right_logical3A_115, %broadcast_in_dim3A_349, %and3A_118, %add3A_416] : memref<2x2x8x128xf32, #tpu.memory_space<vmem>>[vector<16xi32>, vector<16xi32>, vector<16xi32>, vector<16xi32>], vector<16xf32>,
          %gather3A_502 = arith.constant 1 : i32
          %gather3A_503 = arith.constant 0 : i32
          %gather3A_504 = arith.constant 0 : i32
          %gather3A_505 = arith.constant 0 : i32
          %gather3A_506 = arith.constant 0 : i32
          %gather3A_507 = tpu.memref_slice %arg6[%gather3A_502, %gather3A_503, %gather3A_504, %gather3A_505, %gather3A_506] : memref<2x2x2x8x128xf32, #tpu.memory_space<vmem>> -> memref<1x2x2x8x128xf32, #tpu.memory_space<vmem>>
          %gather3A_508 = tpu.memref_squeeze %gather3A_507 : memref<1x2x2x8x128xf32, #tpu.memory_space<vmem>> -> memref<2x2x8x128xf32, #tpu.memory_space<vmem>>
          %gather3A_509 = tpu.vector_load_idx %gather3A_508[%shift_right_logical3A_115, %broadcast_in_dim3A_349, %and3A_118, %add3A_418] : memref<2x2x8x128xf32, #tpu.memory_space<vmem>>[vector<16xi32>, vector<16xi32>, vector<16xi32>, vector<16xi32>], vector<16xf32>,
          %gather3A_510 = arith.constant 1 : i32
          %gather3A_511 = arith.constant 0 : i32
          %gather3A_512 = arith.constant 0 : i32
          %gather3A_513 = arith.constant 0 : i32
          %gather3A_514 = arith.constant 0 : i32
          %gather3A_515 = tpu.memref_slice %arg6[%gather3A_510, %gather3A_511, %gather3A_512, %gather3A_513, %gather3A_514] : memref<2x2x2x8x128xf32, #tpu.memory_space<vmem>> -> memref<1x2x2x8x128xf32, #tpu.memory_space<vmem>>
          %gather3A_516 = tpu.memref_squeeze %gather3A_515 : memref<1x2x2x8x128xf32, #tpu.memory_space<vmem>> -> memref<2x2x8x128xf32, #tpu.memory_space<vmem>>
          %gather3A_517 = tpu.vector_load_idx %gather3A_516[%shift_right_logical3A_115, %broadcast_in_dim3A_349, %and3A_118, %add3A_420] : memref<2x2x8x128xf32, #tpu.memory_space<vmem>>[vector<16xi32>, vector<16xi32>, vector<16xi32>, vector<16xi32>], vector<16xf32>,
          %gather3A_518 = arith.constant 1 : i32
          %gather3A_519 = arith.constant 0 : i32
          %gather3A_520 = arith.constant 0 : i32
          %gather3A_521 = arith.constant 0 : i32
          %gather3A_522 = arith.constant 0 : i32
          %gather3A_523 = tpu.memref_slice %arg6[%gather3A_518, %gather3A_519, %gather3A_520, %gather3A_521, %gather3A_522] : memref<2x2x2x8x128xf32, #tpu.memory_space<vmem>> -> memref<1x2x2x8x128xf32, #tpu.memory_space<vmem>>
          %gather3A_524 = tpu.memref_squeeze %gather3A_523 : memref<1x2x2x8x128xf32, #tpu.memory_space<vmem>> -> memref<2x2x8x128xf32, #tpu.memory_space<vmem>>
          %gather3A_525 = tpu.vector_load_idx %gather3A_524[%shift_right_logical3A_115, %broadcast_in_dim3A_349, %and3A_118, %add3A_422] : memref<2x2x8x128xf32, #tpu.memory_space<vmem>>[vector<16xi32>, vector<16xi32>, vector<16xi32>, vector<16xi32>], vector<16xf32>,
          %gather3A_526 = arith.constant 1 : i32
          %gather3A_527 = arith.constant 0 : i32
          %gather3A_528 = arith.constant 0 : i32
          %gather3A_529 = arith.constant 0 : i32
          %gather3A_530 = arith.constant 0 : i32
          %gather3A_531 = tpu.memref_slice %arg6[%gather3A_526, %gather3A_527, %gather3A_528, %gather3A_529, %gather3A_530] : memref<2x2x2x8x128xf32, #tpu.memory_space<vmem>> -> memref<1x2x2x8x128xf32, #tpu.memory_space<vmem>>
          %gather3A_532 = tpu.memref_squeeze %gather3A_531 : memref<1x2x2x8x128xf32, #tpu.memory_space<vmem>> -> memref<2x2x8x128xf32, #tpu.memory_space<vmem>>
          %gather3A_533 = tpu.vector_load_idx %gather3A_532[%shift_right_logical3A_115, %broadcast_in_dim3A_349, %and3A_118, %add3A_424] : memref<2x2x8x128xf32, #tpu.memory_space<vmem>>[vector<16xi32>, vector<16xi32>, vector<16xi32>, vector<16xi32>], vector<16xf32>,
          %gather3A_534 = arith.constant 1 : i32
          %gather3A_535 = arith.constant 0 : i32
          %gather3A_536 = arith.constant 0 : i32
          %gather3A_537 = arith.constant 0 : i32
          %gather3A_538 = arith.constant 0 : i32
          %gather3A_539 = tpu.memref_slice %arg6[%gather3A_534, %gather3A_535, %gather3A_536, %gather3A_537, %gather3A_538] : memref<2x2x2x8x128xf32, #tpu.memory_space<vmem>> -> memref<1x2x2x8x128xf32, #tpu.memory_space<vmem>>
          %gather3A_540 = tpu.memref_squeeze %gather3A_539 : memref<1x2x2x8x128xf32, #tpu.memory_space<vmem>> -> memref<2x2x8x128xf32, #tpu.memory_space<vmem>>
          %gather3A_541 = tpu.vector_load_idx %gather3A_540[%shift_right_logical3A_115, %broadcast_in_dim3A_349, %and3A_118, %add3A_426] : memref<2x2x8x128xf32, #tpu.memory_space<vmem>>[vector<16xi32>, vector<16xi32>, vector<16xi32>, vector<16xi32>], vector<16xf32>,
          %gather3A_542 = arith.constant 1 : i32
          %gather3A_543 = arith.constant 0 : i32
          %gather3A_544 = arith.constant 0 : i32
          %gather3A_545 = arith.constant 0 : i32
          %gather3A_546 = arith.constant 0 : i32
          %gather3A_547 = tpu.memref_slice %arg6[%gather3A_542, %gather3A_543, %gather3A_544, %gather3A_545, %gather3A_546] : memref<2x2x2x8x128xf32, #tpu.memory_space<vmem>> -> memref<1x2x2x8x128xf32, #tpu.memory_space<vmem>>
          %gather3A_548 = tpu.memref_squeeze %gather3A_547 : memref<1x2x2x8x128xf32, #tpu.memory_space<vmem>> -> memref<2x2x8x128xf32, #tpu.memory_space<vmem>>
          %gather3A_549 = tpu.vector_load_idx %gather3A_548[%shift_right_logical3A_115, %broadcast_in_dim3A_349, %and3A_118, %add3A_428] : memref<2x2x8x128xf32, #tpu.memory_space<vmem>>[vector<16xi32>, vector<16xi32>, vector<16xi32>, vector<16xi32>], vector<16xf32>,
          %gather3A_550 = arith.constant 1 : i32
          %gather3A_551 = arith.constant 0 : i32
          %gather3A_552 = arith.constant 0 : i32
          %gather3A_553 = arith.constant 0 : i32
          %gather3A_554 = arith.constant 0 : i32
          %gather3A_555 = tpu.memref_slice %arg6[%gather3A_550, %gather3A_551, %gather3A_552, %gather3A_553, %gather3A_554] : memref<2x2x2x8x128xf32, #tpu.memory_space<vmem>> -> memref<1x2x2x8x128xf32, #tpu.memory_space<vmem>>
          %gather3A_556 = tpu.memref_squeeze %gather3A_555 : memref<1x2x2x8x128xf32, #tpu.memory_space<vmem>> -> memref<2x2x8x128xf32, #tpu.memory_space<vmem>>
          %gather3A_557 = tpu.vector_load_idx %gather3A_556[%shift_right_logical3A_115, %broadcast_in_dim3A_349, %and3A_118, %add3A_430] : memref<2x2x8x128xf32, #tpu.memory_space<vmem>>[vector<16xi32>, vector<16xi32>, vector<16xi32>, vector<16xi32>], vector<16xf32>,
          %scatter3A = arith.constant 1 : i32
          %scatter3A_558 = arith.constant 0 : i32
          %scatter3A_559 = arith.constant 0 : i32
          %scatter3A_560 = arith.constant 0 : i32
          %scatter3A_561 = tpu.memref_slice %arg7[%scatter3A, %scatter3A_558, %scatter3A_559, %scatter3A_560] : memref<2x2x128x16xf32, #tpu.memory_space<vmem>> -> memref<1x2x128x16xf32, #tpu.memory_space<vmem>>
          %scatter3A_562 = tpu.memref_squeeze %scatter3A_561 : memref<1x2x128x16xf32, #tpu.memory_space<vmem>> -> memref<2x128x16xf32, #tpu.memory_space<vmem>>
          tpu.vector_store_idx %scatter3A_562[%broadcast_in_dim3A_349, %add3A_400, %iota3A], %gather3A_437 : memref<2x128x16xf32, #tpu.memory_space<vmem>>[vector<16xi32>, vector<16xi32>, vector<16xi32>], vector<16xf32>,
          %scatter3A_563 = arith.constant 1 : i32
          %scatter3A_564 = arith.constant 0 : i32
          %scatter3A_565 = arith.constant 0 : i32
          %scatter3A_566 = arith.constant 0 : i32
          %scatter3A_567 = tpu.memref_slice %arg7[%scatter3A_563, %scatter3A_564, %scatter3A_565, %scatter3A_566] : memref<2x2x128x16xf32, #tpu.memory_space<vmem>> -> memref<1x2x128x16xf32, #tpu.memory_space<vmem>>
          %scatter3A_568 = tpu.memref_squeeze %scatter3A_567 : memref<1x2x128x16xf32, #tpu.memory_space<vmem>> -> memref<2x128x16xf32, #tpu.memory_space<vmem>>
          tpu.vector_store_idx %scatter3A_568[%broadcast_in_dim3A_349, %add3A_402, %iota3A], %gather3A_445 : memref<2x128x16xf32, #tpu.memory_space<vmem>>[vector<16xi32>, vector<16xi32>, vector<16xi32>], vector<16xf32>,
          %scatter3A_569 = arith.constant 1 : i32
          %scatter3A_570 = arith.constant 0 : i32
          %scatter3A_571 = arith.constant 0 : i32
          %scatter3A_572 = arith.constant 0 : i32
          %scatter3A_573 = tpu.memref_slice %arg7[%scatter3A_569, %scatter3A_570, %scatter3A_571, %scatter3A_572] : memref<2x2x128x16xf32, #tpu.memory_space<vmem>> -> memref<1x2x128x16xf32, #tpu.memory_space<vmem>>
          %scatter3A_574 = tpu.memref_squeeze %scatter3A_573 : memref<1x2x128x16xf32, #tpu.memory_space<vmem>> -> memref<2x128x16xf32, #tpu.memory_space<vmem>>
          tpu.vector_store_idx %scatter3A_574[%broadcast_in_dim3A_349, %add3A_404, %iota3A], %gather3A_453 : memref<2x128x16xf32, #tpu.memory_space<vmem>>[vector<16xi32>, vector<16xi32>, vector<16xi32>], vector<16xf32>,
          %scatter3A_575 = arith.constant 1 : i32
          %scatter3A_576 = arith.constant 0 : i32
          %scatter3A_577 = arith.constant 0 : i32
          %scatter3A_578 = arith.constant 0 : i32
          %scatter3A_579 = tpu.memref_slice %arg7[%scatter3A_575, %scatter3A_576, %scatter3A_577, %scatter3A_578] : memref<2x2x128x16xf32, #tpu.memory_space<vmem>> -> memref<1x2x128x16xf32, #tpu.memory_space<vmem>>
          %scatter3A_580 = tpu.memref_squeeze %scatter3A_579 : memref<1x2x128x16xf32, #tpu.memory_space<vmem>> -> memref<2x128x16xf32, #tpu.memory_space<vmem>>
          tpu.vector_store_idx %scatter3A_580[%broadcast_in_dim3A_349, %add3A_406, %iota3A], %gather3A_461 : memref<2x128x16xf32, #tpu.memory_space<vmem>>[vector<16xi32>, vector<16xi32>, vector<16xi32>], vector<16xf32>,
          %scatter3A_581 = arith.constant 1 : i32
          %scatter3A_582 = arith.constant 0 : i32
          %scatter3A_583 = arith.constant 0 : i32
          %scatter3A_584 = arith.constant 0 : i32
          %scatter3A_585 = tpu.memref_slice %arg7[%scatter3A_581, %scatter3A_582, %scatter3A_583, %scatter3A_584] : memref<2x2x128x16xf32, #tpu.memory_space<vmem>> -> memref<1x2x128x16xf32, #tpu.memory_space<vmem>>
          %scatter3A_586 = tpu.memref_squeeze %scatter3A_585 : memref<1x2x128x16xf32, #tpu.memory_space<vmem>> -> memref<2x128x16xf32, #tpu.memory_space<vmem>>
          tpu.vector_store_idx %scatter3A_586[%broadcast_in_dim3A_349, %add3A_408, %iota3A], %gather3A_469 : memref<2x128x16xf32, #tpu.memory_space<vmem>>[vector<16xi32>, vector<16xi32>, vector<16xi32>], vector<16xf32>,
          %scatter3A_587 = arith.constant 1 : i32
          %scatter3A_588 = arith.constant 0 : i32
          %scatter3A_589 = arith.constant 0 : i32
          %scatter3A_590 = arith.constant 0 : i32
          %scatter3A_591 = tpu.memref_slice %arg7[%scatter3A_587, %scatter3A_588, %scatter3A_589, %scatter3A_590] : memref<2x2x128x16xf32, #tpu.memory_space<vmem>> -> memref<1x2x128x16xf32, #tpu.memory_space<vmem>>
          %scatter3A_592 = tpu.memref_squeeze %scatter3A_591 : memref<1x2x128x16xf32, #tpu.memory_space<vmem>> -> memref<2x128x16xf32, #tpu.memory_space<vmem>>
          tpu.vector_store_idx %scatter3A_592[%broadcast_in_dim3A_349, %add3A_410, %iota3A], %gather3A_477 : memref<2x128x16xf32, #tpu.memory_space<vmem>>[vector<16xi32>, vector<16xi32>, vector<16xi32>], vector<16xf32>,
          %scatter3A_593 = arith.constant 1 : i32
          %scatter3A_594 = arith.constant 0 : i32
          %scatter3A_595 = arith.constant 0 : i32
          %scatter3A_596 = arith.constant 0 : i32
          %scatter3A_597 = tpu.memref_slice %arg7[%scatter3A_593, %scatter3A_594, %scatter3A_595, %scatter3A_596] : memref<2x2x128x16xf32, #tpu.memory_space<vmem>> -> memref<1x2x128x16xf32, #tpu.memory_space<vmem>>
          %scatter3A_598 = tpu.memref_squeeze %scatter3A_597 : memref<1x2x128x16xf32, #tpu.memory_space<vmem>> -> memref<2x128x16xf32, #tpu.memory_space<vmem>>
          tpu.vector_store_idx %scatter3A_598[%broadcast_in_dim3A_349, %add3A_412, %iota3A], %gather3A_485 : memref<2x128x16xf32, #tpu.memory_space<vmem>>[vector<16xi32>, vector<16xi32>, vector<16xi32>], vector<16xf32>,
          %scatter3A_599 = arith.constant 1 : i32
          %scatter3A_600 = arith.constant 0 : i32
          %scatter3A_601 = arith.constant 0 : i32
          %scatter3A_602 = arith.constant 0 : i32
          %scatter3A_603 = tpu.memref_slice %arg7[%scatter3A_599, %scatter3A_600, %scatter3A_601, %scatter3A_602] : memref<2x2x128x16xf32, #tpu.memory_space<vmem>> -> memref<1x2x128x16xf32, #tpu.memory_space<vmem>>
          %scatter3A_604 = tpu.memref_squeeze %scatter3A_603 : memref<1x2x128x16xf32, #tpu.memory_space<vmem>> -> memref<2x128x16xf32, #tpu.memory_space<vmem>>
          tpu.vector_store_idx %scatter3A_604[%broadcast_in_dim3A_349, %add3A_414, %iota3A], %gather3A_493 : memref<2x128x16xf32, #tpu.memory_space<vmem>>[vector<16xi32>, vector<16xi32>, vector<16xi32>], vector<16xf32>,
          %scatter3A_605 = arith.constant 1 : i32
          %scatter3A_606 = arith.constant 0 : i32
          %scatter3A_607 = arith.constant 0 : i32
          %scatter3A_608 = arith.constant 0 : i32
          %scatter3A_609 = tpu.memref_slice %arg7[%scatter3A_605, %scatter3A_606, %scatter3A_607, %scatter3A_608] : memref<2x2x128x16xf32, #tpu.memory_space<vmem>> -> memref<1x2x128x16xf32, #tpu.memory_space<vmem>>
          %scatter3A_610 = tpu.memref_squeeze %scatter3A_609 : memref<1x2x128x16xf32, #tpu.memory_space<vmem>> -> memref<2x128x16xf32, #tpu.memory_space<vmem>>
          tpu.vector_store_idx %scatter3A_610[%broadcast_in_dim3A_349, %add3A_416, %iota3A], %gather3A_501 : memref<2x128x16xf32, #tpu.memory_space<vmem>>[vector<16xi32>, vector<16xi32>, vector<16xi32>], vector<16xf32>,
          %scatter3A_611 = arith.constant 1 : i32
          %scatter3A_612 = arith.constant 0 : i32
          %scatter3A_613 = arith.constant 0 : i32
          %scatter3A_614 = arith.constant 0 : i32
          %scatter3A_615 = tpu.memref_slice %arg7[%scatter3A_611, %scatter3A_612, %scatter3A_613, %scatter3A_614] : memref<2x2x128x16xf32, #tpu.memory_space<vmem>> -> memref<1x2x128x16xf32, #tpu.memory_space<vmem>>
          %scatter3A_616 = tpu.memref_squeeze %scatter3A_615 : memref<1x2x128x16xf32, #tpu.memory_space<vmem>> -> memref<2x128x16xf32, #tpu.memory_space<vmem>>
          tpu.vector_store_idx %scatter3A_616[%broadcast_in_dim3A_349, %add3A_418, %iota3A], %gather3A_509 : memref<2x128x16xf32, #tpu.memory_space<vmem>>[vector<16xi32>, vector<16xi32>, vector<16xi32>], vector<16xf32>,
          %scatter3A_617 = arith.constant 1 : i32
          %scatter3A_618 = arith.constant 0 : i32
          %scatter3A_619 = arith.constant 0 : i32
          %scatter3A_620 = arith.constant 0 : i32
          %scatter3A_621 = tpu.memref_slice %arg7[%scatter3A_617, %scatter3A_618, %scatter3A_619, %scatter3A_620] : memref<2x2x128x16xf32, #tpu.memory_space<vmem>> -> memref<1x2x128x16xf32, #tpu.memory_space<vmem>>
          %scatter3A_622 = tpu.memref_squeeze %scatter3A_621 : memref<1x2x128x16xf32, #tpu.memory_space<vmem>> -> memref<2x128x16xf32, #tpu.memory_space<vmem>>
          tpu.vector_store_idx %scatter3A_622[%broadcast_in_dim3A_349, %add3A_420, %iota3A], %gather3A_517 : memref<2x128x16xf32, #tpu.memory_space<vmem>>[vector<16xi32>, vector<16xi32>, vector<16xi32>], vector<16xf32>,
          %scatter3A_623 = arith.constant 1 : i32
          %scatter3A_624 = arith.constant 0 : i32
          %scatter3A_625 = arith.constant 0 : i32
          %scatter3A_626 = arith.constant 0 : i32
          %scatter3A_627 = tpu.memref_slice %arg7[%scatter3A_623, %scatter3A_624, %scatter3A_625, %scatter3A_626] : memref<2x2x128x16xf32, #tpu.memory_space<vmem>> -> memref<1x2x128x16xf32, #tpu.memory_space<vmem>>
          %scatter3A_628 = tpu.memref_squeeze %scatter3A_627 : memref<1x2x128x16xf32, #tpu.memory_space<vmem>> -> memref<2x128x16xf32, #tpu.memory_space<vmem>>
          tpu.vector_store_idx %scatter3A_628[%broadcast_in_dim3A_349, %add3A_422, %iota3A], %gather3A_525 : memref<2x128x16xf32, #tpu.memory_space<vmem>>[vector<16xi32>, vector<16xi32>, vector<16xi32>], vector<16xf32>,
          %scatter3A_629 = arith.constant 1 : i32
          %scatter3A_630 = arith.constant 0 : i32
          %scatter3A_631 = arith.constant 0 : i32
          %scatter3A_632 = arith.constant 0 : i32
          %scatter3A_633 = tpu.memref_slice %arg7[%scatter3A_629, %scatter3A_630, %scatter3A_631, %scatter3A_632] : memref<2x2x128x16xf32, #tpu.memory_space<vmem>> -> memref<1x2x128x16xf32, #tpu.memory_space<vmem>>
          %scatter3A_634 = tpu.memref_squeeze %scatter3A_633 : memref<1x2x128x16xf32, #tpu.memory_space<vmem>> -> memref<2x128x16xf32, #tpu.memory_space<vmem>>
          tpu.vector_store_idx %scatter3A_634[%broadcast_in_dim3A_349, %add3A_424, %iota3A], %gather3A_533 : memref<2x128x16xf32, #tpu.memory_space<vmem>>[vector<16xi32>, vector<16xi32>, vector<16xi32>], vector<16xf32>,
          %scatter3A_635 = arith.constant 1 : i32
          %scatter3A_636 = arith.constant 0 : i32
          %scatter3A_637 = arith.constant 0 : i32
          %scatter3A_638 = arith.constant 0 : i32
          %scatter3A_639 = tpu.memref_slice %arg7[%scatter3A_635, %scatter3A_636, %scatter3A_637, %scatter3A_638] : memref<2x2x128x16xf32, #tpu.memory_space<vmem>> -> memref<1x2x128x16xf32, #tpu.memory_space<vmem>>
          %scatter3A_640 = tpu.memref_squeeze %scatter3A_639 : memref<1x2x128x16xf32, #tpu.memory_space<vmem>> -> memref<2x128x16xf32, #tpu.memory_space<vmem>>
          tpu.vector_store_idx %scatter3A_640[%broadcast_in_dim3A_349, %add3A_426, %iota3A], %gather3A_541 : memref<2x128x16xf32, #tpu.memory_space<vmem>>[vector<16xi32>, vector<16xi32>, vector<16xi32>], vector<16xf32>,
          %scatter3A_641 = arith.constant 1 : i32
          %scatter3A_642 = arith.constant 0 : i32
          %scatter3A_643 = arith.constant 0 : i32
          %scatter3A_644 = arith.constant 0 : i32
          %scatter3A_645 = tpu.memref_slice %arg7[%scatter3A_641, %scatter3A_642, %scatter3A_643, %scatter3A_644] : memref<2x2x128x16xf32, #tpu.memory_space<vmem>> -> memref<1x2x128x16xf32, #tpu.memory_space<vmem>>
          %scatter3A_646 = tpu.memref_squeeze %scatter3A_645 : memref<1x2x128x16xf32, #tpu.memory_space<vmem>> -> memref<2x128x16xf32, #tpu.memory_space<vmem>>
          tpu.vector_store_idx %scatter3A_646[%broadcast_in_dim3A_349, %add3A_428, %iota3A], %gather3A_549 : memref<2x128x16xf32, #tpu.memory_space<vmem>>[vector<16xi32>, vector<16xi32>, vector<16xi32>], vector<16xf32>,
          %scatter3A_647 = arith.constant 1 : i32
          %scatter3A_648 = arith.constant 0 : i32
          %scatter3A_649 = arith.constant 0 : i32
          %scatter3A_650 = arith.constant 0 : i32
          %scatter3A_651 = tpu.memref_slice %arg7[%scatter3A_647, %scatter3A_648, %scatter3A_649, %scatter3A_650] : memref<2x2x128x16xf32, #tpu.memory_space<vmem>> -> memref<1x2x128x16xf32, #tpu.memory_space<vmem>>
          %scatter3A_652 = tpu.memref_squeeze %scatter3A_651 : memref<1x2x128x16xf32, #tpu.memory_space<vmem>> -> memref<2x128x16xf32, #tpu.memory_space<vmem>>
          tpu.vector_store_idx %scatter3A_652[%broadcast_in_dim3A_349, %add3A_430, %iota3A], %gather3A_557 : memref<2x128x16xf32, #tpu.memory_space<vmem>>[vector<16xi32>, vector<16xi32>, vector<16xi32>], vector<16xf32>,
        }
        %scan3A_354 = arith.constant 8 : i32
        %jit3A_355 = arith.constant 4 : i32
        %eq3A_356 = arith.constant 0 : i32
        %eq3A_357 = arith.cmpi eq, %jit3A_355, %eq3A_356 : i32
        %jit3A_358 = arith.constant 1 : i32
        %select_n3A_359 = arith.select %eq3A_357, %jit3A_358, %jit3A_355 : i32
        %rem3A_360 = arith.remsi %add3A_267, %select_n3A_359 : i32
        %ne3A_361 = arith.constant 0 : i32
        %ne3A_362 = arith.cmpi ne, %rem3A_360, %ne3A_361 : i32
        %lt3A_363 = arith.constant 0 : i32
        %lt3A_364 = arith.cmpi slt, %rem3A_360, %lt3A_363 : i32
        %lt3A_365 = arith.constant 0 : i32
        %lt3A_366 = arith.cmpi slt, %select_n3A_359, %lt3A_365 : i32
        %ne3A_367 = arith.xori %lt3A_364, %lt3A_366 : i1
        %and3A_368 = arith.andi %ne3A_367, %ne3A_362 : i1
        %add3A_369 = arith.addi %rem3A_360, %select_n3A_359 : i32
        %select_n3A_370 = arith.select %and3A_368, %add3A_369, %rem3A_360 : i32
        %dma_start3A_371 = arith.constant 1 : i32
        %dma_start3A_372 = arith.constant 1 : i32
        %dma_start3A_373 = arith.constant 1 : i32
        %dma_start3A_374 = arith.constant 0 : i32
        %dma_start3A_375 = arith.constant 0 : i32
        %dma_start3A_376 = tpu.memref_slice %arg7[%dma_start3A_371, %dma_start3A_372, %dma_start3A_374, %dma_start3A_375] : memref<2x2x128x16xf32, #tpu.memory_space<vmem>> -> memref<1x1x128x16xf32, #tpu.memory_space<vmem>>
        %dma_start3A_377 = tpu.memref_squeeze %dma_start3A_376 : memref<1x1x128x16xf32, #tpu.memory_space<vmem>> -> memref<128x16xf32, #tpu.memory_space<vmem>>
        %dma_start3A_378 = arith.constant 0 : i32
        %dma_start3A_379 = tpu.memref_slice %arg8[%select_n3A_370, %dma_start3A_373, %dma_start3A_378] : memref<4x2x128xi32, #tpu.memory_space<vmem>> -> memref<1x1x128xi32, #tpu.memory_space<vmem>>
        %dma_start3A_380 = tpu.memref_squeeze %dma_start3A_379 : memref<1x1x128xi32, #tpu.memory_space<vmem>> -> memref<128xi32, #tpu.memory_space<vmem>>
        %dma_start3A_381 = arith.constant 0 : i32
        %dma_start3A_382 = arith.constant 0 : i32
        %dma_start3A_383 = tpu.memref_slice %arg5[%dma_start3A_381, %dma_start3A_382] : memref<100000x16xf32, #tpu.memory_space<vmem_shared>> -> memref<100000x16xf32, #tpu.memory_space<vmem_shared>>
        tpu.enqueue_indirect_dma source(%dma_start3A_377 : memref<128x16xf32, #tpu.memory_space<vmem>>) target(%dma_start3A_383 : memref<100000x16xf32, #tpu.memory_space<vmem_shared>>) offsets(%dma_start3A_380 : memref<128xi32, #tpu.memory_space<vmem>>) semaphore(%arg13 : memref<!tpu.dma_semaphore, #tpu.memory_space<semaphore_mem>>) {add = true}
        %add3A_384 = arith.constant 2 : i32
        %add3A_385 = arith.addi %add3A_267, %add3A_384 : i32
        %mul3A_386 = arith.constant 32 : i32
        %mul3A_387 = arith.muli %mul3A_386, %add3A_385 : i32
        %add3A_388 = arith.addi %add3A, %mul3A_387 : i32
        %lt3A_389 = arith.constant 12500 : i32
        %lt3A_390 = arith.cmpi slt, %add3A_388, %lt3A_389 : i32
        %convert_element_type3A_391 = arith.extui %lt3A_390 : i1 to i32
        %cond3A_392 = arith.constant 0 : i32
        %cond3A_393 = arith.cmpi ne, %convert_element_type3A_391, %cond3A_392 : i32
        scf.if %cond3A_393 {
          %mul3A_394 = arith.constant 2 : i32
          %mul3A_395 = arith.muli %add3A_388, %mul3A_394 : i32
          %dma_start3A_396 = arith.constant 1 : i32
          %dma_start3A_397 = arith.constant 0 : i32
          %dma_start3A_398 = arith.constant 0 : i32
          %dma_start3A_399 = arith.constant 0 : i32
          %dma_start3A_400 = arith.constant 0 : i32
          %dma_start3A_401 = tpu.memref_slice %arg6[%dma_start3A_396, %dma_start3A_397, %dma_start3A_398, %dma_start3A_399, %dma_start3A_400] : memref<2x2x2x8x128xf32, #tpu.memory_space<vmem>> -> memref<1x2x2x8x128xf32, #tpu.memory_space<vmem>>
          %dma_start3A_402 = tpu.memref_squeeze %dma_start3A_401 : memref<1x2x2x8x128xf32, #tpu.memory_space<vmem>> -> memref<2x2x8x128xf32, #tpu.memory_space<vmem>>
          %dma_start3A_403 = arith.constant 0 : i32
          %dma_start3A_404 = arith.constant 0 : i32
          %dma_start3A_405 = arith.constant 0 : i32
          %dma_start3A_406 = tpu.memref_slice %arg2[%dma_start3A_403, %mul3A_395, %dma_start3A_404, %dma_start3A_405] : memref<2x25000x8x128xf32, #tpu.memory_space<hbm>> -> memref<2x2x8x128xf32, #tpu.memory_space<hbm>>
          %dma_start3A_407 = arith.constant 0 : i32
          %dma_start3A_408 = arith.constant 0 : i32
          %dma_start3A_409 = arith.constant 0 : i32
          %dma_start3A_410 = arith.constant 0 : i32
          %dma_start3A_411 = tpu.memref_slice %arg6[%dma_start3A_396, %dma_start3A_407, %dma_start3A_408, %dma_start3A_409, %dma_start3A_410] : memref<2x2x2x8x128xf32, #tpu.memory_space<vmem>> -> memref<1x2x2x8x128xf32, #tpu.memory_space<vmem>>
          %dma_start3A_412 = tpu.memref_squeeze %dma_start3A_411 : memref<1x2x2x8x128xf32, #tpu.memory_space<vmem>> -> memref<2x2x8x128xf32, #tpu.memory_space<vmem>>
          %dma_start3A_413 = arith.constant 0 : i32
          %dma_start3A_414 = arith.constant 0 : i32
          %dma_start3A_415 = arith.constant 0 : i32
          %dma_start3A_416 = tpu.memref_slice %arg2[%dma_start3A_413, %mul3A_395, %dma_start3A_414, %dma_start3A_415] : memref<2x25000x8x128xf32, #tpu.memory_space<hbm>> -> memref<2x2x8x128xf32, #tpu.memory_space<hbm>>
          tpu.enqueue_dma source(%dma_start3A_416 : memref<2x2x8x128xf32, #tpu.memory_space<hbm>>) target(%dma_start3A_412 : memref<2x2x8x128xf32, #tpu.memory_space<vmem>>) target_semaphore(%arg11 : memref<!tpu.dma_semaphore, #tpu.memory_space<semaphore_mem>>)
          %mul3A_417 = arith.constant 2 : i32
          %mul3A_418 = arith.muli %add3A_388, %mul3A_417 : i32
          %jit3A_419 = arith.constant 4 : i32
          %eq3A_420 = arith.constant 0 : i32
          %eq3A_421 = arith.cmpi eq, %jit3A_419, %eq3A_420 : i32
          %jit3A_422 = arith.constant 1 : i32
          %select_n3A_423 = arith.select %eq3A_421, %jit3A_422, %jit3A_419 : i32
          %rem3A_424 = arith.remsi %add3A_385, %select_n3A_423 : i32
          %ne3A_425 = arith.constant 0 : i32
          %ne3A_426 = arith.cmpi ne, %rem3A_424, %ne3A_425 : i32
          %lt3A_427 = arith.constant 0 : i32
          %lt3A_428 = arith.cmpi slt, %rem3A_424, %lt3A_427 : i32
          %lt3A_429 = arith.constant 0 : i32
          %lt3A_430 = arith.cmpi slt, %select_n3A_423, %lt3A_429 : i32
          %ne3A_431 = arith.xori %lt3A_428, %lt3A_430 : i1
          %and3A_432 = arith.andi %ne3A_431, %ne3A_426 : i1
          %add3A_433 = arith.addi %rem3A_424, %select_n3A_423 : i32
          %select_n3A_434 = arith.select %and3A_432, %add3A_433, %rem3A_424 : i32
          %dma_start3A_435 = arith.constant 0 : i32
          %dma_start3A_436 = arith.constant 0 : i32
          %dma_start3A_437 = tpu.memref_slice %arg8[%select_n3A_434, %dma_start3A_435, %dma_start3A_436] : memref<4x2x128xi32, #tpu.memory_space<vmem>> -> memref<1x2x128xi32, #tpu.memory_space<vmem>>
          %dma_start3A_438 = tpu.memref_squeeze %dma_start3A_437 : memref<1x2x128xi32, #tpu.memory_space<vmem>> -> memref<2x128xi32, #tpu.memory_space<vmem>>
          %dma_start3A_439 = arith.constant 0 : i32
          %dma_start3A_440 = tpu.memref_slice %arg3[%mul3A_418, %dma_start3A_439] : memref<25000x128xi32, #tpu.memory_space<hbm>> -> memref<2x128xi32, #tpu.memory_space<hbm>>
          %dma_start3A_441 = arith.constant 0 : i32
          %dma_start3A_442 = arith.constant 0 : i32
          %dma_start3A_443 = tpu.memref_slice %arg8[%select_n3A_434, %dma_start3A_441, %dma_start3A_442] : memref<4x2x128xi32, #tpu.memory_space<vmem>> -> memref<1x2x128xi32, #tpu.memory_space<vmem>>
          %dma_start3A_444 = tpu.memref_squeeze %dma_start3A_443 : memref<1x2x128xi32, #tpu.memory_space<vmem>> -> memref<2x128xi32, #tpu.memory_space<vmem>>
          %dma_start3A_445 = arith.constant 0 : i32
          %dma_start3A_446 = tpu.memref_slice %arg3[%mul3A_418, %dma_start3A_445] : memref<25000x128xi32, #tpu.memory_space<hbm>> -> memref<2x128xi32, #tpu.memory_space<hbm>>
          tpu.enqueue_dma source(%dma_start3A_446 : memref<2x128xi32, #tpu.memory_space<hbm>>) target(%dma_start3A_444 : memref<2x128xi32, #tpu.memory_space<vmem>>) target_semaphore(%arg11 : memref<!tpu.dma_semaphore, #tpu.memory_space<semaphore_mem>>)
        } else {
        }
      } else {
      }
    }
    %scan3A_134 = arith.constant 196 : i32
    %dma_wait3A = arith.constant 0 : i32
    %dma_wait3A_135 = arith.constant 0 : i32
    %dma_wait3A_136 = tpu.memref_slice %arg9[%dma_wait3A, %dma_wait3A_135] : memref<2x2048xf32, #tpu.memory_space<vmem>> -> memref<1x2048xf32, #tpu.memory_space<vmem>>
    %dma_wait3A_137 = tpu.memref_squeeze %dma_wait3A_136 : memref<1x2048xf32, #tpu.memory_space<vmem>> -> memref<2048xf32, #tpu.memory_space<vmem>>
    %dma_wait3A_138 = arith.constant 0 : i32
    %dma_wait3A_139 = tpu.memref_slice %arg4[%dma_wait3A_138] : memref<3200000xf32, #tpu.memory_space<hbm>> -> memref<2048xf32, #tpu.memory_space<hbm>>
    %dma_wait3A_140 = arith.constant 0 : i32
    %dma_wait3A_141 = tpu.memref_slice %arg9[%dma_wait3A, %dma_wait3A_140] : memref<2x2048xf32, #tpu.memory_space<vmem>> -> memref<1x2048xf32, #tpu.memory_space<vmem>>
    %dma_wait3A_142 = tpu.memref_squeeze %dma_wait3A_141 : memref<1x2048xf32, #tpu.memory_space<vmem>> -> memref<2048xf32, #tpu.memory_space<vmem>>
    %dma_wait3A_143 = arith.constant 0 : i32
    %dma_wait3A_144 = tpu.memref_slice %arg4[%dma_wait3A_143] : memref<3200000xf32, #tpu.memory_space<hbm>> -> memref<2048xf32, #tpu.memory_space<hbm>>
    tpu.wait_dma2 semaphore(%arg12 : memref<!tpu.dma_semaphore, #tpu.memory_space<semaphore_mem>>) src(%dma_wait3A_144 : memref<2048xf32, #tpu.memory_space<hbm>>) dst(%dma_wait3A_142 : memref<2048xf32, #tpu.memory_space<vmem>>)
    %dma_wait3A_145 = arith.constant 0 : i32
    %dma_wait3A_146 = arith.constant 0 : i32
    %dma_wait3A_147 = tpu.memref_slice %arg9[%dma_wait3A_145, %dma_wait3A_146] : memref<2x2048xf32, #tpu.memory_space<vmem>> -> memref<1x2048xf32, #tpu.memory_space<vmem>>
    %dma_wait3A_148 = tpu.memref_squeeze %dma_wait3A_147 : memref<1x2048xf32, #tpu.memory_space<vmem>> -> memref<2048xf32, #tpu.memory_space<vmem>>
    %dma_wait3A_149 = arith.constant 0 : i32
    %dma_wait3A_150 = tpu.memref_slice %arg4[%dma_wait3A_149] : memref<3200000xf32, #tpu.memory_space<hbm>> -> memref<2048xf32, #tpu.memory_space<hbm>>
    %dma_wait3A_151 = arith.constant 0 : i32
    %dma_wait3A_152 = tpu.memref_slice %arg9[%dma_wait3A_145, %dma_wait3A_151] : memref<2x2048xf32, #tpu.memory_space<vmem>> -> memref<1x2048xf32, #tpu.memory_space<vmem>>
    %dma_wait3A_153 = tpu.memref_squeeze %dma_wait3A_152 : memref<1x2048xf32, #tpu.memory_space<vmem>> -> memref<2048xf32, #tpu.memory_space<vmem>>
    %dma_wait3A_154 = arith.constant 0 : i32
    %dma_wait3A_155 = tpu.memref_slice %arg4[%dma_wait3A_154] : memref<3200000xf32, #tpu.memory_space<hbm>> -> memref<2048xf32, #tpu.memory_space<hbm>>
    tpu.wait_dma2 semaphore(%arg12 : memref<!tpu.dma_semaphore, #tpu.memory_space<semaphore_mem>>) src(%dma_wait3A_155 : memref<2048xf32, #tpu.memory_space<hbm>>) dst(%dma_wait3A_153 : memref<2048xf32, #tpu.memory_space<vmem>>)
    %dma_wait3A_156 = arith.constant 0 : i32
    %dma_wait3A_157 = arith.constant 0 : i32
    %dma_wait3A_158 = tpu.memref_slice %arg9[%dma_wait3A_156, %dma_wait3A_157] : memref<2x2048xf32, #tpu.memory_space<vmem>> -> memref<1x2048xf32, #tpu.memory_space<vmem>>
    %dma_wait3A_159 = tpu.memref_squeeze %dma_wait3A_158 : memref<1x2048xf32, #tpu.memory_space<vmem>> -> memref<2048xf32, #tpu.memory_space<vmem>>
    %dma_wait3A_160 = arith.constant 0 : i32
    %dma_wait3A_161 = tpu.memref_slice %arg4[%dma_wait3A_160] : memref<3200000xf32, #tpu.memory_space<hbm>> -> memref<2048xf32, #tpu.memory_space<hbm>>
    %dma_wait3A_162 = arith.constant 0 : i32
    %dma_wait3A_163 = tpu.memref_slice %arg9[%dma_wait3A_156, %dma_wait3A_162] : memref<2x2048xf32, #tpu.memory_space<vmem>> -> memref<1x2048xf32, #tpu.memory_space<vmem>>
    %dma_wait3A_164 = tpu.memref_squeeze %dma_wait3A_163 : memref<1x2048xf32, #tpu.memory_space<vmem>> -> memref<2048xf32, #tpu.memory_space<vmem>>
    %dma_wait3A_165 = arith.constant 0 : i32
    %dma_wait3A_166 = tpu.memref_slice %arg4[%dma_wait3A_165] : memref<3200000xf32, #tpu.memory_space<hbm>> -> memref<2048xf32, #tpu.memory_space<hbm>>
    tpu.wait_dma2 semaphore(%arg13 : memref<!tpu.dma_semaphore, #tpu.memory_space<semaphore_mem>>) src(%dma_wait3A_166 : memref<2048xf32, #tpu.memory_space<hbm>>) dst(%dma_wait3A_164 : memref<2048xf32, #tpu.memory_space<vmem>>)
    %dma_wait3A_167 = arith.constant 0 : i32
    %dma_wait3A_168 = arith.constant 0 : i32
    %dma_wait3A_169 = tpu.memref_slice %arg9[%dma_wait3A_167, %dma_wait3A_168] : memref<2x2048xf32, #tpu.memory_space<vmem>> -> memref<1x2048xf32, #tpu.memory_space<vmem>>
    %dma_wait3A_170 = tpu.memref_squeeze %dma_wait3A_169 : memref<1x2048xf32, #tpu.memory_space<vmem>> -> memref<2048xf32, #tpu.memory_space<vmem>>
    %dma_wait3A_171 = arith.constant 0 : i32
    %dma_wait3A_172 = tpu.memref_slice %arg4[%dma_wait3A_171] : memref<3200000xf32, #tpu.memory_space<hbm>> -> memref<2048xf32, #tpu.memory_space<hbm>>
    %dma_wait3A_173 = arith.constant 0 : i32
    %dma_wait3A_174 = tpu.memref_slice %arg9[%dma_wait3A_167, %dma_wait3A_173] : memref<2x2048xf32, #tpu.memory_space<vmem>> -> memref<1x2048xf32, #tpu.memory_space<vmem>>
    %dma_wait3A_175 = tpu.memref_squeeze %dma_wait3A_174 : memref<1x2048xf32, #tpu.memory_space<vmem>> -> memref<2048xf32, #tpu.memory_space<vmem>>
    %dma_wait3A_176 = arith.constant 0 : i32
    %dma_wait3A_177 = tpu.memref_slice %arg4[%dma_wait3A_176] : memref<3200000xf32, #tpu.memory_space<hbm>> -> memref<2048xf32, #tpu.memory_space<hbm>>
    tpu.wait_dma2 semaphore(%arg13 : memref<!tpu.dma_semaphore, #tpu.memory_space<semaphore_mem>>) src(%dma_wait3A_177 : memref<2048xf32, #tpu.memory_space<hbm>>) dst(%dma_wait3A_175 : memref<2048xf32, #tpu.memory_space<vmem>>)
    %barrier3A_178 = arith.constant 0 : index
    tpu.barrier barrier_id(%barrier3A_178)
    %mul3A_179 = arith.constant 100000 : i32
    %mul3A_180 = arith.muli %arg0, %mul3A_179 : i32
    %mul3A_181 = arith.constant 6250 : i32
    %mul3A_182 = arith.muli %arg1, %mul3A_181 : i32
    %add3A_183 = arith.addi %mul3A_180, %mul3A_182 : i32
    %mul3A_184 = arith.constant 16 : i32
    %mul3A_185 = arith.muli %add3A_183, %mul3A_184 : i32
    %scan3A_186 = arith.constant 0 : i32
    %scan3A_187 = arith.constant 24 : i32
    %scan3A_188 = arith.addi %scan3A_186, %scan3A_187 : i32
    %scan3A_189 = arith.constant 1 : i32
    scf.for %scan3A_247 = %scan3A_186 to %scan3A_188 step %scan3A_189  : i32 {
      %mul3A_248 = arith.constant 1 : i32
      %mul3A_249 = arith.muli %scan3A_247, %mul3A_248 : i32
      %add3A_250 = arith.constant 0 : i32
      %add3A_251 = arith.addi %add3A_250, %mul3A_249 : i32
      %mul3A_252 = arith.constant 2 : i32
      %mul3A_253 = arith.muli %mul3A_252, %add3A_251 : i32
      %add3A_254 = arith.constant 0 : i32
      %add3A_255 = arith.addi %mul3A_253, %add3A_254 : i32
      %mul3A_256 = arith.constant 6250 : i32
      %mul3A_257 = arith.muli %arg1, %mul3A_256 : i32
      %mul3A_258 = arith.constant 128 : i32
      %mul3A_259 = arith.muli %add3A_255, %mul3A_258 : i32
      %add3A_260 = arith.addi %mul3A_257, %mul3A_259 : i32
      %run_scoped3A_261 = arith.constant 0 : i32
      %run_scoped3A_262 = arith.constant 0 : i32
      "tpu.region"() ({
        %run_scoped3A_325 = tpu.sem_alloc : memref<!tpu.dma_semaphore, #tpu.memory_space<semaphore_mem>>
        %dma_start3A_326 = arith.constant 0 : i32
        %dma_start3A_327 = arith.constant 0 : i32
        %dma_start3A_328 = tpu.memref_slice %arg7[%run_scoped3A_261, %run_scoped3A_262, %dma_start3A_326, %dma_start3A_327] : memref<2x2x128x16xf32, #tpu.memory_space<vmem>> -> memref<1x1x128x16xf32, #tpu.memory_space<vmem>>
        %dma_start3A_329 = tpu.memref_squeeze %dma_start3A_328 : memref<1x1x128x16xf32, #tpu.memory_space<vmem>> -> memref<128x16xf32, #tpu.memory_space<vmem>>
        %dma_start3A_330 = arith.constant 0 : i32
        %dma_start3A_331 = tpu.memref_slice %arg5[%add3A_260, %dma_start3A_330] : memref<100000x16xf32, #tpu.memory_space<vmem_shared>> -> memref<128x16xf32, #tpu.memory_space<vmem_shared>>
        %dma_start3A_332 = arith.constant 0 : i32
        %dma_start3A_333 = arith.constant 0 : i32
        %dma_start3A_334 = tpu.memref_slice %arg7[%run_scoped3A_261, %run_scoped3A_262, %dma_start3A_332, %dma_start3A_333] : memref<2x2x128x16xf32, #tpu.memory_space<vmem>> -> memref<1x1x128x16xf32, #tpu.memory_space<vmem>>
        %dma_start3A_335 = tpu.memref_squeeze %dma_start3A_334 : memref<1x1x128x16xf32, #tpu.memory_space<vmem>> -> memref<128x16xf32, #tpu.memory_space<vmem>>
        %dma_start3A_336 = arith.constant 0 : i32
        %dma_start3A_337 = tpu.memref_slice %arg5[%add3A_260, %dma_start3A_336] : memref<100000x16xf32, #tpu.memory_space<vmem_shared>> -> memref<128x16xf32, #tpu.memory_space<vmem_shared>>
        tpu.enqueue_dma source(%dma_start3A_337 : memref<128x16xf32, #tpu.memory_space<vmem_shared>>) target(%dma_start3A_335 : memref<128x16xf32, #tpu.memory_space<vmem>>) target_semaphore(%run_scoped3A_325 : memref<!tpu.dma_semaphore, #tpu.memory_space<semaphore_mem>>)
        %dma_wait3A_338 = arith.constant 0 : i32
        %dma_wait3A_339 = arith.constant 0 : i32
        %dma_wait3A_340 = tpu.memref_slice %arg7[%run_scoped3A_261, %run_scoped3A_262, %dma_wait3A_338, %dma_wait3A_339] : memref<2x2x128x16xf32, #tpu.memory_space<vmem>> -> memref<1x1x128x16xf32, #tpu.memory_space<vmem>>
        %dma_wait3A_341 = tpu.memref_squeeze %dma_wait3A_340 : memref<1x1x128x16xf32, #tpu.memory_space<vmem>> -> memref<128x16xf32, #tpu.memory_space<vmem>>
        %dma_wait3A_342 = arith.constant 0 : i32
        %dma_wait3A_343 = tpu.memref_slice %arg5[%add3A_260, %dma_wait3A_342] : memref<100000x16xf32, #tpu.memory_space<vmem_shared>> -> memref<128x16xf32, #tpu.memory_space<vmem_shared>>
        %dma_wait3A_344 = arith.constant 0 : i32
        %dma_wait3A_345 = arith.constant 0 : i32
        %dma_wait3A_346 = tpu.memref_slice %arg7[%run_scoped3A_261, %run_scoped3A_262, %dma_wait3A_344, %dma_wait3A_345] : memref<2x2x128x16xf32, #tpu.memory_space<vmem>> -> memref<1x1x128x16xf32, #tpu.memory_space<vmem>>
        %dma_wait3A_347 = tpu.memref_squeeze %dma_wait3A_346 : memref<1x1x128x16xf32, #tpu.memory_space<vmem>> -> memref<128x16xf32, #tpu.memory_space<vmem>>
        %dma_wait3A_348 = arith.constant 0 : i32
        %dma_wait3A_349 = tpu.memref_slice %arg5[%add3A_260, %dma_wait3A_348] : memref<100000x16xf32, #tpu.memory_space<vmem_shared>> -> memref<128x16xf32, #tpu.memory_space<vmem_shared>>
        tpu.wait_dma2 semaphore(%run_scoped3A_325 : memref<!tpu.dma_semaphore, #tpu.memory_space<semaphore_mem>>) src(%dma_wait3A_349 : memref<128x16xf32, #tpu.memory_space<vmem_shared>>) dst(%dma_wait3A_347 : memref<128x16xf32, #tpu.memory_space<vmem>>)
        tpu.yield
      }) : () -> ()
      %ge3A = arith.constant 1 : i32
      %ge3A_263 = arith.cmpi sge, %add3A_251, %ge3A : i32
      %convert_element_type3A_264 = arith.extui %ge3A_263 : i1 to i32
      %cond3A_265 = arith.constant 0 : i32
      %cond3A_266 = arith.cmpi ne, %convert_element_type3A_264, %cond3A_265 : i32
      scf.if %cond3A_266 {
        %dma_wait3A_325 = arith.constant 0 : i32
        %dma_wait3A_326 = arith.constant 0 : i32
        %dma_wait3A_327 = tpu.memref_slice %arg9[%dma_wait3A_325, %dma_wait3A_326] : memref<2x2048xf32, #tpu.memory_space<vmem>> -> memref<1x2048xf32, #tpu.memory_space<vmem>>
        %dma_wait3A_328 = tpu.memref_squeeze %dma_wait3A_327 : memref<1x2048xf32, #tpu.memory_space<vmem>> -> memref<2048xf32, #tpu.memory_space<vmem>>
        %dma_wait3A_329 = arith.constant 0 : i32
        %dma_wait3A_330 = tpu.memref_slice %arg4[%dma_wait3A_329] : memref<3200000xf32, #tpu.memory_space<hbm>> -> memref<2048xf32, #tpu.memory_space<hbm>>
        %dma_wait3A_331 = arith.constant 0 : i32
        %dma_wait3A_332 = tpu.memref_slice %arg4[%dma_wait3A_331] : memref<3200000xf32, #tpu.memory_space<hbm>> -> memref<2048xf32, #tpu.memory_space<hbm>>
        %dma_wait3A_333 = arith.constant 0 : i32
        %dma_wait3A_334 = tpu.memref_slice %arg9[%dma_wait3A_325, %dma_wait3A_333] : memref<2x2048xf32, #tpu.memory_space<vmem>> -> memref<1x2048xf32, #tpu.memory_space<vmem>>
        %dma_wait3A_335 = tpu.memref_squeeze %dma_wait3A_334 : memref<1x2048xf32, #tpu.memory_space<vmem>> -> memref<2048xf32, #tpu.memory_space<vmem>>
        tpu.wait_dma2 semaphore(%arg12 : memref<!tpu.dma_semaphore, #tpu.memory_space<semaphore_mem>>) src(%dma_wait3A_335 : memref<2048xf32, #tpu.memory_space<vmem>>) dst(%dma_wait3A_332 : memref<2048xf32, #tpu.memory_space<hbm>>)
      } else {
      }
      %scan3A_267 = arith.constant 0 : i32
      %scan3A_268 = arith.constant 0 : i32
      %scan3A_269 = arith.constant 0 : i32
      %scan3A_270 = arith.constant 128 : i32
      %scan3A_271 = arith.addi %scan3A_269, %scan3A_270 : i32
      %scan3A_272 = arith.constant 1 : i32
      scf.for %scan3A_325 = %scan3A_269 to %scan3A_271 step %scan3A_272  : i32 {
        %mul3A_326 = arith.constant 1 : i32
        %mul3A_327 = arith.muli %scan3A_325, %mul3A_326 : i32
        %add3A_328 = arith.constant 0 : i32
        %add3A_329 = arith.addi %add3A_328, %mul3A_327 : i32
        %get3A = arith.constant 0 : i32
        %get3A_330 = arith.constant 0 : i32
        %get3A_331 = tpu.memref_slice %arg7[%scan3A_267, %scan3A_268, %get3A, %get3A_330] : memref<2x2x128x16xf32, #tpu.memory_space<vmem>> -> memref<1x1x128x16xf32, #tpu.memory_space<vmem>>
        %get3A_332 = tpu.memref_squeeze %get3A_331 : memref<1x1x128x16xf32, #tpu.memory_space<vmem>> -> memref<128x16xf32, #tpu.memory_space<vmem>>
        %get3A_333 = arith.index_cast %add3A_329 : i32 to index
        %get3A_334 = arith.constant 0 : index
        %get3A_335 = tpu.vector_load %get3A_332[%get3A_333, %get3A_334] {strides = array<i32>} : memref<128x16xf32, #tpu.memory_space<vmem>>, vector<16xf32>,
        %mul3A_336 = arith.constant 16 : i32
        %mul3A_337 = arith.muli %add3A_329, %mul3A_336 : i32
        %swap3A = arith.constant 0 : i32
        %swap3A_338 = arith.index_cast %swap3A : i32 to index
        %swap3A_339 = arith.index_cast %mul3A_337 : i32 to index
        %swap3A_340 = tpu.vector_load %arg9[%swap3A_338, %swap3A_339] {strides = array<i32>} : memref<2x2048xf32, #tpu.memory_space<vmem>>, vector<16xf32>,
        tpu.vector_store %arg9[%swap3A_338, %swap3A_339], %get3A_335 {strides = array<i32>} : memref<2x2048xf32, #tpu.memory_space<vmem>>, vector<16xf32>,
      }
      %scan3A_273 = arith.constant 128 : i32
      %mul3A_274 = arith.constant 128 : i32
      %mul3A_275 = arith.muli %add3A_255, %mul3A_274 : i32
      %mul3A_276 = arith.constant 16 : i32
      %mul3A_277 = arith.muli %mul3A_275, %mul3A_276 : i32
      %add3A_278 = arith.addi %mul3A_185, %mul3A_277 : i32
      %dma_start3A_279 = arith.constant 0 : i32
      %dma_start3A_280 = arith.constant 0 : i32
      %dma_start3A_281 = tpu.memref_slice %arg9[%dma_start3A_279, %dma_start3A_280] : memref<2x2048xf32, #tpu.memory_space<vmem>> -> memref<1x2048xf32, #tpu.memory_space<vmem>>
      %dma_start3A_282 = tpu.memref_squeeze %dma_start3A_281 : memref<1x2048xf32, #tpu.memory_space<vmem>> -> memref<2048xf32, #tpu.memory_space<vmem>>
      %dma_start3A_283 = tpu.memref_slice %arg4[%add3A_278] : memref<3200000xf32, #tpu.memory_space<hbm>> -> memref<2048xf32, #tpu.memory_space<hbm>>
      %dma_start3A_284 = tpu.memref_slice %arg4[%add3A_278] : memref<3200000xf32, #tpu.memory_space<hbm>> -> memref<2048xf32, #tpu.memory_space<hbm>>
      %dma_start3A_285 = arith.constant 0 : i32
      %dma_start3A_286 = tpu.memref_slice %arg9[%dma_start3A_279, %dma_start3A_285] : memref<2x2048xf32, #tpu.memory_space<vmem>> -> memref<1x2048xf32, #tpu.memory_space<vmem>>
      %dma_start3A_287 = tpu.memref_squeeze %dma_start3A_286 : memref<1x2048xf32, #tpu.memory_space<vmem>> -> memref<2048xf32, #tpu.memory_space<vmem>>
      tpu.enqueue_dma source(%dma_start3A_287 : memref<2048xf32, #tpu.memory_space<vmem>>) target(%dma_start3A_284 : memref<2048xf32, #tpu.memory_space<hbm>>) target_semaphore(%arg12 : memref<!tpu.dma_semaphore, #tpu.memory_space<semaphore_mem>>)
      %mul3A_288 = arith.constant 2 : i32
      %mul3A_289 = arith.muli %mul3A_288, %add3A_251 : i32
      %add3A_290 = arith.constant 1 : i32
      %add3A_291 = arith.addi %mul3A_289, %add3A_290 : i32
      %mul3A_292 = arith.constant 6250 : i32
      %mul3A_293 = arith.muli %arg1, %mul3A_292 : i32
      %mul3A_294 = arith.constant 128 : i32
      %mul3A_295 = arith.muli %add3A_291, %mul3A_294 : i32
      %add3A_296 = arith.addi %mul3A_293, %mul3A_295 : i32
      %run_scoped3A_297 = arith.constant 1 : i32
      %run_scoped3A_298 = arith.constant 0 : i32
      "tpu.region"() ({
        %run_scoped3A_325 = tpu.sem_alloc : memref<!tpu.dma_semaphore, #tpu.memory_space<semaphore_mem>>
        %dma_start3A_326 = arith.constant 0 : i32
        %dma_start3A_327 = arith.constant 0 : i32
        %dma_start3A_328 = tpu.memref_slice %arg7[%run_scoped3A_297, %run_scoped3A_298, %dma_start3A_326, %dma_start3A_327] : memref<2x2x128x16xf32, #tpu.memory_space<vmem>> -> memref<1x1x128x16xf32, #tpu.memory_space<vmem>>
        %dma_start3A_329 = tpu.memref_squeeze %dma_start3A_328 : memref<1x1x128x16xf32, #tpu.memory_space<vmem>> -> memref<128x16xf32, #tpu.memory_space<vmem>>
        %dma_start3A_330 = arith.constant 0 : i32
        %dma_start3A_331 = tpu.memref_slice %arg5[%add3A_296, %dma_start3A_330] : memref<100000x16xf32, #tpu.memory_space<vmem_shared>> -> memref<128x16xf32, #tpu.memory_space<vmem_shared>>
        %dma_start3A_332 = arith.constant 0 : i32
        %dma_start3A_333 = arith.constant 0 : i32
        %dma_start3A_334 = tpu.memref_slice %arg7[%run_scoped3A_297, %run_scoped3A_298, %dma_start3A_332, %dma_start3A_333] : memref<2x2x128x16xf32, #tpu.memory_space<vmem>> -> memref<1x1x128x16xf32, #tpu.memory_space<vmem>>
        %dma_start3A_335 = tpu.memref_squeeze %dma_start3A_334 : memref<1x1x128x16xf32, #tpu.memory_space<vmem>> -> memref<128x16xf32, #tpu.memory_space<vmem>>
        %dma_start3A_336 = arith.constant 0 : i32
        %dma_start3A_337 = tpu.memref_slice %arg5[%add3A_296, %dma_start3A_336] : memref<100000x16xf32, #tpu.memory_space<vmem_shared>> -> memref<128x16xf32, #tpu.memory_space<vmem_shared>>
        tpu.enqueue_dma source(%dma_start3A_337 : memref<128x16xf32, #tpu.memory_space<vmem_shared>>) target(%dma_start3A_335 : memref<128x16xf32, #tpu.memory_space<vmem>>) target_semaphore(%run_scoped3A_325 : memref<!tpu.dma_semaphore, #tpu.memory_space<semaphore_mem>>)
        %dma_wait3A_338 = arith.constant 0 : i32
        %dma_wait3A_339 = arith.constant 0 : i32
        %dma_wait3A_340 = tpu.memref_slice %arg7[%run_scoped3A_297, %run_scoped3A_298, %dma_wait3A_338, %dma_wait3A_339] : memref<2x2x128x16xf32, #tpu.memory_space<vmem>> -> memref<1x1x128x16xf32, #tpu.memory_space<vmem>>
        %dma_wait3A_341 = tpu.memref_squeeze %dma_wait3A_340 : memref<1x1x128x16xf32, #tpu.memory_space<vmem>> -> memref<128x16xf32, #tpu.memory_space<vmem>>
        %dma_wait3A_342 = arith.constant 0 : i32
        %dma_wait3A_343 = tpu.memref_slice %arg5[%add3A_296, %dma_wait3A_342] : memref<100000x16xf32, #tpu.memory_space<vmem_shared>> -> memref<128x16xf32, #tpu.memory_space<vmem_shared>>
        %dma_wait3A_344 = arith.constant 0 : i32
        %dma_wait3A_345 = arith.constant 0 : i32
        %dma_wait3A_346 = tpu.memref_slice %arg7[%run_scoped3A_297, %run_scoped3A_298, %dma_wait3A_344, %dma_wait3A_345] : memref<2x2x128x16xf32, #tpu.memory_space<vmem>> -> memref<1x1x128x16xf32, #tpu.memory_space<vmem>>
        %dma_wait3A_347 = tpu.memref_squeeze %dma_wait3A_346 : memref<1x1x128x16xf32, #tpu.memory_space<vmem>> -> memref<128x16xf32, #tpu.memory_space<vmem>>
        %dma_wait3A_348 = arith.constant 0 : i32
        %dma_wait3A_349 = tpu.memref_slice %arg5[%add3A_296, %dma_wait3A_348] : memref<100000x16xf32, #tpu.memory_space<vmem_shared>> -> memref<128x16xf32, #tpu.memory_space<vmem_shared>>
        tpu.wait_dma2 semaphore(%run_scoped3A_325 : memref<!tpu.dma_semaphore, #tpu.memory_space<semaphore_mem>>) src(%dma_wait3A_349 : memref<128x16xf32, #tpu.memory_space<vmem_shared>>) dst(%dma_wait3A_347 : memref<128x16xf32, #tpu.memory_space<vmem>>)
        tpu.yield
      }) : () -> ()
      %ge3A_299 = arith.constant 1 : i32
      %ge3A_300 = arith.cmpi sge, %add3A_251, %ge3A_299 : i32
      %convert_element_type3A_301 = arith.extui %ge3A_300 : i1 to i32
      %cond3A_302 = arith.constant 0 : i32
      %cond3A_303 = arith.cmpi ne, %convert_element_type3A_301, %cond3A_302 : i32
      scf.if %cond3A_303 {
        %dma_wait3A_325 = arith.constant 1 : i32
        %dma_wait3A_326 = arith.constant 0 : i32
        %dma_wait3A_327 = tpu.memref_slice %arg9[%dma_wait3A_325, %dma_wait3A_326] : memref<2x2048xf32, #tpu.memory_space<vmem>> -> memref<1x2048xf32, #tpu.memory_space<vmem>>
        %dma_wait3A_328 = tpu.memref_squeeze %dma_wait3A_327 : memref<1x2048xf32, #tpu.memory_space<vmem>> -> memref<2048xf32, #tpu.memory_space<vmem>>
        %dma_wait3A_329 = arith.constant 0 : i32
        %dma_wait3A_330 = tpu.memref_slice %arg4[%dma_wait3A_329] : memref<3200000xf32, #tpu.memory_space<hbm>> -> memref<2048xf32, #tpu.memory_space<hbm>>
        %dma_wait3A_331 = arith.constant 0 : i32
        %dma_wait3A_332 = tpu.memref_slice %arg4[%dma_wait3A_331] : memref<3200000xf32, #tpu.memory_space<hbm>> -> memref<2048xf32, #tpu.memory_space<hbm>>
        %dma_wait3A_333 = arith.constant 0 : i32
        %dma_wait3A_334 = tpu.memref_slice %arg9[%dma_wait3A_325, %dma_wait3A_333] : memref<2x2048xf32, #tpu.memory_space<vmem>> -> memref<1x2048xf32, #tpu.memory_space<vmem>>
        %dma_wait3A_335 = tpu.memref_squeeze %dma_wait3A_334 : memref<1x2048xf32, #tpu.memory_space<vmem>> -> memref<2048xf32, #tpu.memory_space<vmem>>
        tpu.wait_dma2 semaphore(%arg13 : memref<!tpu.dma_semaphore, #tpu.memory_space<semaphore_mem>>) src(%dma_wait3A_335 : memref<2048xf32, #tpu.memory_space<vmem>>) dst(%dma_wait3A_332 : memref<2048xf32, #tpu.memory_space<hbm>>)
      } else {
      }
      %scan3A_304 = arith.constant 1 : i32
      %scan3A_305 = arith.constant 0 : i32
      %scan3A_306 = arith.constant 0 : i32
      %scan3A_307 = arith.constant 128 : i32
      %scan3A_308 = arith.addi %scan3A_306, %scan3A_307 : i32
      %scan3A_309 = arith.constant 1 : i32
      scf.for %scan3A_325 = %scan3A_306 to %scan3A_308 step %scan3A_309  : i32 {
        %mul3A_326 = arith.constant 1 : i32
        %mul3A_327 = arith.muli %scan3A_325, %mul3A_326 : i32
        %add3A_328 = arith.constant 0 : i32
        %add3A_329 = arith.addi %add3A_328, %mul3A_327 : i32
        %get3A = arith.constant 0 : i32
        %get3A_330 = arith.constant 0 : i32
        %get3A_331 = tpu.memref_slice %arg7[%scan3A_304, %scan3A_305, %get3A, %get3A_330] : memref<2x2x128x16xf32, #tpu.memory_space<vmem>> -> memref<1x1x128x16xf32, #tpu.memory_space<vmem>>
        %get3A_332 = tpu.memref_squeeze %get3A_331 : memref<1x1x128x16xf32, #tpu.memory_space<vmem>> -> memref<128x16xf32, #tpu.memory_space<vmem>>
        %get3A_333 = arith.index_cast %add3A_329 : i32 to index
        %get3A_334 = arith.constant 0 : index
        %get3A_335 = tpu.vector_load %get3A_332[%get3A_333, %get3A_334] {strides = array<i32>} : memref<128x16xf32, #tpu.memory_space<vmem>>, vector<16xf32>,
        %mul3A_336 = arith.constant 16 : i32
        %mul3A_337 = arith.muli %add3A_329, %mul3A_336 : i32
        %swap3A = arith.constant 1 : i32
        %swap3A_338 = arith.index_cast %swap3A : i32 to index
        %swap3A_339 = arith.index_cast %mul3A_337 : i32 to index
        %swap3A_340 = tpu.vector_load %arg9[%swap3A_338, %swap3A_339] {strides = array<i32>} : memref<2x2048xf32, #tpu.memory_space<vmem>>, vector<16xf32>,
        tpu.vector_store %arg9[%swap3A_338, %swap3A_339], %get3A_335 {strides = array<i32>} : memref<2x2048xf32, #tpu.memory_space<vmem>>, vector<16xf32>,
      }
      %scan3A_310 = arith.constant 128 : i32
      %mul3A_311 = arith.constant 128 : i32
      %mul3A_312 = arith.muli %add3A_291, %mul3A_311 : i32
      %mul3A_313 = arith.constant 16 : i32
      %mul3A_314 = arith.muli %mul3A_312, %mul3A_313 : i32
      %add3A_315 = arith.addi %mul3A_185, %mul3A_314 : i32
      %dma_start3A_316 = arith.constant 1 : i32
      %dma_start3A_317 = arith.constant 0 : i32
      %dma_start3A_318 = tpu.memref_slice %arg9[%dma_start3A_316, %dma_start3A_317] : memref<2x2048xf32, #tpu.memory_space<vmem>> -> memref<1x2048xf32, #tpu.memory_space<vmem>>
      %dma_start3A_319 = tpu.memref_squeeze %dma_start3A_318 : memref<1x2048xf32, #tpu.memory_space<vmem>> -> memref<2048xf32, #tpu.memory_space<vmem>>
      %dma_start3A_320 = tpu.memref_slice %arg4[%add3A_315] : memref<3200000xf32, #tpu.memory_space<hbm>> -> memref<2048xf32, #tpu.memory_space<hbm>>
      %dma_start3A_321 = tpu.memref_slice %arg4[%add3A_315] : memref<3200000xf32, #tpu.memory_space<hbm>> -> memref<2048xf32, #tpu.memory_space<hbm>>
      %dma_start3A_322 = arith.constant 0 : i32
      %dma_start3A_323 = tpu.memref_slice %arg9[%dma_start3A_316, %dma_start3A_322] : memref<2x2048xf32, #tpu.memory_space<vmem>> -> memref<1x2048xf32, #tpu.memory_space<vmem>>
      %dma_start3A_324 = tpu.memref_squeeze %dma_start3A_323 : memref<1x2048xf32, #tpu.memory_space<vmem>> -> memref<2048xf32, #tpu.memory_space<vmem>>
      tpu.enqueue_dma source(%dma_start3A_324 : memref<2048xf32, #tpu.memory_space<vmem>>) target(%dma_start3A_321 : memref<2048xf32, #tpu.memory_space<hbm>>) target_semaphore(%arg13 : memref<!tpu.dma_semaphore, #tpu.memory_space<semaphore_mem>>)
    }
    %scan3A_190 = arith.constant 24 : i32
    %mul3A_191 = arith.constant 6250 : i32
    %mul3A_192 = arith.muli %arg1, %mul3A_191 : i32
    %add3A_193 = arith.constant 6144 : i32
    %add3A_194 = arith.addi %mul3A_192, %add3A_193 : i32
    %run_scoped3A_195 = arith.constant 0 : i32
    %run_scoped3A_196 = arith.constant 0 : i32
    "tpu.region"() ({
      %run_scoped3A_247 = tpu.sem_alloc : memref<!tpu.dma_semaphore, #tpu.memory_space<semaphore_mem>>
      %dma_start3A_248 = arith.constant 0 : i32
      %dma_start3A_249 = arith.constant 0 : i32
      %dma_start3A_250 = tpu.memref_slice %arg7[%run_scoped3A_195, %run_scoped3A_196, %dma_start3A_248, %dma_start3A_249] : memref<2x2x128x16xf32, #tpu.memory_space<vmem>> -> memref<1x1x106x16xf32, #tpu.memory_space<vmem>>
      %dma_start3A_251 = tpu.memref_squeeze %dma_start3A_250 : memref<1x1x106x16xf32, #tpu.memory_space<vmem>> -> memref<106x16xf32, #tpu.memory_space<vmem>>
      %dma_start3A_252 = arith.constant 0 : i32
      %dma_start3A_253 = tpu.memref_slice %arg5[%add3A_194, %dma_start3A_252] : memref<100000x16xf32, #tpu.memory_space<vmem_shared>> -> memref<106x16xf32, #tpu.memory_space<vmem_shared>>
      %dma_start3A_254 = arith.constant 0 : i32
      %dma_start3A_255 = arith.constant 0 : i32
      %dma_start3A_256 = tpu.memref_slice %arg7[%run_scoped3A_195, %run_scoped3A_196, %dma_start3A_254, %dma_start3A_255] : memref<2x2x128x16xf32, #tpu.memory_space<vmem>> -> memref<1x1x106x16xf32, #tpu.memory_space<vmem>>
      %dma_start3A_257 = tpu.memref_squeeze %dma_start3A_256 : memref<1x1x106x16xf32, #tpu.memory_space<vmem>> -> memref<106x16xf32, #tpu.memory_space<vmem>>
      %dma_start3A_258 = arith.constant 0 : i32
      %dma_start3A_259 = tpu.memref_slice %arg5[%add3A_194, %dma_start3A_258] : memref<100000x16xf32, #tpu.memory_space<vmem_shared>> -> memref<106x16xf32, #tpu.memory_space<vmem_shared>>
      tpu.enqueue_dma source(%dma_start3A_259 : memref<106x16xf32, #tpu.memory_space<vmem_shared>>) target(%dma_start3A_257 : memref<106x16xf32, #tpu.memory_space<vmem>>) target_semaphore(%run_scoped3A_247 : memref<!tpu.dma_semaphore, #tpu.memory_space<semaphore_mem>>)
      %dma_wait3A_260 = arith.constant 0 : i32
      %dma_wait3A_261 = arith.constant 0 : i32
      %dma_wait3A_262 = tpu.memref_slice %arg7[%run_scoped3A_195, %run_scoped3A_196, %dma_wait3A_260, %dma_wait3A_261] : memref<2x2x128x16xf32, #tpu.memory_space<vmem>> -> memref<1x1x106x16xf32, #tpu.memory_space<vmem>>
      %dma_wait3A_263 = tpu.memref_squeeze %dma_wait3A_262 : memref<1x1x106x16xf32, #tpu.memory_space<vmem>> -> memref<106x16xf32, #tpu.memory_space<vmem>>
      %dma_wait3A_264 = arith.constant 0 : i32
      %dma_wait3A_265 = tpu.memref_slice %arg5[%add3A_194, %dma_wait3A_264] : memref<100000x16xf32, #tpu.memory_space<vmem_shared>> -> memref<106x16xf32, #tpu.memory_space<vmem_shared>>
      %dma_wait3A_266 = arith.constant 0 : i32
      %dma_wait3A_267 = arith.constant 0 : i32
      %dma_wait3A_268 = tpu.memref_slice %arg7[%run_scoped3A_195, %run_scoped3A_196, %dma_wait3A_266, %dma_wait3A_267] : memref<2x2x128x16xf32, #tpu.memory_space<vmem>> -> memref<1x1x106x16xf32, #tpu.memory_space<vmem>>
      %dma_wait3A_269 = tpu.memref_squeeze %dma_wait3A_268 : memref<1x1x106x16xf32, #tpu.memory_space<vmem>> -> memref<106x16xf32, #tpu.memory_space<vmem>>
      %dma_wait3A_270 = arith.constant 0 : i32
      %dma_wait3A_271 = tpu.memref_slice %arg5[%add3A_194, %dma_wait3A_270] : memref<100000x16xf32, #tpu.memory_space<vmem_shared>> -> memref<106x16xf32, #tpu.memory_space<vmem_shared>>
      tpu.wait_dma2 semaphore(%run_scoped3A_247 : memref<!tpu.dma_semaphore, #tpu.memory_space<semaphore_mem>>) src(%dma_wait3A_271 : memref<106x16xf32, #tpu.memory_space<vmem_shared>>) dst(%dma_wait3A_269 : memref<106x16xf32, #tpu.memory_space<vmem>>)
      tpu.yield
    }) : () -> ()
    %dma_wait3A_197 = arith.constant 0 : i32
    %dma_wait3A_198 = arith.constant 0 : i32
    %dma_wait3A_199 = tpu.memref_slice %arg9[%dma_wait3A_197, %dma_wait3A_198] : memref<2x2048xf32, #tpu.memory_space<vmem>> -> memref<1x2048xf32, #tpu.memory_space<vmem>>
    %dma_wait3A_200 = tpu.memref_squeeze %dma_wait3A_199 : memref<1x2048xf32, #tpu.memory_space<vmem>> -> memref<2048xf32, #tpu.memory_space<vmem>>
    %dma_wait3A_201 = arith.constant 0 : i32
    %dma_wait3A_202 = tpu.memref_slice %arg4[%dma_wait3A_201] : memref<3200000xf32, #tpu.memory_space<hbm>> -> memref<2048xf32, #tpu.memory_space<hbm>>
    %dma_wait3A_203 = arith.constant 0 : i32
    %dma_wait3A_204 = tpu.memref_slice %arg4[%dma_wait3A_203] : memref<3200000xf32, #tpu.memory_space<hbm>> -> memref<2048xf32, #tpu.memory_space<hbm>>
    %dma_wait3A_205 = arith.constant 0 : i32
    %dma_wait3A_206 = tpu.memref_slice %arg9[%dma_wait3A_197, %dma_wait3A_205] : memref<2x2048xf32, #tpu.memory_space<vmem>> -> memref<1x2048xf32, #tpu.memory_space<vmem>>
    %dma_wait3A_207 = tpu.memref_squeeze %dma_wait3A_206 : memref<1x2048xf32, #tpu.memory_space<vmem>> -> memref<2048xf32, #tpu.memory_space<vmem>>
    tpu.wait_dma2 semaphore(%arg12 : memref<!tpu.dma_semaphore, #tpu.memory_space<semaphore_mem>>) src(%dma_wait3A_207 : memref<2048xf32, #tpu.memory_space<vmem>>) dst(%dma_wait3A_204 : memref<2048xf32, #tpu.memory_space<hbm>>)
    %scan3A_208 = arith.constant 0 : i32
    %scan3A_209 = arith.constant 0 : i32
    %scan3A_210 = arith.constant 0 : i32
    %scan3A_211 = arith.constant 106 : i32
    %scan3A_212 = arith.addi %scan3A_210, %scan3A_211 : i32
    %scan3A_213 = arith.constant 1 : i32
    scf.for %scan3A_247 = %scan3A_210 to %scan3A_212 step %scan3A_213  : i32 {
      %mul3A_248 = arith.constant 1 : i32
      %mul3A_249 = arith.muli %scan3A_247, %mul3A_248 : i32
      %add3A_250 = arith.constant 0 : i32
      %add3A_251 = arith.addi %add3A_250, %mul3A_249 : i32
      %get3A = arith.constant 0 : i32
      %get3A_252 = arith.constant 0 : i32
      %get3A_253 = tpu.memref_slice %arg7[%scan3A_208, %scan3A_209, %get3A, %get3A_252] : memref<2x2x128x16xf32, #tpu.memory_space<vmem>> -> memref<1x1x128x16xf32, #tpu.memory_space<vmem>>
      %get3A_254 = tpu.memref_squeeze %get3A_253 : memref<1x1x128x16xf32, #tpu.memory_space<vmem>> -> memref<128x16xf32, #tpu.memory_space<vmem>>
      %get3A_255 = arith.index_cast %add3A_251 : i32 to index
      %get3A_256 = arith.constant 0 : index
      %get3A_257 = tpu.vector_load %get3A_254[%get3A_255, %get3A_256] {strides = array<i32>} : memref<128x16xf32, #tpu.memory_space<vmem>>, vector<16xf32>,
      %mul3A_258 = arith.constant 16 : i32
      %mul3A_259 = arith.muli %add3A_251, %mul3A_258 : i32
      %swap3A = arith.constant 0 : i32
      %swap3A_260 = arith.index_cast %swap3A : i32 to index
      %swap3A_261 = arith.index_cast %mul3A_259 : i32 to index
      %swap3A_262 = tpu.vector_load %arg9[%swap3A_260, %swap3A_261] {strides = array<i32>} : memref<2x2048xf32, #tpu.memory_space<vmem>>, vector<16xf32>,
      tpu.vector_store %arg9[%swap3A_260, %swap3A_261], %get3A_257 {strides = array<i32>} : memref<2x2048xf32, #tpu.memory_space<vmem>>, vector<16xf32>,
    }
    %scan3A_214 = arith.constant 106 : i32
    %add3A_215 = arith.constant 98304 : i32
    %add3A_216 = arith.addi %mul3A_185, %add3A_215 : i32
    %dma_start3A = arith.constant 0 : i32
    %dma_start3A_217 = arith.constant 0 : i32
    %dma_start3A_218 = tpu.memref_slice %arg9[%dma_start3A, %dma_start3A_217] : memref<2x2048xf32, #tpu.memory_space<vmem>> -> memref<1x1696xf32, #tpu.memory_space<vmem>>
    %dma_start3A_219 = tpu.memref_squeeze %dma_start3A_218 : memref<1x1696xf32, #tpu.memory_space<vmem>> -> memref<1696xf32, #tpu.memory_space<vmem>>
    %dma_start3A_220 = tpu.memref_slice %arg4[%add3A_216] : memref<3200000xf32, #tpu.memory_space<hbm>> -> memref<1696xf32, #tpu.memory_space<hbm>>
    %dma_start3A_221 = tpu.memref_slice %arg4[%add3A_216] : memref<3200000xf32, #tpu.memory_space<hbm>> -> memref<1696xf32, #tpu.memory_space<hbm>>
    %dma_start3A_222 = arith.constant 0 : i32
    %dma_start3A_223 = tpu.memref_slice %arg9[%dma_start3A, %dma_start3A_222] : memref<2x2048xf32, #tpu.memory_space<vmem>> -> memref<1x1696xf32, #tpu.memory_space<vmem>>
    %dma_start3A_224 = tpu.memref_squeeze %dma_start3A_223 : memref<1x1696xf32, #tpu.memory_space<vmem>> -> memref<1696xf32, #tpu.memory_space<vmem>>
    tpu.enqueue_dma source(%dma_start3A_224 : memref<1696xf32, #tpu.memory_space<vmem>>) target(%dma_start3A_221 : memref<1696xf32, #tpu.memory_space<hbm>>) target_semaphore(%arg12 : memref<!tpu.dma_semaphore, #tpu.memory_space<semaphore_mem>>)
    %dma_wait3A_225 = arith.constant 1 : i32
    %dma_wait3A_226 = arith.constant 0 : i32
    %dma_wait3A_227 = tpu.memref_slice %arg9[%dma_wait3A_225, %dma_wait3A_226] : memref<2x2048xf32, #tpu.memory_space<vmem>> -> memref<1x2048xf32, #tpu.memory_space<vmem>>
    %dma_wait3A_228 = tpu.memref_squeeze %dma_wait3A_227 : memref<1x2048xf32, #tpu.memory_space<vmem>> -> memref<2048xf32, #tpu.memory_space<vmem>>
    %dma_wait3A_229 = arith.constant 0 : i32
    %dma_wait3A_230 = tpu.memref_slice %arg4[%dma_wait3A_229] : memref<3200000xf32, #tpu.memory_space<hbm>> -> memref<2048xf32, #tpu.memory_space<hbm>>
    %dma_wait3A_231 = arith.constant 0 : i32
    %dma_wait3A_232 = tpu.memref_slice %arg4[%dma_wait3A_231] : memref<3200000xf32, #tpu.memory_space<hbm>> -> memref<2048xf32, #tpu.memory_space<hbm>>
    %dma_wait3A_233 = arith.constant 0 : i32
    %dma_wait3A_234 = tpu.memref_slice %arg9[%dma_wait3A_225, %dma_wait3A_233] : memref<2x2048xf32, #tpu.memory_space<vmem>> -> memref<1x2048xf32, #tpu.memory_space<vmem>>
    %dma_wait3A_235 = tpu.memref_squeeze %dma_wait3A_234 : memref<1x2048xf32, #tpu.memory_space<vmem>> -> memref<2048xf32, #tpu.memory_space<vmem>>
    tpu.wait_dma2 semaphore(%arg13 : memref<!tpu.dma_semaphore, #tpu.memory_space<semaphore_mem>>) src(%dma_wait3A_235 : memref<2048xf32, #tpu.memory_space<vmem>>) dst(%dma_wait3A_232 : memref<2048xf32, #tpu.memory_space<hbm>>)
    %dma_wait3A_236 = arith.constant 0 : i32
    %dma_wait3A_237 = arith.constant 0 : i32
    %dma_wait3A_238 = tpu.memref_slice %arg9[%dma_wait3A_236, %dma_wait3A_237] : memref<2x2048xf32, #tpu.memory_space<vmem>> -> memref<1x1696xf32, #tpu.memory_space<vmem>>
    %dma_wait3A_239 = tpu.memref_squeeze %dma_wait3A_238 : memref<1x1696xf32, #tpu.memory_space<vmem>> -> memref<1696xf32, #tpu.memory_space<vmem>>
    %dma_wait3A_240 = arith.constant 0 : i32
    %dma_wait3A_241 = tpu.memref_slice %arg4[%dma_wait3A_240] : memref<3200000xf32, #tpu.memory_space<hbm>> -> memref<1696xf32, #tpu.memory_space<hbm>>
    %dma_wait3A_242 = arith.constant 0 : i32
    %dma_wait3A_243 = tpu.memref_slice %arg4[%dma_wait3A_242] : memref<3200000xf32, #tpu.memory_space<hbm>> -> memref<1696xf32, #tpu.memory_space<hbm>>
    %dma_wait3A_244 = arith.constant 0 : i32
    %dma_wait3A_245 = tpu.memref_slice %arg9[%dma_wait3A_236, %dma_wait3A_244] : memref<2x2048xf32, #tpu.memory_space<vmem>> -> memref<1x1696xf32, #tpu.memory_space<vmem>>
    %dma_wait3A_246 = tpu.memref_squeeze %dma_wait3A_245 : memref<1x1696xf32, #tpu.memory_space<vmem>> -> memref<1696xf32, #tpu.memory_space<vmem>>
    tpu.wait_dma2 semaphore(%arg12 : memref<!tpu.dma_semaphore, #tpu.memory_space<semaphore_mem>>) src(%dma_wait3A_246 : memref<1696xf32, #tpu.memory_space<vmem>>) dst(%dma_wait3A_243 : memref<1696xf32, #tpu.memory_space<hbm>>)
    return
  }
}

module attributes {stable_mosaic.version = 14 : i64} {
  func.func @_tc_dense_kernel(%arg0: i32, %arg1: memref<2048x128xf32, #tpu.memory_space<vmem>>, %arg2: memref<2x256x128xf32, #tpu.memory_space<vmem>>, %arg3: memref<1x16xf32, #tpu.memory_space<vmem>>, %arg4: memref<160x128xf32, #tpu.memory_space<vmem>>, %arg5: memref<1x128xf32, #tpu.memory_space<vmem>>, %arg6: memref<2048x128xf32, #tpu.memory_space<vmem>>) attributes {dimension_semantics = [#tpu.dimension_semantics<arbitrary>], iteration_bounds = array<i64: 49>, scalar_prefetch = 0 : i64, scratch_operands = 0 : i64, tpu.core_type = #tpu.core_type<tc>, window_params = [{transform_indices = @transform_0, window_bounds = array<i64: 2048, 128>}, {transform_indices = @transform_1, window_bounds = array<i64: 2, 256, 128>}, {pipeline_mode = #tpu.pipeline_mode<synchronous>, transform_indices = @transform_2, window_bounds = array<i64: 1, 16>}, {pipeline_mode = #tpu.pipeline_mode<synchronous>, transform_indices = @transform_3, window_bounds = array<i64: 160, 128>}, {pipeline_mode = #tpu.pipeline_mode<synchronous>, transform_indices = @transform_4, window_bounds = array<i64: 1, 128>}, {transform_indices = @transform_5, window_bounds = array<i64: 2048, 128>}]} {
    %get3A = arith.constant 0 : index
    %get3A_0 = arith.constant 0 : index
    %get3A_1 = vector.load %arg1[%get3A, %get3A_0] : memref<2048x128xf32, #tpu.memory_space<vmem>>, vector<2048x128xf32>
    %get3A_2 = arith.constant 0 : index
    %get3A_3 = arith.constant 0 : index
    %get3A_4 = arith.constant 0 : index
    %get3A_5 = vector.load %arg2[%get3A_2, %get3A_3, %get3A_4] : memref<2x256x128xf32, #tpu.memory_space<vmem>>, vector<1x256x128xf32>
    %get3A_6 = vector.shape_cast %get3A_5 : vector<1x256x128xf32> to vector<256x128xf32>
    %get3A_7 = arith.constant 1 : index
    %get3A_8 = arith.constant 0 : index
    %get3A_9 = arith.constant 0 : index
    %get3A_10 = vector.load %arg2[%get3A_7, %get3A_8, %get3A_9] : memref<2x256x128xf32, #tpu.memory_space<vmem>>, vector<1x256x128xf32>
    %get3A_11 = vector.shape_cast %get3A_10 : vector<1x256x128xf32> to vector<256x128xf32>
    %add3A = arith.addf %get3A_6, %get3A_11 : vector<256x128xf32>
    %get3A_12 = arith.constant 0 : index
    %get3A_13 = arith.constant 0 : index
    %get3A_14 = vector.load %arg4[%get3A_12, %get3A_13] : memref<160x128xf32, #tpu.memory_space<vmem>>, vector<128x128xf32>
    %get3A_15 = arith.constant 128 : index
    %get3A_16 = arith.constant 0 : index
    %get3A_17 = vector.load %arg4[%get3A_15, %get3A_16] : memref<160x128xf32, #tpu.memory_space<vmem>>, vector<16x128xf32>
    %get3A_18 = arith.constant 144 : index
    %get3A_19 = arith.constant 0 : index
    %get3A_20 = vector.load %arg4[%get3A_18, %get3A_19] : memref<160x128xf32, #tpu.memory_space<vmem>>, vector<16x128xf32>
    %convert_element_type3A = arith.truncf %get3A_1 : vector<2048x128xf32> to vector<2048x128xbf16>
    %convert_element_type3A_21 = arith.truncf %get3A_14 : vector<128x128xf32> to vector<128x128xbf16>
    %dot_general3A = arith.constant dense<0.000000e+00> : vector<2048x128xf32>
    %dot_general3A_22 = tpu.matmul %convert_element_type3A, %convert_element_type3A_21, %dot_general3A {dimension_numbers = #tpu.dot_dimension_numbers<[1], [0], [0], [1], [0, 0, 1, 1], [], []>, transpose_lhs_hint = false} : vector<2048x128xbf16>, vector<128x128xbf16>, vector<2048x128xf32> -> vector<2048x128xf32>
    %slice3A = vector.extract_strided_slice %add3A {offsets = [0, 0], sizes = [256, 16], strides = [1, 1]} : vector<256x128xf32> to vector<256x16xf32>
    %dot_general3A_23 = arith.constant dense<0.000000e+00> : vector<256x128xf32>
    %dot_general3A_24 = tpu.matmul %slice3A, %get3A_17, %dot_general3A_23 {dimension_numbers = #tpu.dot_dimension_numbers<[1], [0], [0], [1], [0, 0, 1, 1], [], []>, transpose_lhs_hint = false} : vector<256x16xf32>, vector<16x128xf32>, vector<256x128xf32> -> vector<256x128xf32>
    %slice3A_25 = vector.extract_strided_slice %add3A {offsets = [0, 16], sizes = [256, 16], strides = [1, 1]} : vector<256x128xf32> to vector<256x16xf32>
    %dot_general3A_26 = arith.constant dense<0.000000e+00> : vector<256x128xf32>
    %dot_general3A_27 = tpu.matmul %slice3A_25, %get3A_17, %dot_general3A_26 {dimension_numbers = #tpu.dot_dimension_numbers<[1], [0], [0], [1], [0, 0, 1, 1], [], []>, transpose_lhs_hint = false} : vector<256x16xf32>, vector<16x128xf32>, vector<256x128xf32> -> vector<256x128xf32>
    %slice3A_28 = vector.extract_strided_slice %add3A {offsets = [0, 32], sizes = [256, 16], strides = [1, 1]} : vector<256x128xf32> to vector<256x16xf32>
    %dot_general3A_29 = arith.constant dense<0.000000e+00> : vector<256x128xf32>
    %dot_general3A_30 = tpu.matmul %slice3A_28, %get3A_17, %dot_general3A_29 {dimension_numbers = #tpu.dot_dimension_numbers<[1], [0], [0], [1], [0, 0, 1, 1], [], []>, transpose_lhs_hint = false} : vector<256x16xf32>, vector<16x128xf32>, vector<256x128xf32> -> vector<256x128xf32>
    %slice3A_31 = vector.extract_strided_slice %add3A {offsets = [0, 48], sizes = [256, 16], strides = [1, 1]} : vector<256x128xf32> to vector<256x16xf32>
    %dot_general3A_32 = arith.constant dense<0.000000e+00> : vector<256x128xf32>
    %dot_general3A_33 = tpu.matmul %slice3A_31, %get3A_17, %dot_general3A_32 {dimension_numbers = #tpu.dot_dimension_numbers<[1], [0], [0], [1], [0, 0, 1, 1], [], []>, transpose_lhs_hint = false} : vector<256x16xf32>, vector<16x128xf32>, vector<256x128xf32> -> vector<256x128xf32>
    %slice3A_34 = vector.extract_strided_slice %add3A {offsets = [0, 64], sizes = [256, 16], strides = [1, 1]} : vector<256x128xf32> to vector<256x16xf32>
    %dot_general3A_35 = arith.constant dense<0.000000e+00> : vector<256x128xf32>
    %dot_general3A_36 = tpu.matmul %slice3A_34, %get3A_17, %dot_general3A_35 {dimension_numbers = #tpu.dot_dimension_numbers<[1], [0], [0], [1], [0, 0, 1, 1], [], []>, transpose_lhs_hint = false} : vector<256x16xf32>, vector<16x128xf32>, vector<256x128xf32> -> vector<256x128xf32>
    %slice3A_37 = vector.extract_strided_slice %add3A {offsets = [0, 80], sizes = [256, 16], strides = [1, 1]} : vector<256x128xf32> to vector<256x16xf32>
    %dot_general3A_38 = arith.constant dense<0.000000e+00> : vector<256x128xf32>
    %dot_general3A_39 = tpu.matmul %slice3A_37, %get3A_17, %dot_general3A_38 {dimension_numbers = #tpu.dot_dimension_numbers<[1], [0], [0], [1], [0, 0, 1, 1], [], []>, transpose_lhs_hint = false} : vector<256x16xf32>, vector<16x128xf32>, vector<256x128xf32> -> vector<256x128xf32>
    %slice3A_40 = vector.extract_strided_slice %add3A {offsets = [0, 96], sizes = [256, 16], strides = [1, 1]} : vector<256x128xf32> to vector<256x16xf32>
    %dot_general3A_41 = arith.constant dense<0.000000e+00> : vector<256x128xf32>
    %dot_general3A_42 = tpu.matmul %slice3A_40, %get3A_17, %dot_general3A_41 {dimension_numbers = #tpu.dot_dimension_numbers<[1], [0], [0], [1], [0, 0, 1, 1], [], []>, transpose_lhs_hint = false} : vector<256x16xf32>, vector<16x128xf32>, vector<256x128xf32> -> vector<256x128xf32>
    %slice3A_43 = vector.extract_strided_slice %add3A {offsets = [0, 112], sizes = [256, 16], strides = [1, 1]} : vector<256x128xf32> to vector<256x16xf32>
    %dot_general3A_44 = arith.constant dense<0.000000e+00> : vector<256x128xf32>
    %dot_general3A_45 = tpu.matmul %slice3A_43, %get3A_17, %dot_general3A_44 {dimension_numbers = #tpu.dot_dimension_numbers<[1], [0], [0], [1], [0, 0, 1, 1], [], []>, transpose_lhs_hint = false} : vector<256x16xf32>, vector<16x128xf32>, vector<256x128xf32> -> vector<256x128xf32>
    %stack3A = vector.shape_cast %dot_general3A_24 : vector<256x128xf32> to vector<256x1x128xf32>
    %stack3A_46 = vector.shape_cast %dot_general3A_27 : vector<256x128xf32> to vector<256x1x128xf32>
    %stack3A_47 = vector.shape_cast %dot_general3A_30 : vector<256x128xf32> to vector<256x1x128xf32>
    %stack3A_48 = vector.shape_cast %dot_general3A_33 : vector<256x128xf32> to vector<256x1x128xf32>
    %stack3A_49 = vector.shape_cast %dot_general3A_36 : vector<256x128xf32> to vector<256x1x128xf32>
    %stack3A_50 = vector.shape_cast %dot_general3A_39 : vector<256x128xf32> to vector<256x1x128xf32>
    %stack3A_51 = vector.shape_cast %dot_general3A_42 : vector<256x128xf32> to vector<256x1x128xf32>
    %stack3A_52 = vector.shape_cast %dot_general3A_45 : vector<256x128xf32> to vector<256x1x128xf32>
    %stack3A_53 = tpu.concatenate %stack3A, %stack3A_46, %stack3A_47, %stack3A_48, %stack3A_49, %stack3A_50, %stack3A_51, %stack3A_52 in 1 : vector<256x1x128xf32>, vector<256x1x128xf32>, vector<256x1x128xf32>, vector<256x1x128xf32>, vector<256x1x128xf32>, vector<256x1x128xf32>, vector<256x1x128xf32>, vector<256x1x128xf32> -> vector<256x8x128xf32>
    %reshape3A = vector.shape_cast %stack3A_53 : vector<256x8x128xf32> to vector<2048x128xf32>
    %add3A_54 = arith.addf %dot_general3A_22, %reshape3A : vector<2048x128xf32>
    %get3A_55 = arith.constant 0 : index
    %get3A_56 = arith.constant 0 : index
    %get3A_57 = vector.load %arg3[%get3A_55, %get3A_56] : memref<1x16xf32, #tpu.memory_space<vmem>>, vector<1x16xf32>
    %dot_general3A_58 = arith.constant dense<0.000000e+00> : vector<1x128xf32>
    %dot_general3A_59 = tpu.matmul %get3A_57, %get3A_20, %dot_general3A_58 {dimension_numbers = #tpu.dot_dimension_numbers<[1], [0], [0], [1], [0, 0, 1, 1], [], []>, transpose_lhs_hint = false} : vector<1x16xf32>, vector<16x128xf32>, vector<1x128xf32> -> vector<1x128xf32>
    %add3A_60 = vector.broadcast %dot_general3A_59 : vector<1x128xf32> to vector<2048x128xf32>
    %add3A_61 = arith.addf %add3A_54, %add3A_60 : vector<2048x128xf32>
    %get3A_62 = arith.constant 0 : index
    %get3A_63 = arith.constant 0 : index
    %get3A_64 = vector.load %arg5[%get3A_62, %get3A_63] : memref<1x128xf32, #tpu.memory_space<vmem>>, vector<1x128xf32>
    %add3A_65 = vector.broadcast %get3A_64 : vector<1x128xf32> to vector<2048x128xf32>
    %add3A_66 = arith.addf %add3A_61, %add3A_65 : vector<2048x128xf32>
    %max3A = arith.constant 0.000000e+00 : f32
    %max3A_67 = vector.broadcast %max3A : f32 to vector<2048x128xf32>
    %max3A_68 = arith.maximumf %add3A_66, %max3A_67 : vector<2048x128xf32>
    %swap3A = arith.constant 0 : index
    %swap3A_69 = arith.constant 0 : index
    %swap3A_70 = vector.load %arg6[%swap3A, %swap3A_69] : memref<2048x128xf32, #tpu.memory_space<vmem>>, vector<2048x128xf32>
    tpu.vector_store %arg6[%swap3A, %swap3A_69], %max3A_68 {strides = array<i32>} : memref<2048x128xf32, #tpu.memory_space<vmem>>, vector<2048x128xf32>,
    return
  }
  func.func @transform_0(%arg0: i32) -> (i32, i32) {
    %c0_i32 = arith.constant 0 : i32
    %c0_i32_0 = arith.constant 0 : i32
    return %arg0, %c0_i32 : i32, i32
  }
  func.func @transform_1(%arg0: i32) -> (i32, i32, i32) {
    %c0_i32 = arith.constant 0 : i32
    %c0_i32_0 = arith.constant 0 : i32
    %c0_i32_1 = arith.constant 0 : i32
    return %c0_i32, %arg0, %c0_i32_0 : i32, i32, i32
  }
  func.func @transform_2(%arg0: i32) -> (i32, i32) {
    %c0_i32 = arith.constant 0 : i32
    %c0_i32_0 = arith.constant 0 : i32
    %c0_i32_1 = arith.constant 0 : i32
    return %c0_i32, %c0_i32_0 : i32, i32
  }
  func.func @transform_3(%arg0: i32) -> (i32, i32) {
    %c0_i32 = arith.constant 0 : i32
    %c0_i32_0 = arith.constant 0 : i32
    %c0_i32_1 = arith.constant 0 : i32
    return %c0_i32, %c0_i32_0 : i32, i32
  }
  func.func @transform_4(%arg0: i32) -> (i32, i32) {
    %c0_i32 = arith.constant 0 : i32
    %c0_i32_0 = arith.constant 0 : i32
    %c0_i32_1 = arith.constant 0 : i32
    return %c0_i32, %c0_i32_0 : i32, i32
  }
  func.func @transform_5(%arg0: i32) -> (i32, i32) {
    %c0_i32 = arith.constant 0 : i32
    %c0_i32_0 = arith.constant 0 : i32
    return %arg0, %c0_i32 : i32, i32
  }
}

</mosaic_0001>

<sc_bundles>
// kernel: kernel.4.cloned.1.call-start
scs
__scs_entry_jumppad:
0x0: {  	(pc) =	sbr.rel $0x88, $3  }
0x1: {  	(tag) =	ssettag $0x0;
	lr =	simm.s32 $0x1  }
0x2: {  	[smem:$0x3F9B] =	sst lr;
	_ =	strace $0xD0000000  }
0x3: {  	_ = 	snop  }
0x4: {  	_ = 	snop  }
0x5: {  	_ = 	snop  }
0x6: {  	_ = 	snop  }
0x7: {  	_ = 	snop  }
__scs_overlays_trampoline_lowered:
0x8: {  	[smem:$0x3FAA] =	sst s0  }
0x9: {  	[smem:$0x3FAB] =	sst s1  }
0xa: {  	[smem:$0x3FAC] =	sst s2  }
0xb: {  	[smem:$0x3FAD] =	sst s3  }
0xc: {  	[smem:$0x3FAE] =	sst s4  }
0xd: {  	[smem:$0x3FAF] =	sst s5  }
0xe: {  	[smem:$0x3FB0] =	sst s6  }
0xf: {  	[smem:$0x3FB1] =	sst s7  }
0x10: {  	[smem:$0x3FB2] =	sst s8  }
0x11: {  	[smem:$0x3FB3] =	sst s9;
	s0 =	simm.s32 @!p0 $0x0  }
0x12: {  	s1 =	sld [smem:$0x3F99];
	s0 =	simm.s32 @p0 $0x1  }
0x13: {  	[smem:$0x3FB4] =	sst s0;
	s0 =	simm.s32 @!p1 $0x0  }
0x14: {  	s2 =	sld [smem:$0x3F98];
	s0 =	simm.s32 @p1 $0x1  }
0x15: {  	[smem:$0x3FB5] =	sst s0;
	s0 =	simm.s32 @!p2 $0x0  }
0x16: {  	s3 =	sld [smem:$0x3FDB];
	s0 =	simm.s32 @p2 $0x1  }
0x17: {  	s4 =	simm.s32 $0x1BF5;
	[smem:$0x3FB7] =	sst s0  }
0x18: {  	s0 =	sld [smem:$0x3F9A];
	_ =	swait.ge [sflag:s4], $0x0  }
0x19: {  	s7 =	sld [smem:$0x3F9B]  }
0x1a: {  	s8 =	sadd.s32 $0xFFFFE003, lr  }
0x1b: {  	s9 =	sadd.s32 $0xFFFFFEF7, lr;
	s5 =	simm.s32 $0xFFFFFFFF;
	p2 =	slt.u32 s8, $0xFFFFF086  }
0x1c: {  	p1 =	slt.u32 s9, $0xF7A;
	s5 =	simm.s32 @!p2 $0x0  }
0x1d: {  	s5 =	simm.s32 @p1 $0x1;
	p0 =	seq.s32 s7, s2  }
0x1e: {  	s7 =	smul.u32 @!p0 $0xF7A, s2;
	p2 =	seq.s32 @!p0 s5, $0x0  }
0x1f: {  	s9 =	smul.u32 $0xF7A, s1;
	s8 =	simm.s32 @!p0 $0x1BF5;
	p2 =	por !p2, p0  }
0x20: {  	[sflag:s8] =	ssyncset.s32 @!p0 $0xFFFFF086;
	s6 =	sadd.s32 @!p0 s3, s7;
	s7 =	simm.s32 @!p0 $0x108  }
0x21: {  	s3 =	sadd.s32 s3, s9;
	s6 =	sadd.s32 @!p0 $0x88, s6;
	s7 =	simm.s32 @p2 $0x1082  }
0x22: {  	[simem:s7], [sflag:s8] =	dma.local @!p0 [hbm:s6], $0xF7A  }
0x23: {  	s9 =	sor.u32 $0xD0000000, s2;
	s6 =	simm.s32 $0x108;
	_ =	swait.ge @!p0 [sflag:s8], $0x0  }
0x24: {  	s3 =	sadd.s32 $0x88, s3;
	s6 =	simm.s32 @!p1 $0x1082;
	[sflag:s4] =	ssyncset.s32 $0xFFFFF086  }
0x25: {  	[simem:s6], [sflag:s4] =	dma.local [hbm:s3], $0xF7A  }
0x26: {  	[smem:$0x3F9B] =	sst s1;
	(tag) =	ssettag s2;
	_ =	strace s9  }
0x27: {  	s1 =	sld [smem:$0x3FAB]  }
0x28: {  	s2 =	sld [smem:$0x3FAC]  }
0x29: {  	s4 =	sld [smem:$0x3FAE]  }
0x2a: {  	p0 =	seq.s32 s5, $0x0;
	s5 =	sld [smem:$0x3FAF]  }
0x2b: {  	s6 =	sld [smem:$0x3FB0]  }
0x2c: {  	s7 =	sld [smem:$0x3FB1]  }
0x2d: {  	s3 =	simm.s32 $0x108;
	s8 =	sld [smem:$0x3FB2]  }
0x2e: {  	s3 =	simm.s32 @!p0 $0x1082;
	s9 =	sld [smem:$0x3FB3]  }
0x2f: {  	lr =	sadd.s32 s0, s3;
	s0 =	sld [smem:$0x3FAA]  }
0x30: {  	s3 =	sld [smem:$0x3FAD]  }
0x31: {  	[smem:$0x3FB6] =	sst s10  }
0x32: {  	s10 =	sld [smem:$0x3FB4];
	_ =	sdelay $0x3  }
0x33: {  	p0 =	seq.s32 s10, $0x1;
	s10 =	sld [smem:$0x3FB6];
	_ =	sdelay $0x3  }
0x34: {  	[smem:$0x3FB6] =	sst s10  }
0x35: {  	s10 =	sld [smem:$0x3FB5];
	_ =	sdelay $0x3  }
0x36: {  	p1 =	seq.s32 s10, $0x1;
	s10 =	sld [smem:$0x3FB6];
	_ =	sdelay $0x3  }
0x37: {  	[smem:$0x3FB6] =	sst s10  }
0x38: {  	s10 =	sld [smem:$0x3FB7]  }
0x39: {  	_ = 	snop;
	(pc) =	sbr.ind lr, $3  }
0x3a: {  	_ = 	snop  }
0x3b: {  	_ = 	snop  }
0x3c: {  	p2 =	seq.s32 s10, $0x1;
	s10 =	sld [smem:$0x3FB6]  }
0x3d: {  	_ =	shalt  }
0x3e: {  	_ =	shalt  }
0x3f: {  	_ =	shalt  }
0x40: {  	_ =	shalt  }
0x41: {  	_ =	shalt  }
0x42: {  	_ =	shalt  }
0x43: {  	_ =	shalt  }
0x44: {  	_ =	shalt  }
0x45: {  	_ =	shalt  }
0x46: {  	_ =	shalt  }
0x47: {  	_ =	shalt  }
0x48: {  	_ =	shalt  }
0x49: {  	_ =	shalt  }
0x4a: {  	_ =	shalt  }
0x4b: {  	_ =	shalt  }
0x4c: {  	_ =	shalt  }
0x4d: {  	_ =	shalt  }
0x4e: {  	_ =	shalt  }
0x4f: {  	_ =	shalt  }
0x50: {  	_ =	shalt  }
0x51: {  	_ =	shalt  }
0x52: {  	_ =	shalt  }
0x53: {  	_ =	shalt  }
0x54: {  	_ =	shalt  }
0x55: {  	_ =	shalt  }
0x56: {  	_ =	shalt  }
0x57: {  	_ =	shalt  }
0x58: {  	_ =	shalt  }
0x59: {  	_ =	shalt  }
0x5a: {  	_ =	shalt  }
0x5b: {  	_ =	shalt  }
0x5c: {  	_ =	shalt  }
0x5d: {  	_ =	shalt  }
0x5e: {  	_ =	shalt  }
0x5f: {  	_ =	shalt  }
0x60: {  	_ =	shalt  }
0x61: {  	_ =	shalt  }
0x62: {  	_ =	shalt  }
0x63: {  	_ =	shalt  }
0x64: {  	_ =	shalt  }
0x65: {  	_ =	shalt  }
0x66: {  	_ =	shalt  }
0x67: {  	_ =	shalt  }
0x68: {  	_ =	shalt  }
0x69: {  	_ =	shalt  }
0x6a: {  	_ =	shalt  }
0x6b: {  	_ =	shalt  }
0x6c: {  	_ =	shalt  }
0x6d: {  	_ =	shalt  }
0x6e: {  	_ =	shalt  }
0x6f: {  	_ =	shalt  }
0x70: {  	_ =	shalt  }
0x71: {  	_ =	shalt  }
0x72: {  	_ =	shalt  }
0x73: {  	_ =	shalt  }
0x74: {  	_ =	shalt  }
0x75: {  	_ =	shalt  }
0x76: {  	_ =	shalt  }
0x77: {  	_ =	shalt  }
0x78: {  	_ =	shalt  }
0x79: {  	_ =	shalt  }
0x7a: {  	_ =	shalt  }
0x7b: {  	_ =	shalt  }
0x7c: {  	_ =	shalt  }
0x7d: {  	_ =	shalt  }
0x7e: {  	_ =	shalt  }
0x7f: {  	_ =	shalt  }
0x80: {  	_ =	shalt  }
0x81: {  	_ =	shalt  }
0x82: {  	_ =	shalt  }
0x83: {  	_ =	shalt  }
0x84: {  	_ =	shalt  }
0x85: {  	_ =	shalt  }
0x86: {  	_ =	shalt  }
0x87: {  	_ =	shalt  }
.Lfunc_end0:
.L_simem_size_0:
called_computation_lowered:
.L_overlay_start_0:
0x88: {  	s2 =	sld [smem:$0x3FD9]  }
0x89: {  	s3 =	sld [smem:$0x3FFE];
	_ =	sdelay $0x1  }
0x8a: {  	s1 =	srdreg.scid  }
0x8b: {  	s0 =	sand.u32 $0x1, s1  }
0x8c: {  	s18 =	sshll.u32 s0, $0xA;
	s2 =	sadd.s32 s3, s2  }
0x8d: {  	s2 =	sadd.s32 s2, s18  }
0x8e: {  	[smem:$0x3FC2] =	sst s2  }
0x8f: {  	_ = 	snop  }
0x90: {  	s2 =	sld [smem:$0x3FC8]  }
0x91: {  	s19 =	sld [smem:$0x3FC7]  }
0x92: {  	s4 =	sld [smem:$0x3FD0];
	(tm) =	ssettm $0x1  }
0x93: {  	s5 =	sld [smem:$0x3FFB];
	_ =	sdelay $0x3  }
0x94: {  	_ =	strace s5  }
0x95: {  	s5 =	sld [smem:$0x3FFC];
	_ =	sdelay $0x3  }
0x96: {  	_ =	strace s5  }
0x97: {  	s5 =	sld [smem:$0x3FFD];
	_ =	sdelay $0x3  }
0x98: {  	_ =	strace s5  }
0x99: {  	_ =	strace $0x8FFFFFFF  }
0x9a: {  	s20 =	sld [smem:$0x3FDB];
	_ =	sdelay $0x1  }
0x9b: {  	s6 =	simm.s32 $_scs_section_size  }
0x9c: {  	s7 =	simm.s32 $_size__tile_overlayer_lowered;
	s8 =	simm.s32 $_tile_overlayer_lowered  }
0x9d: {  	s23 =	simm.s32 $0x1BFF;
	s22 =	sshll.u32 s8, $0x1;
	s5 =	sadd.s32 s6, s20  }
0x9e: {  	s9 =	simm.s32 $0x0;
	s21 =	sshll.u32 s7, $0x1;
	s7 =	sadd.s32 s22, s5  }
0x9f: {  	[timem:s9], [sflag:s23] =	dma.local [hbm:s7], s21  }
0xa0: {  	_ =	swait.ge [sflag:s23], s21  }
0xa1: {  	s6 =	ssub.s32 $0x0, s21;
	[sflag:s23] =	ssyncset.done $0x0  }
0xa2: {  	[sflag:s23] =	ssyncadd.s32 s6;
	_ =	sdelay $0x1  }
0xa3: {  	s24 =	simm.s32 $0x1B8B  }
0xa4: {  	_ =	swait.ge [sflag:s24], $0x1  }
0xa5: {  	[sflag:s24] =	ssyncset.done $0x0  }
0xa6: {  	s25 =	simm.s32 $0x1B8E;
	[sflag:s24] =	ssyncadd.s32 $0xFFFFFFFF  }
0xa7: {  	s26 =	simm.s32 $execute0_lowered;
	[smem:$0x3FD2] =	sst s25  }
0xa8: {  	s6 =	sshll.u32 s26, $0x1;
	_ =	strace $0x80000046;
	[dreg:$0x1] =	wrdreg $0xFFFFFFFF  }
0xa9: {  	s28 =	simm.s32 $_size_execute0_lowered;
	s5 =	sadd.s32 s5, s6;
	[dreg:$0x0] =	wrdreg $0x0  }
0xaa: {  	s6 =	sshll.u32 s28, $0x1;
	[dreg:$0x2] =	wrdreg s5  }
0xab: {  	[dreg:$0x3] =	wrdreg s6  }
0xac: {  	[dreg:$0x4] =	wrdreg $0xC0  }
0xad: {  	_ =	task [dreg:s9], $0x5FFFF  }
0xae: {  	[dreg:$0x1] =	wrdreg $0xFFFFFFFF  }
0xaf: {  	[dreg:$0x0] =	wrdreg $0x60  }
0xb0: {  	[dreg:$0x2] =	wrdreg s2  }
0xb1: {  	[dreg:$0x3] =	wrdreg s19  }
0xb2: {  	[dreg:$0x4] =	wrdreg s4  }
0xb3: {  	[dreg:$0x5] =	wrdreg $0x0  }
0xb4: {  	[dreg:$0x6] =	wrdreg $0x9  }
0xb5: {  	_ =	task.clear_ibuf [dreg:s9], $0x7FFFF;
	_ =	strace $0x90000046  }
0xb6: {  	s29 =	simm.s32 $0x9;
	_ =	strace $0x80000048  }
0xb7: {  	_ =	swait.ge [sflag:s29], $0x1  }
0xb8: {  	[sflag:s29] =	ssyncadd.s32 $0xFFFFFFFF  }
0xb9: {  	_ =	strace $0x90000048  }
0xba: {  	_ =	sfence  }
0xbb: {  	s30 =	sld [smem:$0x0];
	_ =	sdelay $0x2  }
0xbc: {  	s31 =	sshll.u32 s1, $0xD;
	s1 =	sshrl.u32 s1, $0x2  }
0xbd: {  	s3 =	sand.u32 $0x4000, s31;
	s1 =	sadd.s32 s1, s30  }
0xbe: {  	s0 =	sor.u32 s3, s0;
	s1 =	sshll.u32 s1, $0x11  }
0xbf: {  	s0 =	sor.u32 s1, s0  }
0xc0: {  	s0 =	sadd.s32 $0x8F2B, s0  }
0xc1: {  	[sflag:s0] =	ssyncadd.remote.s32 $0x1  }
0xc2: {  	_ =	sfence.sel $0xFFFF  }
0xc3: {  	[dreg:$0x0] =	wrdreg $0xFFFFFFFF;
	(pc) =	sbr.abs _section_cstart, $3  }
0xc4: {  	[dreg:$0x1] =	wrdreg $0xFFFFFFFF  }
0xc5: {  	_ =	task.clear_ibuf [dreg:s9], $0x2FFFF;
	_ =	strace $0x9FFFFFFF  }
0xc6: {  	(tm) =	ssettm $0x7FFFFFFF  }
0xc7: {  	_ =	shalt  }
tec
execute0_lowered:
.L_overlay_start_1:
0x0: {  	(tag) =	ssettag $0x1  }
0x1: {  	v0 =	vimm.s32 $0xFEDCBA9  }
0x2: {  	v1 =	vimm.s32 $0x10FEDCBA;
	v2 =	vimm.s32 $0x98765432;
	v3 =	vimm.s32 $0x210FEDCB  }
0x3: {  	v6 =	vimm.s32 $0x43210FED;
	v7 =	vimm.s32 $0xCBA98765;
	v8 =	vimm.s32 $0x543210FE  }
0x4: {  	v17 =	vimm.s32 $0xDCBA9876;
	v18 =	vimm.s32 $0x6543210F;
	v19 =	vimm.s32 $0xEDCBA987  }
0x5: {  	v39 =	vimm.s32 $0xFEDCBA98;
	v40 =	vimm.s32 $0x76543210;
	v42 =	vimm.s32 $0xB87  }
0x6: {  	vm14 =	vcmask $0x300;
	vm13 =	vcmask $0x704;
	vm12 =	vcmask $0xB08  }
0x7: {  	vm11 =	vcmask $0xF0C;
	vm10 =	vcmask $0x1310;
	vm9 =	vcmask $0x1714  }
0x8: {  	vm8 =	vcmask $0x1B18;
	vm7 =	vcmask $0x1F1C;
	vm6 =	vcmask $0x2320  }
0x9: {  	vm5 =	vcmask $0x2724;
	vm4 =	vcmask $0x2B28;
	vm3 =	vcmask $0x2F2C  }
0xa: {  	vm2 =	vcmask $0x3330;
	vm1 =	vcmask $0x3734;
	vm0 =	vcmask $0x3B38  }
0xb: {  	v54 =	vimm.s32 $0xB80;
	v55 =	vimm.s32 $0xB81;
	v56 =	vimm.s32 $0xB82  }
0xc: {  	v57 =	vimm.s32 $0xB83;
	v58 =	vimm.s32 $0xB84;
	v59 =	vimm.s32 $0xB85  }
0xd: {  	v60 =	vimm.s32 $0xB86;
	v61 =	vimm.s32 $0xF87;
	v62 =	vimm.s32 $0xF80  }
0xe: {  	v27 =	vimm.s32 $0xF81;
	v28 =	vimm.s32 $0xF82;
	v29 =	vimm.s32 $0xF83  }
0xf: {  	v30 =	vimm.s32 $0xF84;
	v31 =	vimm.s32 $0xF85;
	v32 =	vimm.s32 $0xF86  }
0x10: {  	v0 =	vunpack.c.l.s4.s8 v0;
	v1 =	vunpack.c.l.s4.s8 v1;
	v2 =	vunpack.c.l.s4.s8 v2  }
0x11: {  	v6 =	vunpack.c.l.s4.s8 v6;
	v7 =	vunpack.c.l.s4.s8 v7;
	v8 =	vunpack.c.l.s4.s8 v8  }
0x12: {  	v17 =	vunpack.c.l.s4.s8 v17;
	v36 =	vunpack.c.l.s4.s8 v18;
	v37 =	vunpack.c.l.s4.s8 v19  }
0x13: {  	v23 =	vunpack.c.l.s4.s8 v39;
	v26 =	vunpack.c.l.s4.s8 v40;
	v19 =	vsel vm14, $0x2, v55  }
0x14: {  	v27 =	vsel vm14, $0x402, v27;
	v28 =	vsel vm14, $0x403, v28;
	v29 =	vsel vm14, $0x404, v29  }
0x15: {  	v30 =	vsel vm14, $0x405, v30;
	v31 =	vsel vm14, $0x406, v31;
	v32 =	vsel vm14, $0x407, v32  }
0x16: {  	v19 =	vsel vm13, $0x83, v19;
	v27 =	vsel vm13, $0x483, v27;
	v28 =	vsel vm13, $0x484, v28  }
0x17: {  	v29 =	vsel vm13, $0x485, v29;
	v30 =	vsel vm13, $0x486, v30;
	v31 =	vsel vm13, $0x487, v31  }
0x18: {  	v32 =	vsel vm13, $0x480, v32;
	v9 =	vunpack.c.0.s8.s32 v0;
	v0 =	vimm.s32 $0x87654321  }
0x19: {  	v11 =	vunpack.c.0.s8.s32 v1;
	v12 =	vunpack.c.0.s8.s32 v2;
	v2 =	vimm.s32 $0xBA987654  }
0x1a: {  	v20 =	vunpack.c.0.s8.s32 v6;
	v38 =	vunpack.c.0.s8.s32 v7;
	v21 =	vunpack.c.0.s8.s32 v8  }
0x1b: {  	v17 =	vunpack.c.0.s8.s32 v17;
	v22 =	vunpack.c.0.s8.s32 v36;
	v18 =	vunpack.c.0.s8.s32 v37  }
0x1c: {  	v23 =	vunpack.c.0.s8.s32 v23;
	v41 =	vunpack.c.0.s8.s32 v26;
	v19 =	vsel vm12, $0x104, v19  }
0x1d: {  	v26 =	vsel vm14, $0x401, v62;
	v27 =	vsel vm12, $0x504, v27;
	v28 =	vsel vm12, $0x505, v28  }
0x1e: {  	v29 =	vsel vm12, $0x506, v29;
	v30 =	vsel vm12, $0x507, v30;
	v31 =	vsel vm12, $0x500, v31  }
0x1f: {  	v32 =	vsel vm12, $0x501, v32;
	v0 =	vunpack.c.l.s4.s8 v0;
	v2 =	vunpack.c.l.s4.s8 v2  }
0x20: {  	v19 =	vsel vm11, $0x185, v19;
	v26 =	vsel vm13, $0x482, v26;
	v27 =	vsel vm11, $0x585, v27  }
0x21: {  	v28 =	vsel vm11, $0x586, v28;
	v29 =	vsel vm11, $0x587, v29;
	v30 =	vsel vm11, $0x580, v30  }
0x22: {  	v31 =	vsel vm11, $0x581, v31;
	v4 =	vcombine.low v12, v11;
	v7 =	vcombine.low v38, v20  }
0x23: {  	v32 =	vsel vm11, $0x582, v32;
	v24 =	vcombine.low v17, v21;
	v25 =	vcombine.low v18, v22  }
0x24: {  	v23 =	vand.u32 $0xF, v23;
	v11 =	vcombine.low v11, v12;
	v48 =	vcombine.low v20, v38  }
0x25: {  	v51 =	vcombine.low v21, v17;
	v52 =	vcombine.low v22, v18;
	v20 =	vsel vm14, $0x3, v56  }
0x26: {  	v19 =	vsel vm10, $0x206, v19;
	v21 =	vsel vm14, $0x4, v57;
	v22 =	vsel vm14, $0x5, v58  }
0x27: {  	v26 =	vsel vm12, $0x503, v26;
	v27 =	vsel vm10, $0x606, v27;
	v28 =	vsel vm10, $0x607, v28  }
0x28: {  	v29 =	vsel vm10, $0x600, v29;
	v30 =	vsel vm10, $0x601, v30;
	v31 =	vsel vm10, $0x602, v31  }
0x29: {  	v32 =	vsel vm10, $0x603, v32;
	v10 =	vunpack.c.0.s8.s32 v0;
	v0 =	vunpack.c.l.s4.s8 v3  }
0x2a: {  	v3 =	vimm.s32 $0xA9876543;
	v16 =	vunpack.c.0.s8.s32 v2;
	v20 =	vsel vm13, $0x84, v20  }
0x2b: {  	v19 =	vsel vm9, $0x287, v19;
	v21 =	vsel vm13, $0x85, v21;
	v22 =	vsel vm13, $0x86, v22  }
0x2c: {  	v26 =	vsel vm11, $0x584, v26;
	v27 =	vsel vm9, $0x687, v27;
	v28 =	vsel vm9, $0x680, v28  }
0x2d: {  	v29 =	vsel vm9, $0x681, v29;
	v30 =	vsel vm9, $0x682, v30;
	v31 =	vsel vm9, $0x683, v31  }
0x2e: {  	v32 =	vsel vm9, $0x684, v32;
	v1 =	vunpack.c.l.s4.s8 v3;
	v2 =	vand.u32 $0xF, v4  }
0x2f: {  	v20 =	vsel vm12, $0x105, v20;
	v19 =	vsel vm8, $0x300, v19;
	v21 =	vsel vm12, $0x106, v21  }
0x30: {  	v22 =	vsel vm12, $0x107, v22;
	v26 =	vsel vm10, $0x605, v26;
	v27 =	vsel vm8, $0x700, v27  }
0x31: {  	v28 =	vsel vm8, $0x701, v28;
	v29 =	vsel vm8, $0x702, v29;
	v30 =	vsel vm8, $0x703, v30  }
0x32: {  	v31 =	vsel vm8, $0x704, v31;
	v32 =	vsel vm8, $0x705, v32;
	v13 =	vunpack.c.0.s8.s32 v0  }
0x33: {  	v0 =	vimm.s32 $0x3210FEDC;
	v3 =	vcombine.low v10, v9;
	v10 =	vcombine.low v9, v10  }
0x34: {  	v20 =	vsel vm11, $0x186, v20;
	v19 =	vsel vm7, $0x381, v19;
	v21 =	vsel vm11, $0x187, v21  }
0x35: {  	v22 =	vsel vm11, $0x180, v22;
	v26 =	vsel vm9, $0x686, v26;
	v27 =	vsel vm7, $0x781, v27  }
0x36: {  	v28 =	vsel vm7, $0x782, v28;
	v29 =	vsel vm7, $0x783, v29;
	v30 =	vsel vm7, $0x784, v30  }
0x37: {  	v31 =	vsel vm7, $0x785, v31;
	v32 =	vsel vm7, $0x786, v32;
	v14 =	vunpack.c.0.s8.s32 v1  }
0x38: {  	v1 =	vunpack.c.l.s4.s8 v0;
	v20 =	vsel vm10, $0x207, v20;
	v19 =	vsel vm6, $0x802, v19  }
0x39: {  	v21 =	vsel vm10, $0x200, v21;
	v22 =	vsel vm10, $0x201, v22;
	v26 =	vsel vm8, $0x707, v26  }
0x3a: {  	v27 =	vsel vm6, $0xC02, v27;
	v28 =	vsel vm6, $0xC03, v28;
	v29 =	vsel vm6, $0xC04, v29  }
0x3b: {  	v30 =	vsel vm6, $0xC05, v30;
	v31 =	vsel vm6, $0xC06, v31;
	v32 =	vsel vm6, $0xC07, v32  }
0x3c: {  	v63 =	vand.u32 $0xF, v3;
	v20 =	vsel vm9, $0x280, v20;
	v19 =	vsel vm5, $0x883, v19  }
0x3d: {  	v21 =	vsel vm9, $0x281, v21;
	v22 =	vsel vm9, $0x282, v22;
	v26 =	vsel vm7, $0x780, v26  }
0x3e: {  	v27 =	vsel vm5, $0xC83, v27;
	v28 =	vsel vm5, $0xC84, v28;
	v29 =	vsel vm5, $0xC85, v29  }
0x3f: {  	v30 =	vsel vm5, $0xC86, v30;
	v31 =	vsel vm5, $0xC87, v31;
	v32 =	vsel vm5, $0xC80, v32  }
0x40: {  	v5 =	vcombine.low v14, v13;
	v15 =	vunpack.c.0.s8.s32 v1;
	v13 =	vcombine.low v13, v14  }
0x41: {  	v20 =	vsel vm8, $0x301, v20;
	v19 =	vsel vm4, $0x904, v19;
	v21 =	vsel vm8, $0x302, v21  }
0x42: {  	v22 =	vsel vm8, $0x303, v22;
	v26 =	vsel vm6, $0xC01, v26;
	v27 =	vsel vm4, $0xD04, v27  }
0x43: {  	v28 =	vsel vm4, $0xD05, v28;
	v29 =	vsel vm4, $0xD06, v29;
	v30 =	vsel vm4, $0xD07, v30  }
0x44: {  	v31 =	vsel vm4, $0xD00, v31;
	v32 =	vsel vm4, $0xD01, v32;
	v20 =	vsel vm7, $0x382, v20  }
0x45: {  	v19 =	vsel vm3, $0x985, v19;
	v21 =	vsel vm7, $0x383, v21;
	v22 =	vsel vm7, $0x384, v22  }
0x46: {  	v26 =	vsel vm5, $0xC82, v26;
	v27 =	vsel vm3, $0xD85, v27;
	v28 =	vsel vm3, $0xD86, v28  }
0x47: {  	v29 =	vsel vm3, $0xD87, v29;
	v30 =	vsel vm3, $0xD80, v30;
	v31 =	vsel vm3, $0xD81, v31  }
0x48: {  	[tilespmem:$0x1FE20] =	vst v2;
	v2 =	vand.u32 $0xF, v5;
	v35 =	vcombine.low v16, v15;
	v47 =	vcombine.low v15, v16  }
0x49: {  	v20 =	vsel vm6, $0x803, v20;
	v19 =	vsel vm2, $0xA06, v19;
	v21 =	vsel vm6, $0x804, v21  }
0x4a: {  	v22 =	vsel vm6, $0x805, v22;
	v26 =	vsel vm4, $0xD03, v26;
	v27 =	vsel vm2, $0xE06, v27  }
0x4b: {  	v28 =	vsel vm2, $0xE07, v28;
	v20 =	vsel vm5, $0x884, v20;
	v19 =	vsel vm1, $0xA87, v19  }
0x4c: {  	[tilespmem:$0x1FE30] =	vst v2;
	v21 =	vsel vm5, $0x885, v21;
	v22 =	vsel vm5, $0x886, v22;
	v2 =	vand.u32 $0xF, v35  }
0x4d: {  	v26 =	vsel vm3, $0xD84, v26;
	v27 =	vsel vm1, $0xE87, v27;
	[tilespmem:$0x1FE40] =	vst v2;
	v2 =	vand.u32 $0xF, v7  }
0x4e: {  	v28 =	vsel vm1, $0xE80, v28;
	v20 =	vsel vm4, $0x905, v20;
	[tilespmem:$0x1FE50] =	vst v2;
	v2 =	vand.u32 $0xF, v24  }
0x4f: {  	v21 =	vsel vm4, $0x906, v21;
	[tilespmem:$0x1FE60] =	vst v2;
	v2 =	vand.u32 $0xF, v25;
	v25 =	vsel vm14, $0x0, v42  }
0x50: {  	v22 =	vsel vm4, $0x907, v22;
	v26 =	vsel vm2, $0xE05, v26;
	v43 =	vsel vm13, $0x81, v25  }
0x51: {  	v20 =	vsel vm3, $0x986, v20;
	[tilespmem:$0x1FE70] =	vst v2;
	v2 =	vcombine.low v23, v41;
	v23 =	vsel vm12, $0x102, v43  }
0x52: {  	v21 =	vsel vm3, $0x987, v21;
	v22 =	vsel vm3, $0x980, v22;
	v44 =	vsel vm11, $0x183, v23  }
0x53: {  	v26 =	vsel vm1, $0xE86, v26;
	v20 =	vsel vm2, $0xA07, v20;
	v12 =	vsel vm10, $0x204, v44  }
0x54: {  	v21 =	vsel vm2, $0xA00, v21;
	[tilespmem:$0x1FE80] =	vst v2;
	v2 =	vand.u32 $0xF, v10;
	v45 =	vsel vm9, $0x285, v12  }
0x55: {  	v22 =	vsel vm2, $0xA01, v22;
	[tilespmem:$0x1FE90] =	vst v2;
	v2 =	vand.u32 $0xF, v11;
	v46 =	vsel vm8, $0x306, v45  }
0x56: {  	v24 =	vsel vm14, $0x7, v60;
	[tilespmem:$0x1FEA0] =	vst v2;
	v2 =	vand.u32 $0xF, v13;
	v13 =	vsel vm7, $0x387, v46  }
0x57: {  	v20 =	vsel vm1, $0xA80, v20;
	v21 =	vsel vm1, $0xA81, v21;
	v49 =	vsel vm6, $0x800, v13  }
0x58: {  	v22 =	vsel vm1, $0xA82, v22;
	v24 =	vsel vm13, $0x80, v24;
	v16 =	vsel vm5, $0x881, v49  }
0x59: {  	v25 =	vsel vm14, $0x400, v61;
	[tilespmem:$0x1FEB0] =	vst v2;
	v2 =	vand.u32 $0xF, v47;
	v50 =	vsel vm4, $0x902, v16  }
0x5a: {  	v25 =	vsel vm13, $0x481, v25;
	[tilespmem:$0x1FEC0] =	vst v2;
	v2 =	vand.u32 $0xF, v48;
	v15 =	vsel vm3, $0x983, v50  }
0x5b: {  	v25 =	vsel vm12, $0x502, v25;
	[tilespmem:$0x1FED0] =	vst v2;
	v2 =	vand.u32 $0xF, v51;
	v53 =	vsel vm2, $0xA04, v15  }
0x5c: {  	v25 =	vsel vm11, $0x583, v25;
	[tilespmem:$0x1FEE0] =	vst v2;
	v2 =	vand.u32 $0xF, v52;
	v18 =	vsel vm1, $0xA85, v53  }
0x5d: {  	v25 =	vsel vm10, $0x604, v25;
	[tilespmem:$0x1FEF0] =	vst v2;
	v2 =	vsel vm0, $0xB06, v18;
	v18 =	vsel vm14, $0x1, v54  }
0x5e: {  	v24 =	vsel vm12, $0x101, v24;
	v25 =	vsel vm9, $0x685, v25;
	v18 =	vsel vm13, $0x82, v18  }
0x5f: {  	v24 =	vsel vm11, $0x182, v24;
	v25 =	vsel vm8, $0x706, v25;
	v18 =	vsel vm12, $0x103, v18  }
0x60: {  	v23 =	vsel vm14, $0x6, v59;
	v25 =	vsel vm7, $0x787, v25;
	v18 =	vsel vm11, $0x184, v18  }
0x61: {  	v24 =	vsel vm10, $0x203, v24;
	v25 =	vsel vm6, $0xC00, v25;
	v18 =	vsel vm10, $0x205, v18  }
0x62: {  	s0 =	rddreg [dreg:$0x0];
	v23 =	vsel vm13, $0x87, v23;
	v25 =	vsel vm5, $0xC81, v25;
	v18 =	vsel vm9, $0x286, v18  }
0x63: {  	s1 =	rddreg [dreg:$0x1];
	v24 =	vsel vm9, $0x284, v24;
	v25 =	vsel vm4, $0xD02, v25;
	v18 =	vsel vm8, $0x307, v18  }
0x64: {  	s2 =	rddreg [dreg:$0x2];
	v23 =	vsel vm12, $0x100, v23;
	v25 =	vsel vm3, $0xD83, v25;
	v18 =	vsel vm7, $0x380, v18  }
0x65: {  	s4 =	rddreg [dreg:$0x3];
	v24 =	vsel vm8, $0x305, v24;
	v25 =	vsel vm2, $0xE04, v25;
	v18 =	vsel vm6, $0x801, v18  }
0x66: {  	s3 =	srdreg.scid;
	s6 =	simm.s32 $0x0;
	s11 =	stileid.u32;
	v23 =	vsel vm11, $0x181, v23;
	v25 =	vsel vm1, $0xE85, v25;
	v18 =	vsel vm5, $0x882, v18  }
0x67: {  	s18 =	simm.s32 $0x1A6A0;
	s28 =	simm.s32 $0x80;
	s29 =	simm.s32 $0x1AEA0;
	v24 =	vsel vm7, $0x386, v24;
	[tilespmem:$0x1FF00] =	vst v2;
	v3 =	vsel vm0, $0xF06, v25;
	v18 =	vsel vm4, $0x903, v18  }
0x68: {  	s31 =	simm.s32 $0x1B6A0;
	s3 =	sand.u32 $0x1, s3;
	s8 =	smul.u32 $0x61A80, s11;
	v23 =	vsel vm10, $0x202, v23;
	[tilespmem:$0x1FF60] =	vst v3;
	v3 =	vsel vm0, $0xF07, v26;
	v18 =	vsel vm3, $0x984, v18  }
0x69: {  	[smem:$0x7FF] =	sst s6;
	s10 =	sshll.u32 s11, $0x1;
	s11 =	smul.u32 $0x186A, s11;
	v23 =	vsel vm9, $0x283, v23;
	[tilespmem:$0x1FF70] =	vst v3;
	v3 =	vsel vm0, $0xF00, v27;
	v18 =	vsel vm2, $0xA05, v18  }
0x6a: {  	s5 =	ssub.s32 $0x2, s3;
	s7 =	sor.u32 s3, s10;
	s3 =	smul.u32 $0x186A0, s3;
	v23 =	vsel vm8, $0x304, v23;
	[tilespmem:$0x1FF80] =	vst v3;
	v3 =	vsel vm0, $0xF01, v28;
	v18 =	vsel vm1, $0xA86, v18  }
0x6b: {  	s30 =	simm.s32 $0x2;
	s15 =	ssub.s32 $0x30D4, s10;
	s10 =	simm.s32 $0x1D2A0;
	v24 =	vsel vm6, $0x807, v24;
	v23 =	vsel vm7, $0x385, v23;
	[tilespmem:$0x1FF90] =	vst v3;
	v2 =	vsel vm0, $0xB07, v18  }
0x6c: {  	s9 =	sshrl.u32 s5, $0x1;
	s8 =	sshrl.u32 s8, $0x2;
	s12 =	sshll.u32 s7, $0x8;
	v24 =	vsel vm5, $0x880, v24;
	v23 =	vsel vm6, $0x806, v23;
	[tilespmem:$0x1FF10] =	vst v2;
	v2 =	vsel vm0, $0xB00, v19  }
0x6d: {  	s19 =	sshll.u32 s7, $0x5;
	s13 =	sor.u32 $0x20, s7;
	s8 =	sadd.s32 s8, s4;
	v24 =	vsel vm4, $0x901, v24;
	v23 =	vsel vm5, $0x887, v23;
	[tilespmem:$0x1FF20] =	vst v2;
	v2 =	vsel vm0, $0xB01, v20  }
0x6e: {  	s5 =	ssub.s32 s5, s9;
	s12 =	sadd.s32 s0, s12;
	s3 =	sadd.s32 s11, s3;
	v24 =	vsel vm3, $0x982, v24;
	v23 =	vsel vm4, $0x900, v23;
	[tilespmem:$0x1FF30] =	vst v2;
	v2 =	vsel vm0, $0xB02, v21  }
0x6f: {  	s20 =	sadd.s32 s1, s19;
	s21 =	sshll.u32 s13, $0x8;
	s23 =	sshll.u32 s13, $0x5;
	v24 =	vsel vm2, $0xA03, v24;
	v23 =	vsel vm3, $0x981, v23;
	[tilespmem:$0x1FF40] =	vst v2;
	v2 =	vsel vm0, $0xB03, v22  }
0x70: {  	s19 =	simm.s32 $0x5;
	s11 =	simm.s32 $0x0;
	s9 =	sadd.s32 $0x18000, s8;
	v32 =	vsel vm3, $0xD82, v32;
	v24 =	vsel vm1, $0xA84, v24;
	v23 =	vsel vm2, $0xA02, v23;
	[tilespmem:$0x1FF50] =	vst v2  }
0x71: {  	s22 =	sadd.s32 s0, s21;
	v29 =	vsel vm2, $0xE00, v29;
	v57 =	vsel vm0, $0xB05, v24;
	v23 =	vsel vm1, $0xA83, v23;
	_ =	strace $0x80000047;
	[dreg:$0x6] =	wrdreg s12  }
0x72: {  	s26 =	smax.u32 s5, $0x1;
	s5 =	simm.s32 $0x3;
	v30 =	vsel vm2, $0xE01, v30;
	v29 =	vsel vm1, $0xE81, v29;
	v2 =	vsel vm0, $0xB04, v23;
	[dreg:$0x7] =	wrdreg s20;
	[tilespmem:$0x1FFA0] =	vst v57  }
0x73: {  	v31 =	vsel vm2, $0xE02, v31;
	v30 =	vsel vm1, $0xE82, v30;
	v3 =	vsel vm0, $0xF02, v29;
	s12 =	sshll.u32 s3, $0x4;
	[dreg:$0x8] =	wrdreg s22;
	s3 =	sadd.s32 s1, s23;
	[tilespmem:$0x1FFB0] =	vst v2  }
0x74: {  	v32 =	vsel vm2, $0xE03, v32;
	v31 =	vsel vm1, $0xE83, v31;
	v30 =	vsel vm0, $0xF03, v30;
	[dreg:$0xb] =	wrdreg s26;
	s22 =	simm.s32 $0x186A0;
	[tilespmem:$0x1FFC0] =	vst v3;
	s24 =	sshrl.u32 s12, $0x3  }
0x75: {  	v32 =	vsel vm1, $0xE84, v32;
	v31 =	vsel vm0, $0xF04, v31;
	s26 =	simm.s32 $0x1;
	[dreg:$0x5] =	wrdreg s9;
	[tilespmem:$0x1FFD0] =	vst v30;
	s25 =	sadd.s32 s2, s24  }
0x76: {  	v1 =	vlaneseq.u32;
	v32 =	vsel vm0, $0xF05, v32;
	[tilespmem:$0x1FFE0] =	vst v31;
	[dreg:$0x9] =	wrdreg s3;
	s24 =	simm.s32 $0x196A0;
	s3 =	sadd.s32 $0x3000, s25  }
0x77: {  	v0 =	vimm.f32 $0.0e+00;
	v33 =	vor.u32 $0x800, v1;
	[tilespmem:$0x1FFF0] =	vst v32;
	s25 =	simm.s32 $0x1CAA0;
	[dreg:$0xa] =	wrdreg s3;
	s3 =	simm.s32 $0x1BEA0  }
.LBB2_1:
0x78: {  	s13 =	simm.s32 $0x0  }
.LBB2_2:
0x79: {  	p0 =	sne.s32 s13, $0x1FC0  }
.Ltmp0:
0x7a: {  	_ = 	snop;
	(pc) =	sbr.rel @p0 .LBB2_2-.Ltmp0, $3  }
0x7b: {  	_ =	sdelay $0x1  }
0x7c: {  	s14 =	sshra.s32 s13, $0x2  }
0x7d: {  	s13 =	sadd.s32 $0x40, s13;
	[tilespmem:s14+$0x1A6A0] =	vst v0  }
0x7e: {  	s13 =	sadd.s32 $0x0, s8  }
0x7f: {  	[spmem:s13] =	stream.linear.scatter [tilespmem:s18], [sflag:$0x5], $0x800, $0x38;
	[tilespmem:$0x1DAA0] =	vst v63  }
0x80: {  	_ =	swait.ge [sflag:s19], $0x800  }
0x81: {  	v10 =	vld [tilespmem:$0x1FE20]  }
0x82: {  	v11 =	vld [tilespmem:$0x1FE30]  }
0x83: {  	v12 =	vld [tilespmem:$0x1FE40]  }
0x84: {  	v13 =	vld [tilespmem:$0x1FE50]  }
0x85: {  	v14 =	vld [tilespmem:$0x1FE60]  }
0x86: {  	v15 =	vld [tilespmem:$0x1FE70]  }
0x87: {  	v16 =	vld [tilespmem:$0x1FE80]  }
0x88: {  	v17 =	vld [tilespmem:$0x1FE90]  }
0x89: {  	v18 =	vld [tilespmem:$0x1FEA0]  }
0x8a: {  	v19 =	vld [tilespmem:$0x1FEB0]  }
0x8b: {  	v20 =	vld [tilespmem:$0x1FEC0]  }
0x8c: {  	v21 =	vld [tilespmem:$0x1FED0]  }
0x8d: {  	v22 =	vld [tilespmem:$0x1FEE0]  }
0x8e: {  	v23 =	vld [tilespmem:$0x1FEF0]  }
0x8f: {  	v26 =	vld [tilespmem:$0x1FF00]  }
0x90: {  	v27 =	vld [tilespmem:$0x1FF10]  }
0x91: {  	v28 =	vld [tilespmem:$0x1FF20]  }
0x92: {  	v54 =	vld [tilespmem:$0x1FF30]  }
0x93: {  	v29 =	vld [tilespmem:$0x1FF40]  }
0x94: {  	s13 =	simm.s32 $0x2000;
	v43 =	vld [tilespmem:$0x1FF50]  }
.LBB2_4:
0x95: {  	s14 =	sshra.s32 s13, $0x2;
	[sflag:s19] =	ssyncset.done $0x0;
	p0 =	sne.s32 s13, $0x5E000  }
.Ltmp1:
0x96: {  	s14 =	sadd.s32 s14, s8;
	[sflag:s19] =	ssyncadd.s32 $0xFFFFF800;
	(pc) =	sbr.rel @p0 .LBB2_4-.Ltmp1, $3  }
0x97: {  	[spmem:s14] =	stream.linear.scatter [tilespmem:s18], [sflag:$0x5], $0x800, $0x38;
	[tilespmem:$0x1DAA0] =	vst v63  }
0x98: {  	s13 =	sadd.s32 $0x2000, s13;
	_ =	sdelay $0x1  }
0x99: {  	_ =	swait.ge [sflag:s19], $0x800  }
0x9a: {  	[sflag:s19] =	ssyncset.done $0x0  }
0x9b: {  	[sflag:s19] =	ssyncadd.s32 $0xFFFFF800  }
0x9c: {  	[spmem:s9] =	stream.linear.scatter [tilespmem:s18], [sflag:$0x5], $0x6A0, $0x38;
	[tilespmem:$0x1DAA0] =	vst v63  }
0x9d: {  	_ =	swait.ge [sflag:s19], $0x6A0  }
0x9e: {  	[sflag:s19] =	ssyncset.done $0x0  }
0x9f: {  	[sflag:s19] =	ssyncadd.s32 $0xFFFFF960  }
0xa0: {  	[bflag:$0x0] =	sbarrier.arrive $0xFFFF  }
0xa1: {  	s13 =	simm.s32 $0x800;
	s14 =	simm.s32 $0x186A000;
	s21 =	rddreg [dreg:$0x6]  }
0xa2: {  	[tilespmem:s22], [sflag:$0x1] =	stream.strided.gather [hbm4b:s21+s13], $0x1000, s14, s13, $0x38;
	[tilespmem:$0x1DAA0] =	vst v63  }
0xa3: {  	s20 =	simm.s32 $0x0;
	s16 =	simm.s32 $0x1C6A0;
	s23 =	rddreg [dreg:$0x7]  }
0xa4: {  	[tilespmem:s16], [sflag:$0x1] =	stream.linear.gather [hbm4b:s23+s20], $0x100, $0x38;
	[tilespmem:$0x1DAA0] =	vst v63  }
.Ltmp2:
0xa5: {  	_ = 	snop;
	(pc) =	sbr.rel .LBB2_6-.Ltmp2, $4  }
0xa6: {  	s17 =	rddreg [dreg:$0x8]  }
0xa7: {  	[tilespmem:s24], [sflag:$0x2] =	stream.strided.gather [hbm4b:s17+s13], $0x1000, s14, s13, $0x38;
	[tilespmem:$0x1DAA0] =	vst v63  }
0xa8: {  	s21 =	rddreg [dreg:$0x9];
	s23 =	simm.s32 $0x1C7A0  }
0xa9: {  	[tilespmem:s23], [sflag:$0x2] =	stream.linear.gather [hbm4b:s21+s20], $0x100, $0x38;
	[tilespmem:$0x1DAA0] =	vst v63  }
.LBB2_18:
0xaa: {  	s20 =	sadd.s32 $0x1, s20  }
0xab: {  	p0 =	sne.s32 s20, $0xC4  }
.Ltmp3:
0xac: {  	_ = 	snop;
	(pc) =	sbr.rel @!p0 .LBB2_19-.Ltmp3, $1  }
0xad: {  	_ =	sdelay $0x3  }
.LBB2_6:
0xae: {  	s13 =	sshll.u32 s20, $0x6  }
0xaf: {  	p0 =	sge.u32 s13, s15  }
.Ltmp4:
0xb0: {  	_ = 	snop;
	(pc) =	sbr.rel @p0 .LBB2_12-.Ltmp4, $2  }
0xb1: {  	_ =	sdelay $0x2  }
0xb2: {  	s21 =	sshll.u32 s20, $0x1  }
0xb3: {  	_ =	swait.ge [sflag:s26], $0x1000  }
0xb4: {  	[sflag:s26] =	ssyncset.done $0x0  }
0xb5: {  	s13 =	simm.s32 $0x0;
	[sflag:s26] =	ssyncadd.s32 $0xFFFFF000  }
0xb6: {  	v2 =	vor.u32 s13, v19;
	_ =	swait.ge [sflag:s26], $0x100  }
0xb7: {  	p0 =	seq.s32 s20, $0x0;
	v3 =	vor.u32 s13, v21;
	v38 =	vor.u32 s13, v63;
	v56 =	vor.u32 s13, v22;
	[sflag:s26] =	ssyncset.done $0x0  }
0xb8: {  	s14 =	simm.s32 @!p0 $0x3;
	v48 =	vor.u32 s13, v10;
	v40 =	vor.u32 s13, v1;
	v44 =	vor.u32 s13, v12;
	[sflag:s26] =	ssyncadd.s32 $0xFFFFFF00  }
0xb9: {  	v45 =	vor.u32 s13, v13;
	v52 =	vor.u32 s13, v18;
	v34 =	vand.u32 $0x78, v38;
	_ =	swait.ge @!p0 [sflag:s14], $0x800  }
0xba: {  	v46 =	vor.u32 s13, v17;
	v35 =	vand.u32 $0x78, v48;
	v34 =	vor.u32 v27, v34;
	[sflag:s14] =	ssyncset.done @!p0 $0x0  }
0xbb: {  	v50 =	vor.u32 s13, v16;
	v37 =	vand.u32 $0x78, v40;
	v35 =	vor.u32 v28, v35;
	[sflag:s14] =	ssyncadd.s32 @!p0 $0xFFFFF800  }
0xbc: {  	v39 =	vand.u32 $0x78, v44;
	v41 =	vand.u32 $0x78, v3;
	v37 =	vor.u32 v26, v37;
	_ =	swait.ge @!p0 [sflag:s14], $0x800  }
0xbd: {  	v47 =	vand.u32 $0x78, v52;
	v62 =	vand.u32 $0x78, v50;
	v39 =	vor.u32 v29, v39;
	[sflag:s14] =	ssyncset.done @!p0 $0x0  }
0xbe: {  	v41 =	vor.u32 v43, v41;
	v59 =	vor.u32 v26, v62;
	v62 =	vor.u32 s13, v23;
	v23 =	vld [tilespmem:$0x1FFB0];
	[sflag:s14] =	ssyncadd.s32 @!p0 $0xFFFFF800  }
0xbf: {  	v49 =	vor.u32 s13, v11;
	v61 =	vand.u32 $0x78, v46;
	v47 =	vor.u32 v28, v47;
	v4 =	vld.idx.msk [tilespmem:v34+s22+$0x0], $0xffff  }
0xc0: {  	v55 =	vor.u32 s13, v20;
	v51 =	vand.u32 $0x78, v49;
	v53 =	vor.u32 v27, v61;
	v5 =	vld.idx.msk [tilespmem:v35+s22+$0x0], $0xffff  }
0xc1: {  	v0 =	vmovc v11;
	v58 =	vor.u32 s13, v15;
	v60 =	vor.u32 s13, v14;
	v51 =	vor.u32 v54, v51;
	v6 =	vld.idx.msk [tilespmem:v37+s22+$0x0], $0xffff  }
0xc2: {  	v14 =	vmovc v0;
	v7 =	vand.u32 $0x78, v2;
	v42 =	vand.u32 $0x78, v58;
	v0 =	vand.u32 $0x78, v60;
	v39 =	vld.idx.msk [tilespmem:v39+s22+$0x0], $0xffff  }
0xc3: {  	v24 =	vmovc v26;
	v32 =	vmovc v63;
	v40 =	vshll.u32 v40, $0x4;
	v38 =	vshll.u32 v38, $0x4;
	v61 =	vor.u32 v54, v7;
	v34 =	vld.idx.msk [tilespmem:v41+s22+$0x0], $0xffff  }
0xc4: {  	v44 =	vshll.u32 v44, $0x4;
	v26 =	vmovc v28;
	v28 =	vmovc v29;
	v63 =	vor.u32 v57, v42;
	v35 =	vld.idx.msk [tilespmem:v47+s22+$0x0], $0xffff;
	v47 =	vand.u32 $0x78, v55  }
0xc5: {  	v11 =	vmovc v22;
	v22 =	vmovc v57;
	v48 =	vshll.u32 v48, $0x4;
	v41 =	vand.u32 $0x78, v62;
	v37 =	vld.idx.msk [tilespmem:v53+s22+$0x0], $0xffff;
	v42 =	vor.u32 v28, v47  }
0xc6: {  	v7 =	vand.u32 $0x78, v56;
	v29 =	vmovc v43;
	v43 =	vor.u32 v57, v41;
	v57 =	vld.idx.msk [tilespmem:v51+s22+$0x0], $0xffff;
	v0 =	vor.u32 v23, v0  }
0xc7: {  	v58 =	vshll.u32 v58, $0x4;
	v60 =	vshll.u32 v60, $0x4;
	v41 =	vld.idx.msk [tilespmem:v59+s22+$0x0], $0xffff;
	v36 =	vor.u32 v23, v7  }
0xc8: {  	v46 =	vshll.u32 v46, $0x4;
	v59 =	vor.u32 v1, v40;
	v40 =	vld.idx.msk [tilespmem:v61+s22+$0x0], $0xffff;
	v7 =	vand.u32 $0x78, v45  }
0xc9: {  	v25 =	vmovc v27;
	v27 =	vmovc v54;
	v54 =	vshll.u32 v50, $0x4;
	v47 =	vld.idx.msk [tilespmem:v63+s22+$0x0], $0xffff;
	v45 =	vshll.u32 v45, $0x4;
	v53 =	vor.u32 v29, v7  }
0xca: {  	v56 =	vshll.u32 v56, $0x4;
	v61 =	vor.u32 v1, v38;
	v50 =	vor.u32 v1, v45;
	v45 =	vld.idx.msk [tilespmem:v42+s22+$0x0], $0xffff  }
0xcb: {  	v7 =	vshll.u32 v49, $0x4;
	v49 =	vor.u32 v1, v44;
	v51 =	vld.idx.msk [tilespmem:v0+s22+$0x0], $0xffff;
	v0 =	vor.u32 v1, v48  }
0xcc: {  	v44 =	vor.u32 v1, v46;
	v46 =	vshll.u32 v3, $0x4;
	v63 =	vor.u32 v1, v7;
	v38 =	vld.idx.msk [tilespmem:v36+s22+$0x0], $0xffff  }
0xcd: {  	v7 =	vshll.u32 v62, $0x4;
	v62 =	vshll.u32 v55, $0x4;
	v46 =	vor.u32 v1, v46;
	v36 =	vld.idx.msk [tilespmem:v43+s22+$0x0], $0xffff  }
0xce: {  	v55 =	vor.u32 v1, v60;
	v42 =	vor.u32 v1, v7;
	v53 =	vld.idx.msk [tilespmem:v53+s22+$0x0], $0xffff;
	[tilespmem:v59+s18+$0x0] =	vst.idx.msk $0xffff, v6  }
0xcf: {  	v43 =	vor.u32 v1, v56;
	v48 =	vor.u32 v1, v62;
	v6 =	vshll.u32 v2, $0x4;
	[tilespmem:v61+s18+$0x0] =	vst.idx.msk $0xffff, v4  }
0xd0: {  	v7 =	vshll.u32 v52, $0x4;
	v56 =	vor.u32 v1, v58;
	v52 =	vor.u32 v1, v6;
	[tilespmem:v0+s18+$0x0] =	vst.idx.msk $0xffff, v5  }
0xd1: {  	s13 =	simm.s32 $0x10;
	[tilespmem:v63+s18+$0x0] =	vst.idx.msk $0xffff, v57;
	v57 =	vor.u32 v1, v54;
	v54 =	vor.u32 v1, v7  }
.LBB2_8:
0xd2: {  	[tilespmem:v49+s18+$0x0] =	vst.idx.msk $0xffff, v39  }
0xd3: {  	[tilespmem:v50+s18+$0x0] =	vst.idx.msk $0xffff, v53  }
0xd4: {  	[tilespmem:v55+s18+$0x0] =	vst.idx.msk $0xffff, v51  }
0xd5: {  	v0 =	vor.u32 s13, v19;
	v58 =	vor.u32 s13, v21;
	v59 =	vor.u32 s13, v11;
	s14 =	smov.u32 s13;
	[tilespmem:v56+s18+$0x0] =	vst.idx.msk $0xffff, v47  }
0xd6: {  	v49 =	vor.u32 s14, v10;
	v60 =	vor.u32 s14, v13;
	v61 =	vor.u32 s14, v20;
	[tilespmem:v57+s18+$0x0] =	vst.idx.msk $0xffff, v41  }
0xd7: {  	v2 =	vld [tilespmem:$0x1FE60];
	v53 =	vor.u32 s14, v16;
	v39 =	vor.u32 s14, v12;
	v41 =	vor.u32 s14, v32;
	[tilespmem:v44+s18+$0x0] =	vst.idx.msk $0xffff, v37  }
0xd8: {  	v6 =	vand.u32 $0x78, v58;
	v51 =	vor.u32 s14, v17;
	v5 =	vand.u32 $0x78, v41;
	[tilespmem:v54+s18+$0x0] =	vst.idx.msk $0xffff, v35  }
0xd9: {  	v7 =	vand.u32 $0x78, v49;
	v47 =	vor.u32 s14, v1;
	v35 =	vor.u32 v25, v5;
	[tilespmem:v52+s18+$0x0] =	vst.idx.msk $0xffff, v40  }
0xda: {  	v55 =	vor.u32 s14, v18;
	v4 =	vand.u32 $0x78, v47;
	v44 =	vor.u32 v26, v7;
	[tilespmem:v48+s18+$0x0] =	vst.idx.msk $0xffff, v45  }
0xdb: {  	v63 =	vand.u32 $0x78, v61;
	v37 =	vor.u32 v24, v4;
	v4 =	vand.u32 $0x78, v39;
	[tilespmem:v46+s18+$0x0] =	vst.idx.msk $0xffff, v34  }
0xdc: {  	v56 =	vor.u32 s14, v15;
	v50 =	vor.u32 s14, v2;
	v34 =	vor.u32 v28, v4;
	[tilespmem:v43+s18+$0x0] =	vst.idx.msk $0xffff, v38  }
0xdd: {  	v2 =	vld [tilespmem:$0x1FEF0];
	v5 =	vand.u32 $0x78, v55;
	v40 =	vor.u32 s14, v14;
	v52 =	vor.u32 v29, v6;
	[tilespmem:v42+s18+$0x0] =	vst.idx.msk $0xffff, v36  }
0xde: {  	v63 =	vor.u32 v28, v63;
	v45 =	vand.u32 $0x78, v40;
	v48 =	vor.u32 v26, v5;
	v57 =	vld.idx.msk [tilespmem:v35+s22+$0x0], $0xffff  }
0xdf: {  	v7 =	vand.u32 $0x78, v51;
	v41 =	vshll.u32 v41, $0x4;
	v45 =	vor.u32 v27, v45;
	v3 =	vld.idx.msk [tilespmem:v44+s22+$0x0], $0xffff  }
0xe0: {  	v6 =	vand.u32 $0x78, v53;
	v46 =	vand.u32 $0x78, v0;
	v44 =	vshll.u32 v47, $0x4;
	v4 =	vld.idx.msk [tilespmem:v37+s22+$0x0], $0xffff  }
0xe1: {  	v43 =	vor.u32 v24, v6;
	v5 =	vor.u32 v1, v44;
	v44 =	vshll.u32 v39, $0x4;
	v39 =	vld.idx.msk [tilespmem:v34+s22+$0x0], $0xffff  }
0xe2: {  	v62 =	vor.u32 s14, v2;
	v46 =	vor.u32 v27, v46;
	v35 =	vand.u32 $0x78, v50;
	v34 =	vld.idx.msk [tilespmem:v52+s22+$0x0], $0xffff  }
0xe3: {  	v36 =	vand.u32 $0x78, v56;
	v42 =	vor.u32 v25, v7;
	v52 =	vor.u32 v23, v35;
	v35 =	vld.idx.msk [tilespmem:v48+s22+$0x0], $0xffff  }
0xe4: {  	v54 =	vand.u32 $0x78, v59;
	v2 =	vand.u32 $0x78, v62;
	v36 =	vor.u32 v22, v36;
	v7 =	vld.idx.msk [tilespmem:v45+s22+$0x0], $0xffff  }
0xe5: {  	v38 =	vand.u32 $0x78, v60;
	v6 =	vor.u32 v1, v41;
	v2 =	vor.u32 v22, v2;
	v45 =	vld.idx.msk [tilespmem:v63+s22+$0x0], $0xffff  }
0xe6: {  	v47 =	vshll.u32 v60, $0x4;
	v60 =	vor.u32 v29, v38;
	v38 =	vor.u32 v23, v54;
	v41 =	vld.idx.msk [tilespmem:v43+s22+$0x0], $0xffff  }
0xe7: {  	v48 =	vshll.u32 v40, $0x4;
	v40 =	vld.idx.msk [tilespmem:v46+s22+$0x0], $0xffff  }
0xe8: {  	v8 =	vshll.u32 v53, $0x4;
	v54 =	vshll.u32 v56, $0x4;
	v37 =	vld.idx.msk [tilespmem:v42+s22+$0x0], $0xffff  }
0xe9: {  	v56 =	vshll.u32 v50, $0x4;
	v50 =	vor.u32 v1, v47;
	v42 =	vshll.u32 v49, $0x4;
	v47 =	vld.idx.msk [tilespmem:v36+s22+$0x0], $0xffff  }
0xea: {  	v61 =	vshll.u32 v61, $0x4;
	v9 =	vshll.u32 v55, $0x4;
	v36 =	vld.idx.msk [tilespmem:v2+s22+$0x0], $0xffff;
	v2 =	vor.u32 v1, v42  }
0xeb: {  	p0 =	sne.s32 s13, $0x70;
	v53 =	vshll.u32 v51, $0x4;
	v55 =	vor.u32 v1, v56;
	v63 =	vor.u32 v1, v48;
	v38 =	vld.idx.msk [tilespmem:v38+s22+$0x0], $0xffff  }
.Ltmp5:
0xec: {  	v56 =	vor.u32 v1, v54;
	v49 =	vor.u32 v1, v44;
	v44 =	vor.u32 v1, v53;
	v53 =	vld.idx.msk [tilespmem:v60+s22+$0x0], $0xffff;
	(pc) =	sbr.rel @p0 .LBB2_8-.Ltmp5, $4  }
0xed: {  	v62 =	vshll.u32 v62, $0x4;
	v54 =	vor.u32 v1, v9;
	v43 =	vshll.u32 v59, $0x4;
	v51 =	vld.idx.msk [tilespmem:v52+s22+$0x0], $0xffff;
	[tilespmem:v5+s18+$0x0] =	vst.idx.msk $0xffff, v4  }
0xee: {  	v46 =	vshll.u32 v58, $0x4;
	v48 =	vor.u32 v1, v61;
	v43 =	vor.u32 v1, v43;
	[tilespmem:v6+s18+$0x0] =	vst.idx.msk $0xffff, v57  }
0xef: {  	v0 =	vshll.u32 v0, $0x4;
	v46 =	vor.u32 v1, v46;
	v42 =	vor.u32 v1, v62;
	[tilespmem:v2+s18+$0x0] =	vst.idx.msk $0xffff, v3  }
0xf0: {  	s13 =	sadd.s32 $0x10, s13;
	v52 =	vor.u32 v1, v0;
	v57 =	vor.u32 v1, v8;
	[tilespmem:v63+s18+$0x0] =	vst.idx.msk $0xffff, v7  }
0xf1: {  	_ =	sdelay $0x3  }
0xf2: {  	[tilespmem:v49+s18+$0x0] =	vst.idx.msk $0xffff, v39  }
0xf3: {  	[tilespmem:v50+s18+$0x0] =	vst.idx.msk $0xffff, v53  }
0xf4: {  	v25 =	vld [tilespmem:$0x1FF70];
	[tilespmem:v55+s18+$0x0] =	vst.idx.msk $0xffff, v51  }
0xf5: {  	s14 =	simm.s32 $0x0;
	v26 =	vld [tilespmem:$0x1FF80];
	[tilespmem:v56+s18+$0x0] =	vst.idx.msk $0xffff, v47  }
0xf6: {  	v23 =	vld [tilespmem:$0x1FEF0];
	v0 =	vor.u32 s14, v19;
	v2 =	vor.u32 s14, v21;
	[tilespmem:v57+s18+$0x0] =	vst.idx.msk $0xffff, v41  }
0xf7: {  	v28 =	vld [tilespmem:$0x1FFC0];
	v3 =	vor.u32 s14, v32;
	v4 =	vor.u32 s14, v11;
	v5 =	vor.u32 s14, v10;
	[tilespmem:v44+s18+$0x0] =	vst.idx.msk $0xffff, v37  }
0xf8: {  	v24 =	vld [tilespmem:$0x1FF60];
	v7 =	vor.u32 s14, v1;
	v9 =	vor.u32 s14, v12;
	v39 =	vor.u32 s14, v13;
	[tilespmem:v54+s18+$0x0] =	vst.idx.msk $0xffff, v35  }
0xf9: {  	v6 =	vand.u32 $0x78, v3;
	v8 =	vand.u32 $0x78, v5;
	v58 =	vand.u32 $0x78, v2;
	[tilespmem:v52+s18+$0x0] =	vst.idx.msk $0xffff, v40  }
0xfa: {  	v63 =	vmovc v32;
	v32 =	vld [tilespmem:$0x1FFF0];
	v56 =	vand.u32 $0x78, v7;
	v57 =	vand.u32 $0x78, v9;
	v6 =	vor.u32 v25, v6;
	[tilespmem:v48+s18+$0x0] =	vst.idx.msk $0xffff, v45  }
0xfb: {  	s13 =	sshll.u32 s20, $0x9;
	v8 =	vor.u32 v26, v8;
	v53 =	vor.u32 s14, v23;
	v40 =	vor.u32 s14, v17;
	[tilespmem:v46+s18+$0x0] =	vst.idx.msk $0xffff, v34  }
0xfc: {  	v27 =	vld [tilespmem:$0x1FF90];
	s13 =	sand.u32 $0x200, s13;
	v35 =	vor.u32 v28, v57;
	v52 =	vor.u32 s14, v18;
	v60 =	vand.u32 $0x78, v40;
	[tilespmem:v43+s18+$0x0] =	vst.idx.msk $0xffff, v38  }
0xfd: {  	s16 =	sadd.s32 $0x1C6A0, s13;
	v59 =	vand.u32 $0x78, v52;
	v34 =	vor.u32 v24, v56;
	v62 =	vor.u32 v25, v60;
	[tilespmem:v42+s18+$0x0] =	vst.idx.msk $0xffff, v36  }
0xfe: {  	v22 =	vmovc v11;
	v11 =	vmovc v14;
	v60 =	vand.u32 $0x78, v53;
	v38 =	vor.u32 v26, v59;
	v42 =	vor.u32 s14, v14;
	v14 =	vld [tilespmem:$0x1FE60];
	[spmem:s4] =	stream.indirect.scatter.add.f32 [tilespmem:s18], [sflag:$0x3], $0x10, s16, s28, $0xb8  }
0xff: {  	v3 =	vshll.u32 v3, $0x4;
	v5 =	vshll.u32 v5, $0x4;
	v54 =	vor.u32 v32, v60;
	v6 =	vld.idx.msk [tilespmem:v6+s22+$0x0], $0xffff  }
0x100: {  	v2 =	vshll.u32 v2, $0x4;
	v57 =	vand.u32 $0x78, v0;
	v36 =	vor.u32 v30, v58;
	v8 =	vld.idx.msk [tilespmem:v8+s22+$0x0], $0xffff  }
0x101: {  	v47 =	vor.u32 s14, v20;
	v49 =	vor.u32 v27, v57;
	v45 =	vor.u32 s14, v15;
	v37 =	vld.idx.msk [tilespmem:v35+s22+$0x0], $0xffff  }
0x102: {  	v43 =	vor.u32 s14, v16;
	v59 =	vand.u32 $0x78, v4;
	v60 =	vshll.u32 v45, $0x4;
	v50 =	vld.idx.msk [tilespmem:v34+s22+$0x0], $0xffff  }
0x103: {  	v56 =	vand.u32 $0x78, v43;
	v55 =	vor.u32 v31, v59;
	v61 =	vand.u32 $0x78, v42;
	v35 =	vld.idx.msk [tilespmem:v38+s22+$0x0], $0xffff  }
0x104: {  	v58 =	vand.u32 $0x78, v45;
	v45 =	vshll.u32 v40, $0x4;
	v41 =	vor.u32 v27, v61;
	v40 =	vld.idx.msk [tilespmem:v54+s22+$0x0], $0xffff  }
0x105: {  	v7 =	vshll.u32 v7, $0x4;
	v3 =	vadd.s32 v33, v3;
	v46 =	vor.u32 v24, v56;
	v34 =	vld.idx.msk [tilespmem:v36+s22+$0x0], $0xffff  }
0x106: {  	v51 =	vor.u32 v32, v58;
	v61 =	vand.u32 $0x78, v39;
	v38 =	vand.u32 $0x78, v47;
	v36 =	vld.idx.msk [tilespmem:v62+s22+$0x0], $0xffff  }
0x107: {  	v44 =	vor.u32 v30, v61;
	v48 =	vor.u32 s14, v14;
	v58 =	vor.u32 v28, v38;
	v38 =	vld.idx.msk [tilespmem:v49+s22+$0x0], $0xffff  }
0x108: {  	v5 =	vadd.s32 v33, v5;
	v49 =	vshll.u32 v39, $0x4;
	v39 =	vld.idx.msk [tilespmem:v55+s22+$0x0], $0xffff;
	v62 =	vand.u32 $0x78, v48  }
0x109: {  	v7 =	vadd.s32 v33, v7;
	v9 =	vshll.u32 v9, $0x4;
	v57 =	vld.idx.msk [tilespmem:v41+s22+$0x0], $0xffff;
	v56 =	vor.u32 v31, v62  }
0x10a: {  	v0 =	vshll.u32 v0, $0x4;
	v4 =	vshll.u32 v4, $0x4;
	v59 =	vshll.u32 v42, $0x4;
	v41 =	vld.idx.msk [tilespmem:v46+s22+$0x0], $0xffff  }
0x10b: {  	v42 =	vadd.s32 v33, v45;
	v61 =	vshll.u32 v43, $0x4;
	v55 =	vshll.u32 v48, $0x4;
	v46 =	vld.idx.msk [tilespmem:v51+s22+$0x0], $0xffff  }
0x10c: {  	v48 =	vadd.s32 v33, v9;
	v9 =	vadd.s32 v33, v59;
	v59 =	vshll.u32 v53, $0x4;
	v53 =	vld.idx.msk [tilespmem:v44+s22+$0x0], $0xffff  }
0x10d: {  	v43 =	vadd.s32 v33, v4;
	v49 =	vadd.s32 v33, v49;
	v62 =	vshll.u32 v47, $0x4;
	v45 =	vld.idx.msk [tilespmem:v58+s22+$0x0], $0xffff  }
0x10e: {  	v47 =	vadd.s32 v33, v2;
	v55 =	vadd.s32 v33, v55;
	v51 =	vld.idx.msk [tilespmem:v56+s22+$0x0], $0xffff;
	[tilespmem:v7+s18+$0x0] =	vst.idx.msk $0xffff, v50  }
0x10f: {  	v2 =	vshll.u32 v52, $0x4;
	v52 =	vadd.s32 v33, v0;
	v44 =	vadd.s32 v33, v59;
	[tilespmem:v3+s18+$0x0] =	vst.idx.msk $0xffff, v6  }
0x110: {  	v54 =	vadd.s32 v33, v2;
	v56 =	vadd.s32 v33, v60;
	[tilespmem:v5+s18+$0x0] =	vst.idx.msk $0xffff, v8  }
0x111: {  	s14 =	simm.s32 $0x10;
	v50 =	vadd.s32 v33, v62;
	[tilespmem:v9+s18+$0x0] =	vst.idx.msk $0xffff, v57;
	v57 =	vadd.s32 v33, v61  }
.LBB2_10:
0x112: {  	v0 =	vor.u32 s14, v19;
	v2 =	vor.u32 s14, v21;
	v3 =	vor.u32 s14, v22;
	p0 =	sne.s32 s14, $0x70;
	[tilespmem:v48+s18+$0x0] =	vst.idx.msk $0xffff, v37;
	s16 =	smov.u32 s14;
	s14 =	sadd.s32 $0x10, s14  }
0x113: {  	v4 =	vor.u32 s16, v10;
	v5 =	vor.u32 s16, v13;
	v6 =	vor.u32 s16, v20;
	[tilespmem:v49+s18+$0x0] =	vst.idx.msk $0xffff, v53  }
0x114: {  	v7 =	vor.u32 s16, v14;
	v8 =	vor.u32 s16, v16;
	v9 =	vor.u32 s16, v23;
	[tilespmem:v55+s18+$0x0] =	vst.idx.msk $0xffff, v51  }
0x115: {  	v37 =	vor.u32 s16, v12;
	v48 =	vor.u32 s16, v17;
	v49 =	vor.u32 s16, v18;
	[tilespmem:v56+s18+$0x0] =	vst.idx.msk $0xffff, v46  }
0x116: {  	v51 =	vor.u32 s16, v15;
	v53 =	vand.u32 $0x78, v6;
	v46 =	vor.u32 s16, v1;
	[tilespmem:v57+s18+$0x0] =	vst.idx.msk $0xffff, v41  }
0x117: {  	v56 =	vand.u32 $0x78, v9;
	v41 =	vor.u32 s16, v63;
	v55 =	vand.u32 $0x78, v46;
	[tilespmem:v42+s18+$0x0] =	vst.idx.msk $0xffff, v36  }
0x118: {  	v36 =	vor.u32 v24, v55;
	v42 =	vand.u32 $0x78, v41;
	v55 =	vand.u32 $0x78, v2;
	[tilespmem:v54+s18+$0x0] =	vst.idx.msk $0xffff, v35  }
0x119: {  	v35 =	vor.u32 v25, v42;
	v42 =	vand.u32 $0x78, v4;
	v54 =	vand.u32 $0x78, v3;
	[tilespmem:v52+s18+$0x0] =	vst.idx.msk $0xffff, v38  }
0x11a: {  	v38 =	vor.u32 s16, v11;
	v42 =	vor.u32 v26, v42;
	v52 =	vor.u32 v30, v55;
	[tilespmem:v50+s18+$0x0] =	vst.idx.msk $0xffff, v45  }
0x11b: {  	v55 =	vand.u32 $0x78, v49;
	v45 =	vand.u32 $0x78, v38;
	v50 =	vand.u32 $0x78, v37;
	[tilespmem:v47+s18+$0x0] =	vst.idx.msk $0xffff, v34  }
0x11c: {  	v34 =	vor.u32 v28, v50;
	v47 =	vand.u32 $0x78, v8;
	v50 =	vor.u32 v26, v55;
	[tilespmem:v43+s18+$0x0] =	vst.idx.msk $0xffff, v39  }
0x11d: {  	v39 =	vand.u32 $0x78, v5;
	v43 =	vor.u32 v24, v47;
	v47 =	vand.u32 $0x78, v0;
	[tilespmem:v44+s18+$0x0] =	vst.idx.msk $0xffff, v40  }
0x11e: {  	v40 =	vand.u32 $0x78, v51;
	v44 =	vand.u32 $0x78, v48;
	v55 =	vld.idx.msk [tilespmem:v35+s22+$0x0], $0xffff;
	v35 =	vand.u32 $0x78, v7  }
0x11f: {  	v41 =	vshll.u32 v41, $0x4;
	v57 =	vld.idx.msk [tilespmem:v42+s22+$0x0], $0xffff;
	v42 =	vor.u32 v25, v44;
	v44 =	vshll.u32 v46, $0x4  }
0x120: {  	v45 =	vor.u32 v27, v45;
	v46 =	vshll.u32 v37, $0x4;
	v58 =	vld.idx.msk [tilespmem:v36+s22+$0x0], $0xffff;
	v44 =	vadd.s32 v33, v44  }
0x121: {  	v59 =	vadd.s32 v33, v41;
	v5 =	vshll.u32 v5, $0x4;
	v47 =	vor.u32 v27, v47;
	v37 =	vld.idx.msk [tilespmem:v34+s22+$0x0], $0xffff  }
0x122: {  	v53 =	vor.u32 v28, v53;
	v60 =	vor.u32 v30, v39;
	v39 =	vor.u32 v31, v54;
	v34 =	vld.idx.msk [tilespmem:v52+s22+$0x0], $0xffff  }
0x123: {  	v40 =	vor.u32 v32, v40;
	v52 =	vor.u32 v31, v35;
	v35 =	vld.idx.msk [tilespmem:v50+s22+$0x0], $0xffff;
	v50 =	vor.u32 v32, v56  }
0x124: {  	v4 =	vshll.u32 v4, $0x4;
	v54 =	vshll.u32 v38, $0x4;
	v56 =	vshll.u32 v51, $0x4;
	v36 =	vld.idx.msk [tilespmem:v42+s22+$0x0], $0xffff  }
0x125: {  	v8 =	vshll.u32 v8, $0x4;
	v38 =	vshll.u32 v48, $0x4;
	v7 =	vshll.u32 v7, $0x4;
	v61 =	vld.idx.msk [tilespmem:v45+s22+$0x0], $0xffff  }
0x126: {  	v62 =	vshll.u32 v49, $0x4;
	v48 =	vadd.s32 v33, v46;
	v42 =	vadd.s32 v33, v38;
	v41 =	vld.idx.msk [tilespmem:v43+s22+$0x0], $0xffff  }
0x127: {  	v0 =	vshll.u32 v0, $0x4;
	v49 =	vadd.s32 v33, v5;
	v5 =	vshll.u32 v6, $0x4;
	v38 =	vld.idx.msk [tilespmem:v47+s22+$0x0], $0xffff  }
0x128: {  	v2 =	vshll.u32 v2, $0x4;
	v3 =	vshll.u32 v3, $0x4;
	v6 =	vshll.u32 v9, $0x4;
	v46 =	vld.idx.msk [tilespmem:v40+s22+$0x0], $0xffff  }
0x129: {  	v39 =	vld.idx.msk [tilespmem:v39+s22+$0x0], $0xffff  }
0x12a: {  	v40 =	vld.idx.msk [tilespmem:v50+s22+$0x0], $0xffff  }
0x12b: {  	v4 =	vadd.s32 v33, v4;
	v51 =	vld.idx.msk [tilespmem:v52+s22+$0x0], $0xffff  }
0x12c: {  	v9 =	vadd.s32 v33, v54;
	v45 =	vld.idx.msk [tilespmem:v53+s22+$0x0], $0xffff  }
.Ltmp6:
0x12d: {  	v43 =	vadd.s32 v33, v3;
	v53 =	vld.idx.msk [tilespmem:v60+s22+$0x0], $0xffff;
	(pc) =	sbr.rel @p0 .LBB2_10-.Ltmp6, $4  }
0x12e: {  	v47 =	vadd.s32 v33, v2;
	[tilespmem:v44+s18+$0x0] =	vst.idx.msk $0xffff, v58;
	v44 =	vadd.s32 v33, v6  }
0x12f: {  	v50 =	vadd.s32 v33, v5;
	[tilespmem:v59+s18+$0x0] =	vst.idx.msk $0xffff, v55;
	v55 =	vadd.s32 v33, v7  }
0x130: {  	v56 =	vadd.s32 v33, v56;
	v52 =	vadd.s32 v33, v0;
	[tilespmem:v4+s18+$0x0] =	vst.idx.msk $0xffff, v57  }
0x131: {  	v54 =	vadd.s32 v33, v62;
	v57 =	vadd.s32 v33, v8;
	[tilespmem:v9+s18+$0x0] =	vst.idx.msk $0xffff, v61  }
0x132: {  	_ =	sdelay $0x3  }
0x133: {  	[tilespmem:v48+s18+$0x0] =	vst.idx.msk $0xffff, v37  }
0x134: {  	[tilespmem:v49+s18+$0x0] =	vst.idx.msk $0xffff, v53  }
0x135: {  	[tilespmem:v55+s18+$0x0] =	vst.idx.msk $0xffff, v51  }
0x136: {  	[tilespmem:v56+s18+$0x0] =	vst.idx.msk $0xffff, v46  }
0x137: {  	[tilespmem:v57+s18+$0x0] =	vst.idx.msk $0xffff, v41  }
0x138: {  	[tilespmem:v42+s18+$0x0] =	vst.idx.msk $0xffff, v36  }
0x139: {  	[tilespmem:v54+s18+$0x0] =	vst.idx.msk $0xffff, v35  }
0x13a: {  	[tilespmem:v52+s18+$0x0] =	vst.idx.msk $0xffff, v38  }
0x13b: {  	[tilespmem:v50+s18+$0x0] =	vst.idx.msk $0xffff, v45  }
0x13c: {  	[tilespmem:v47+s18+$0x0] =	vst.idx.msk $0xffff, v34  }
0x13d: {  	[tilespmem:v43+s18+$0x0] =	vst.idx.msk $0xffff, v39  }
0x13e: {  	s13 =	sadd.s32 $0x1C720, s13;
	[tilespmem:v44+s18+$0x0] =	vst.idx.msk $0xffff, v40  }
0x13f: {  	[spmem:s4] =	stream.indirect.scatter.add.f32 [tilespmem:s29], [sflag:$0x3], $0x10, s13, s28, $0xb8;
	[tilespmem:$0x1DAA0] =	vst v63  }
0x140: {  	s13 =	sadd.s32 $0x2, s21  }
0x141: {  	s14 =	sshll.u32 s13, $0x5  }
0x142: {  	s14 =	sor.u32 s7, s14  }
0x143: {  	p0 =	sgt.u32 s14, $0x30D3  }
0x144: {  	v26 =	vld [tilespmem:$0x1FF00];
	s16 =	sshll.u32 @!p0 s14, $0x8;
	s17 =	simm.s32 @!p0 $0x800  }
0x145: {  	v27 =	vld [tilespmem:$0x1FF10];
	s9 =	simm.s32 @!p0 $0x186A000;
	s23 =	simm.s32 @!p0 $0x186A0;
	s16 =	sadd.s32 @!p0 s0, s16  }
0x146: {  	v28 =	vld [tilespmem:$0x1FF20];
	[tilespmem:s23], [sflag:$0x1] =	stream.strided.gather @!p0 [hbm4b:s16+s17], $0x1000, s9, s17, $0x38  }
0x147: {  	v29 =	vld [tilespmem:$0x1FF40];
	s9 =	sshll.u32 @!p0 s13, $0x8  }
0x148: {  	v57 =	vld [tilespmem:$0x1FFA0];
	s13 =	sshll.u32 @!p0 s14, $0x5;
	s9 =	sand.u32 @!p0 $0x200, s9  }
0x149: {  	v54 =	vld [tilespmem:$0x1FF30];
	s14 =	simm.s32 @!p0 $0x0;
	s13 =	sadd.s32 @!p0 s1, s13;
	s9 =	sadd.s32 @!p0 $0x1C6A0, s9  }
0x14a: {  	v0 =	vimm.f32 $0.0e+00;
	v43 =	vld [tilespmem:$0x1FF50];
	[tilespmem:s9], [sflag:$0x1] =	stream.linear.gather @!p0 [hbm4b:s13+s14], $0x100, $0x38  }
.LBB2_12:
0x14b: {  	s13 =	sor.u32 $0x1, s21  }
0x14c: {  	s9 =	sshll.u32 s13, $0x5  }
0x14d: {  	p0 =	sge.u32 s9, s15  }
.Ltmp7:
0x14e: {  	_ = 	snop;
	(pc) =	sbr.rel @p0 .LBB2_18-.Ltmp7, $1  }
0x14f: {  	_ =	sdelay $0x3  }
0x150: {  	_ =	swait.ge [sflag:s30], $0x1000  }
0x151: {  	[sflag:s30] =	ssyncset.done $0x0  }
0x152: {  	s9 =	simm.s32 $0x0;
	[sflag:s30] =	ssyncadd.s32 $0xFFFFF000  }
0x153: {  	v0 =	vor.u32 s9, v19;
	v2 =	vor.u32 s9, v21;
	_ =	swait.ge [sflag:s30], $0x100  }
0x154: {  	p0 =	seq.s32 s20, $0x0;
	v3 =	vor.u32 s9, v63;
	v4 =	vor.u32 s9, v22;
	v5 =	vor.u32 s9, v10;
	[sflag:s30] =	ssyncset.done $0x0  }
0x155: {  	s14 =	simm.s32 @!p0 $0x4;
	v7 =	vor.u32 s9, v1;
	v9 =	vor.u32 s9, v12;
	v36 =	vor.u32 s9, v13;
	[sflag:s30] =	ssyncadd.s32 $0xFFFFFF00  }
0x156: {  	v52 =	vor.u32 s9, v18;
	v42 =	vor.u32 s9, v17;
	v6 =	vand.u32 $0x78, v3;
	_ =	swait.ge @!p0 [sflag:s14], $0x800  }
0x157: {  	v44 =	vor.u32 s9, v16;
	v8 =	vand.u32 $0x78, v5;
	v6 =	vor.u32 v27, v6;
	[sflag:s14] =	ssyncset.done @!p0 $0x0  }
0x158: {  	v46 =	vor.u32 s9, v20;
	v34 =	vand.u32 $0x78, v7;
	v8 =	vor.u32 v28, v8;
	[sflag:s14] =	ssyncadd.s32 @!p0 $0xFFFFF800  }
0x159: {  	v45 =	vor.u32 s9, v15;
	v35 =	vand.u32 $0x78, v9;
	v34 =	vor.u32 v26, v34;
	_ =	swait.ge @!p0 [sflag:s14], $0x800  }
0x15a: {  	v49 =	vor.u32 s9, v14;
	v37 =	vand.u32 $0x78, v2;
	v35 =	vor.u32 v29, v35;
	[sflag:s14] =	ssyncset.done @!p0 $0x0  }
0x15b: {  	v53 =	vor.u32 s9, v23;
	v38 =	vand.u32 $0x78, v52;
	v37 =	vor.u32 v43, v37;
	v24 =	vld [tilespmem:$0x1FFB0];
	[sflag:s14] =	ssyncadd.s32 @!p0 $0xFFFFF800  }
0x15c: {  	v31 =	vmovc v43;
	v39 =	vand.u32 $0x78, v42;
	v43 =	vor.u32 s9, v11;
	v38 =	vor.u32 v28, v38;
	v6 =	vld.idx.msk [tilespmem:v6+s24+$0x0], $0xffff  }
0x15d: {  	v55 =	vand.u32 $0x78, v44;
	v41 =	vor.u32 v27, v39;
	v40 =	vand.u32 $0x78, v43;
	v8 =	vld.idx.msk [tilespmem:v8+s24+$0x0], $0xffff  }
0x15e: {  	v56 =	vand.u32 $0x78, v0;
	v58 =	vand.u32 $0x78, v45;
	v40 =	vor.u32 v54, v40;
	v48 =	vld.idx.msk [tilespmem:v34+s24+$0x0], $0xffff  }
0x15f: {  	v59 =	vand.u32 $0x78, v4;
	v60 =	vand.u32 $0x78, v46;
	v47 =	vor.u32 v26, v55;
	v39 =	vld.idx.msk [tilespmem:v35+s24+$0x0], $0xffff  }
0x160: {  	v61 =	vand.u32 $0x78, v53;
	v62 =	vand.u32 $0x78, v49;
	v50 =	vor.u32 v54, v56;
	v34 =	vld.idx.msk [tilespmem:v37+s24+$0x0], $0xffff  }
0x161: {  	v7 =	vshll.u32 v7, $0x4;
	v3 =	vshll.u32 v3, $0x4;
	v51 =	vor.u32 v57, v58;
	v35 =	vld.idx.msk [tilespmem:v38+s24+$0x0], $0xffff  }
0x162: {  	v30 =	vmovc v29;
	v9 =	vshll.u32 v9, $0x4;
	v5 =	vshll.u32 v5, $0x4;
	v29 =	vmovc v54;
	v54 =	vor.u32 v57, v61;
	v37 =	vld.idx.msk [tilespmem:v41+s24+$0x0], $0xffff  }
0x163: {  	v25 =	vmovc v57;
	v42 =	vshll.u32 v42, $0x4;
	v2 =	vshll.u32 v2, $0x4;
	v57 =	vld.idx.msk [tilespmem:v40+s24+$0x0], $0xffff;
	v55 =	vor.u32 v24, v59  }
0x164: {  	v0 =	vshll.u32 v0, $0x4;
	v56 =	vand.u32 $0x78, v36;
	v41 =	vld.idx.msk [tilespmem:v47+s24+$0x0], $0xffff;
	v58 =	vor.u32 v24, v62  }
0x165: {  	v7 =	vor.u32 v1, v7;
	v3 =	vor.u32 v1, v3;
	v40 =	vld.idx.msk [tilespmem:v50+s24+$0x0], $0xffff;
	v59 =	vor.u32 v30, v60  }
0x166: {  	v5 =	vor.u32 v1, v5;
	v56 =	vor.u32 v31, v56;
	v43 =	vshll.u32 v43, $0x4;
	v47 =	vld.idx.msk [tilespmem:v51+s24+$0x0], $0xffff  }
0x167: {  	v61 =	vshll.u32 v44, $0x4;
	v44 =	vor.u32 v1, v42;
	v50 =	vshll.u32 v36, $0x4;
	v36 =	vld.idx.msk [tilespmem:v54+s24+$0x0], $0xffff  }
0x168: {  	v50 =	vor.u32 v1, v50;
	v60 =	vshll.u32 v45, $0x4;
	v62 =	vshll.u32 v46, $0x4;
	v38 =	vld.idx.msk [tilespmem:v55+s24+$0x0], $0xffff  }
0x169: {  	v55 =	vshll.u32 v49, $0x4;
	v49 =	vor.u32 v1, v9;
	v51 =	vld.idx.msk [tilespmem:v58+s24+$0x0], $0xffff;
	v9 =	vor.u32 v1, v43  }
0x16a: {  	v46 =	vor.u32 v1, v2;
	v2 =	vshll.u32 v52, $0x4;
	v52 =	vor.u32 v1, v0;
	v45 =	vld.idx.msk [tilespmem:v59+s24+$0x0], $0xffff  }
0x16b: {  	v4 =	vshll.u32 v4, $0x4;
	v54 =	vor.u32 v1, v2;
	v59 =	vshll.u32 v53, $0x4;
	v53 =	vld.idx.msk [tilespmem:v56+s24+$0x0], $0xffff;
	[tilespmem:v7+s31+$0x0] =	vst.idx.msk $0xffff, v48  }
0x16c: {  	v43 =	vor.u32 v1, v4;
	v48 =	vor.u32 v1, v62;
	[tilespmem:v3+s31+$0x0] =	vst.idx.msk $0xffff, v6  }
0x16d: {  	v56 =	vor.u32 v1, v60;
	v42 =	vor.u32 v1, v59;
	[tilespmem:v5+s31+$0x0] =	vst.idx.msk $0xffff, v8  }
0x16e: {  	s14 =	simm.s32 $0x10;
	v55 =	vor.u32 v1, v55;
	[tilespmem:v9+s31+$0x0] =	vst.idx.msk $0xffff, v57;
	v57 =	vor.u32 v1, v61  }
.LBB2_14:
0x16f: {  	_ =	sdelay $0x1  }
0x170: {  	[tilespmem:v49+s31+$0x0] =	vst.idx.msk $0xffff, v39  }
0x171: {  	[tilespmem:v50+s31+$0x0] =	vst.idx.msk $0xffff, v53  }
0x172: {  	[tilespmem:v55+s31+$0x0] =	vst.idx.msk $0xffff, v51  }
0x173: {  	v0 =	vor.u32 s14, v19;
	v2 =	vor.u32 s14, v21;
	s9 =	smov.u32 s14;
	[tilespmem:v56+s31+$0x0] =	vst.idx.msk $0xffff, v47  }
0x174: {  	v3 =	vor.u32 s14, v22;
	v5 =	vor.u32 s9, v13;
	v6 =	vor.u32 s9, v20;
	[tilespmem:v57+s31+$0x0] =	vst.idx.msk $0xffff, v41  }
0x175: {  	v7 =	vor.u32 s9, v14;
	v47 =	vor.u32 s9, v1;
	v41 =	vor.u32 s9, v63;
	[tilespmem:v44+s31+$0x0] =	vst.idx.msk $0xffff, v37  }
0x176: {  	v4 =	vor.u32 s9, v10;
	v62 =	vand.u32 $0x78, v47;
	v59 =	vand.u32 $0x78, v41;
	[tilespmem:v54+s31+$0x0] =	vst.idx.msk $0xffff, v35  }
0x177: {  	v37 =	vor.u32 v26, v62;
	v62 =	vand.u32 $0x78, v4;
	v61 =	vor.u32 v27, v59;
	[tilespmem:v52+s31+$0x0] =	vst.idx.msk $0xffff, v40  }
0x178: {  	v8 =	vor.u32 s9, v16;
	v39 =	vor.u32 s9, v12;
	v44 =	vor.u32 v28, v62;
	[tilespmem:v48+s31+$0x0] =	vst.idx.msk $0xffff, v45  }
0x179: {  	v9 =	vor.u32 s9, v23;
	v49 =	vor.u32 s9, v17;
	v57 =	vand.u32 $0x78, v39;
	[tilespmem:v46+s31+$0x0] =	vst.idx.msk $0xffff, v34  }
0x17a: {  	v50 =	vor.u32 s9, v18;
	v60 =	vand.u32 $0x78, v2;
	v34 =	vor.u32 v30, v57;
	[tilespmem:v43+s31+$0x0] =	vst.idx.msk $0xffff, v38  }
0x17b: {  	v58 =	vand.u32 $0x78, v50;
	v40 =	vor.u32 s9, v11;
	v52 =	vor.u32 v31, v60;
	[tilespmem:v42+s31+$0x0] =	vst.idx.msk $0xffff, v36  }
0x17c: {  	v53 =	vand.u32 $0x78, v6;
	v45 =	vand.u32 $0x78, v40;
	v48 =	vor.u32 v28, v58;
	v55 =	vld.idx.msk [tilespmem:v61+s24+$0x0], $0xffff  }
0x17d: {  	v51 =	vor.u32 s9, v15;
	v53 =	vor.u32 v30, v53;
	v45 =	vor.u32 v29, v45;
	v57 =	vld.idx.msk [tilespmem:v44+s24+$0x0], $0xffff  }
0x17e: {  	v54 =	vand.u32 $0x78, v3;
	v59 =	vand.u32 $0x78, v8;
	v35 =	vand.u32 $0x78, v7;
	v58 =	vld.idx.msk [tilespmem:v37+s24+$0x0], $0xffff  }
0x17f: {  	v43 =	vor.u32 v26, v59;
	v36 =	vand.u32 $0x78, v51;
	v44 =	vshll.u32 v39, $0x4;
	v39 =	vld.idx.msk [tilespmem:v34+s24+$0x0], $0xffff  }
0x180: {  	v62 =	vshll.u32 v47, $0x4;
	v61 =	vand.u32 $0x78, v49;
	v36 =	vor.u32 v25, v36;
	v34 =	vld.idx.msk [tilespmem:v52+s24+$0x0], $0xffff  }
0x181: {  	v60 =	vand.u32 $0x78, v0;
	v42 =	vor.u32 v27, v61;
	v52 =	vor.u32 v24, v35;
	v35 =	vld.idx.msk [tilespmem:v48+s24+$0x0], $0xffff  }
0x182: {  	v46 =	vor.u32 v29, v60;
	v38 =	vand.u32 $0x78, v5;
	v59 =	vor.u32 v1, v62;
	v62 =	vld.idx.msk [tilespmem:v45+s24+$0x0], $0xffff  }
0x183: {  	v41 =	vshll.u32 v41, $0x4;
	v61 =	vor.u32 v31, v38;
	v38 =	vor.u32 v24, v54;
	v45 =	vld.idx.msk [tilespmem:v53+s24+$0x0], $0xffff  }
0x184: {  	v56 =	vand.u32 $0x78, v9;
	v47 =	vshll.u32 v49, $0x4;
	v60 =	vor.u32 v1, v41;
	v41 =	vld.idx.msk [tilespmem:v43+s24+$0x0], $0xffff  }
0x185: {  	v49 =	vor.u32 v1, v44;
	v44 =	vor.u32 v1, v47;
	v48 =	vor.u32 v25, v56;
	v47 =	vld.idx.msk [tilespmem:v36+s24+$0x0], $0xffff  }
0x186: {  	v37 =	vld.idx.msk [tilespmem:v42+s24+$0x0], $0xffff  }
0x187: {  	v42 =	vshll.u32 v40, $0x4;
	v40 =	vld.idx.msk [tilespmem:v46+s24+$0x0], $0xffff  }
0x188: {  	v2 =	vshll.u32 v2, $0x4;
	v10 =	vmovc v63;
	v63 =	vshll.u32 v50, $0x4;
	v4 =	vshll.u32 v4, $0x4;
	v38 =	vld.idx.msk [tilespmem:v38+s24+$0x0], $0xffff  }
0x189: {  	v7 =	vshll.u32 v7, $0x4;
	v3 =	vshll.u32 v3, $0x4;
	v4 =	vor.u32 v1, v4;
	v53 =	vld.idx.msk [tilespmem:v61+s24+$0x0], $0xffff  }
0x18a: {  	p0 =	sne.s32 s14, $0x70;
	v5 =	vshll.u32 v5, $0x4;
	v56 =	vshll.u32 v9, $0x4;
	v36 =	vld.idx.msk [tilespmem:v48+s24+$0x0], $0xffff;
	v9 =	vor.u32 v1, v42  }
.Ltmp8:
0x18b: {  	v0 =	vshll.u32 v0, $0x4;
	v50 =	vor.u32 v1, v5;
	v54 =	vshll.u32 v51, $0x4;
	v51 =	vld.idx.msk [tilespmem:v52+s24+$0x0], $0xffff;
	[tilespmem:v59+s31+$0x0] =	vst.idx.msk $0xffff, v58;
	(pc) =	sbr.rel @p0 .LBB2_14-.Ltmp8, $4  }
0x18c: {  	v42 =	vor.u32 v1, v56;
	v56 =	vor.u32 v1, v54;
	v54 =	vor.u32 v1, v63;
	v63 =	vmovc v10;
	v10 =	vld [tilespmem:$0x1FE20]  }
0x18d: {  	v5 =	vshll.u32 v6, $0x4;
	v43 =	vor.u32 v1, v3;
	v46 =	vor.u32 v1, v2;
	[tilespmem:v60+s31+$0x0] =	vst.idx.msk $0xffff, v55  }
0x18e: {  	v8 =	vshll.u32 v8, $0x4;
	v48 =	vor.u32 v1, v5;
	v52 =	vor.u32 v1, v0;
	[tilespmem:v4+s31+$0x0] =	vst.idx.msk $0xffff, v57  }
0x18f: {  	s14 =	sadd.s32 $0x10, s14;
	v55 =	vor.u32 v1, v7;
	v57 =	vor.u32 v1, v8;
	[tilespmem:v9+s31+$0x0] =	vst.idx.msk $0xffff, v62  }
0x190: {  	_ =	sdelay $0x3  }
0x191: {  	[tilespmem:v49+s31+$0x0] =	vst.idx.msk $0xffff, v39  }
0x192: {  	[tilespmem:v50+s31+$0x0] =	vst.idx.msk $0xffff, v53  }
0x193: {  	[tilespmem:v55+s31+$0x0] =	vst.idx.msk $0xffff, v51  }
0x194: {  	s9 =	simm.s32 $0x0;
	v25 =	vld [tilespmem:$0x1FF70];
	[tilespmem:v56+s31+$0x0] =	vst.idx.msk $0xffff, v47  }
0x195: {  	v26 =	vld [tilespmem:$0x1FF80];
	v0 =	vor.u32 s9, v19;
	v2 =	vor.u32 s9, v21;
	[tilespmem:v57+s31+$0x0] =	vst.idx.msk $0xffff, v41  }
0x196: {  	v28 =	vld [tilespmem:$0x1FFC0];
	v3 =	vor.u32 s9, v63;
	v4 =	vor.u32 s9, v22;
	v5 =	vor.u32 s9, v10;
	[tilespmem:v44+s31+$0x0] =	vst.idx.msk $0xffff, v37  }
0x197: {  	v24 =	vld [tilespmem:$0x1FF60];
	v7 =	vor.u32 s9, v1;
	v9 =	vor.u32 s9, v12;
	v39 =	vor.u32 s9, v13;
	[tilespmem:v54+s31+$0x0] =	vst.idx.msk $0xffff, v35  }
0x198: {  	v53 =	vor.u32 s9, v23;
	v6 =	vand.u32 $0x78, v3;
	v8 =	vand.u32 $0x78, v5;
	[tilespmem:v52+s31+$0x0] =	vst.idx.msk $0xffff, v40  }
0x199: {  	v58 =	vand.u32 $0x78, v2;
	v3 =	vshll.u32 v3, $0x4;
	v6 =	vor.u32 v25, v6;
	[tilespmem:v48+s31+$0x0] =	vst.idx.msk $0xffff, v45  }
0x19a: {  	s13 =	sshll.u32 s13, $0x8;
	v30 =	vld [tilespmem:$0x1FFD0];
	v56 =	vand.u32 $0x78, v7;
	v57 =	vand.u32 $0x78, v9;
	v8 =	vor.u32 v26, v8;
	[tilespmem:v46+s31+$0x0] =	vst.idx.msk $0xffff, v34  }
0x19b: {  	v27 =	vld [tilespmem:$0x1FF90];
	s13 =	sand.u32 $0x300, s13;
	v35 =	vor.u32 v28, v57;
	v52 =	vor.u32 s9, v18;
	v40 =	vor.u32 s9, v17;
	[tilespmem:v43+s31+$0x0] =	vst.idx.msk $0xffff, v38  }
0x19c: {  	s14 =	sadd.s32 $0x1C6A0, s13;
	v59 =	vand.u32 $0x78, v52;
	v60 =	vand.u32 $0x78, v40;
	v34 =	vor.u32 v24, v56;
	[tilespmem:v42+s31+$0x0] =	vst.idx.msk $0xffff, v36  }
0x19d: {  	v31 =	vld [tilespmem:$0x1FFE0];
	v62 =	vor.u32 v25, v60;
	v60 =	vand.u32 $0x78, v53;
	v38 =	vor.u32 v26, v59;
	[spmem:s4] =	stream.indirect.scatter.add.f32 [tilespmem:s31], [sflag:$0x4], $0x10, s14, s28, $0xb8  }
0x19e: {  	v5 =	vshll.u32 v5, $0x4;
	v2 =	vshll.u32 v2, $0x4;
	v54 =	vor.u32 v32, v60;
	v6 =	vld.idx.msk [tilespmem:v6+s24+$0x0], $0xffff  }
0x19f: {  	v47 =	vor.u32 s9, v20;
	v57 =	vand.u32 $0x78, v0;
	v36 =	vor.u32 v30, v58;
	v8 =	vld.idx.msk [tilespmem:v8+s24+$0x0], $0xffff  }
0x1a0: {  	v49 =	vor.u32 v27, v57;
	v45 =	vor.u32 s9, v15;
	v43 =	vor.u32 s9, v16;
	v37 =	vld.idx.msk [tilespmem:v35+s24+$0x0], $0xffff  }
0x1a1: {  	v59 =	vand.u32 $0x78, v4;
	v60 =	vshll.u32 v45, $0x4;
	v42 =	vor.u32 s9, v11;
	v50 =	vld.idx.msk [tilespmem:v34+s24+$0x0], $0xffff  }
0x1a2: {  	v56 =	vand.u32 $0x78, v43;
	v55 =	vor.u32 v31, v59;
	v61 =	vand.u32 $0x78, v42;
	v35 =	vld.idx.msk [tilespmem:v38+s24+$0x0], $0xffff  }
0x1a3: {  	v58 =	vand.u32 $0x78, v45;
	v45 =	vshll.u32 v40, $0x4;
	v41 =	vor.u32 v27, v61;
	v40 =	vld.idx.msk [tilespmem:v54+s24+$0x0], $0xffff  }
0x1a4: {  	v7 =	vshll.u32 v7, $0x4;
	v3 =	vadd.s32 v33, v3;
	v46 =	vor.u32 v24, v56;
	v34 =	vld.idx.msk [tilespmem:v36+s24+$0x0], $0xffff  }
0x1a5: {  	v51 =	vor.u32 v32, v58;
	v61 =	vand.u32 $0x78, v39;
	v38 =	vand.u32 $0x78, v47;
	v36 =	vld.idx.msk [tilespmem:v62+s24+$0x0], $0xffff  }
0x1a6: {  	v48 =	vor.u32 s9, v14;
	v44 =	vor.u32 v30, v61;
	v58 =	vor.u32 v28, v38;
	v38 =	vld.idx.msk [tilespmem:v49+s24+$0x0], $0xffff  }
0x1a7: {  	v5 =	vadd.s32 v33, v5;
	v62 =	vand.u32 $0x78, v48;
	v49 =	vshll.u32 v39, $0x4;
	v39 =	vld.idx.msk [tilespmem:v55+s24+$0x0], $0xffff  }
0x1a8: {  	v7 =	vadd.s32 v33, v7;
	v9 =	vshll.u32 v9, $0x4;
	v56 =	vor.u32 v31, v62;
	v57 =	vld.idx.msk [tilespmem:v41+s24+$0x0], $0xffff  }
0x1a9: {  	v4 =	vshll.u32 v4, $0x4;
	v59 =	vshll.u32 v42, $0x4;
	v42 =	vadd.s32 v33, v45;
	v41 =	vld.idx.msk [tilespmem:v46+s24+$0x0], $0xffff  }
0x1aa: {  	v61 =	vshll.u32 v43, $0x4;
	v43 =	vadd.s32 v33, v4;
	v55 =	vshll.u32 v48, $0x4;
	v46 =	vld.idx.msk [tilespmem:v51+s24+$0x0], $0xffff  }
0x1ab: {  	v48 =	vadd.s32 v33, v9;
	v9 =	vadd.s32 v33, v59;
	v59 =	vshll.u32 v53, $0x4;
	v53 =	vld.idx.msk [tilespmem:v44+s24+$0x0], $0xffff  }
0x1ac: {  	v49 =	vadd.s32 v33, v49;
	v62 =	vshll.u32 v47, $0x4;
	v47 =	vadd.s32 v33, v2;
	v45 =	vld.idx.msk [tilespmem:v58+s24+$0x0], $0xffff  }
0x1ad: {  	v0 =	vshll.u32 v0, $0x4;
	v55 =	vadd.s32 v33, v55;
	v2 =	vshll.u32 v52, $0x4;
	v51 =	vld.idx.msk [tilespmem:v56+s24+$0x0], $0xffff;
	[tilespmem:v7+s31+$0x0] =	vst.idx.msk $0xffff, v50  }
0x1ae: {  	v52 =	vadd.s32 v33, v0;
	v54 =	vadd.s32 v33, v2;
	[tilespmem:v3+s31+$0x0] =	vst.idx.msk $0xffff, v6  }
0x1af: {  	v44 =	vadd.s32 v33, v59;
	v56 =	vadd.s32 v33, v60;
	[tilespmem:v5+s31+$0x0] =	vst.idx.msk $0xffff, v8  }
0x1b0: {  	s14 =	simm.s32 $0x10;
	v50 =	vadd.s32 v33, v62;
	[tilespmem:v9+s31+$0x0] =	vst.idx.msk $0xffff, v57;
	v57 =	vadd.s32 v33, v61  }
.LBB2_16:
0x1b1: {  	v0 =	vor.u32 s14, v19;
	v2 =	vor.u32 s14, v21;
	v3 =	vor.u32 s14, v22;
	p0 =	sne.s32 s14, $0x70;
	[tilespmem:v48+s31+$0x0] =	vst.idx.msk $0xffff, v37;
	s9 =	smov.u32 s14;
	s14 =	sadd.s32 $0x10, s14  }
0x1b2: {  	v4 =	vor.u32 s9, v10;
	v5 =	vor.u32 s9, v13;
	v6 =	vor.u32 s9, v20;
	[tilespmem:v49+s31+$0x0] =	vst.idx.msk $0xffff, v53  }
0x1b3: {  	v7 =	vor.u32 s9, v14;
	v8 =	vor.u32 s9, v16;
	v9 =	vor.u32 s9, v23;
	[tilespmem:v55+s31+$0x0] =	vst.idx.msk $0xffff, v51  }
0x1b4: {  	v37 =	vor.u32 s9, v12;
	v48 =	vor.u32 s9, v17;
	v49 =	vor.u32 s9, v18;
	[tilespmem:v56+s31+$0x0] =	vst.idx.msk $0xffff, v46  }
0x1b5: {  	v51 =	vor.u32 s9, v15;
	v53 =	vand.u32 $0x78, v6;
	v46 =	vor.u32 s9, v1;
	[tilespmem:v57+s31+$0x0] =	vst.idx.msk $0xffff, v41  }
0x1b6: {  	v56 =	vand.u32 $0x78, v9;
	v41 =	vor.u32 s9, v63;
	v55 =	vand.u32 $0x78, v46;
	[tilespmem:v42+s31+$0x0] =	vst.idx.msk $0xffff, v36  }
0x1b7: {  	v36 =	vor.u32 v24, v55;
	v42 =	vand.u32 $0x78, v41;
	v55 =	vand.u32 $0x78, v2;
	[tilespmem:v54+s31+$0x0] =	vst.idx.msk $0xffff, v35  }
0x1b8: {  	v35 =	vor.u32 v25, v42;
	v42 =	vand.u32 $0x78, v4;
	v54 =	vand.u32 $0x78, v3;
	[tilespmem:v52+s31+$0x0] =	vst.idx.msk $0xffff, v38  }
0x1b9: {  	v38 =	vor.u32 s9, v11;
	v42 =	vor.u32 v26, v42;
	v52 =	vor.u32 v30, v55;
	[tilespmem:v50+s31+$0x0] =	vst.idx.msk $0xffff, v45  }
0x1ba: {  	v55 =	vand.u32 $0x78, v49;
	v45 =	vand.u32 $0x78, v38;
	v50 =	vand.u32 $0x78, v37;
	[tilespmem:v47+s31+$0x0] =	vst.idx.msk $0xffff, v34  }
0x1bb: {  	v34 =	vor.u32 v28, v50;
	v47 =	vand.u32 $0x78, v8;
	v50 =	vor.u32 v26, v55;
	[tilespmem:v43+s31+$0x0] =	vst.idx.msk $0xffff, v39  }
0x1bc: {  	v39 =	vand.u32 $0x78, v5;
	v43 =	vor.u32 v24, v47;
	v47 =	vand.u32 $0x78, v0;
	[tilespmem:v44+s31+$0x0] =	vst.idx.msk $0xffff, v40  }
0x1bd: {  	v40 =	vand.u32 $0x78, v51;
	v44 =	vand.u32 $0x78, v48;
	v55 =	vld.idx.msk [tilespmem:v35+s24+$0x0], $0xffff;
	v35 =	vand.u32 $0x78, v7  }
0x1be: {  	v41 =	vshll.u32 v41, $0x4;
	v57 =	vld.idx.msk [tilespmem:v42+s24+$0x0], $0xffff;
	v42 =	vor.u32 v25, v44;
	v44 =	vshll.u32 v46, $0x4  }
0x1bf: {  	v45 =	vor.u32 v27, v45;
	v46 =	vshll.u32 v37, $0x4;
	v58 =	vld.idx.msk [tilespmem:v36+s24+$0x0], $0xffff;
	v44 =	vadd.s32 v33, v44  }
0x1c0: {  	v59 =	vadd.s32 v33, v41;
	v5 =	vshll.u32 v5, $0x4;
	v47 =	vor.u32 v27, v47;
	v37 =	vld.idx.msk [tilespmem:v34+s24+$0x0], $0xffff  }
0x1c1: {  	v53 =	vor.u32 v28, v53;
	v60 =	vor.u32 v30, v39;
	v39 =	vor.u32 v31, v54;
	v34 =	vld.idx.msk [tilespmem:v52+s24+$0x0], $0xffff  }
0x1c2: {  	v40 =	vor.u32 v32, v40;
	v52 =	vor.u32 v31, v35;
	v35 =	vld.idx.msk [tilespmem:v50+s24+$0x0], $0xffff;
	v50 =	vor.u32 v32, v56  }
0x1c3: {  	v4 =	vshll.u32 v4, $0x4;
	v54 =	vshll.u32 v38, $0x4;
	v56 =	vshll.u32 v51, $0x4;
	v36 =	vld.idx.msk [tilespmem:v42+s24+$0x0], $0xffff  }
0x1c4: {  	v8 =	vshll.u32 v8, $0x4;
	v38 =	vshll.u32 v48, $0x4;
	v7 =	vshll.u32 v7, $0x4;
	v61 =	vld.idx.msk [tilespmem:v45+s24+$0x0], $0xffff  }
0x1c5: {  	v62 =	vshll.u32 v49, $0x4;
	v48 =	vadd.s32 v33, v46;
	v42 =	vadd.s32 v33, v38;
	v41 =	vld.idx.msk [tilespmem:v43+s24+$0x0], $0xffff  }
0x1c6: {  	v0 =	vshll.u32 v0, $0x4;
	v49 =	vadd.s32 v33, v5;
	v5 =	vshll.u32 v6, $0x4;
	v38 =	vld.idx.msk [tilespmem:v47+s24+$0x0], $0xffff  }
0x1c7: {  	v2 =	vshll.u32 v2, $0x4;
	v3 =	vshll.u32 v3, $0x4;
	v6 =	vshll.u32 v9, $0x4;
	v46 =	vld.idx.msk [tilespmem:v40+s24+$0x0], $0xffff  }
0x1c8: {  	v39 =	vld.idx.msk [tilespmem:v39+s24+$0x0], $0xffff  }
0x1c9: {  	v40 =	vld.idx.msk [tilespmem:v50+s24+$0x0], $0xffff  }
0x1ca: {  	v4 =	vadd.s32 v33, v4;
	v51 =	vld.idx.msk [tilespmem:v52+s24+$0x0], $0xffff  }
0x1cb: {  	v9 =	vadd.s32 v33, v54;
	v45 =	vld.idx.msk [tilespmem:v53+s24+$0x0], $0xffff  }
.Ltmp9:
0x1cc: {  	v43 =	vadd.s32 v33, v3;
	v53 =	vld.idx.msk [tilespmem:v60+s24+$0x0], $0xffff;
	(pc) =	sbr.rel @p0 .LBB2_16-.Ltmp9, $4  }
0x1cd: {  	v47 =	vadd.s32 v33, v2;
	[tilespmem:v44+s31+$0x0] =	vst.idx.msk $0xffff, v58;
	v44 =	vadd.s32 v33, v6  }
0x1ce: {  	v50 =	vadd.s32 v33, v5;
	[tilespmem:v59+s31+$0x0] =	vst.idx.msk $0xffff, v55;
	v55 =	vadd.s32 v33, v7  }
0x1cf: {  	v56 =	vadd.s32 v33, v56;
	v52 =	vadd.s32 v33, v0;
	[tilespmem:v4+s31+$0x0] =	vst.idx.msk $0xffff, v57  }
0x1d0: {  	v54 =	vadd.s32 v33, v62;
	v57 =	vadd.s32 v33, v8;
	[tilespmem:v9+s31+$0x0] =	vst.idx.msk $0xffff, v61  }
0x1d1: {  	_ =	sdelay $0x3  }
0x1d2: {  	[tilespmem:v48+s31+$0x0] =	vst.idx.msk $0xffff, v37  }
0x1d3: {  	[tilespmem:v49+s31+$0x0] =	vst.idx.msk $0xffff, v53  }
0x1d4: {  	[tilespmem:v55+s31+$0x0] =	vst.idx.msk $0xffff, v51  }
0x1d5: {  	[tilespmem:v56+s31+$0x0] =	vst.idx.msk $0xffff, v46  }
0x1d6: {  	[tilespmem:v57+s31+$0x0] =	vst.idx.msk $0xffff, v41  }
0x1d7: {  	[tilespmem:v42+s31+$0x0] =	vst.idx.msk $0xffff, v36  }
0x1d8: {  	[tilespmem:v54+s31+$0x0] =	vst.idx.msk $0xffff, v35  }
0x1d9: {  	[tilespmem:v52+s31+$0x0] =	vst.idx.msk $0xffff, v38  }
0x1da: {  	[tilespmem:v50+s31+$0x0] =	vst.idx.msk $0xffff, v45  }
0x1db: {  	[tilespmem:v47+s31+$0x0] =	vst.idx.msk $0xffff, v34  }
0x1dc: {  	[tilespmem:v43+s31+$0x0] =	vst.idx.msk $0xffff, v39  }
0x1dd: {  	s9 =	sadd.s32 $0x1C720, s13;
	[tilespmem:v44+s31+$0x0] =	vst.idx.msk $0xffff, v40  }
0x1de: {  	[spmem:s4] =	stream.indirect.scatter.add.f32 [tilespmem:s3], [sflag:$0x4], $0x10, s9, s28, $0xb8;
	[tilespmem:$0x1DAA0] =	vst v63  }
0x1df: {  	s9 =	sadd.s32 $0x3, s21  }
0x1e0: {  	s23 =	sshll.u32 s9, $0x5  }
0x1e1: {  	s13 =	sor.u32 s7, s23  }
0x1e2: {  	v26 =	vld [tilespmem:$0x1FF00];
	p0 =	sgt.u32 s13, $0x30D3  }
0x1e3: {  	v27 =	vld [tilespmem:$0x1FF10];
	s14 =	sshll.u32 @!p0 s13, $0x8;
	s16 =	simm.s32 @!p0 $0x800;
	s17 =	simm.s32 @!p0 $0x186A000  }
.Ltmp10:
0x1e4: {  	v28 =	vld [tilespmem:$0x1FF20];
	s21 =	simm.s32 @!p0 $0x196A0;
	s9 =	sshll.u32 @!p0 s9, $0x8;
	(pc) =	sbr.rel .LBB2_18-.Ltmp10, $4  }
0x1e5: {  	v29 =	vld [tilespmem:$0x1FF40];
	s13 =	sshll.u32 @!p0 s13, $0x5;
	s14 =	sadd.s32 @!p0 s0, s14;
	s9 =	sand.u32 @!p0 $0x300, s9  }
0x1e6: {  	v57 =	vld [tilespmem:$0x1FFA0];
	[tilespmem:s21], [sflag:$0x2] =	stream.strided.gather @!p0 [hbm4b:s14+s16], $0x1000, s17, s16, $0x38  }
0x1e7: {  	v54 =	vld [tilespmem:$0x1FF30];
	s13 =	sadd.s32 @!p0 s1, s13;
	s9 =	sadd.s32 @!p0 $0x1C6A0, s9;
	s14 =	simm.s32 @!p0 $0x0  }
0x1e8: {  	v0 =	vimm.f32 $0.0e+00;
	v43 =	vld [tilespmem:$0x1FF50];
	[tilespmem:s9], [sflag:$0x2] =	stream.linear.gather @!p0 [hbm4b:s13+s14], $0x100, $0x38  }
.LBB2_19:
0x1e9: {  	_ =	swait.ge [sflag:s5], $0x800  }
0x1ea: {  	[sflag:s5] =	ssyncset.done $0x0  }
0x1eb: {  	[sflag:s5] =	ssyncadd.s32 $0xFFFFF800  }
0x1ec: {  	_ =	swait.ge [sflag:s5], $0x800  }
0x1ed: {  	[sflag:s5] =	ssyncset.done $0x0  }
0x1ee: {  	s9 =	simm.s32 $0x4;
	[sflag:s5] =	ssyncadd.s32 $0xFFFFF800  }
0x1ef: {  	_ =	swait.ge [sflag:s9], $0x800  }
0x1f0: {  	[sflag:s9] =	ssyncset.done $0x0  }
0x1f1: {  	[sflag:s9] =	ssyncadd.s32 $0xFFFFF800  }
0x1f2: {  	_ =	swait.ge [sflag:s9], $0x800  }
0x1f3: {  	[sflag:s9] =	ssyncset.done $0x0  }
0x1f4: {  	[sflag:s9] =	ssyncadd.s32 $0xFFFFF800  }
0x1f5: {  	s13 =	simm.s32 $0x0;
	[bflag:$0x0] =	sbarrier.arrive $0xFFFF  }
.LBB2_20:
0x1f6: {  	s14 =	sshll.u32 s13, $0xC  }
0x1f7: {  	s9 =	sand.u32 $0x3FFFF000, s14  }
0x1f8: {  	s9 =	sadd.s32 s9, s8  }
0x1f9: {  	[tilespmem:s18], [sflag:$0x5] =	stream.linear.gather [spmem:s9], $0x800, $0x38;
	[tilespmem:$0x1DAA0] =	vst v63  }
0x1fa: {  	_ =	swait.ge [sflag:s19], $0x800  }
0x1fb: {  	p0 =	seq.s32 s13, $0x0;
	[sflag:s19] =	ssyncset.done $0x0  }
0x1fc: {  	s9 =	simm.s32 @!p0 $0x3;
	[sflag:s19] =	ssyncadd.s32 $0xFFFFF800  }
0x1fd: {  	_ =	swait.ge @!p0 [sflag:s9], $0x800  }
0x1fe: {  	[sflag:s9] =	ssyncset.done @!p0 $0x0  }
0x1ff: {  	s20 =	simm.s32 $0x0;
	[sflag:s9] =	ssyncadd.s32 @!p0 $0xFFFFF800  }
0x200: {  	s21 =	simm.s32 $0x40;
	v34 =	vld [tilespmem:s20+$0x1A6A0]  }
.LBB2_21:
0x201: {  	p1 =	sne.s32 s21, $0x1FC0  }
.Ltmp11:
0x202: {  	_ = 	snop;
	(pc) =	sbr.rel @p1 .LBB2_21-.Ltmp11, $3  }
0x203: {  	_ =	sdelay $0x1  }
0x204: {  	[tilespmem:s20+$0x1CAA0] =	vst v34;
	s20 =	sshra.s32 s21, $0x2;
	s21 =	sadd.s32 $0x40, s21  }
0x205: {  	v34 =	vld [tilespmem:s20+$0x1A6A0]  }
0x206: {  	_ =	sdelay $0x1  }
0x207: {  	s9 =	sadd.s32 s12, s14  }
0x208: {  	s23 =	sshllo.u32 s13, $0x1;
	s9 =	sshrl.u32 s9, $0x3  }
0x209: {  	s14 =	sshll.u32 s23, $0xB;
	s9 =	sadd.s32 s2, s9;
	[tilespmem:s20+$0x1CAA0] =	vst v34  }
0x20a: {  	[hbm4b:s9+s6] =	stream.linear.scatter [tilespmem:s25], [sflag:$0x3], $0x800, $0x38;
	[tilespmem:$0x1DAA0] =	vst v63  }
0x20b: {  	s9 =	sand.u32 $0x3FFFF800, s14  }
0x20c: {  	s9 =	sadd.s32 s9, s8  }
0x20d: {  	[tilespmem:s31], [sflag:$0x5] =	stream.linear.gather [spmem:s9], $0x800, $0x38;
	[tilespmem:$0x1DAA0] =	vst v63  }
0x20e: {  	_ =	swait.ge [sflag:s19], $0x800  }
0x20f: {  	[sflag:s19] =	ssyncset.done $0x0  }
0x210: {  	s9 =	simm.s32 @!p0 $0x4;
	[sflag:s19] =	ssyncadd.s32 $0xFFFFF800  }
0x211: {  	_ =	swait.ge @!p0 [sflag:s9], $0x800  }
0x212: {  	[sflag:s9] =	ssyncset.done @!p0 $0x0  }
0x213: {  	s20 =	simm.s32 $0x0;
	[sflag:s9] =	ssyncadd.s32 @!p0 $0xFFFFF800  }
0x214: {  	s21 =	simm.s32 $0x40;
	v34 =	vld [tilespmem:s20+$0x1B6A0]  }
.LBB2_23:
0x215: {  	p0 =	sne.s32 s21, $0x1FC0  }
.Ltmp12:
0x216: {  	_ = 	snop;
	(pc) =	sbr.rel @p0 .LBB2_23-.Ltmp12, $3  }
0x217: {  	_ =	sdelay $0x1  }
0x218: {  	[tilespmem:s20+$0x1D2A0] =	vst v34;
	s20 =	sshra.s32 s21, $0x2;
	s21 =	sadd.s32 $0x40, s21  }
0x219: {  	v34 =	vld [tilespmem:s20+$0x1B6A0]  }
0x21a: {  	s13 =	sadd.s32 $0x1, s13  }
0x21b: {  	p0 =	sne.s32 s13, $0x18  }
.Ltmp13:
0x21c: {  	_ = 	snop;
	(pc) =	sbr.rel @p0 .LBB2_20-.Ltmp13, $4  }
0x21d: {  	s9 =	sadd.s32 s12, s14  }
0x21e: {  	s9 =	sshrl.u32 s9, $0x3  }
0x21f: {  	s9 =	sadd.s32 s2, s9;
	[tilespmem:s20+$0x1D2A0] =	vst v34  }
0x220: {  	[hbm4b:s9+s6] =	stream.linear.scatter [tilespmem:s10], [sflag:$0x4], $0x800, $0x38;
	[tilespmem:$0x1DAA0] =	vst v63  }
0x221: {  	s9 =	rddreg [dreg:$0x5]  }
0x222: {  	[tilespmem:s18], [sflag:$0x5] =	stream.linear.gather [spmem:s9], $0x6A0, $0x38;
	[tilespmem:$0x1DAA0] =	vst v63  }
0x223: {  	_ =	swait.ge [sflag:s19], $0x6A0  }
0x224: {  	[sflag:s19] =	ssyncset.done $0x0  }
0x225: {  	[sflag:s19] =	ssyncadd.s32 $0xFFFFF960  }
0x226: {  	_ =	swait.ge [sflag:s5], $0x800  }
0x227: {  	[sflag:s5] =	ssyncset.done $0x0  }
0x228: {  	s13 =	simm.s32 $0x0;
	[sflag:s5] =	ssyncadd.s32 $0xFFFFF800  }
0x229: {  	s14 =	simm.s32 $0x40;
	v34 =	vld [tilespmem:s13+$0x1A6A0]  }
.LBB2_26:
0x22a: {  	p0 =	sne.s32 s14, $0x1A40  }
.Ltmp14:
0x22b: {  	_ = 	snop;
	(pc) =	sbr.rel @p0 .LBB2_26-.Ltmp14, $3  }
0x22c: {  	_ =	sdelay $0x1  }
0x22d: {  	[tilespmem:s13+$0x1CAA0] =	vst v34;
	s13 =	sshra.s32 s14, $0x2;
	s14 =	sadd.s32 $0x40, s14  }
0x22e: {  	v34 =	vld [tilespmem:s13+$0x1A6A0]  }
0x22f: {  	_ =	sdelay $0x3  }
0x230: {  	s20 =	rddreg [dreg:$0xa];
	s21 =	simm.s32 $0x4;
	[tilespmem:s13+$0x1CAA0] =	vst v34  }
0x231: {  	[hbm4b:s20+s6] =	stream.linear.scatter [tilespmem:s25], [sflag:$0x3], $0x6A0, $0x38;
	[tilespmem:$0x1DAA0] =	vst v63  }
0x232: {  	_ =	swait.ge [sflag:s21], $0x800  }
0x233: {  	[sflag:s21] =	ssyncset.done $0x0  }
0x234: {  	[sflag:s21] =	ssyncadd.s32 $0xFFFFF800  }
0x235: {  	_ =	swait.ge [sflag:s5], $0x6A0  }
0x236: {  	s11 =	sadd.s32 $0x1, s11;
	s23 =	rddreg [dreg:$0xb]  }
0x237: {  	p0 =	sne.s32 s11, s23  }
.Ltmp15:
0x238: {  	_ = 	snop;
	(pc) =	sbr.rel @p0 .LBB2_1-.Ltmp15, $3  }
0x239: {  	_ =	sdelay $0x1  }
0x23a: {  	[sflag:s5] =	ssyncset.done $0x0  }
0x23b: {  	[sflag:s5] =	ssyncadd.s32 $0xFFFFF960  }
0x23c: {  	_ =	sfence.sel $0x180000  }
0x23d: {  	[bflag:$0x0] =	sbarrier.arrive $0xFFFF  }
0x23e: {  	_ =	strace $0x90000047  }
0x23f: {  	s0 =	stileid.u32;
	[bflag:$0x2] =	sbarrier.arrive $0xFFFF  }
0x240: {  	p0 =	sne.s32 s0, $0x0;
	s0 =	rddreg [dreg:$0x4]  }
0x241: {  	s0 =	sadd.s32 @!p0 $0x100000, s0  }
0x242: {  	[sflag:s0] =	ssyncadd.tile.s32 @!p0 $0x1;
	_ =	shalt  }
.Lfunc_end2:
_tile_overlayer_lowered:
.L_overlay_start_2:
0x243: {  	(tag) =	ssettag $0x2  }
0x244: {  	s0 =	rddreg [dreg:$0x0];
	s2 =	stileid.u32  }
0x245: {  	s1 =	rddreg [dreg:$0x1];
	p0 =	sne.s32 s2, $0x0  }
0x246: {  	s3 =	rddreg [dreg:$0x2];
	[bflag:$0x3] =	sbarrier.arrive $0xFFFF;
	s2 =	simm.s32 @!p0 $0x1C05  }
0x247: {  	[timem:s3], [sflag:s2] =	dma.local @!p0 [hbm:s0], s1  }
0x248: {  	s0 =	simm.s32 @!p0 $0x5  }
0x249: {  	_ =	swait.ge @!p0 [sflag:s0], s1  }
0x24a: {  	s1 =	ssub.s32 @!p0 $0x0, s1;
	[sflag:s0] =	ssyncset.done @!p0 $0x0  }
0x24b: {  	[sflag:s0] =	ssyncadd.s32 @!p0 s1  }
0x24c: {  	[bflag:$0x3] =	sbarrier.arrive $0xFFFF  }
0x24d: {  	_ =	shalt  }

</sc_bundles>
